<compile_context>
chip_gen: v7x
topology: tpu7x:2x2x1
jax: 0.10.2.dev20260603
libtpu: 0.0.44.dev20260713+nightly
codegen_flags: <defaults>
</compile_context>

<pallas_src>
import functools

import jax
import jax.numpy as jnp
from jax import lax
from jax.experimental import pallas as pl
from jax.experimental.pallas import tpu as pltpu
from jax.experimental.pallas import tpu_sc as plsc

BATCH = 16384
NUM_FIELDS = 26
EMBED_DIM = 16
FIELD_DIM = 40000
TOTAL_ROWS = NUM_FIELDS * FIELD_DIM

NUM_CORES = 2
NUM_SUBCORES = 16
NUM_WORKERS = NUM_CORES * NUM_SUBCORES
NUM_TASKS = NUM_FIELDS * EMBED_DIM
TASKS_PER_W = NUM_TASKS // NUM_WORKERS
LANES = 16

SLICE_LEN = 40064

_mesh = plsc.VectorSubcoreMesh(
    core_axis_name="c", subcore_axis_name="s",
    num_cores=NUM_CORES, num_subcores=NUM_SUBCORES)


@functools.partial(
    pl.kernel,
    out_type=jax.ShapeDtypeStruct((NUM_FIELDS, EMBED_DIM, BATCH), jnp.float32),
    mesh=_mesh,
    compiler_params=pltpu.CompilerParams(
        use_tc_tiling_on_sc=True, needs_layout_passes=False),
    scratch_types=[
        pltpu.VMEM((SLICE_LEN,), jnp.float32),
        pltpu.VMEM((SLICE_LEN,), jnp.float32),
        pltpu.VMEM((BATCH,), jnp.int32),
        pltpu.VMEM((BATCH,), jnp.float32),
        pltpu.VMEM((BATCH,), jnp.float32),
        pltpu.SemaphoreType.DMA,
        pltpu.SemaphoreType.DMA,
        pltpu.SemaphoreType.DMA,
        pltpu.SemaphoreType.DMA,
        pltpu.SemaphoreType.DMA,
    ],
)
def _lookup_kernel(tt_hbm, xt_hbm, out_hbm, slice_v0, slice_v1, idx_v,
                   row_v0, row_v1, sem_s0, sem_s1, sem_o0, sem_o1, sem_i):
    wid = lax.axis_index("s") * NUM_CORES + lax.axis_index("c")
    slice_v = (slice_v0, slice_v1)
    row_v = (row_v0, row_v1)
    sem_s = (sem_s0, sem_s1)
    sem_o = (sem_o0, sem_o1)

    def fd(k):
        task = wid * TASKS_PER_W + k
        f = task // EMBED_DIM
        d = task % EMBED_DIM
        base = f * FIELD_DIM
        c0 = (base // 128) * 128
        return f, d, c0, base - c0

    def start_slice(k):
        _, d, c0, _ = fd(k)
        return pltpu.async_copy(
            tt_hbm.at[d, pl.ds(c0, SLICE_LEN)], slice_v[k % 2], sem_s[k % 2])

    slice_cp = [start_slice(0), None]
    f0, _, _, _ = fd(0)
    pltpu.sync_copy(xt_hbm.at[f0], idx_v)
    out_cp = [None, None]
    idx_cp = [None]

    for k in range(TASKS_PER_W):
        f, d, c0, delta = fd(k)

        if k + 1 < TASKS_PER_W:
            slice_cp[(k + 1) % 2] = start_slice(k + 1)

        if k > 0:
            prev_f = (wid * TASKS_PER_W + k - 1) // EMBED_DIM

            @pl.when(f != prev_f)
            def _():
                idx_cp[0].wait()

        slice_cp[k % 2].wait()
        if out_cp[k % 2] is not None:
            out_cp[k % 2].wait()
            out_cp[k % 2] = None

        rv = row_v[k % 2]
        sv = slice_v[k % 2]

        @plsc.parallel_loop(0, BATCH, LANES, unroll=8)
        def _(i):
            s = pl.ds(i, LANES)
            rv[s] = plsc.load_gather(sv, [idx_v[s] + delta])

        out_cp[k % 2] = pltpu.async_copy(rv, out_hbm.at[f, d], sem_o[k % 2])

        if k + 1 < TASKS_PER_W:
            fn_, _, _, _ = fd(k + 1)

            @pl.when(fn_ != f)
            def _():
                idx_cp[0] = pltpu.async_copy(xt_hbm.at[fn_], idx_v, sem_i)

    if out_cp[0] is not None:
        out_cp[0].wait()
    if out_cp[1] is not None:
        out_cp[1].wait()


def kernel(x, table):
    tt = jnp.transpose(table)
    xt = jnp.transpose(x)
    qt = _lookup_kernel(tt, xt)
    return jnp.transpose(qt, (2, 0, 1))

# --- scband reference (transcript-rebuilt; emitter-appended) ---
"""Pipeline reference for scband-features-embedding-7387343749392 (READ-ONLY COPY).

The authoritative reference and input builder live on the scoring server;
editing this copy changes nothing except your own understanding.
"""

import jax, jax.numpy as jnp
import numpy as np

FIELD_DIMS = [40000] * 26
EMBED_DIM = 16
BATCH = 16384
NUM_FIELDS = 26
TOTAL_ROWS = sum(FIELD_DIMS)
OFFSETS = jnp.asarray(np.array((0, *np.cumsum(FIELD_DIMS)[:-1]), dtype=np.int32))


def setup_inputs(seed: int = 0) -> dict:
    key = jax.random.key(seed)
    k1, k2 = jax.random.split(key)
    # per-field indices in [0, field_dim); offsets are added inside reference
    x = jax.random.randint(k1, (BATCH, NUM_FIELDS), 0, 40000, dtype=jnp.int32)
    # xavier-uniform initialized embedding table
    bound = float(np.sqrt(6.0 / (TOTAL_ROWS + EMBED_DIM)))
    table = jax.random.uniform(k2, (TOTAL_ROWS, EMBED_DIM), dtype=jnp.float32, minval=-bound, maxval=bound)
    return {"x": x, "table": table}


def reference(x, table):
    # x: int[batch, num_fields]; add per-field offsets then gather rows
    idx = x + OFFSETS[None, :]
    return jnp.take(table, idx, axis=0)  # [batch, num_fields, embed_dim]

if __name__ == "__main__":
    import jax
    _d = setup_inputs()
    print(jax.jit(kernel)(*tuple(_d.values())))

</pallas_src>

<mosaic_0001>
#map = affine_map<(d0, d1) -> (0, 0)>
#map1 = affine_map<(d0, d1) -> (0, 0, 0)>
module attributes {stable_mosaic.version = 14 : i64} {
  func.func @_lookup_kernel(%arg0: i32, %arg1: i32, %arg2: memref<16x1040000xf32, #tpu.memory_space<hbm>>, %arg3: memref<26x16384xi32, #tpu.memory_space<hbm>>, %arg4: memref<26x16x16384xf32, #tpu.memory_space<hbm>>, %arg5: memref<40064xf32, #tpu.memory_space<vmem>>, %arg6: memref<40064xf32, #tpu.memory_space<vmem>>, %arg7: memref<16384xi32, #tpu.memory_space<vmem>>, %arg8: memref<16384xf32, #tpu.memory_space<vmem>>, %arg9: memref<16384xf32, #tpu.memory_space<vmem>>, %arg10: memref<!tpu.dma_semaphore, #tpu.memory_space<semaphore_mem>>, %arg11: memref<!tpu.dma_semaphore, #tpu.memory_space<semaphore_mem>>, %arg12: memref<!tpu.dma_semaphore, #tpu.memory_space<semaphore_mem>>, %arg13: memref<!tpu.dma_semaphore, #tpu.memory_space<semaphore_mem>>, %arg14: memref<!tpu.dma_semaphore, #tpu.memory_space<semaphore_mem>>) attributes {dimension_semantics = [#tpu.dimension_semantics<core_parallel>, #tpu.dimension_semantics<subcore_parallel>], iteration_bounds = array<i64: 2, 16>, scalar_prefetch = 0 : i64, scratch_operands = 10 : i64, tpu.core_type = #tpu.core_type<sc_vector_subcore>, window_params = [{transform_indices = #map}, {transform_indices = #map}, {transform_indices = #map1}]} {
    %mul3A = arith.constant 2 : i32
    %mul3A_0 = arith.muli %arg1, %mul3A : i32
    %add3A = arith.addi %mul3A_0, %arg0 : i32
    %mul3A_1 = arith.constant 13 : i32
    %mul3A_2 = arith.muli %add3A, %mul3A_1 : i32
    %add3A_3 = arith.constant 0 : i32
    %add3A_4 = arith.addi %mul3A_2, %add3A_3 : i32
    %jit3A = arith.constant 16 : i32
    %div3A = arith.divsi %add3A_4, %jit3A : i32
    %sign3A = arith.constant 0 : i32
    %sign3A_5 = arith.cmpi sgt, %add3A_4, %sign3A : i32
    %sign3A_6 = arith.extui %sign3A_5 : i1 to i32
    %sign3A_7 = arith.constant 0 : i32
    %sign3A_8 = arith.cmpi slt, %add3A_4, %sign3A_7 : i32
    %sign3A_9 = arith.extui %sign3A_8 : i1 to i32
    %sign3A_10 = arith.subi %sign3A_6, %sign3A_9 : i32
    %sign3A_11 = arith.constant 0 : i32
    %sign3A_12 = arith.cmpi sgt, %jit3A, %sign3A_11 : i32
    %sign3A_13 = arith.extui %sign3A_12 : i1 to i32
    %sign3A_14 = arith.constant 0 : i32
    %sign3A_15 = arith.cmpi slt, %jit3A, %sign3A_14 : i32
    %sign3A_16 = arith.extui %sign3A_15 : i1 to i32
    %sign3A_17 = arith.subi %sign3A_13, %sign3A_16 : i32
    %ne3A = arith.cmpi ne, %sign3A_10, %sign3A_17 : i32
    %rem3A = arith.remsi %add3A_4, %jit3A : i32
    %ne3A_18 = arith.constant 0 : i32
    %ne3A_19 = arith.cmpi ne, %rem3A, %ne3A_18 : i32
    %and3A = arith.andi %ne3A, %ne3A_19 : i1
    %sub3A = arith.constant 1 : i32
    %sub3A_20 = arith.subi %div3A, %sub3A : i32
    %select_n3A = arith.select %and3A, %sub3A_20, %div3A : i32
    %jit3A_21 = arith.constant 16 : i32
    %eq3A = arith.constant 0 : i32
    %eq3A_22 = arith.cmpi eq, %jit3A_21, %eq3A : i32
    %jit3A_23 = arith.constant 1 : i32
    %select_n3A_24 = arith.select %eq3A_22, %jit3A_23, %jit3A_21 : i32
    %rem3A_25 = arith.remsi %add3A_4, %select_n3A_24 : i32
    %ne3A_26 = arith.constant 0 : i32
    %ne3A_27 = arith.cmpi ne, %rem3A_25, %ne3A_26 : i32
    %lt3A = arith.constant 0 : i32
    %lt3A_28 = arith.cmpi slt, %rem3A_25, %lt3A : i32
    %lt3A_29 = arith.constant 0 : i32
    %lt3A_30 = arith.cmpi slt, %select_n3A_24, %lt3A_29 : i32
    %ne3A_31 = arith.xori %lt3A_28, %lt3A_30 : i1
    %and3A_32 = arith.andi %ne3A_31, %ne3A_27 : i1
    %add3A_33 = arith.addi %rem3A_25, %select_n3A_24 : i32
    %select_n3A_34 = arith.select %and3A_32, %add3A_33, %rem3A_25 : i32
    %mul3A_35 = arith.constant 40000 : i32
    %mul3A_36 = arith.muli %select_n3A, %mul3A_35 : i32
    %jit3A_37 = arith.constant 128 : i32
    %div3A_38 = arith.divsi %mul3A_36, %jit3A_37 : i32
    %sign3A_39 = arith.constant 0 : i32
    %sign3A_40 = arith.cmpi sgt, %mul3A_36, %sign3A_39 : i32
    %sign3A_41 = arith.extui %sign3A_40 : i1 to i32
    %sign3A_42 = arith.constant 0 : i32
    %sign3A_43 = arith.cmpi slt, %mul3A_36, %sign3A_42 : i32
    %sign3A_44 = arith.extui %sign3A_43 : i1 to i32
    %sign3A_45 = arith.subi %sign3A_41, %sign3A_44 : i32
    %sign3A_46 = arith.constant 0 : i32
    %sign3A_47 = arith.cmpi sgt, %jit3A_37, %sign3A_46 : i32
    %sign3A_48 = arith.extui %sign3A_47 : i1 to i32
    %sign3A_49 = arith.constant 0 : i32
    %sign3A_50 = arith.cmpi slt, %jit3A_37, %sign3A_49 : i32
    %sign3A_51 = arith.extui %sign3A_50 : i1 to i32
    %sign3A_52 = arith.subi %sign3A_48, %sign3A_51 : i32
    %ne3A_53 = arith.cmpi ne, %sign3A_45, %sign3A_52 : i32
    %rem3A_54 = arith.remsi %mul3A_36, %jit3A_37 : i32
    %ne3A_55 = arith.constant 0 : i32
    %ne3A_56 = arith.cmpi ne, %rem3A_54, %ne3A_55 : i32
    %and3A_57 = arith.andi %ne3A_53, %ne3A_56 : i1
    %sub3A_58 = arith.constant 1 : i32
    %sub3A_59 = arith.subi %div3A_38, %sub3A_58 : i32
    %select_n3A_60 = arith.select %and3A_57, %sub3A_59, %div3A_38 : i32
    %mul3A_61 = arith.constant 128 : i32
    %mul3A_62 = arith.muli %select_n3A_60, %mul3A_61 : i32
    %sub3A_63 = arith.subi %mul3A_36, %mul3A_62 : i32
    %dma_start3A = tpu.memref_slice %arg2[%select_n3A_34, %mul3A_62] : memref<16x1040000xf32, #tpu.memory_space<hbm>> -> memref<1x40064xf32, #tpu.memory_space<hbm>>
    %dma_start3A_64 = tpu.memref_squeeze %dma_start3A : memref<1x40064xf32, #tpu.memory_space<hbm>> -> memref<40064xf32, #tpu.memory_space<hbm>>
    %dma_start3A_65 = tpu.memref_slice %arg2[%select_n3A_34, %mul3A_62] : memref<16x1040000xf32, #tpu.memory_space<hbm>> -> memref<1x40064xf32, #tpu.memory_space<hbm>>
    %dma_start3A_66 = tpu.memref_squeeze %dma_start3A_65 : memref<1x40064xf32, #tpu.memory_space<hbm>> -> memref<40064xf32, #tpu.memory_space<hbm>>
    tpu.enqueue_dma source(%dma_start3A_66 : memref<40064xf32, #tpu.memory_space<hbm>>) target(%arg5 : memref<40064xf32, #tpu.memory_space<vmem>>) target_semaphore(%arg10 : memref<!tpu.dma_semaphore, #tpu.memory_space<semaphore_mem>>)
    %mul3A_67 = arith.constant 13 : i32
    %mul3A_68 = arith.muli %add3A, %mul3A_67 : i32
    %add3A_69 = arith.constant 0 : i32
    %add3A_70 = arith.addi %mul3A_68, %add3A_69 : i32
    %jit3A_71 = arith.constant 16 : i32
    %div3A_72 = arith.divsi %add3A_70, %jit3A_71 : i32
    %sign3A_73 = arith.constant 0 : i32
    %sign3A_74 = arith.cmpi sgt, %add3A_70, %sign3A_73 : i32
    %sign3A_75 = arith.extui %sign3A_74 : i1 to i32
    %sign3A_76 = arith.constant 0 : i32
    %sign3A_77 = arith.cmpi slt, %add3A_70, %sign3A_76 : i32
    %sign3A_78 = arith.extui %sign3A_77 : i1 to i32
    %sign3A_79 = arith.subi %sign3A_75, %sign3A_78 : i32
    %sign3A_80 = arith.constant 0 : i32
    %sign3A_81 = arith.cmpi sgt, %jit3A_71, %sign3A_80 : i32
    %sign3A_82 = arith.extui %sign3A_81 : i1 to i32
    %sign3A_83 = arith.constant 0 : i32
    %sign3A_84 = arith.cmpi slt, %jit3A_71, %sign3A_83 : i32
    %sign3A_85 = arith.extui %sign3A_84 : i1 to i32
    %sign3A_86 = arith.subi %sign3A_82, %sign3A_85 : i32
    %ne3A_87 = arith.cmpi ne, %sign3A_79, %sign3A_86 : i32
    %rem3A_88 = arith.remsi %add3A_70, %jit3A_71 : i32
    %ne3A_89 = arith.constant 0 : i32
    %ne3A_90 = arith.cmpi ne, %rem3A_88, %ne3A_89 : i32
    %and3A_91 = arith.andi %ne3A_87, %ne3A_90 : i1
    %sub3A_92 = arith.constant 1 : i32
    %sub3A_93 = arith.subi %div3A_72, %sub3A_92 : i32
    %select_n3A_94 = arith.select %and3A_91, %sub3A_93, %div3A_72 : i32
    %jit3A_95 = arith.constant 16 : i32
    %eq3A_96 = arith.constant 0 : i32
    %eq3A_97 = arith.cmpi eq, %jit3A_95, %eq3A_96 : i32
    %jit3A_98 = arith.constant 1 : i32
    %select_n3A_99 = arith.select %eq3A_97, %jit3A_98, %jit3A_95 : i32
    %rem3A_100 = arith.remsi %add3A_70, %select_n3A_99 : i32
    %ne3A_101 = arith.constant 0 : i32
    %ne3A_102 = arith.cmpi ne, %rem3A_100, %ne3A_101 : i32
    %lt3A_103 = arith.constant 0 : i32
    %lt3A_104 = arith.cmpi slt, %rem3A_100, %lt3A_103 : i32
    %lt3A_105 = arith.constant 0 : i32
    %lt3A_106 = arith.cmpi slt, %select_n3A_99, %lt3A_105 : i32
    %ne3A_107 = arith.xori %lt3A_104, %lt3A_106 : i1
    %and3A_108 = arith.andi %ne3A_107, %ne3A_102 : i1
    %add3A_109 = arith.addi %rem3A_100, %select_n3A_99 : i32
    %select_n3A_110 = arith.select %and3A_108, %add3A_109, %rem3A_100 : i32
    %mul3A_111 = arith.constant 40000 : i32
    %mul3A_112 = arith.muli %select_n3A_94, %mul3A_111 : i32
    %jit3A_113 = arith.constant 128 : i32
    %div3A_114 = arith.divsi %mul3A_112, %jit3A_113 : i32
    %sign3A_115 = arith.constant 0 : i32
    %sign3A_116 = arith.cmpi sgt, %mul3A_112, %sign3A_115 : i32
    %sign3A_117 = arith.extui %sign3A_116 : i1 to i32
    %sign3A_118 = arith.constant 0 : i32
    %sign3A_119 = arith.cmpi slt, %mul3A_112, %sign3A_118 : i32
    %sign3A_120 = arith.extui %sign3A_119 : i1 to i32
    %sign3A_121 = arith.subi %sign3A_117, %sign3A_120 : i32
    %sign3A_122 = arith.constant 0 : i32
    %sign3A_123 = arith.cmpi sgt, %jit3A_113, %sign3A_122 : i32
    %sign3A_124 = arith.extui %sign3A_123 : i1 to i32
    %sign3A_125 = arith.constant 0 : i32
    %sign3A_126 = arith.cmpi slt, %jit3A_113, %sign3A_125 : i32
    %sign3A_127 = arith.extui %sign3A_126 : i1 to i32
    %sign3A_128 = arith.subi %sign3A_124, %sign3A_127 : i32
    %ne3A_129 = arith.cmpi ne, %sign3A_121, %sign3A_128 : i32
    %rem3A_130 = arith.remsi %mul3A_112, %jit3A_113 : i32
    %ne3A_131 = arith.constant 0 : i32
    %ne3A_132 = arith.cmpi ne, %rem3A_130, %ne3A_131 : i32
    %and3A_133 = arith.andi %ne3A_129, %ne3A_132 : i1
    %sub3A_134 = arith.constant 1 : i32
    %sub3A_135 = arith.subi %div3A_114, %sub3A_134 : i32
    %select_n3A_136 = arith.select %and3A_133, %sub3A_135, %div3A_114 : i32
    %mul3A_137 = arith.constant 128 : i32
    %mul3A_138 = arith.muli %select_n3A_136, %mul3A_137 : i32
    %sub3A_139 = arith.subi %mul3A_112, %mul3A_138 : i32
    "tpu.region"() ({
      %run_scoped3A = tpu.sem_alloc : memref<!tpu.dma_semaphore, #tpu.memory_space<semaphore_mem>>
      %dma_start3A_3588 = arith.constant 0 : i32
      %dma_start3A_3589 = tpu.memref_slice %arg3[%select_n3A_94, %dma_start3A_3588] : memref<26x16384xi32, #tpu.memory_space<hbm>> -> memref<1x16384xi32, #tpu.memory_space<hbm>>
      %dma_start3A_3590 = tpu.memref_squeeze %dma_start3A_3589 : memref<1x16384xi32, #tpu.memory_space<hbm>> -> memref<16384xi32, #tpu.memory_space<hbm>>
      %dma_start3A_3591 = arith.constant 0 : i32
      %dma_start3A_3592 = tpu.memref_slice %arg3[%select_n3A_94, %dma_start3A_3591] : memref<26x16384xi32, #tpu.memory_space<hbm>> -> memref<1x16384xi32, #tpu.memory_space<hbm>>
      %dma_start3A_3593 = tpu.memref_squeeze %dma_start3A_3592 : memref<1x16384xi32, #tpu.memory_space<hbm>> -> memref<16384xi32, #tpu.memory_space<hbm>>
      tpu.enqueue_dma source(%dma_start3A_3593 : memref<16384xi32, #tpu.memory_space<hbm>>) target(%arg7 : memref<16384xi32, #tpu.memory_space<vmem>>) target_semaphore(%run_scoped3A : memref<!tpu.dma_semaphore, #tpu.memory_space<semaphore_mem>>)
      %dma_wait3A_3594 = arith.constant 0 : i32
      %dma_wait3A_3595 = tpu.memref_slice %arg3[%select_n3A_94, %dma_wait3A_3594] : memref<26x16384xi32, #tpu.memory_space<hbm>> -> memref<1x16384xi32, #tpu.memory_space<hbm>>
      %dma_wait3A_3596 = tpu.memref_squeeze %dma_wait3A_3595 : memref<1x16384xi32, #tpu.memory_space<hbm>> -> memref<16384xi32, #tpu.memory_space<hbm>>
      %dma_wait3A_3597 = arith.constant 0 : i32
      %dma_wait3A_3598 = tpu.memref_slice %arg3[%select_n3A_94, %dma_wait3A_3597] : memref<26x16384xi32, #tpu.memory_space<hbm>> -> memref<1x16384xi32, #tpu.memory_space<hbm>>
      %dma_wait3A_3599 = tpu.memref_squeeze %dma_wait3A_3598 : memref<1x16384xi32, #tpu.memory_space<hbm>> -> memref<16384xi32, #tpu.memory_space<hbm>>
      tpu.wait_dma2 semaphore(%run_scoped3A : memref<!tpu.dma_semaphore, #tpu.memory_space<semaphore_mem>>) src(%dma_wait3A_3599 : memref<16384xi32, #tpu.memory_space<hbm>>) dst(%arg7 : memref<16384xi32, #tpu.memory_space<vmem>>)
      tpu.yield
    }) : () -> ()
    %mul3A_140 = arith.constant 13 : i32
    %mul3A_141 = arith.muli %add3A, %mul3A_140 : i32
    %add3A_142 = arith.constant 0 : i32
    %add3A_143 = arith.addi %mul3A_141, %add3A_142 : i32
    %jit3A_144 = arith.constant 16 : i32
    %div3A_145 = arith.divsi %add3A_143, %jit3A_144 : i32
    %sign3A_146 = arith.constant 0 : i32
    %sign3A_147 = arith.cmpi sgt, %add3A_143, %sign3A_146 : i32
    %sign3A_148 = arith.extui %sign3A_147 : i1 to i32
    %sign3A_149 = arith.constant 0 : i32
    %sign3A_150 = arith.cmpi slt, %add3A_143, %sign3A_149 : i32
    %sign3A_151 = arith.extui %sign3A_150 : i1 to i32
    %sign3A_152 = arith.subi %sign3A_148, %sign3A_151 : i32
    %sign3A_153 = arith.constant 0 : i32
    %sign3A_154 = arith.cmpi sgt, %jit3A_144, %sign3A_153 : i32
    %sign3A_155 = arith.extui %sign3A_154 : i1 to i32
    %sign3A_156 = arith.constant 0 : i32
    %sign3A_157 = arith.cmpi slt, %jit3A_144, %sign3A_156 : i32
    %sign3A_158 = arith.extui %sign3A_157 : i1 to i32
    %sign3A_159 = arith.subi %sign3A_155, %sign3A_158 : i32
    %ne3A_160 = arith.cmpi ne, %sign3A_152, %sign3A_159 : i32
    %rem3A_161 = arith.remsi %add3A_143, %jit3A_144 : i32
    %ne3A_162 = arith.constant 0 : i32
    %ne3A_163 = arith.cmpi ne, %rem3A_161, %ne3A_162 : i32
    %and3A_164 = arith.andi %ne3A_160, %ne3A_163 : i1
    %sub3A_165 = arith.constant 1 : i32
    %sub3A_166 = arith.subi %div3A_145, %sub3A_165 : i32
    %select_n3A_167 = arith.select %and3A_164, %sub3A_166, %div3A_145 : i32
    %jit3A_168 = arith.constant 16 : i32
    %eq3A_169 = arith.constant 0 : i32
    %eq3A_170 = arith.cmpi eq, %jit3A_168, %eq3A_169 : i32
    %jit3A_171 = arith.constant 1 : i32
    %select_n3A_172 = arith.select %eq3A_170, %jit3A_171, %jit3A_168 : i32
    %rem3A_173 = arith.remsi %add3A_143, %select_n3A_172 : i32
    %ne3A_174 = arith.constant 0 : i32
    %ne3A_175 = arith.cmpi ne, %rem3A_173, %ne3A_174 : i32
    %lt3A_176 = arith.constant 0 : i32
    %lt3A_177 = arith.cmpi slt, %rem3A_173, %lt3A_176 : i32
    %lt3A_178 = arith.constant 0 : i32
    %lt3A_179 = arith.cmpi slt, %select_n3A_172, %lt3A_178 : i32
    %ne3A_180 = arith.xori %lt3A_177, %lt3A_179 : i1
    %and3A_181 = arith.andi %ne3A_180, %ne3A_175 : i1
    %add3A_182 = arith.addi %rem3A_173, %select_n3A_172 : i32
    %select_n3A_183 = arith.select %and3A_181, %add3A_182, %rem3A_173 : i32
    %mul3A_184 = arith.constant 40000 : i32
    %mul3A_185 = arith.muli %select_n3A_167, %mul3A_184 : i32
    %jit3A_186 = arith.constant 128 : i32
    %div3A_187 = arith.divsi %mul3A_185, %jit3A_186 : i32
    %sign3A_188 = arith.constant 0 : i32
    %sign3A_189 = arith.cmpi sgt, %mul3A_185, %sign3A_188 : i32
    %sign3A_190 = arith.extui %sign3A_189 : i1 to i32
    %sign3A_191 = arith.constant 0 : i32
    %sign3A_192 = arith.cmpi slt, %mul3A_185, %sign3A_191 : i32
    %sign3A_193 = arith.extui %sign3A_192 : i1 to i32
    %sign3A_194 = arith.subi %sign3A_190, %sign3A_193 : i32
    %sign3A_195 = arith.constant 0 : i32
    %sign3A_196 = arith.cmpi sgt, %jit3A_186, %sign3A_195 : i32
    %sign3A_197 = arith.extui %sign3A_196 : i1 to i32
    %sign3A_198 = arith.constant 0 : i32
    %sign3A_199 = arith.cmpi slt, %jit3A_186, %sign3A_198 : i32
    %sign3A_200 = arith.extui %sign3A_199 : i1 to i32
    %sign3A_201 = arith.subi %sign3A_197, %sign3A_200 : i32
    %ne3A_202 = arith.cmpi ne, %sign3A_194, %sign3A_201 : i32
    %rem3A_203 = arith.remsi %mul3A_185, %jit3A_186 : i32
    %ne3A_204 = arith.constant 0 : i32
    %ne3A_205 = arith.cmpi ne, %rem3A_203, %ne3A_204 : i32
    %and3A_206 = arith.andi %ne3A_202, %ne3A_205 : i1
    %sub3A_207 = arith.constant 1 : i32
    %sub3A_208 = arith.subi %div3A_187, %sub3A_207 : i32
    %select_n3A_209 = arith.select %and3A_206, %sub3A_208, %div3A_187 : i32
    %mul3A_210 = arith.constant 128 : i32
    %mul3A_211 = arith.muli %select_n3A_209, %mul3A_210 : i32
    %sub3A_212 = arith.subi %mul3A_185, %mul3A_211 : i32
    %mul3A_213 = arith.constant 13 : i32
    %mul3A_214 = arith.muli %add3A, %mul3A_213 : i32
    %add3A_215 = arith.constant 1 : i32
    %add3A_216 = arith.addi %mul3A_214, %add3A_215 : i32
    %jit3A_217 = arith.constant 16 : i32
    %div3A_218 = arith.divsi %add3A_216, %jit3A_217 : i32
    %sign3A_219 = arith.constant 0 : i32
    %sign3A_220 = arith.cmpi sgt, %add3A_216, %sign3A_219 : i32
    %sign3A_221 = arith.extui %sign3A_220 : i1 to i32
    %sign3A_222 = arith.constant 0 : i32
    %sign3A_223 = arith.cmpi slt, %add3A_216, %sign3A_222 : i32
    %sign3A_224 = arith.extui %sign3A_223 : i1 to i32
    %sign3A_225 = arith.subi %sign3A_221, %sign3A_224 : i32
    %sign3A_226 = arith.constant 0 : i32
    %sign3A_227 = arith.cmpi sgt, %jit3A_217, %sign3A_226 : i32
    %sign3A_228 = arith.extui %sign3A_227 : i1 to i32
    %sign3A_229 = arith.constant 0 : i32
    %sign3A_230 = arith.cmpi slt, %jit3A_217, %sign3A_229 : i32
    %sign3A_231 = arith.extui %sign3A_230 : i1 to i32
    %sign3A_232 = arith.subi %sign3A_228, %sign3A_231 : i32
    %ne3A_233 = arith.cmpi ne, %sign3A_225, %sign3A_232 : i32
    %rem3A_234 = arith.remsi %add3A_216, %jit3A_217 : i32
    %ne3A_235 = arith.constant 0 : i32
    %ne3A_236 = arith.cmpi ne, %rem3A_234, %ne3A_235 : i32
    %and3A_237 = arith.andi %ne3A_233, %ne3A_236 : i1
    %sub3A_238 = arith.constant 1 : i32
    %sub3A_239 = arith.subi %div3A_218, %sub3A_238 : i32
    %select_n3A_240 = arith.select %and3A_237, %sub3A_239, %div3A_218 : i32
    %jit3A_241 = arith.constant 16 : i32
    %eq3A_242 = arith.constant 0 : i32
    %eq3A_243 = arith.cmpi eq, %jit3A_241, %eq3A_242 : i32
    %jit3A_244 = arith.constant 1 : i32
    %select_n3A_245 = arith.select %eq3A_243, %jit3A_244, %jit3A_241 : i32
    %rem3A_246 = arith.remsi %add3A_216, %select_n3A_245 : i32
    %ne3A_247 = arith.constant 0 : i32
    %ne3A_248 = arith.cmpi ne, %rem3A_246, %ne3A_247 : i32
    %lt3A_249 = arith.constant 0 : i32
    %lt3A_250 = arith.cmpi slt, %rem3A_246, %lt3A_249 : i32
    %lt3A_251 = arith.constant 0 : i32
    %lt3A_252 = arith.cmpi slt, %select_n3A_245, %lt3A_251 : i32
    %ne3A_253 = arith.xori %lt3A_250, %lt3A_252 : i1
    %and3A_254 = arith.andi %ne3A_253, %ne3A_248 : i1
    %add3A_255 = arith.addi %rem3A_246, %select_n3A_245 : i32
    %select_n3A_256 = arith.select %and3A_254, %add3A_255, %rem3A_246 : i32
    %mul3A_257 = arith.constant 40000 : i32
    %mul3A_258 = arith.muli %select_n3A_240, %mul3A_257 : i32
    %jit3A_259 = arith.constant 128 : i32
    %div3A_260 = arith.divsi %mul3A_258, %jit3A_259 : i32
    %sign3A_261 = arith.constant 0 : i32
    %sign3A_262 = arith.cmpi sgt, %mul3A_258, %sign3A_261 : i32
    %sign3A_263 = arith.extui %sign3A_262 : i1 to i32
    %sign3A_264 = arith.constant 0 : i32
    %sign3A_265 = arith.cmpi slt, %mul3A_258, %sign3A_264 : i32
    %sign3A_266 = arith.extui %sign3A_265 : i1 to i32
    %sign3A_267 = arith.subi %sign3A_263, %sign3A_266 : i32
    %sign3A_268 = arith.constant 0 : i32
    %sign3A_269 = arith.cmpi sgt, %jit3A_259, %sign3A_268 : i32
    %sign3A_270 = arith.extui %sign3A_269 : i1 to i32
    %sign3A_271 = arith.constant 0 : i32
    %sign3A_272 = arith.cmpi slt, %jit3A_259, %sign3A_271 : i32
    %sign3A_273 = arith.extui %sign3A_272 : i1 to i32
    %sign3A_274 = arith.subi %sign3A_270, %sign3A_273 : i32
    %ne3A_275 = arith.cmpi ne, %sign3A_267, %sign3A_274 : i32
    %rem3A_276 = arith.remsi %mul3A_258, %jit3A_259 : i32
    %ne3A_277 = arith.constant 0 : i32
    %ne3A_278 = arith.cmpi ne, %rem3A_276, %ne3A_277 : i32
    %and3A_279 = arith.andi %ne3A_275, %ne3A_278 : i1
    %sub3A_280 = arith.constant 1 : i32
    %sub3A_281 = arith.subi %div3A_260, %sub3A_280 : i32
    %select_n3A_282 = arith.select %and3A_279, %sub3A_281, %div3A_260 : i32
    %mul3A_283 = arith.constant 128 : i32
    %mul3A_284 = arith.muli %select_n3A_282, %mul3A_283 : i32
    %sub3A_285 = arith.subi %mul3A_258, %mul3A_284 : i32
    %dma_start3A_286 = tpu.memref_slice %arg2[%select_n3A_256, %mul3A_284] : memref<16x1040000xf32, #tpu.memory_space<hbm>> -> memref<1x40064xf32, #tpu.memory_space<hbm>>
    %dma_start3A_287 = tpu.memref_squeeze %dma_start3A_286 : memref<1x40064xf32, #tpu.memory_space<hbm>> -> memref<40064xf32, #tpu.memory_space<hbm>>
    %dma_start3A_288 = tpu.memref_slice %arg2[%select_n3A_256, %mul3A_284] : memref<16x1040000xf32, #tpu.memory_space<hbm>> -> memref<1x40064xf32, #tpu.memory_space<hbm>>
    %dma_start3A_289 = tpu.memref_squeeze %dma_start3A_288 : memref<1x40064xf32, #tpu.memory_space<hbm>> -> memref<40064xf32, #tpu.memory_space<hbm>>
    tpu.enqueue_dma source(%dma_start3A_289 : memref<40064xf32, #tpu.memory_space<hbm>>) target(%arg6 : memref<40064xf32, #tpu.memory_space<vmem>>) target_semaphore(%arg11 : memref<!tpu.dma_semaphore, #tpu.memory_space<semaphore_mem>>)
    %dma_wait3A = tpu.memref_slice %arg2[%select_n3A_34, %mul3A_62] : memref<16x1040000xf32, #tpu.memory_space<hbm>> -> memref<1x40064xf32, #tpu.memory_space<hbm>>
    %dma_wait3A_290 = tpu.memref_squeeze %dma_wait3A : memref<1x40064xf32, #tpu.memory_space<hbm>> -> memref<40064xf32, #tpu.memory_space<hbm>>
    %dma_wait3A_291 = tpu.memref_slice %arg2[%select_n3A_34, %mul3A_62] : memref<16x1040000xf32, #tpu.memory_space<hbm>> -> memref<1x40064xf32, #tpu.memory_space<hbm>>
    %dma_wait3A_292 = tpu.memref_squeeze %dma_wait3A_291 : memref<1x40064xf32, #tpu.memory_space<hbm>> -> memref<40064xf32, #tpu.memory_space<hbm>>
    tpu.wait_dma2 semaphore(%arg10 : memref<!tpu.dma_semaphore, #tpu.memory_space<semaphore_mem>>) src(%dma_wait3A_292 : memref<40064xf32, #tpu.memory_space<hbm>>) dst(%arg5 : memref<40064xf32, #tpu.memory_space<vmem>>)
    %parallel_loop3A = arith.constant 0 : i32
    %parallel_loop3A_293 = arith.constant 16384 : i32
    %parallel_loop3A_294 = arith.constant 16 : i32
    scf.for %parallel_loop3A_3588 = %parallel_loop3A to %parallel_loop3A_293 step %parallel_loop3A_294  : i32 {
      %parallel_loop3A_3589 = arith.index_cast %parallel_loop3A_3588 : i32 to index
      %parallel_loop3A_3590 = tpu.vector_load %arg7[%parallel_loop3A_3589] {strides = array<i32>} : memref<16384xi32, #tpu.memory_space<vmem>>, vector<16xi32>,
      %parallel_loop3A_3591 = vector.broadcast %sub3A_212 : i32 to vector<16xi32>
      %parallel_loop3A_3592 = arith.addi %parallel_loop3A_3590, %parallel_loop3A_3591 : vector<16xi32>
      %parallel_loop3A_3593 = tpu.vector_load_idx %arg5[%parallel_loop3A_3592] : memref<40064xf32, #tpu.memory_space<vmem>>[vector<16xi32>], vector<16xf32>,
      %parallel_loop3A_3594 = arith.index_cast %parallel_loop3A_3588 : i32 to index
      %parallel_loop3A_3595 = tpu.vector_load %arg8[%parallel_loop3A_3594] {strides = array<i32>} : memref<16384xf32, #tpu.memory_space<vmem>>, vector<16xf32>,
      tpu.vector_store %arg8[%parallel_loop3A_3594], %parallel_loop3A_3593 {strides = array<i32>} : memref<16384xf32, #tpu.memory_space<vmem>>, vector<16xf32>,
    } {sc.loop_unroll_factor = 8 : i64, sc.parallel_access}
    %dma_start3A_295 = arith.constant 0 : i32
    %dma_start3A_296 = tpu.memref_slice %arg4[%select_n3A_167, %select_n3A_183, %dma_start3A_295] : memref<26x16x16384xf32, #tpu.memory_space<hbm>> -> memref<1x1x16384xf32, #tpu.memory_space<hbm>>
    %dma_start3A_297 = tpu.memref_squeeze %dma_start3A_296 : memref<1x1x16384xf32, #tpu.memory_space<hbm>> -> memref<16384xf32, #tpu.memory_space<hbm>>
    %dma_start3A_298 = arith.constant 0 : i32
    %dma_start3A_299 = tpu.memref_slice %arg4[%select_n3A_167, %select_n3A_183, %dma_start3A_298] : memref<26x16x16384xf32, #tpu.memory_space<hbm>> -> memref<1x1x16384xf32, #tpu.memory_space<hbm>>
    %dma_start3A_300 = tpu.memref_squeeze %dma_start3A_299 : memref<1x1x16384xf32, #tpu.memory_space<hbm>> -> memref<16384xf32, #tpu.memory_space<hbm>>
    tpu.enqueue_dma source(%arg8 : memref<16384xf32, #tpu.memory_space<vmem>>) target(%dma_start3A_300 : memref<16384xf32, #tpu.memory_space<hbm>>) target_semaphore(%arg12 : memref<!tpu.dma_semaphore, #tpu.memory_space<semaphore_mem>>)
    %mul3A_301 = arith.constant 13 : i32
    %mul3A_302 = arith.muli %add3A, %mul3A_301 : i32
    %add3A_303 = arith.constant 1 : i32
    %add3A_304 = arith.addi %mul3A_302, %add3A_303 : i32
    %jit3A_305 = arith.constant 16 : i32
    %div3A_306 = arith.divsi %add3A_304, %jit3A_305 : i32
    %sign3A_307 = arith.constant 0 : i32
    %sign3A_308 = arith.cmpi sgt, %add3A_304, %sign3A_307 : i32
    %sign3A_309 = arith.extui %sign3A_308 : i1 to i32
    %sign3A_310 = arith.constant 0 : i32
    %sign3A_311 = arith.cmpi slt, %add3A_304, %sign3A_310 : i32
    %sign3A_312 = arith.extui %sign3A_311 : i1 to i32
    %sign3A_313 = arith.subi %sign3A_309, %sign3A_312 : i32
    %sign3A_314 = arith.constant 0 : i32
    %sign3A_315 = arith.cmpi sgt, %jit3A_305, %sign3A_314 : i32
    %sign3A_316 = arith.extui %sign3A_315 : i1 to i32
    %sign3A_317 = arith.constant 0 : i32
    %sign3A_318 = arith.cmpi slt, %jit3A_305, %sign3A_317 : i32
    %sign3A_319 = arith.extui %sign3A_318 : i1 to i32
    %sign3A_320 = arith.subi %sign3A_316, %sign3A_319 : i32
    %ne3A_321 = arith.cmpi ne, %sign3A_313, %sign3A_320 : i32
    %rem3A_322 = arith.remsi %add3A_304, %jit3A_305 : i32
    %ne3A_323 = arith.constant 0 : i32
    %ne3A_324 = arith.cmpi ne, %rem3A_322, %ne3A_323 : i32
    %and3A_325 = arith.andi %ne3A_321, %ne3A_324 : i1
    %sub3A_326 = arith.constant 1 : i32
    %sub3A_327 = arith.subi %div3A_306, %sub3A_326 : i32
    %select_n3A_328 = arith.select %and3A_325, %sub3A_327, %div3A_306 : i32
    %jit3A_329 = arith.constant 16 : i32
    %eq3A_330 = arith.constant 0 : i32
    %eq3A_331 = arith.cmpi eq, %jit3A_329, %eq3A_330 : i32
    %jit3A_332 = arith.constant 1 : i32
    %select_n3A_333 = arith.select %eq3A_331, %jit3A_332, %jit3A_329 : i32
    %rem3A_334 = arith.remsi %add3A_304, %select_n3A_333 : i32
    %ne3A_335 = arith.constant 0 : i32
    %ne3A_336 = arith.cmpi ne, %rem3A_334, %ne3A_335 : i32
    %lt3A_337 = arith.constant 0 : i32
    %lt3A_338 = arith.cmpi slt, %rem3A_334, %lt3A_337 : i32
    %lt3A_339 = arith.constant 0 : i32
    %lt3A_340 = arith.cmpi slt, %select_n3A_333, %lt3A_339 : i32
    %ne3A_341 = arith.xori %lt3A_338, %lt3A_340 : i1
    %and3A_342 = arith.andi %ne3A_341, %ne3A_336 : i1
    %add3A_343 = arith.addi %rem3A_334, %select_n3A_333 : i32
    %select_n3A_344 = arith.select %and3A_342, %add3A_343, %rem3A_334 : i32
    %mul3A_345 = arith.constant 40000 : i32
    %mul3A_346 = arith.muli %select_n3A_328, %mul3A_345 : i32
    %jit3A_347 = arith.constant 128 : i32
    %div3A_348 = arith.divsi %mul3A_346, %jit3A_347 : i32
    %sign3A_349 = arith.constant 0 : i32
    %sign3A_350 = arith.cmpi sgt, %mul3A_346, %sign3A_349 : i32
    %sign3A_351 = arith.extui %sign3A_350 : i1 to i32
    %sign3A_352 = arith.constant 0 : i32
    %sign3A_353 = arith.cmpi slt, %mul3A_346, %sign3A_352 : i32
    %sign3A_354 = arith.extui %sign3A_353 : i1 to i32
    %sign3A_355 = arith.subi %sign3A_351, %sign3A_354 : i32
    %sign3A_356 = arith.constant 0 : i32
    %sign3A_357 = arith.cmpi sgt, %jit3A_347, %sign3A_356 : i32
    %sign3A_358 = arith.extui %sign3A_357 : i1 to i32
    %sign3A_359 = arith.constant 0 : i32
    %sign3A_360 = arith.cmpi slt, %jit3A_347, %sign3A_359 : i32
    %sign3A_361 = arith.extui %sign3A_360 : i1 to i32
    %sign3A_362 = arith.subi %sign3A_358, %sign3A_361 : i32
    %ne3A_363 = arith.cmpi ne, %sign3A_355, %sign3A_362 : i32
    %rem3A_364 = arith.remsi %mul3A_346, %jit3A_347 : i32
    %ne3A_365 = arith.constant 0 : i32
    %ne3A_366 = arith.cmpi ne, %rem3A_364, %ne3A_365 : i32
    %and3A_367 = arith.andi %ne3A_363, %ne3A_366 : i1
    %sub3A_368 = arith.constant 1 : i32
    %sub3A_369 = arith.subi %div3A_348, %sub3A_368 : i32
    %select_n3A_370 = arith.select %and3A_367, %sub3A_369, %div3A_348 : i32
    %mul3A_371 = arith.constant 128 : i32
    %mul3A_372 = arith.muli %select_n3A_370, %mul3A_371 : i32
    %sub3A_373 = arith.subi %mul3A_346, %mul3A_372 : i32
    %ne3A_374 = arith.cmpi ne, %select_n3A_328, %select_n3A_167 : i32
    %convert_element_type3A = arith.extui %ne3A_374 : i1 to i32
    %cond3A = arith.constant 0 : i32
    %cond3A_375 = arith.cmpi ne, %convert_element_type3A, %cond3A : i32
    scf.if %cond3A_375 {
      %dma_start3A_3588 = arith.constant 0 : i32
      %dma_start3A_3589 = tpu.memref_slice %arg3[%select_n3A_328, %dma_start3A_3588] : memref<26x16384xi32, #tpu.memory_space<hbm>> -> memref<1x16384xi32, #tpu.memory_space<hbm>>
      %dma_start3A_3590 = tpu.memref_squeeze %dma_start3A_3589 : memref<1x16384xi32, #tpu.memory_space<hbm>> -> memref<16384xi32, #tpu.memory_space<hbm>>
      %dma_start3A_3591 = arith.constant 0 : i32
      %dma_start3A_3592 = tpu.memref_slice %arg3[%select_n3A_328, %dma_start3A_3591] : memref<26x16384xi32, #tpu.memory_space<hbm>> -> memref<1x16384xi32, #tpu.memory_space<hbm>>
      %dma_start3A_3593 = tpu.memref_squeeze %dma_start3A_3592 : memref<1x16384xi32, #tpu.memory_space<hbm>> -> memref<16384xi32, #tpu.memory_space<hbm>>
      tpu.enqueue_dma source(%dma_start3A_3593 : memref<16384xi32, #tpu.memory_space<hbm>>) target(%arg7 : memref<16384xi32, #tpu.memory_space<vmem>>) target_semaphore(%arg14 : memref<!tpu.dma_semaphore, #tpu.memory_space<semaphore_mem>>)
    } else {
    }
    %mul3A_376 = arith.constant 13 : i32
    %mul3A_377 = arith.muli %add3A, %mul3A_376 : i32
    %add3A_378 = arith.constant 1 : i32
    %add3A_379 = arith.addi %mul3A_377, %add3A_378 : i32
    %jit3A_380 = arith.constant 16 : i32
    %div3A_381 = arith.divsi %add3A_379, %jit3A_380 : i32
    %sign3A_382 = arith.constant 0 : i32
    %sign3A_383 = arith.cmpi sgt, %add3A_379, %sign3A_382 : i32
    %sign3A_384 = arith.extui %sign3A_383 : i1 to i32
    %sign3A_385 = arith.constant 0 : i32
    %sign3A_386 = arith.cmpi slt, %add3A_379, %sign3A_385 : i32
    %sign3A_387 = arith.extui %sign3A_386 : i1 to i32
    %sign3A_388 = arith.subi %sign3A_384, %sign3A_387 : i32
    %sign3A_389 = arith.constant 0 : i32
    %sign3A_390 = arith.cmpi sgt, %jit3A_380, %sign3A_389 : i32
    %sign3A_391 = arith.extui %sign3A_390 : i1 to i32
    %sign3A_392 = arith.constant 0 : i32
    %sign3A_393 = arith.cmpi slt, %jit3A_380, %sign3A_392 : i32
    %sign3A_394 = arith.extui %sign3A_393 : i1 to i32
    %sign3A_395 = arith.subi %sign3A_391, %sign3A_394 : i32
    %ne3A_396 = arith.cmpi ne, %sign3A_388, %sign3A_395 : i32
    %rem3A_397 = arith.remsi %add3A_379, %jit3A_380 : i32
    %ne3A_398 = arith.constant 0 : i32
    %ne3A_399 = arith.cmpi ne, %rem3A_397, %ne3A_398 : i32
    %and3A_400 = arith.andi %ne3A_396, %ne3A_399 : i1
    %sub3A_401 = arith.constant 1 : i32
    %sub3A_402 = arith.subi %div3A_381, %sub3A_401 : i32
    %select_n3A_403 = arith.select %and3A_400, %sub3A_402, %div3A_381 : i32
    %jit3A_404 = arith.constant 16 : i32
    %eq3A_405 = arith.constant 0 : i32
    %eq3A_406 = arith.cmpi eq, %jit3A_404, %eq3A_405 : i32
    %jit3A_407 = arith.constant 1 : i32
    %select_n3A_408 = arith.select %eq3A_406, %jit3A_407, %jit3A_404 : i32
    %rem3A_409 = arith.remsi %add3A_379, %select_n3A_408 : i32
    %ne3A_410 = arith.constant 0 : i32
    %ne3A_411 = arith.cmpi ne, %rem3A_409, %ne3A_410 : i32
    %lt3A_412 = arith.constant 0 : i32
    %lt3A_413 = arith.cmpi slt, %rem3A_409, %lt3A_412 : i32
    %lt3A_414 = arith.constant 0 : i32
    %lt3A_415 = arith.cmpi slt, %select_n3A_408, %lt3A_414 : i32
    %ne3A_416 = arith.xori %lt3A_413, %lt3A_415 : i1
    %and3A_417 = arith.andi %ne3A_416, %ne3A_411 : i1
    %add3A_418 = arith.addi %rem3A_409, %select_n3A_408 : i32
    %select_n3A_419 = arith.select %and3A_417, %add3A_418, %rem3A_409 : i32
    %mul3A_420 = arith.constant 40000 : i32
    %mul3A_421 = arith.muli %select_n3A_403, %mul3A_420 : i32
    %jit3A_422 = arith.constant 128 : i32
    %div3A_423 = arith.divsi %mul3A_421, %jit3A_422 : i32
    %sign3A_424 = arith.constant 0 : i32
    %sign3A_425 = arith.cmpi sgt, %mul3A_421, %sign3A_424 : i32
    %sign3A_426 = arith.extui %sign3A_425 : i1 to i32
    %sign3A_427 = arith.constant 0 : i32
    %sign3A_428 = arith.cmpi slt, %mul3A_421, %sign3A_427 : i32
    %sign3A_429 = arith.extui %sign3A_428 : i1 to i32
    %sign3A_430 = arith.subi %sign3A_426, %sign3A_429 : i32
    %sign3A_431 = arith.constant 0 : i32
    %sign3A_432 = arith.cmpi sgt, %jit3A_422, %sign3A_431 : i32
    %sign3A_433 = arith.extui %sign3A_432 : i1 to i32
    %sign3A_434 = arith.constant 0 : i32
    %sign3A_435 = arith.cmpi slt, %jit3A_422, %sign3A_434 : i32
    %sign3A_436 = arith.extui %sign3A_435 : i1 to i32
    %sign3A_437 = arith.subi %sign3A_433, %sign3A_436 : i32
    %ne3A_438 = arith.cmpi ne, %sign3A_430, %sign3A_437 : i32
    %rem3A_439 = arith.remsi %mul3A_421, %jit3A_422 : i32
    %ne3A_440 = arith.constant 0 : i32
    %ne3A_441 = arith.cmpi ne, %rem3A_439, %ne3A_440 : i32
    %and3A_442 = arith.andi %ne3A_438, %ne3A_441 : i1
    %sub3A_443 = arith.constant 1 : i32
    %sub3A_444 = arith.subi %div3A_423, %sub3A_443 : i32
    %select_n3A_445 = arith.select %and3A_442, %sub3A_444, %div3A_423 : i32
    %mul3A_446 = arith.constant 128 : i32
    %mul3A_447 = arith.muli %select_n3A_445, %mul3A_446 : i32
    %sub3A_448 = arith.subi %mul3A_421, %mul3A_447 : i32
    %mul3A_449 = arith.constant 13 : i32
    %mul3A_450 = arith.muli %add3A, %mul3A_449 : i32
    %add3A_451 = arith.constant 2 : i32
    %add3A_452 = arith.addi %mul3A_450, %add3A_451 : i32
    %jit3A_453 = arith.constant 16 : i32
    %div3A_454 = arith.divsi %add3A_452, %jit3A_453 : i32
    %sign3A_455 = arith.constant 0 : i32
    %sign3A_456 = arith.cmpi sgt, %add3A_452, %sign3A_455 : i32
    %sign3A_457 = arith.extui %sign3A_456 : i1 to i32
    %sign3A_458 = arith.constant 0 : i32
    %sign3A_459 = arith.cmpi slt, %add3A_452, %sign3A_458 : i32
    %sign3A_460 = arith.extui %sign3A_459 : i1 to i32
    %sign3A_461 = arith.subi %sign3A_457, %sign3A_460 : i32
    %sign3A_462 = arith.constant 0 : i32
    %sign3A_463 = arith.cmpi sgt, %jit3A_453, %sign3A_462 : i32
    %sign3A_464 = arith.extui %sign3A_463 : i1 to i32
    %sign3A_465 = arith.constant 0 : i32
    %sign3A_466 = arith.cmpi slt, %jit3A_453, %sign3A_465 : i32
    %sign3A_467 = arith.extui %sign3A_466 : i1 to i32
    %sign3A_468 = arith.subi %sign3A_464, %sign3A_467 : i32
    %ne3A_469 = arith.cmpi ne, %sign3A_461, %sign3A_468 : i32
    %rem3A_470 = arith.remsi %add3A_452, %jit3A_453 : i32
    %ne3A_471 = arith.constant 0 : i32
    %ne3A_472 = arith.cmpi ne, %rem3A_470, %ne3A_471 : i32
    %and3A_473 = arith.andi %ne3A_469, %ne3A_472 : i1
    %sub3A_474 = arith.constant 1 : i32
    %sub3A_475 = arith.subi %div3A_454, %sub3A_474 : i32
    %select_n3A_476 = arith.select %and3A_473, %sub3A_475, %div3A_454 : i32
    %jit3A_477 = arith.constant 16 : i32
    %eq3A_478 = arith.constant 0 : i32
    %eq3A_479 = arith.cmpi eq, %jit3A_477, %eq3A_478 : i32
    %jit3A_480 = arith.constant 1 : i32
    %select_n3A_481 = arith.select %eq3A_479, %jit3A_480, %jit3A_477 : i32
    %rem3A_482 = arith.remsi %add3A_452, %select_n3A_481 : i32
    %ne3A_483 = arith.constant 0 : i32
    %ne3A_484 = arith.cmpi ne, %rem3A_482, %ne3A_483 : i32
    %lt3A_485 = arith.constant 0 : i32
    %lt3A_486 = arith.cmpi slt, %rem3A_482, %lt3A_485 : i32
    %lt3A_487 = arith.constant 0 : i32
    %lt3A_488 = arith.cmpi slt, %select_n3A_481, %lt3A_487 : i32
    %ne3A_489 = arith.xori %lt3A_486, %lt3A_488 : i1
    %and3A_490 = arith.andi %ne3A_489, %ne3A_484 : i1
    %add3A_491 = arith.addi %rem3A_482, %select_n3A_481 : i32
    %select_n3A_492 = arith.select %and3A_490, %add3A_491, %rem3A_482 : i32
    %mul3A_493 = arith.constant 40000 : i32
    %mul3A_494 = arith.muli %select_n3A_476, %mul3A_493 : i32
    %jit3A_495 = arith.constant 128 : i32
    %div3A_496 = arith.divsi %mul3A_494, %jit3A_495 : i32
    %sign3A_497 = arith.constant 0 : i32
    %sign3A_498 = arith.cmpi sgt, %mul3A_494, %sign3A_497 : i32
    %sign3A_499 = arith.extui %sign3A_498 : i1 to i32
    %sign3A_500 = arith.constant 0 : i32
    %sign3A_501 = arith.cmpi slt, %mul3A_494, %sign3A_500 : i32
    %sign3A_502 = arith.extui %sign3A_501 : i1 to i32
    %sign3A_503 = arith.subi %sign3A_499, %sign3A_502 : i32
    %sign3A_504 = arith.constant 0 : i32
    %sign3A_505 = arith.cmpi sgt, %jit3A_495, %sign3A_504 : i32
    %sign3A_506 = arith.extui %sign3A_505 : i1 to i32
    %sign3A_507 = arith.constant 0 : i32
    %sign3A_508 = arith.cmpi slt, %jit3A_495, %sign3A_507 : i32
    %sign3A_509 = arith.extui %sign3A_508 : i1 to i32
    %sign3A_510 = arith.subi %sign3A_506, %sign3A_509 : i32
    %ne3A_511 = arith.cmpi ne, %sign3A_503, %sign3A_510 : i32
    %rem3A_512 = arith.remsi %mul3A_494, %jit3A_495 : i32
    %ne3A_513 = arith.constant 0 : i32
    %ne3A_514 = arith.cmpi ne, %rem3A_512, %ne3A_513 : i32
    %and3A_515 = arith.andi %ne3A_511, %ne3A_514 : i1
    %sub3A_516 = arith.constant 1 : i32
    %sub3A_517 = arith.subi %div3A_496, %sub3A_516 : i32
    %select_n3A_518 = arith.select %and3A_515, %sub3A_517, %div3A_496 : i32
    %mul3A_519 = arith.constant 128 : i32
    %mul3A_520 = arith.muli %select_n3A_518, %mul3A_519 : i32
    %sub3A_521 = arith.subi %mul3A_494, %mul3A_520 : i32
    %dma_start3A_522 = tpu.memref_slice %arg2[%select_n3A_492, %mul3A_520] : memref<16x1040000xf32, #tpu.memory_space<hbm>> -> memref<1x40064xf32, #tpu.memory_space<hbm>>
    %dma_start3A_523 = tpu.memref_squeeze %dma_start3A_522 : memref<1x40064xf32, #tpu.memory_space<hbm>> -> memref<40064xf32, #tpu.memory_space<hbm>>
    %dma_start3A_524 = tpu.memref_slice %arg2[%select_n3A_492, %mul3A_520] : memref<16x1040000xf32, #tpu.memory_space<hbm>> -> memref<1x40064xf32, #tpu.memory_space<hbm>>
    %dma_start3A_525 = tpu.memref_squeeze %dma_start3A_524 : memref<1x40064xf32, #tpu.memory_space<hbm>> -> memref<40064xf32, #tpu.memory_space<hbm>>
    tpu.enqueue_dma source(%dma_start3A_525 : memref<40064xf32, #tpu.memory_space<hbm>>) target(%arg5 : memref<40064xf32, #tpu.memory_space<vmem>>) target_semaphore(%arg10 : memref<!tpu.dma_semaphore, #tpu.memory_space<semaphore_mem>>)
    %mul3A_526 = arith.constant 13 : i32
    %mul3A_527 = arith.muli %add3A, %mul3A_526 : i32
    %add3A_528 = arith.constant 1 : i32
    %add3A_529 = arith.addi %mul3A_527, %add3A_528 : i32
    %sub3A_530 = arith.constant 1 : i32
    %sub3A_531 = arith.subi %add3A_529, %sub3A_530 : i32
    %jit3A_532 = arith.constant 16 : i32
    %div3A_533 = arith.divsi %sub3A_531, %jit3A_532 : i32
    %sign3A_534 = arith.constant 0 : i32
    %sign3A_535 = arith.cmpi sgt, %sub3A_531, %sign3A_534 : i32
    %sign3A_536 = arith.extui %sign3A_535 : i1 to i32
    %sign3A_537 = arith.constant 0 : i32
    %sign3A_538 = arith.cmpi slt, %sub3A_531, %sign3A_537 : i32
    %sign3A_539 = arith.extui %sign3A_538 : i1 to i32
    %sign3A_540 = arith.subi %sign3A_536, %sign3A_539 : i32
    %sign3A_541 = arith.constant 0 : i32
    %sign3A_542 = arith.cmpi sgt, %jit3A_532, %sign3A_541 : i32
    %sign3A_543 = arith.extui %sign3A_542 : i1 to i32
    %sign3A_544 = arith.constant 0 : i32
    %sign3A_545 = arith.cmpi slt, %jit3A_532, %sign3A_544 : i32
    %sign3A_546 = arith.extui %sign3A_545 : i1 to i32
    %sign3A_547 = arith.subi %sign3A_543, %sign3A_546 : i32
    %ne3A_548 = arith.cmpi ne, %sign3A_540, %sign3A_547 : i32
    %rem3A_549 = arith.remsi %sub3A_531, %jit3A_532 : i32
    %ne3A_550 = arith.constant 0 : i32
    %ne3A_551 = arith.cmpi ne, %rem3A_549, %ne3A_550 : i32
    %and3A_552 = arith.andi %ne3A_548, %ne3A_551 : i1
    %sub3A_553 = arith.constant 1 : i32
    %sub3A_554 = arith.subi %div3A_533, %sub3A_553 : i32
    %select_n3A_555 = arith.select %and3A_552, %sub3A_554, %div3A_533 : i32
    %ne3A_556 = arith.cmpi ne, %select_n3A_403, %select_n3A_555 : i32
    %convert_element_type3A_557 = arith.extui %ne3A_556 : i1 to i32
    %cond3A_558 = arith.constant 0 : i32
    %cond3A_559 = arith.cmpi ne, %convert_element_type3A_557, %cond3A_558 : i32
    scf.if %cond3A_559 {
      %dma_wait3A_3588 = arith.constant 0 : i32
      %dma_wait3A_3589 = tpu.memref_slice %arg3[%select_n3A_328, %dma_wait3A_3588] : memref<26x16384xi32, #tpu.memory_space<hbm>> -> memref<1x16384xi32, #tpu.memory_space<hbm>>
      %dma_wait3A_3590 = tpu.memref_squeeze %dma_wait3A_3589 : memref<1x16384xi32, #tpu.memory_space<hbm>> -> memref<16384xi32, #tpu.memory_space<hbm>>
      %dma_wait3A_3591 = arith.constant 0 : i32
      %dma_wait3A_3592 = tpu.memref_slice %arg3[%select_n3A_328, %dma_wait3A_3591] : memref<26x16384xi32, #tpu.memory_space<hbm>> -> memref<1x16384xi32, #tpu.memory_space<hbm>>
      %dma_wait3A_3593 = tpu.memref_squeeze %dma_wait3A_3592 : memref<1x16384xi32, #tpu.memory_space<hbm>> -> memref<16384xi32, #tpu.memory_space<hbm>>
      tpu.wait_dma2 semaphore(%arg14 : memref<!tpu.dma_semaphore, #tpu.memory_space<semaphore_mem>>) src(%dma_wait3A_3593 : memref<16384xi32, #tpu.memory_space<hbm>>) dst(%arg7 : memref<16384xi32, #tpu.memory_space<vmem>>)
    } else {
    }
    %dma_wait3A_560 = tpu.memref_slice %arg2[%select_n3A_256, %mul3A_284] : memref<16x1040000xf32, #tpu.memory_space<hbm>> -> memref<1x40064xf32, #tpu.memory_space<hbm>>
    %dma_wait3A_561 = tpu.memref_squeeze %dma_wait3A_560 : memref<1x40064xf32, #tpu.memory_space<hbm>> -> memref<40064xf32, #tpu.memory_space<hbm>>
    %dma_wait3A_562 = tpu.memref_slice %arg2[%select_n3A_256, %mul3A_284] : memref<16x1040000xf32, #tpu.memory_space<hbm>> -> memref<1x40064xf32, #tpu.memory_space<hbm>>
    %dma_wait3A_563 = tpu.memref_squeeze %dma_wait3A_562 : memref<1x40064xf32, #tpu.memory_space<hbm>> -> memref<40064xf32, #tpu.memory_space<hbm>>
    tpu.wait_dma2 semaphore(%arg11 : memref<!tpu.dma_semaphore, #tpu.memory_space<semaphore_mem>>) src(%dma_wait3A_563 : memref<40064xf32, #tpu.memory_space<hbm>>) dst(%arg6 : memref<40064xf32, #tpu.memory_space<vmem>>)
    %parallel_loop3A_564 = arith.constant 0 : i32
    %parallel_loop3A_565 = arith.constant 16384 : i32
    %parallel_loop3A_566 = arith.constant 16 : i32
    scf.for %parallel_loop3A_3588 = %parallel_loop3A_564 to %parallel_loop3A_565 step %parallel_loop3A_566  : i32 {
      %parallel_loop3A_3589 = arith.index_cast %parallel_loop3A_3588 : i32 to index
      %parallel_loop3A_3590 = tpu.vector_load %arg7[%parallel_loop3A_3589] {strides = array<i32>} : memref<16384xi32, #tpu.memory_space<vmem>>, vector<16xi32>,
      %parallel_loop3A_3591 = vector.broadcast %sub3A_448 : i32 to vector<16xi32>
      %parallel_loop3A_3592 = arith.addi %parallel_loop3A_3590, %parallel_loop3A_3591 : vector<16xi32>
      %parallel_loop3A_3593 = tpu.vector_load_idx %arg6[%parallel_loop3A_3592] : memref<40064xf32, #tpu.memory_space<vmem>>[vector<16xi32>], vector<16xf32>,
      %parallel_loop3A_3594 = arith.index_cast %parallel_loop3A_3588 : i32 to index
      %parallel_loop3A_3595 = tpu.vector_load %arg9[%parallel_loop3A_3594] {strides = array<i32>} : memref<16384xf32, #tpu.memory_space<vmem>>, vector<16xf32>,
      tpu.vector_store %arg9[%parallel_loop3A_3594], %parallel_loop3A_3593 {strides = array<i32>} : memref<16384xf32, #tpu.memory_space<vmem>>, vector<16xf32>,
    } {sc.loop_unroll_factor = 8 : i64, sc.parallel_access}
    %dma_start3A_567 = arith.constant 0 : i32
    %dma_start3A_568 = tpu.memref_slice %arg4[%select_n3A_403, %select_n3A_419, %dma_start3A_567] : memref<26x16x16384xf32, #tpu.memory_space<hbm>> -> memref<1x1x16384xf32, #tpu.memory_space<hbm>>
    %dma_start3A_569 = tpu.memref_squeeze %dma_start3A_568 : memref<1x1x16384xf32, #tpu.memory_space<hbm>> -> memref<16384xf32, #tpu.memory_space<hbm>>
    %dma_start3A_570 = arith.constant 0 : i32
    %dma_start3A_571 = tpu.memref_slice %arg4[%select_n3A_403, %select_n3A_419, %dma_start3A_570] : memref<26x16x16384xf32, #tpu.memory_space<hbm>> -> memref<1x1x16384xf32, #tpu.memory_space<hbm>>
    %dma_start3A_572 = tpu.memref_squeeze %dma_start3A_571 : memref<1x1x16384xf32, #tpu.memory_space<hbm>> -> memref<16384xf32, #tpu.memory_space<hbm>>
    tpu.enqueue_dma source(%arg9 : memref<16384xf32, #tpu.memory_space<vmem>>) target(%dma_start3A_572 : memref<16384xf32, #tpu.memory_space<hbm>>) target_semaphore(%arg13 : memref<!tpu.dma_semaphore, #tpu.memory_space<semaphore_mem>>)
    %mul3A_573 = arith.constant 13 : i32
    %mul3A_574 = arith.muli %add3A, %mul3A_573 : i32
    %add3A_575 = arith.constant 2 : i32
    %add3A_576 = arith.addi %mul3A_574, %add3A_575 : i32
    %jit3A_577 = arith.constant 16 : i32
    %div3A_578 = arith.divsi %add3A_576, %jit3A_577 : i32
    %sign3A_579 = arith.constant 0 : i32
    %sign3A_580 = arith.cmpi sgt, %add3A_576, %sign3A_579 : i32
    %sign3A_581 = arith.extui %sign3A_580 : i1 to i32
    %sign3A_582 = arith.constant 0 : i32
    %sign3A_583 = arith.cmpi slt, %add3A_576, %sign3A_582 : i32
    %sign3A_584 = arith.extui %sign3A_583 : i1 to i32
    %sign3A_585 = arith.subi %sign3A_581, %sign3A_584 : i32
    %sign3A_586 = arith.constant 0 : i32
    %sign3A_587 = arith.cmpi sgt, %jit3A_577, %sign3A_586 : i32
    %sign3A_588 = arith.extui %sign3A_587 : i1 to i32
    %sign3A_589 = arith.constant 0 : i32
    %sign3A_590 = arith.cmpi slt, %jit3A_577, %sign3A_589 : i32
    %sign3A_591 = arith.extui %sign3A_590 : i1 to i32
    %sign3A_592 = arith.subi %sign3A_588, %sign3A_591 : i32
    %ne3A_593 = arith.cmpi ne, %sign3A_585, %sign3A_592 : i32
    %rem3A_594 = arith.remsi %add3A_576, %jit3A_577 : i32
    %ne3A_595 = arith.constant 0 : i32
    %ne3A_596 = arith.cmpi ne, %rem3A_594, %ne3A_595 : i32
    %and3A_597 = arith.andi %ne3A_593, %ne3A_596 : i1
    %sub3A_598 = arith.constant 1 : i32
    %sub3A_599 = arith.subi %div3A_578, %sub3A_598 : i32
    %select_n3A_600 = arith.select %and3A_597, %sub3A_599, %div3A_578 : i32
    %jit3A_601 = arith.constant 16 : i32
    %eq3A_602 = arith.constant 0 : i32
    %eq3A_603 = arith.cmpi eq, %jit3A_601, %eq3A_602 : i32
    %jit3A_604 = arith.constant 1 : i32
    %select_n3A_605 = arith.select %eq3A_603, %jit3A_604, %jit3A_601 : i32
    %rem3A_606 = arith.remsi %add3A_576, %select_n3A_605 : i32
    %ne3A_607 = arith.constant 0 : i32
    %ne3A_608 = arith.cmpi ne, %rem3A_606, %ne3A_607 : i32
    %lt3A_609 = arith.constant 0 : i32
    %lt3A_610 = arith.cmpi slt, %rem3A_606, %lt3A_609 : i32
    %lt3A_611 = arith.constant 0 : i32
    %lt3A_612 = arith.cmpi slt, %select_n3A_605, %lt3A_611 : i32
    %ne3A_613 = arith.xori %lt3A_610, %lt3A_612 : i1
    %and3A_614 = arith.andi %ne3A_613, %ne3A_608 : i1
    %add3A_615 = arith.addi %rem3A_606, %select_n3A_605 : i32
    %select_n3A_616 = arith.select %and3A_614, %add3A_615, %rem3A_606 : i32
    %mul3A_617 = arith.constant 40000 : i32
    %mul3A_618 = arith.muli %select_n3A_600, %mul3A_617 : i32
    %jit3A_619 = arith.constant 128 : i32
    %div3A_620 = arith.divsi %mul3A_618, %jit3A_619 : i32
    %sign3A_621 = arith.constant 0 : i32
    %sign3A_622 = arith.cmpi sgt, %mul3A_618, %sign3A_621 : i32
    %sign3A_623 = arith.extui %sign3A_622 : i1 to i32
    %sign3A_624 = arith.constant 0 : i32
    %sign3A_625 = arith.cmpi slt, %mul3A_618, %sign3A_624 : i32
    %sign3A_626 = arith.extui %sign3A_625 : i1 to i32
    %sign3A_627 = arith.subi %sign3A_623, %sign3A_626 : i32
    %sign3A_628 = arith.constant 0 : i32
    %sign3A_629 = arith.cmpi sgt, %jit3A_619, %sign3A_628 : i32
    %sign3A_630 = arith.extui %sign3A_629 : i1 to i32
    %sign3A_631 = arith.constant 0 : i32
    %sign3A_632 = arith.cmpi slt, %jit3A_619, %sign3A_631 : i32
    %sign3A_633 = arith.extui %sign3A_632 : i1 to i32
    %sign3A_634 = arith.subi %sign3A_630, %sign3A_633 : i32
    %ne3A_635 = arith.cmpi ne, %sign3A_627, %sign3A_634 : i32
    %rem3A_636 = arith.remsi %mul3A_618, %jit3A_619 : i32
    %ne3A_637 = arith.constant 0 : i32
    %ne3A_638 = arith.cmpi ne, %rem3A_636, %ne3A_637 : i32
    %and3A_639 = arith.andi %ne3A_635, %ne3A_638 : i1
    %sub3A_640 = arith.constant 1 : i32
    %sub3A_641 = arith.subi %div3A_620, %sub3A_640 : i32
    %select_n3A_642 = arith.select %and3A_639, %sub3A_641, %div3A_620 : i32
    %mul3A_643 = arith.constant 128 : i32
    %mul3A_644 = arith.muli %select_n3A_642, %mul3A_643 : i32
    %sub3A_645 = arith.subi %mul3A_618, %mul3A_644 : i32
    %ne3A_646 = arith.cmpi ne, %select_n3A_600, %select_n3A_403 : i32
    %convert_element_type3A_647 = arith.extui %ne3A_646 : i1 to i32
    %cond3A_648 = arith.constant 0 : i32
    %cond3A_649 = arith.cmpi ne, %convert_element_type3A_647, %cond3A_648 : i32
    scf.if %cond3A_649 {
      %dma_start3A_3588 = arith.constant 0 : i32
      %dma_start3A_3589 = tpu.memref_slice %arg3[%select_n3A_600, %dma_start3A_3588] : memref<26x16384xi32, #tpu.memory_space<hbm>> -> memref<1x16384xi32, #tpu.memory_space<hbm>>
      %dma_start3A_3590 = tpu.memref_squeeze %dma_start3A_3589 : memref<1x16384xi32, #tpu.memory_space<hbm>> -> memref<16384xi32, #tpu.memory_space<hbm>>
      %dma_start3A_3591 = arith.constant 0 : i32
      %dma_start3A_3592 = tpu.memref_slice %arg3[%select_n3A_600, %dma_start3A_3591] : memref<26x16384xi32, #tpu.memory_space<hbm>> -> memref<1x16384xi32, #tpu.memory_space<hbm>>
      %dma_start3A_3593 = tpu.memref_squeeze %dma_start3A_3592 : memref<1x16384xi32, #tpu.memory_space<hbm>> -> memref<16384xi32, #tpu.memory_space<hbm>>
      tpu.enqueue_dma source(%dma_start3A_3593 : memref<16384xi32, #tpu.memory_space<hbm>>) target(%arg7 : memref<16384xi32, #tpu.memory_space<vmem>>) target_semaphore(%arg14 : memref<!tpu.dma_semaphore, #tpu.memory_space<semaphore_mem>>)
    } else {
    }
    %mul3A_650 = arith.constant 13 : i32
    %mul3A_651 = arith.muli %add3A, %mul3A_650 : i32
    %add3A_652 = arith.constant 2 : i32
    %add3A_653 = arith.addi %mul3A_651, %add3A_652 : i32
    %jit3A_654 = arith.constant 16 : i32
    %div3A_655 = arith.divsi %add3A_653, %jit3A_654 : i32
    %sign3A_656 = arith.constant 0 : i32
    %sign3A_657 = arith.cmpi sgt, %add3A_653, %sign3A_656 : i32
    %sign3A_658 = arith.extui %sign3A_657 : i1 to i32
    %sign3A_659 = arith.constant 0 : i32
    %sign3A_660 = arith.cmpi slt, %add3A_653, %sign3A_659 : i32
    %sign3A_661 = arith.extui %sign3A_660 : i1 to i32
    %sign3A_662 = arith.subi %sign3A_658, %sign3A_661 : i32
    %sign3A_663 = arith.constant 0 : i32
    %sign3A_664 = arith.cmpi sgt, %jit3A_654, %sign3A_663 : i32
    %sign3A_665 = arith.extui %sign3A_664 : i1 to i32
    %sign3A_666 = arith.constant 0 : i32
    %sign3A_667 = arith.cmpi slt, %jit3A_654, %sign3A_666 : i32
    %sign3A_668 = arith.extui %sign3A_667 : i1 to i32
    %sign3A_669 = arith.subi %sign3A_665, %sign3A_668 : i32
    %ne3A_670 = arith.cmpi ne, %sign3A_662, %sign3A_669 : i32
    %rem3A_671 = arith.remsi %add3A_653, %jit3A_654 : i32
    %ne3A_672 = arith.constant 0 : i32
    %ne3A_673 = arith.cmpi ne, %rem3A_671, %ne3A_672 : i32
    %and3A_674 = arith.andi %ne3A_670, %ne3A_673 : i1
    %sub3A_675 = arith.constant 1 : i32
    %sub3A_676 = arith.subi %div3A_655, %sub3A_675 : i32
    %select_n3A_677 = arith.select %and3A_674, %sub3A_676, %div3A_655 : i32
    %jit3A_678 = arith.constant 16 : i32
    %eq3A_679 = arith.constant 0 : i32
    %eq3A_680 = arith.cmpi eq, %jit3A_678, %eq3A_679 : i32
    %jit3A_681 = arith.constant 1 : i32
    %select_n3A_682 = arith.select %eq3A_680, %jit3A_681, %jit3A_678 : i32
    %rem3A_683 = arith.remsi %add3A_653, %select_n3A_682 : i32
    %ne3A_684 = arith.constant 0 : i32
    %ne3A_685 = arith.cmpi ne, %rem3A_683, %ne3A_684 : i32
    %lt3A_686 = arith.constant 0 : i32
    %lt3A_687 = arith.cmpi slt, %rem3A_683, %lt3A_686 : i32
    %lt3A_688 = arith.constant 0 : i32
    %lt3A_689 = arith.cmpi slt, %select_n3A_682, %lt3A_688 : i32
    %ne3A_690 = arith.xori %lt3A_687, %lt3A_689 : i1
    %and3A_691 = arith.andi %ne3A_690, %ne3A_685 : i1
    %add3A_692 = arith.addi %rem3A_683, %select_n3A_682 : i32
    %select_n3A_693 = arith.select %and3A_691, %add3A_692, %rem3A_683 : i32
    %mul3A_694 = arith.constant 40000 : i32
    %mul3A_695 = arith.muli %select_n3A_677, %mul3A_694 : i32
    %jit3A_696 = arith.constant 128 : i32
    %div3A_697 = arith.divsi %mul3A_695, %jit3A_696 : i32
    %sign3A_698 = arith.constant 0 : i32
    %sign3A_699 = arith.cmpi sgt, %mul3A_695, %sign3A_698 : i32
    %sign3A_700 = arith.extui %sign3A_699 : i1 to i32
    %sign3A_701 = arith.constant 0 : i32
    %sign3A_702 = arith.cmpi slt, %mul3A_695, %sign3A_701 : i32
    %sign3A_703 = arith.extui %sign3A_702 : i1 to i32
    %sign3A_704 = arith.subi %sign3A_700, %sign3A_703 : i32
    %sign3A_705 = arith.constant 0 : i32
    %sign3A_706 = arith.cmpi sgt, %jit3A_696, %sign3A_705 : i32
    %sign3A_707 = arith.extui %sign3A_706 : i1 to i32
    %sign3A_708 = arith.constant 0 : i32
    %sign3A_709 = arith.cmpi slt, %jit3A_696, %sign3A_708 : i32
    %sign3A_710 = arith.extui %sign3A_709 : i1 to i32
    %sign3A_711 = arith.subi %sign3A_707, %sign3A_710 : i32
    %ne3A_712 = arith.cmpi ne, %sign3A_704, %sign3A_711 : i32
    %rem3A_713 = arith.remsi %mul3A_695, %jit3A_696 : i32
    %ne3A_714 = arith.constant 0 : i32
    %ne3A_715 = arith.cmpi ne, %rem3A_713, %ne3A_714 : i32
    %and3A_716 = arith.andi %ne3A_712, %ne3A_715 : i1
    %sub3A_717 = arith.constant 1 : i32
    %sub3A_718 = arith.subi %div3A_697, %sub3A_717 : i32
    %select_n3A_719 = arith.select %and3A_716, %sub3A_718, %div3A_697 : i32
    %mul3A_720 = arith.constant 128 : i32
    %mul3A_721 = arith.muli %select_n3A_719, %mul3A_720 : i32
    %sub3A_722 = arith.subi %mul3A_695, %mul3A_721 : i32
    %mul3A_723 = arith.constant 13 : i32
    %mul3A_724 = arith.muli %add3A, %mul3A_723 : i32
    %add3A_725 = arith.constant 3 : i32
    %add3A_726 = arith.addi %mul3A_724, %add3A_725 : i32
    %jit3A_727 = arith.constant 16 : i32
    %div3A_728 = arith.divsi %add3A_726, %jit3A_727 : i32
    %sign3A_729 = arith.constant 0 : i32
    %sign3A_730 = arith.cmpi sgt, %add3A_726, %sign3A_729 : i32
    %sign3A_731 = arith.extui %sign3A_730 : i1 to i32
    %sign3A_732 = arith.constant 0 : i32
    %sign3A_733 = arith.cmpi slt, %add3A_726, %sign3A_732 : i32
    %sign3A_734 = arith.extui %sign3A_733 : i1 to i32
    %sign3A_735 = arith.subi %sign3A_731, %sign3A_734 : i32
    %sign3A_736 = arith.constant 0 : i32
    %sign3A_737 = arith.cmpi sgt, %jit3A_727, %sign3A_736 : i32
    %sign3A_738 = arith.extui %sign3A_737 : i1 to i32
    %sign3A_739 = arith.constant 0 : i32
    %sign3A_740 = arith.cmpi slt, %jit3A_727, %sign3A_739 : i32
    %sign3A_741 = arith.extui %sign3A_740 : i1 to i32
    %sign3A_742 = arith.subi %sign3A_738, %sign3A_741 : i32
    %ne3A_743 = arith.cmpi ne, %sign3A_735, %sign3A_742 : i32
    %rem3A_744 = arith.remsi %add3A_726, %jit3A_727 : i32
    %ne3A_745 = arith.constant 0 : i32
    %ne3A_746 = arith.cmpi ne, %rem3A_744, %ne3A_745 : i32
    %and3A_747 = arith.andi %ne3A_743, %ne3A_746 : i1
    %sub3A_748 = arith.constant 1 : i32
    %sub3A_749 = arith.subi %div3A_728, %sub3A_748 : i32
    %select_n3A_750 = arith.select %and3A_747, %sub3A_749, %div3A_728 : i32
    %jit3A_751 = arith.constant 16 : i32
    %eq3A_752 = arith.constant 0 : i32
    %eq3A_753 = arith.cmpi eq, %jit3A_751, %eq3A_752 : i32
    %jit3A_754 = arith.constant 1 : i32
    %select_n3A_755 = arith.select %eq3A_753, %jit3A_754, %jit3A_751 : i32
    %rem3A_756 = arith.remsi %add3A_726, %select_n3A_755 : i32
    %ne3A_757 = arith.constant 0 : i32
    %ne3A_758 = arith.cmpi ne, %rem3A_756, %ne3A_757 : i32
    %lt3A_759 = arith.constant 0 : i32
    %lt3A_760 = arith.cmpi slt, %rem3A_756, %lt3A_759 : i32
    %lt3A_761 = arith.constant 0 : i32
    %lt3A_762 = arith.cmpi slt, %select_n3A_755, %lt3A_761 : i32
    %ne3A_763 = arith.xori %lt3A_760, %lt3A_762 : i1
    %and3A_764 = arith.andi %ne3A_763, %ne3A_758 : i1
    %add3A_765 = arith.addi %rem3A_756, %select_n3A_755 : i32
    %select_n3A_766 = arith.select %and3A_764, %add3A_765, %rem3A_756 : i32
    %mul3A_767 = arith.constant 40000 : i32
    %mul3A_768 = arith.muli %select_n3A_750, %mul3A_767 : i32
    %jit3A_769 = arith.constant 128 : i32
    %div3A_770 = arith.divsi %mul3A_768, %jit3A_769 : i32
    %sign3A_771 = arith.constant 0 : i32
    %sign3A_772 = arith.cmpi sgt, %mul3A_768, %sign3A_771 : i32
    %sign3A_773 = arith.extui %sign3A_772 : i1 to i32
    %sign3A_774 = arith.constant 0 : i32
    %sign3A_775 = arith.cmpi slt, %mul3A_768, %sign3A_774 : i32
    %sign3A_776 = arith.extui %sign3A_775 : i1 to i32
    %sign3A_777 = arith.subi %sign3A_773, %sign3A_776 : i32
    %sign3A_778 = arith.constant 0 : i32
    %sign3A_779 = arith.cmpi sgt, %jit3A_769, %sign3A_778 : i32
    %sign3A_780 = arith.extui %sign3A_779 : i1 to i32
    %sign3A_781 = arith.constant 0 : i32
    %sign3A_782 = arith.cmpi slt, %jit3A_769, %sign3A_781 : i32
    %sign3A_783 = arith.extui %sign3A_782 : i1 to i32
    %sign3A_784 = arith.subi %sign3A_780, %sign3A_783 : i32
    %ne3A_785 = arith.cmpi ne, %sign3A_777, %sign3A_784 : i32
    %rem3A_786 = arith.remsi %mul3A_768, %jit3A_769 : i32
    %ne3A_787 = arith.constant 0 : i32
    %ne3A_788 = arith.cmpi ne, %rem3A_786, %ne3A_787 : i32
    %and3A_789 = arith.andi %ne3A_785, %ne3A_788 : i1
    %sub3A_790 = arith.constant 1 : i32
    %sub3A_791 = arith.subi %div3A_770, %sub3A_790 : i32
    %select_n3A_792 = arith.select %and3A_789, %sub3A_791, %div3A_770 : i32
    %mul3A_793 = arith.constant 128 : i32
    %mul3A_794 = arith.muli %select_n3A_792, %mul3A_793 : i32
    %sub3A_795 = arith.subi %mul3A_768, %mul3A_794 : i32
    %dma_start3A_796 = tpu.memref_slice %arg2[%select_n3A_766, %mul3A_794] : memref<16x1040000xf32, #tpu.memory_space<hbm>> -> memref<1x40064xf32, #tpu.memory_space<hbm>>
    %dma_start3A_797 = tpu.memref_squeeze %dma_start3A_796 : memref<1x40064xf32, #tpu.memory_space<hbm>> -> memref<40064xf32, #tpu.memory_space<hbm>>
    %dma_start3A_798 = tpu.memref_slice %arg2[%select_n3A_766, %mul3A_794] : memref<16x1040000xf32, #tpu.memory_space<hbm>> -> memref<1x40064xf32, #tpu.memory_space<hbm>>
    %dma_start3A_799 = tpu.memref_squeeze %dma_start3A_798 : memref<1x40064xf32, #tpu.memory_space<hbm>> -> memref<40064xf32, #tpu.memory_space<hbm>>
    tpu.enqueue_dma source(%dma_start3A_799 : memref<40064xf32, #tpu.memory_space<hbm>>) target(%arg6 : memref<40064xf32, #tpu.memory_space<vmem>>) target_semaphore(%arg11 : memref<!tpu.dma_semaphore, #tpu.memory_space<semaphore_mem>>)
    %mul3A_800 = arith.constant 13 : i32
    %mul3A_801 = arith.muli %add3A, %mul3A_800 : i32
    %add3A_802 = arith.constant 2 : i32
    %add3A_803 = arith.addi %mul3A_801, %add3A_802 : i32
    %sub3A_804 = arith.constant 1 : i32
    %sub3A_805 = arith.subi %add3A_803, %sub3A_804 : i32
    %jit3A_806 = arith.constant 16 : i32
    %div3A_807 = arith.divsi %sub3A_805, %jit3A_806 : i32
    %sign3A_808 = arith.constant 0 : i32
    %sign3A_809 = arith.cmpi sgt, %sub3A_805, %sign3A_808 : i32
    %sign3A_810 = arith.extui %sign3A_809 : i1 to i32
    %sign3A_811 = arith.constant 0 : i32
    %sign3A_812 = arith.cmpi slt, %sub3A_805, %sign3A_811 : i32
    %sign3A_813 = arith.extui %sign3A_812 : i1 to i32
    %sign3A_814 = arith.subi %sign3A_810, %sign3A_813 : i32
    %sign3A_815 = arith.constant 0 : i32
    %sign3A_816 = arith.cmpi sgt, %jit3A_806, %sign3A_815 : i32
    %sign3A_817 = arith.extui %sign3A_816 : i1 to i32
    %sign3A_818 = arith.constant 0 : i32
    %sign3A_819 = arith.cmpi slt, %jit3A_806, %sign3A_818 : i32
    %sign3A_820 = arith.extui %sign3A_819 : i1 to i32
    %sign3A_821 = arith.subi %sign3A_817, %sign3A_820 : i32
    %ne3A_822 = arith.cmpi ne, %sign3A_814, %sign3A_821 : i32
    %rem3A_823 = arith.remsi %sub3A_805, %jit3A_806 : i32
    %ne3A_824 = arith.constant 0 : i32
    %ne3A_825 = arith.cmpi ne, %rem3A_823, %ne3A_824 : i32
    %and3A_826 = arith.andi %ne3A_822, %ne3A_825 : i1
    %sub3A_827 = arith.constant 1 : i32
    %sub3A_828 = arith.subi %div3A_807, %sub3A_827 : i32
    %select_n3A_829 = arith.select %and3A_826, %sub3A_828, %div3A_807 : i32
    %ne3A_830 = arith.cmpi ne, %select_n3A_677, %select_n3A_829 : i32
    %convert_element_type3A_831 = arith.extui %ne3A_830 : i1 to i32
    %cond3A_832 = arith.constant 0 : i32
    %cond3A_833 = arith.cmpi ne, %convert_element_type3A_831, %cond3A_832 : i32
    scf.if %cond3A_833 {
      %dma_wait3A_3588 = arith.constant 0 : i32
      %dma_wait3A_3589 = tpu.memref_slice %arg3[%select_n3A_600, %dma_wait3A_3588] : memref<26x16384xi32, #tpu.memory_space<hbm>> -> memref<1x16384xi32, #tpu.memory_space<hbm>>
      %dma_wait3A_3590 = tpu.memref_squeeze %dma_wait3A_3589 : memref<1x16384xi32, #tpu.memory_space<hbm>> -> memref<16384xi32, #tpu.memory_space<hbm>>
      %dma_wait3A_3591 = arith.constant 0 : i32
      %dma_wait3A_3592 = tpu.memref_slice %arg3[%select_n3A_600, %dma_wait3A_3591] : memref<26x16384xi32, #tpu.memory_space<hbm>> -> memref<1x16384xi32, #tpu.memory_space<hbm>>
      %dma_wait3A_3593 = tpu.memref_squeeze %dma_wait3A_3592 : memref<1x16384xi32, #tpu.memory_space<hbm>> -> memref<16384xi32, #tpu.memory_space<hbm>>
      tpu.wait_dma2 semaphore(%arg14 : memref<!tpu.dma_semaphore, #tpu.memory_space<semaphore_mem>>) src(%dma_wait3A_3593 : memref<16384xi32, #tpu.memory_space<hbm>>) dst(%arg7 : memref<16384xi32, #tpu.memory_space<vmem>>)
    } else {
    }
    %dma_wait3A_834 = tpu.memref_slice %arg2[%select_n3A_492, %mul3A_520] : memref<16x1040000xf32, #tpu.memory_space<hbm>> -> memref<1x40064xf32, #tpu.memory_space<hbm>>
    %dma_wait3A_835 = tpu.memref_squeeze %dma_wait3A_834 : memref<1x40064xf32, #tpu.memory_space<hbm>> -> memref<40064xf32, #tpu.memory_space<hbm>>
    %dma_wait3A_836 = tpu.memref_slice %arg2[%select_n3A_492, %mul3A_520] : memref<16x1040000xf32, #tpu.memory_space<hbm>> -> memref<1x40064xf32, #tpu.memory_space<hbm>>
    %dma_wait3A_837 = tpu.memref_squeeze %dma_wait3A_836 : memref<1x40064xf32, #tpu.memory_space<hbm>> -> memref<40064xf32, #tpu.memory_space<hbm>>
    tpu.wait_dma2 semaphore(%arg10 : memref<!tpu.dma_semaphore, #tpu.memory_space<semaphore_mem>>) src(%dma_wait3A_837 : memref<40064xf32, #tpu.memory_space<hbm>>) dst(%arg5 : memref<40064xf32, #tpu.memory_space<vmem>>)
    %dma_wait3A_838 = arith.constant 0 : i32
    %dma_wait3A_839 = tpu.memref_slice %arg4[%select_n3A_167, %select_n3A_183, %dma_wait3A_838] : memref<26x16x16384xf32, #tpu.memory_space<hbm>> -> memref<1x1x16384xf32, #tpu.memory_space<hbm>>
    %dma_wait3A_840 = tpu.memref_squeeze %dma_wait3A_839 : memref<1x1x16384xf32, #tpu.memory_space<hbm>> -> memref<16384xf32, #tpu.memory_space<hbm>>
    %dma_wait3A_841 = arith.constant 0 : i32
    %dma_wait3A_842 = tpu.memref_slice %arg4[%select_n3A_167, %select_n3A_183, %dma_wait3A_841] : memref<26x16x16384xf32, #tpu.memory_space<hbm>> -> memref<1x1x16384xf32, #tpu.memory_space<hbm>>
    %dma_wait3A_843 = tpu.memref_squeeze %dma_wait3A_842 : memref<1x1x16384xf32, #tpu.memory_space<hbm>> -> memref<16384xf32, #tpu.memory_space<hbm>>
    tpu.wait_dma2 semaphore(%arg12 : memref<!tpu.dma_semaphore, #tpu.memory_space<semaphore_mem>>) src(%arg8 : memref<16384xf32, #tpu.memory_space<vmem>>) dst(%dma_wait3A_843 : memref<16384xf32, #tpu.memory_space<hbm>>)
    %parallel_loop3A_844 = arith.constant 0 : i32
    %parallel_loop3A_845 = arith.constant 16384 : i32
    %parallel_loop3A_846 = arith.constant 16 : i32
    scf.for %parallel_loop3A_3588 = %parallel_loop3A_844 to %parallel_loop3A_845 step %parallel_loop3A_846  : i32 {
      %parallel_loop3A_3589 = arith.index_cast %parallel_loop3A_3588 : i32 to index
      %parallel_loop3A_3590 = tpu.vector_load %arg7[%parallel_loop3A_3589] {strides = array<i32>} : memref<16384xi32, #tpu.memory_space<vmem>>, vector<16xi32>,
      %parallel_loop3A_3591 = vector.broadcast %sub3A_722 : i32 to vector<16xi32>
      %parallel_loop3A_3592 = arith.addi %parallel_loop3A_3590, %parallel_loop3A_3591 : vector<16xi32>
      %parallel_loop3A_3593 = tpu.vector_load_idx %arg5[%parallel_loop3A_3592] : memref<40064xf32, #tpu.memory_space<vmem>>[vector<16xi32>], vector<16xf32>,
      %parallel_loop3A_3594 = arith.index_cast %parallel_loop3A_3588 : i32 to index
      %parallel_loop3A_3595 = tpu.vector_load %arg8[%parallel_loop3A_3594] {strides = array<i32>} : memref<16384xf32, #tpu.memory_space<vmem>>, vector<16xf32>,
      tpu.vector_store %arg8[%parallel_loop3A_3594], %parallel_loop3A_3593 {strides = array<i32>} : memref<16384xf32, #tpu.memory_space<vmem>>, vector<16xf32>,
    } {sc.loop_unroll_factor = 8 : i64, sc.parallel_access}
    %dma_start3A_847 = arith.constant 0 : i32
    %dma_start3A_848 = tpu.memref_slice %arg4[%select_n3A_677, %select_n3A_693, %dma_start3A_847] : memref<26x16x16384xf32, #tpu.memory_space<hbm>> -> memref<1x1x16384xf32, #tpu.memory_space<hbm>>
    %dma_start3A_849 = tpu.memref_squeeze %dma_start3A_848 : memref<1x1x16384xf32, #tpu.memory_space<hbm>> -> memref<16384xf32, #tpu.memory_space<hbm>>
    %dma_start3A_850 = arith.constant 0 : i32
    %dma_start3A_851 = tpu.memref_slice %arg4[%select_n3A_677, %select_n3A_693, %dma_start3A_850] : memref<26x16x16384xf32, #tpu.memory_space<hbm>> -> memref<1x1x16384xf32, #tpu.memory_space<hbm>>
    %dma_start3A_852 = tpu.memref_squeeze %dma_start3A_851 : memref<1x1x16384xf32, #tpu.memory_space<hbm>> -> memref<16384xf32, #tpu.memory_space<hbm>>
    tpu.enqueue_dma source(%arg8 : memref<16384xf32, #tpu.memory_space<vmem>>) target(%dma_start3A_852 : memref<16384xf32, #tpu.memory_space<hbm>>) target_semaphore(%arg12 : memref<!tpu.dma_semaphore, #tpu.memory_space<semaphore_mem>>)
    %mul3A_853 = arith.constant 13 : i32
    %mul3A_854 = arith.muli %add3A, %mul3A_853 : i32
    %add3A_855 = arith.constant 3 : i32
    %add3A_856 = arith.addi %mul3A_854, %add3A_855 : i32
    %jit3A_857 = arith.constant 16 : i32
    %div3A_858 = arith.divsi %add3A_856, %jit3A_857 : i32
    %sign3A_859 = arith.constant 0 : i32
    %sign3A_860 = arith.cmpi sgt, %add3A_856, %sign3A_859 : i32
    %sign3A_861 = arith.extui %sign3A_860 : i1 to i32
    %sign3A_862 = arith.constant 0 : i32
    %sign3A_863 = arith.cmpi slt, %add3A_856, %sign3A_862 : i32
    %sign3A_864 = arith.extui %sign3A_863 : i1 to i32
    %sign3A_865 = arith.subi %sign3A_861, %sign3A_864 : i32
    %sign3A_866 = arith.constant 0 : i32
    %sign3A_867 = arith.cmpi sgt, %jit3A_857, %sign3A_866 : i32
    %sign3A_868 = arith.extui %sign3A_867 : i1 to i32
    %sign3A_869 = arith.constant 0 : i32
    %sign3A_870 = arith.cmpi slt, %jit3A_857, %sign3A_869 : i32
    %sign3A_871 = arith.extui %sign3A_870 : i1 to i32
    %sign3A_872 = arith.subi %sign3A_868, %sign3A_871 : i32
    %ne3A_873 = arith.cmpi ne, %sign3A_865, %sign3A_872 : i32
    %rem3A_874 = arith.remsi %add3A_856, %jit3A_857 : i32
    %ne3A_875 = arith.constant 0 : i32
    %ne3A_876 = arith.cmpi ne, %rem3A_874, %ne3A_875 : i32
    %and3A_877 = arith.andi %ne3A_873, %ne3A_876 : i1
    %sub3A_878 = arith.constant 1 : i32
    %sub3A_879 = arith.subi %div3A_858, %sub3A_878 : i32
    %select_n3A_880 = arith.select %and3A_877, %sub3A_879, %div3A_858 : i32
    %jit3A_881 = arith.constant 16 : i32
    %eq3A_882 = arith.constant 0 : i32
    %eq3A_883 = arith.cmpi eq, %jit3A_881, %eq3A_882 : i32
    %jit3A_884 = arith.constant 1 : i32
    %select_n3A_885 = arith.select %eq3A_883, %jit3A_884, %jit3A_881 : i32
    %rem3A_886 = arith.remsi %add3A_856, %select_n3A_885 : i32
    %ne3A_887 = arith.constant 0 : i32
    %ne3A_888 = arith.cmpi ne, %rem3A_886, %ne3A_887 : i32
    %lt3A_889 = arith.constant 0 : i32
    %lt3A_890 = arith.cmpi slt, %rem3A_886, %lt3A_889 : i32
    %lt3A_891 = arith.constant 0 : i32
    %lt3A_892 = arith.cmpi slt, %select_n3A_885, %lt3A_891 : i32
    %ne3A_893 = arith.xori %lt3A_890, %lt3A_892 : i1
    %and3A_894 = arith.andi %ne3A_893, %ne3A_888 : i1
    %add3A_895 = arith.addi %rem3A_886, %select_n3A_885 : i32
    %select_n3A_896 = arith.select %and3A_894, %add3A_895, %rem3A_886 : i32
    %mul3A_897 = arith.constant 40000 : i32
    %mul3A_898 = arith.muli %select_n3A_880, %mul3A_897 : i32
    %jit3A_899 = arith.constant 128 : i32
    %div3A_900 = arith.divsi %mul3A_898, %jit3A_899 : i32
    %sign3A_901 = arith.constant 0 : i32
    %sign3A_902 = arith.cmpi sgt, %mul3A_898, %sign3A_901 : i32
    %sign3A_903 = arith.extui %sign3A_902 : i1 to i32
    %sign3A_904 = arith.constant 0 : i32
    %sign3A_905 = arith.cmpi slt, %mul3A_898, %sign3A_904 : i32
    %sign3A_906 = arith.extui %sign3A_905 : i1 to i32
    %sign3A_907 = arith.subi %sign3A_903, %sign3A_906 : i32
    %sign3A_908 = arith.constant 0 : i32
    %sign3A_909 = arith.cmpi sgt, %jit3A_899, %sign3A_908 : i32
    %sign3A_910 = arith.extui %sign3A_909 : i1 to i32
    %sign3A_911 = arith.constant 0 : i32
    %sign3A_912 = arith.cmpi slt, %jit3A_899, %sign3A_911 : i32
    %sign3A_913 = arith.extui %sign3A_912 : i1 to i32
    %sign3A_914 = arith.subi %sign3A_910, %sign3A_913 : i32
    %ne3A_915 = arith.cmpi ne, %sign3A_907, %sign3A_914 : i32
    %rem3A_916 = arith.remsi %mul3A_898, %jit3A_899 : i32
    %ne3A_917 = arith.constant 0 : i32
    %ne3A_918 = arith.cmpi ne, %rem3A_916, %ne3A_917 : i32
    %and3A_919 = arith.andi %ne3A_915, %ne3A_918 : i1
    %sub3A_920 = arith.constant 1 : i32
    %sub3A_921 = arith.subi %div3A_900, %sub3A_920 : i32
    %select_n3A_922 = arith.select %and3A_919, %sub3A_921, %div3A_900 : i32
    %mul3A_923 = arith.constant 128 : i32
    %mul3A_924 = arith.muli %select_n3A_922, %mul3A_923 : i32
    %sub3A_925 = arith.subi %mul3A_898, %mul3A_924 : i32
    %ne3A_926 = arith.cmpi ne, %select_n3A_880, %select_n3A_677 : i32
    %convert_element_type3A_927 = arith.extui %ne3A_926 : i1 to i32
    %cond3A_928 = arith.constant 0 : i32
    %cond3A_929 = arith.cmpi ne, %convert_element_type3A_927, %cond3A_928 : i32
    scf.if %cond3A_929 {
      %dma_start3A_3588 = arith.constant 0 : i32
      %dma_start3A_3589 = tpu.memref_slice %arg3[%select_n3A_880, %dma_start3A_3588] : memref<26x16384xi32, #tpu.memory_space<hbm>> -> memref<1x16384xi32, #tpu.memory_space<hbm>>
      %dma_start3A_3590 = tpu.memref_squeeze %dma_start3A_3589 : memref<1x16384xi32, #tpu.memory_space<hbm>> -> memref<16384xi32, #tpu.memory_space<hbm>>
      %dma_start3A_3591 = arith.constant 0 : i32
      %dma_start3A_3592 = tpu.memref_slice %arg3[%select_n3A_880, %dma_start3A_3591] : memref<26x16384xi32, #tpu.memory_space<hbm>> -> memref<1x16384xi32, #tpu.memory_space<hbm>>
      %dma_start3A_3593 = tpu.memref_squeeze %dma_start3A_3592 : memref<1x16384xi32, #tpu.memory_space<hbm>> -> memref<16384xi32, #tpu.memory_space<hbm>>
      tpu.enqueue_dma source(%dma_start3A_3593 : memref<16384xi32, #tpu.memory_space<hbm>>) target(%arg7 : memref<16384xi32, #tpu.memory_space<vmem>>) target_semaphore(%arg14 : memref<!tpu.dma_semaphore, #tpu.memory_space<semaphore_mem>>)
    } else {
    }
    %mul3A_930 = arith.constant 13 : i32
    %mul3A_931 = arith.muli %add3A, %mul3A_930 : i32
    %add3A_932 = arith.constant 3 : i32
    %add3A_933 = arith.addi %mul3A_931, %add3A_932 : i32
    %jit3A_934 = arith.constant 16 : i32
    %div3A_935 = arith.divsi %add3A_933, %jit3A_934 : i32
    %sign3A_936 = arith.constant 0 : i32
    %sign3A_937 = arith.cmpi sgt, %add3A_933, %sign3A_936 : i32
    %sign3A_938 = arith.extui %sign3A_937 : i1 to i32
    %sign3A_939 = arith.constant 0 : i32
    %sign3A_940 = arith.cmpi slt, %add3A_933, %sign3A_939 : i32
    %sign3A_941 = arith.extui %sign3A_940 : i1 to i32
    %sign3A_942 = arith.subi %sign3A_938, %sign3A_941 : i32
    %sign3A_943 = arith.constant 0 : i32
    %sign3A_944 = arith.cmpi sgt, %jit3A_934, %sign3A_943 : i32
    %sign3A_945 = arith.extui %sign3A_944 : i1 to i32
    %sign3A_946 = arith.constant 0 : i32
    %sign3A_947 = arith.cmpi slt, %jit3A_934, %sign3A_946 : i32
    %sign3A_948 = arith.extui %sign3A_947 : i1 to i32
    %sign3A_949 = arith.subi %sign3A_945, %sign3A_948 : i32
    %ne3A_950 = arith.cmpi ne, %sign3A_942, %sign3A_949 : i32
    %rem3A_951 = arith.remsi %add3A_933, %jit3A_934 : i32
    %ne3A_952 = arith.constant 0 : i32
    %ne3A_953 = arith.cmpi ne, %rem3A_951, %ne3A_952 : i32
    %and3A_954 = arith.andi %ne3A_950, %ne3A_953 : i1
    %sub3A_955 = arith.constant 1 : i32
    %sub3A_956 = arith.subi %div3A_935, %sub3A_955 : i32
    %select_n3A_957 = arith.select %and3A_954, %sub3A_956, %div3A_935 : i32
    %jit3A_958 = arith.constant 16 : i32
    %eq3A_959 = arith.constant 0 : i32
    %eq3A_960 = arith.cmpi eq, %jit3A_958, %eq3A_959 : i32
    %jit3A_961 = arith.constant 1 : i32
    %select_n3A_962 = arith.select %eq3A_960, %jit3A_961, %jit3A_958 : i32
    %rem3A_963 = arith.remsi %add3A_933, %select_n3A_962 : i32
    %ne3A_964 = arith.constant 0 : i32
    %ne3A_965 = arith.cmpi ne, %rem3A_963, %ne3A_964 : i32
    %lt3A_966 = arith.constant 0 : i32
    %lt3A_967 = arith.cmpi slt, %rem3A_963, %lt3A_966 : i32
    %lt3A_968 = arith.constant 0 : i32
    %lt3A_969 = arith.cmpi slt, %select_n3A_962, %lt3A_968 : i32
    %ne3A_970 = arith.xori %lt3A_967, %lt3A_969 : i1
    %and3A_971 = arith.andi %ne3A_970, %ne3A_965 : i1
    %add3A_972 = arith.addi %rem3A_963, %select_n3A_962 : i32
    %select_n3A_973 = arith.select %and3A_971, %add3A_972, %rem3A_963 : i32
    %mul3A_974 = arith.constant 40000 : i32
    %mul3A_975 = arith.muli %select_n3A_957, %mul3A_974 : i32
    %jit3A_976 = arith.constant 128 : i32
    %div3A_977 = arith.divsi %mul3A_975, %jit3A_976 : i32
    %sign3A_978 = arith.constant 0 : i32
    %sign3A_979 = arith.cmpi sgt, %mul3A_975, %sign3A_978 : i32
    %sign3A_980 = arith.extui %sign3A_979 : i1 to i32
    %sign3A_981 = arith.constant 0 : i32
    %sign3A_982 = arith.cmpi slt, %mul3A_975, %sign3A_981 : i32
    %sign3A_983 = arith.extui %sign3A_982 : i1 to i32
    %sign3A_984 = arith.subi %sign3A_980, %sign3A_983 : i32
    %sign3A_985 = arith.constant 0 : i32
    %sign3A_986 = arith.cmpi sgt, %jit3A_976, %sign3A_985 : i32
    %sign3A_987 = arith.extui %sign3A_986 : i1 to i32
    %sign3A_988 = arith.constant 0 : i32
    %sign3A_989 = arith.cmpi slt, %jit3A_976, %sign3A_988 : i32
    %sign3A_990 = arith.extui %sign3A_989 : i1 to i32
    %sign3A_991 = arith.subi %sign3A_987, %sign3A_990 : i32
    %ne3A_992 = arith.cmpi ne, %sign3A_984, %sign3A_991 : i32
    %rem3A_993 = arith.remsi %mul3A_975, %jit3A_976 : i32
    %ne3A_994 = arith.constant 0 : i32
    %ne3A_995 = arith.cmpi ne, %rem3A_993, %ne3A_994 : i32
    %and3A_996 = arith.andi %ne3A_992, %ne3A_995 : i1
    %sub3A_997 = arith.constant 1 : i32
    %sub3A_998 = arith.subi %div3A_977, %sub3A_997 : i32
    %select_n3A_999 = arith.select %and3A_996, %sub3A_998, %div3A_977 : i32
    %mul3A_1000 = arith.constant 128 : i32
    %mul3A_1001 = arith.muli %select_n3A_999, %mul3A_1000 : i32
    %sub3A_1002 = arith.subi %mul3A_975, %mul3A_1001 : i32
    %mul3A_1003 = arith.constant 13 : i32
    %mul3A_1004 = arith.muli %add3A, %mul3A_1003 : i32
    %add3A_1005 = arith.constant 4 : i32
    %add3A_1006 = arith.addi %mul3A_1004, %add3A_1005 : i32
    %jit3A_1007 = arith.constant 16 : i32
    %div3A_1008 = arith.divsi %add3A_1006, %jit3A_1007 : i32
    %sign3A_1009 = arith.constant 0 : i32
    %sign3A_1010 = arith.cmpi sgt, %add3A_1006, %sign3A_1009 : i32
    %sign3A_1011 = arith.extui %sign3A_1010 : i1 to i32
    %sign3A_1012 = arith.constant 0 : i32
    %sign3A_1013 = arith.cmpi slt, %add3A_1006, %sign3A_1012 : i32
    %sign3A_1014 = arith.extui %sign3A_1013 : i1 to i32
    %sign3A_1015 = arith.subi %sign3A_1011, %sign3A_1014 : i32
    %sign3A_1016 = arith.constant 0 : i32
    %sign3A_1017 = arith.cmpi sgt, %jit3A_1007, %sign3A_1016 : i32
    %sign3A_1018 = arith.extui %sign3A_1017 : i1 to i32
    %sign3A_1019 = arith.constant 0 : i32
    %sign3A_1020 = arith.cmpi slt, %jit3A_1007, %sign3A_1019 : i32
    %sign3A_1021 = arith.extui %sign3A_1020 : i1 to i32
    %sign3A_1022 = arith.subi %sign3A_1018, %sign3A_1021 : i32
    %ne3A_1023 = arith.cmpi ne, %sign3A_1015, %sign3A_1022 : i32
    %rem3A_1024 = arith.remsi %add3A_1006, %jit3A_1007 : i32
    %ne3A_1025 = arith.constant 0 : i32
    %ne3A_1026 = arith.cmpi ne, %rem3A_1024, %ne3A_1025 : i32
    %and3A_1027 = arith.andi %ne3A_1023, %ne3A_1026 : i1
    %sub3A_1028 = arith.constant 1 : i32
    %sub3A_1029 = arith.subi %div3A_1008, %sub3A_1028 : i32
    %select_n3A_1030 = arith.select %and3A_1027, %sub3A_1029, %div3A_1008 : i32
    %jit3A_1031 = arith.constant 16 : i32
    %eq3A_1032 = arith.constant 0 : i32
    %eq3A_1033 = arith.cmpi eq, %jit3A_1031, %eq3A_1032 : i32
    %jit3A_1034 = arith.constant 1 : i32
    %select_n3A_1035 = arith.select %eq3A_1033, %jit3A_1034, %jit3A_1031 : i32
    %rem3A_1036 = arith.remsi %add3A_1006, %select_n3A_1035 : i32
    %ne3A_1037 = arith.constant 0 : i32
    %ne3A_1038 = arith.cmpi ne, %rem3A_1036, %ne3A_1037 : i32
    %lt3A_1039 = arith.constant 0 : i32
    %lt3A_1040 = arith.cmpi slt, %rem3A_1036, %lt3A_1039 : i32
    %lt3A_1041 = arith.constant 0 : i32
    %lt3A_1042 = arith.cmpi slt, %select_n3A_1035, %lt3A_1041 : i32
    %ne3A_1043 = arith.xori %lt3A_1040, %lt3A_1042 : i1
    %and3A_1044 = arith.andi %ne3A_1043, %ne3A_1038 : i1
    %add3A_1045 = arith.addi %rem3A_1036, %select_n3A_1035 : i32
    %select_n3A_1046 = arith.select %and3A_1044, %add3A_1045, %rem3A_1036 : i32
    %mul3A_1047 = arith.constant 40000 : i32
    %mul3A_1048 = arith.muli %select_n3A_1030, %mul3A_1047 : i32
    %jit3A_1049 = arith.constant 128 : i32
    %div3A_1050 = arith.divsi %mul3A_1048, %jit3A_1049 : i32
    %sign3A_1051 = arith.constant 0 : i32
    %sign3A_1052 = arith.cmpi sgt, %mul3A_1048, %sign3A_1051 : i32
    %sign3A_1053 = arith.extui %sign3A_1052 : i1 to i32
    %sign3A_1054 = arith.constant 0 : i32
    %sign3A_1055 = arith.cmpi slt, %mul3A_1048, %sign3A_1054 : i32
    %sign3A_1056 = arith.extui %sign3A_1055 : i1 to i32
    %sign3A_1057 = arith.subi %sign3A_1053, %sign3A_1056 : i32
    %sign3A_1058 = arith.constant 0 : i32
    %sign3A_1059 = arith.cmpi sgt, %jit3A_1049, %sign3A_1058 : i32
    %sign3A_1060 = arith.extui %sign3A_1059 : i1 to i32
    %sign3A_1061 = arith.constant 0 : i32
    %sign3A_1062 = arith.cmpi slt, %jit3A_1049, %sign3A_1061 : i32
    %sign3A_1063 = arith.extui %sign3A_1062 : i1 to i32
    %sign3A_1064 = arith.subi %sign3A_1060, %sign3A_1063 : i32
    %ne3A_1065 = arith.cmpi ne, %sign3A_1057, %sign3A_1064 : i32
    %rem3A_1066 = arith.remsi %mul3A_1048, %jit3A_1049 : i32
    %ne3A_1067 = arith.constant 0 : i32
    %ne3A_1068 = arith.cmpi ne, %rem3A_1066, %ne3A_1067 : i32
    %and3A_1069 = arith.andi %ne3A_1065, %ne3A_1068 : i1
    %sub3A_1070 = arith.constant 1 : i32
    %sub3A_1071 = arith.subi %div3A_1050, %sub3A_1070 : i32
    %select_n3A_1072 = arith.select %and3A_1069, %sub3A_1071, %div3A_1050 : i32
    %mul3A_1073 = arith.constant 128 : i32
    %mul3A_1074 = arith.muli %select_n3A_1072, %mul3A_1073 : i32
    %sub3A_1075 = arith.subi %mul3A_1048, %mul3A_1074 : i32
    %dma_start3A_1076 = tpu.memref_slice %arg2[%select_n3A_1046, %mul3A_1074] : memref<16x1040000xf32, #tpu.memory_space<hbm>> -> memref<1x40064xf32, #tpu.memory_space<hbm>>
    %dma_start3A_1077 = tpu.memref_squeeze %dma_start3A_1076 : memref<1x40064xf32, #tpu.memory_space<hbm>> -> memref<40064xf32, #tpu.memory_space<hbm>>
    %dma_start3A_1078 = tpu.memref_slice %arg2[%select_n3A_1046, %mul3A_1074] : memref<16x1040000xf32, #tpu.memory_space<hbm>> -> memref<1x40064xf32, #tpu.memory_space<hbm>>
    %dma_start3A_1079 = tpu.memref_squeeze %dma_start3A_1078 : memref<1x40064xf32, #tpu.memory_space<hbm>> -> memref<40064xf32, #tpu.memory_space<hbm>>
    tpu.enqueue_dma source(%dma_start3A_1079 : memref<40064xf32, #tpu.memory_space<hbm>>) target(%arg5 : memref<40064xf32, #tpu.memory_space<vmem>>) target_semaphore(%arg10 : memref<!tpu.dma_semaphore, #tpu.memory_space<semaphore_mem>>)
    %mul3A_1080 = arith.constant 13 : i32
    %mul3A_1081 = arith.muli %add3A, %mul3A_1080 : i32
    %add3A_1082 = arith.constant 3 : i32
    %add3A_1083 = arith.addi %mul3A_1081, %add3A_1082 : i32
    %sub3A_1084 = arith.constant 1 : i32
    %sub3A_1085 = arith.subi %add3A_1083, %sub3A_1084 : i32
    %jit3A_1086 = arith.constant 16 : i32
    %div3A_1087 = arith.divsi %sub3A_1085, %jit3A_1086 : i32
    %sign3A_1088 = arith.constant 0 : i32
    %sign3A_1089 = arith.cmpi sgt, %sub3A_1085, %sign3A_1088 : i32
    %sign3A_1090 = arith.extui %sign3A_1089 : i1 to i32
    %sign3A_1091 = arith.constant 0 : i32
    %sign3A_1092 = arith.cmpi slt, %sub3A_1085, %sign3A_1091 : i32
    %sign3A_1093 = arith.extui %sign3A_1092 : i1 to i32
    %sign3A_1094 = arith.subi %sign3A_1090, %sign3A_1093 : i32
    %sign3A_1095 = arith.constant 0 : i32
    %sign3A_1096 = arith.cmpi sgt, %jit3A_1086, %sign3A_1095 : i32
    %sign3A_1097 = arith.extui %sign3A_1096 : i1 to i32
    %sign3A_1098 = arith.constant 0 : i32
    %sign3A_1099 = arith.cmpi slt, %jit3A_1086, %sign3A_1098 : i32
    %sign3A_1100 = arith.extui %sign3A_1099 : i1 to i32
    %sign3A_1101 = arith.subi %sign3A_1097, %sign3A_1100 : i32
    %ne3A_1102 = arith.cmpi ne, %sign3A_1094, %sign3A_1101 : i32
    %rem3A_1103 = arith.remsi %sub3A_1085, %jit3A_1086 : i32
    %ne3A_1104 = arith.constant 0 : i32
    %ne3A_1105 = arith.cmpi ne, %rem3A_1103, %ne3A_1104 : i32
    %and3A_1106 = arith.andi %ne3A_1102, %ne3A_1105 : i1
    %sub3A_1107 = arith.constant 1 : i32
    %sub3A_1108 = arith.subi %div3A_1087, %sub3A_1107 : i32
    %select_n3A_1109 = arith.select %and3A_1106, %sub3A_1108, %div3A_1087 : i32
    %ne3A_1110 = arith.cmpi ne, %select_n3A_957, %select_n3A_1109 : i32
    %convert_element_type3A_1111 = arith.extui %ne3A_1110 : i1 to i32
    %cond3A_1112 = arith.constant 0 : i32
    %cond3A_1113 = arith.cmpi ne, %convert_element_type3A_1111, %cond3A_1112 : i32
    scf.if %cond3A_1113 {
      %dma_wait3A_3588 = arith.constant 0 : i32
      %dma_wait3A_3589 = tpu.memref_slice %arg3[%select_n3A_880, %dma_wait3A_3588] : memref<26x16384xi32, #tpu.memory_space<hbm>> -> memref<1x16384xi32, #tpu.memory_space<hbm>>
      %dma_wait3A_3590 = tpu.memref_squeeze %dma_wait3A_3589 : memref<1x16384xi32, #tpu.memory_space<hbm>> -> memref<16384xi32, #tpu.memory_space<hbm>>
      %dma_wait3A_3591 = arith.constant 0 : i32
      %dma_wait3A_3592 = tpu.memref_slice %arg3[%select_n3A_880, %dma_wait3A_3591] : memref<26x16384xi32, #tpu.memory_space<hbm>> -> memref<1x16384xi32, #tpu.memory_space<hbm>>
      %dma_wait3A_3593 = tpu.memref_squeeze %dma_wait3A_3592 : memref<1x16384xi32, #tpu.memory_space<hbm>> -> memref<16384xi32, #tpu.memory_space<hbm>>
      tpu.wait_dma2 semaphore(%arg14 : memref<!tpu.dma_semaphore, #tpu.memory_space<semaphore_mem>>) src(%dma_wait3A_3593 : memref<16384xi32, #tpu.memory_space<hbm>>) dst(%arg7 : memref<16384xi32, #tpu.memory_space<vmem>>)
    } else {
    }
    %dma_wait3A_1114 = tpu.memref_slice %arg2[%select_n3A_766, %mul3A_794] : memref<16x1040000xf32, #tpu.memory_space<hbm>> -> memref<1x40064xf32, #tpu.memory_space<hbm>>
    %dma_wait3A_1115 = tpu.memref_squeeze %dma_wait3A_1114 : memref<1x40064xf32, #tpu.memory_space<hbm>> -> memref<40064xf32, #tpu.memory_space<hbm>>
    %dma_wait3A_1116 = tpu.memref_slice %arg2[%select_n3A_766, %mul3A_794] : memref<16x1040000xf32, #tpu.memory_space<hbm>> -> memref<1x40064xf32, #tpu.memory_space<hbm>>
    %dma_wait3A_1117 = tpu.memref_squeeze %dma_wait3A_1116 : memref<1x40064xf32, #tpu.memory_space<hbm>> -> memref<40064xf32, #tpu.memory_space<hbm>>
    tpu.wait_dma2 semaphore(%arg11 : memref<!tpu.dma_semaphore, #tpu.memory_space<semaphore_mem>>) src(%dma_wait3A_1117 : memref<40064xf32, #tpu.memory_space<hbm>>) dst(%arg6 : memref<40064xf32, #tpu.memory_space<vmem>>)
    %dma_wait3A_1118 = arith.constant 0 : i32
    %dma_wait3A_1119 = tpu.memref_slice %arg4[%select_n3A_403, %select_n3A_419, %dma_wait3A_1118] : memref<26x16x16384xf32, #tpu.memory_space<hbm>> -> memref<1x1x16384xf32, #tpu.memory_space<hbm>>
    %dma_wait3A_1120 = tpu.memref_squeeze %dma_wait3A_1119 : memref<1x1x16384xf32, #tpu.memory_space<hbm>> -> memref<16384xf32, #tpu.memory_space<hbm>>
    %dma_wait3A_1121 = arith.constant 0 : i32
    %dma_wait3A_1122 = tpu.memref_slice %arg4[%select_n3A_403, %select_n3A_419, %dma_wait3A_1121] : memref<26x16x16384xf32, #tpu.memory_space<hbm>> -> memref<1x1x16384xf32, #tpu.memory_space<hbm>>
    %dma_wait3A_1123 = tpu.memref_squeeze %dma_wait3A_1122 : memref<1x1x16384xf32, #tpu.memory_space<hbm>> -> memref<16384xf32, #tpu.memory_space<hbm>>
    tpu.wait_dma2 semaphore(%arg13 : memref<!tpu.dma_semaphore, #tpu.memory_space<semaphore_mem>>) src(%arg9 : memref<16384xf32, #tpu.memory_space<vmem>>) dst(%dma_wait3A_1123 : memref<16384xf32, #tpu.memory_space<hbm>>)
    %parallel_loop3A_1124 = arith.constant 0 : i32
    %parallel_loop3A_1125 = arith.constant 16384 : i32
    %parallel_loop3A_1126 = arith.constant 16 : i32
    scf.for %parallel_loop3A_3588 = %parallel_loop3A_1124 to %parallel_loop3A_1125 step %parallel_loop3A_1126  : i32 {
      %parallel_loop3A_3589 = arith.index_cast %parallel_loop3A_3588 : i32 to index
      %parallel_loop3A_3590 = tpu.vector_load %arg7[%parallel_loop3A_3589] {strides = array<i32>} : memref<16384xi32, #tpu.memory_space<vmem>>, vector<16xi32>,
      %parallel_loop3A_3591 = vector.broadcast %sub3A_1002 : i32 to vector<16xi32>
      %parallel_loop3A_3592 = arith.addi %parallel_loop3A_3590, %parallel_loop3A_3591 : vector<16xi32>
      %parallel_loop3A_3593 = tpu.vector_load_idx %arg6[%parallel_loop3A_3592] : memref<40064xf32, #tpu.memory_space<vmem>>[vector<16xi32>], vector<16xf32>,
      %parallel_loop3A_3594 = arith.index_cast %parallel_loop3A_3588 : i32 to index
      %parallel_loop3A_3595 = tpu.vector_load %arg9[%parallel_loop3A_3594] {strides = array<i32>} : memref<16384xf32, #tpu.memory_space<vmem>>, vector<16xf32>,
      tpu.vector_store %arg9[%parallel_loop3A_3594], %parallel_loop3A_3593 {strides = array<i32>} : memref<16384xf32, #tpu.memory_space<vmem>>, vector<16xf32>,
    } {sc.loop_unroll_factor = 8 : i64, sc.parallel_access}
    %dma_start3A_1127 = arith.constant 0 : i32
    %dma_start3A_1128 = tpu.memref_slice %arg4[%select_n3A_957, %select_n3A_973, %dma_start3A_1127] : memref<26x16x16384xf32, #tpu.memory_space<hbm>> -> memref<1x1x16384xf32, #tpu.memory_space<hbm>>
    %dma_start3A_1129 = tpu.memref_squeeze %dma_start3A_1128 : memref<1x1x16384xf32, #tpu.memory_space<hbm>> -> memref<16384xf32, #tpu.memory_space<hbm>>
    %dma_start3A_1130 = arith.constant 0 : i32
    %dma_start3A_1131 = tpu.memref_slice %arg4[%select_n3A_957, %select_n3A_973, %dma_start3A_1130] : memref<26x16x16384xf32, #tpu.memory_space<hbm>> -> memref<1x1x16384xf32, #tpu.memory_space<hbm>>
    %dma_start3A_1132 = tpu.memref_squeeze %dma_start3A_1131 : memref<1x1x16384xf32, #tpu.memory_space<hbm>> -> memref<16384xf32, #tpu.memory_space<hbm>>
    tpu.enqueue_dma source(%arg9 : memref<16384xf32, #tpu.memory_space<vmem>>) target(%dma_start3A_1132 : memref<16384xf32, #tpu.memory_space<hbm>>) target_semaphore(%arg13 : memref<!tpu.dma_semaphore, #tpu.memory_space<semaphore_mem>>)
    %mul3A_1133 = arith.constant 13 : i32
    %mul3A_1134 = arith.muli %add3A, %mul3A_1133 : i32
    %add3A_1135 = arith.constant 4 : i32
    %add3A_1136 = arith.addi %mul3A_1134, %add3A_1135 : i32
    %jit3A_1137 = arith.constant 16 : i32
    %div3A_1138 = arith.divsi %add3A_1136, %jit3A_1137 : i32
    %sign3A_1139 = arith.constant 0 : i32
    %sign3A_1140 = arith.cmpi sgt, %add3A_1136, %sign3A_1139 : i32
    %sign3A_1141 = arith.extui %sign3A_1140 : i1 to i32
    %sign3A_1142 = arith.constant 0 : i32
    %sign3A_1143 = arith.cmpi slt, %add3A_1136, %sign3A_1142 : i32
    %sign3A_1144 = arith.extui %sign3A_1143 : i1 to i32
    %sign3A_1145 = arith.subi %sign3A_1141, %sign3A_1144 : i32
    %sign3A_1146 = arith.constant 0 : i32
    %sign3A_1147 = arith.cmpi sgt, %jit3A_1137, %sign3A_1146 : i32
    %sign3A_1148 = arith.extui %sign3A_1147 : i1 to i32
    %sign3A_1149 = arith.constant 0 : i32
    %sign3A_1150 = arith.cmpi slt, %jit3A_1137, %sign3A_1149 : i32
    %sign3A_1151 = arith.extui %sign3A_1150 : i1 to i32
    %sign3A_1152 = arith.subi %sign3A_1148, %sign3A_1151 : i32
    %ne3A_1153 = arith.cmpi ne, %sign3A_1145, %sign3A_1152 : i32
    %rem3A_1154 = arith.remsi %add3A_1136, %jit3A_1137 : i32
    %ne3A_1155 = arith.constant 0 : i32
    %ne3A_1156 = arith.cmpi ne, %rem3A_1154, %ne3A_1155 : i32
    %and3A_1157 = arith.andi %ne3A_1153, %ne3A_1156 : i1
    %sub3A_1158 = arith.constant 1 : i32
    %sub3A_1159 = arith.subi %div3A_1138, %sub3A_1158 : i32
    %select_n3A_1160 = arith.select %and3A_1157, %sub3A_1159, %div3A_1138 : i32
    %jit3A_1161 = arith.constant 16 : i32
    %eq3A_1162 = arith.constant 0 : i32
    %eq3A_1163 = arith.cmpi eq, %jit3A_1161, %eq3A_1162 : i32
    %jit3A_1164 = arith.constant 1 : i32
    %select_n3A_1165 = arith.select %eq3A_1163, %jit3A_1164, %jit3A_1161 : i32
    %rem3A_1166 = arith.remsi %add3A_1136, %select_n3A_1165 : i32
    %ne3A_1167 = arith.constant 0 : i32
    %ne3A_1168 = arith.cmpi ne, %rem3A_1166, %ne3A_1167 : i32
    %lt3A_1169 = arith.constant 0 : i32
    %lt3A_1170 = arith.cmpi slt, %rem3A_1166, %lt3A_1169 : i32
    %lt3A_1171 = arith.constant 0 : i32
    %lt3A_1172 = arith.cmpi slt, %select_n3A_1165, %lt3A_1171 : i32
    %ne3A_1173 = arith.xori %lt3A_1170, %lt3A_1172 : i1
    %and3A_1174 = arith.andi %ne3A_1173, %ne3A_1168 : i1
    %add3A_1175 = arith.addi %rem3A_1166, %select_n3A_1165 : i32
    %select_n3A_1176 = arith.select %and3A_1174, %add3A_1175, %rem3A_1166 : i32
    %mul3A_1177 = arith.constant 40000 : i32
    %mul3A_1178 = arith.muli %select_n3A_1160, %mul3A_1177 : i32
    %jit3A_1179 = arith.constant 128 : i32
    %div3A_1180 = arith.divsi %mul3A_1178, %jit3A_1179 : i32
    %sign3A_1181 = arith.constant 0 : i32
    %sign3A_1182 = arith.cmpi sgt, %mul3A_1178, %sign3A_1181 : i32
    %sign3A_1183 = arith.extui %sign3A_1182 : i1 to i32
    %sign3A_1184 = arith.constant 0 : i32
    %sign3A_1185 = arith.cmpi slt, %mul3A_1178, %sign3A_1184 : i32
    %sign3A_1186 = arith.extui %sign3A_1185 : i1 to i32
    %sign3A_1187 = arith.subi %sign3A_1183, %sign3A_1186 : i32
    %sign3A_1188 = arith.constant 0 : i32
    %sign3A_1189 = arith.cmpi sgt, %jit3A_1179, %sign3A_1188 : i32
    %sign3A_1190 = arith.extui %sign3A_1189 : i1 to i32
    %sign3A_1191 = arith.constant 0 : i32
    %sign3A_1192 = arith.cmpi slt, %jit3A_1179, %sign3A_1191 : i32
    %sign3A_1193 = arith.extui %sign3A_1192 : i1 to i32
    %sign3A_1194 = arith.subi %sign3A_1190, %sign3A_1193 : i32
    %ne3A_1195 = arith.cmpi ne, %sign3A_1187, %sign3A_1194 : i32
    %rem3A_1196 = arith.remsi %mul3A_1178, %jit3A_1179 : i32
    %ne3A_1197 = arith.constant 0 : i32
    %ne3A_1198 = arith.cmpi ne, %rem3A_1196, %ne3A_1197 : i32
    %and3A_1199 = arith.andi %ne3A_1195, %ne3A_1198 : i1
    %sub3A_1200 = arith.constant 1 : i32
    %sub3A_1201 = arith.subi %div3A_1180, %sub3A_1200 : i32
    %select_n3A_1202 = arith.select %and3A_1199, %sub3A_1201, %div3A_1180 : i32
    %mul3A_1203 = arith.constant 128 : i32
    %mul3A_1204 = arith.muli %select_n3A_1202, %mul3A_1203 : i32
    %sub3A_1205 = arith.subi %mul3A_1178, %mul3A_1204 : i32
    %ne3A_1206 = arith.cmpi ne, %select_n3A_1160, %select_n3A_957 : i32
    %convert_element_type3A_1207 = arith.extui %ne3A_1206 : i1 to i32
    %cond3A_1208 = arith.constant 0 : i32
    %cond3A_1209 = arith.cmpi ne, %convert_element_type3A_1207, %cond3A_1208 : i32
    scf.if %cond3A_1209 {
      %dma_start3A_3588 = arith.constant 0 : i32
      %dma_start3A_3589 = tpu.memref_slice %arg3[%select_n3A_1160, %dma_start3A_3588] : memref<26x16384xi32, #tpu.memory_space<hbm>> -> memref<1x16384xi32, #tpu.memory_space<hbm>>
      %dma_start3A_3590 = tpu.memref_squeeze %dma_start3A_3589 : memref<1x16384xi32, #tpu.memory_space<hbm>> -> memref<16384xi32, #tpu.memory_space<hbm>>
      %dma_start3A_3591 = arith.constant 0 : i32
      %dma_start3A_3592 = tpu.memref_slice %arg3[%select_n3A_1160, %dma_start3A_3591] : memref<26x16384xi32, #tpu.memory_space<hbm>> -> memref<1x16384xi32, #tpu.memory_space<hbm>>
      %dma_start3A_3593 = tpu.memref_squeeze %dma_start3A_3592 : memref<1x16384xi32, #tpu.memory_space<hbm>> -> memref<16384xi32, #tpu.memory_space<hbm>>
      tpu.enqueue_dma source(%dma_start3A_3593 : memref<16384xi32, #tpu.memory_space<hbm>>) target(%arg7 : memref<16384xi32, #tpu.memory_space<vmem>>) target_semaphore(%arg14 : memref<!tpu.dma_semaphore, #tpu.memory_space<semaphore_mem>>)
    } else {
    }
    %mul3A_1210 = arith.constant 13 : i32
    %mul3A_1211 = arith.muli %add3A, %mul3A_1210 : i32
    %add3A_1212 = arith.constant 4 : i32
    %add3A_1213 = arith.addi %mul3A_1211, %add3A_1212 : i32
    %jit3A_1214 = arith.constant 16 : i32
    %div3A_1215 = arith.divsi %add3A_1213, %jit3A_1214 : i32
    %sign3A_1216 = arith.constant 0 : i32
    %sign3A_1217 = arith.cmpi sgt, %add3A_1213, %sign3A_1216 : i32
    %sign3A_1218 = arith.extui %sign3A_1217 : i1 to i32
    %sign3A_1219 = arith.constant 0 : i32
    %sign3A_1220 = arith.cmpi slt, %add3A_1213, %sign3A_1219 : i32
    %sign3A_1221 = arith.extui %sign3A_1220 : i1 to i32
    %sign3A_1222 = arith.subi %sign3A_1218, %sign3A_1221 : i32
    %sign3A_1223 = arith.constant 0 : i32
    %sign3A_1224 = arith.cmpi sgt, %jit3A_1214, %sign3A_1223 : i32
    %sign3A_1225 = arith.extui %sign3A_1224 : i1 to i32
    %sign3A_1226 = arith.constant 0 : i32
    %sign3A_1227 = arith.cmpi slt, %jit3A_1214, %sign3A_1226 : i32
    %sign3A_1228 = arith.extui %sign3A_1227 : i1 to i32
    %sign3A_1229 = arith.subi %sign3A_1225, %sign3A_1228 : i32
    %ne3A_1230 = arith.cmpi ne, %sign3A_1222, %sign3A_1229 : i32
    %rem3A_1231 = arith.remsi %add3A_1213, %jit3A_1214 : i32
    %ne3A_1232 = arith.constant 0 : i32
    %ne3A_1233 = arith.cmpi ne, %rem3A_1231, %ne3A_1232 : i32
    %and3A_1234 = arith.andi %ne3A_1230, %ne3A_1233 : i1
    %sub3A_1235 = arith.constant 1 : i32
    %sub3A_1236 = arith.subi %div3A_1215, %sub3A_1235 : i32
    %select_n3A_1237 = arith.select %and3A_1234, %sub3A_1236, %div3A_1215 : i32
    %jit3A_1238 = arith.constant 16 : i32
    %eq3A_1239 = arith.constant 0 : i32
    %eq3A_1240 = arith.cmpi eq, %jit3A_1238, %eq3A_1239 : i32
    %jit3A_1241 = arith.constant 1 : i32
    %select_n3A_1242 = arith.select %eq3A_1240, %jit3A_1241, %jit3A_1238 : i32
    %rem3A_1243 = arith.remsi %add3A_1213, %select_n3A_1242 : i32
    %ne3A_1244 = arith.constant 0 : i32
    %ne3A_1245 = arith.cmpi ne, %rem3A_1243, %ne3A_1244 : i32
    %lt3A_1246 = arith.constant 0 : i32
    %lt3A_1247 = arith.cmpi slt, %rem3A_1243, %lt3A_1246 : i32
    %lt3A_1248 = arith.constant 0 : i32
    %lt3A_1249 = arith.cmpi slt, %select_n3A_1242, %lt3A_1248 : i32
    %ne3A_1250 = arith.xori %lt3A_1247, %lt3A_1249 : i1
    %and3A_1251 = arith.andi %ne3A_1250, %ne3A_1245 : i1
    %add3A_1252 = arith.addi %rem3A_1243, %select_n3A_1242 : i32
    %select_n3A_1253 = arith.select %and3A_1251, %add3A_1252, %rem3A_1243 : i32
    %mul3A_1254 = arith.constant 40000 : i32
    %mul3A_1255 = arith.muli %select_n3A_1237, %mul3A_1254 : i32
    %jit3A_1256 = arith.constant 128 : i32
    %div3A_1257 = arith.divsi %mul3A_1255, %jit3A_1256 : i32
    %sign3A_1258 = arith.constant 0 : i32
    %sign3A_1259 = arith.cmpi sgt, %mul3A_1255, %sign3A_1258 : i32
    %sign3A_1260 = arith.extui %sign3A_1259 : i1 to i32
    %sign3A_1261 = arith.constant 0 : i32
    %sign3A_1262 = arith.cmpi slt, %mul3A_1255, %sign3A_1261 : i32
    %sign3A_1263 = arith.extui %sign3A_1262 : i1 to i32
    %sign3A_1264 = arith.subi %sign3A_1260, %sign3A_1263 : i32
    %sign3A_1265 = arith.constant 0 : i32
    %sign3A_1266 = arith.cmpi sgt, %jit3A_1256, %sign3A_1265 : i32
    %sign3A_1267 = arith.extui %sign3A_1266 : i1 to i32
    %sign3A_1268 = arith.constant 0 : i32
    %sign3A_1269 = arith.cmpi slt, %jit3A_1256, %sign3A_1268 : i32
    %sign3A_1270 = arith.extui %sign3A_1269 : i1 to i32
    %sign3A_1271 = arith.subi %sign3A_1267, %sign3A_1270 : i32
    %ne3A_1272 = arith.cmpi ne, %sign3A_1264, %sign3A_1271 : i32
    %rem3A_1273 = arith.remsi %mul3A_1255, %jit3A_1256 : i32
    %ne3A_1274 = arith.constant 0 : i32
    %ne3A_1275 = arith.cmpi ne, %rem3A_1273, %ne3A_1274 : i32
    %and3A_1276 = arith.andi %ne3A_1272, %ne3A_1275 : i1
    %sub3A_1277 = arith.constant 1 : i32
    %sub3A_1278 = arith.subi %div3A_1257, %sub3A_1277 : i32
    %select_n3A_1279 = arith.select %and3A_1276, %sub3A_1278, %div3A_1257 : i32
    %mul3A_1280 = arith.constant 128 : i32
    %mul3A_1281 = arith.muli %select_n3A_1279, %mul3A_1280 : i32
    %sub3A_1282 = arith.subi %mul3A_1255, %mul3A_1281 : i32
    %mul3A_1283 = arith.constant 13 : i32
    %mul3A_1284 = arith.muli %add3A, %mul3A_1283 : i32
    %add3A_1285 = arith.constant 5 : i32
    %add3A_1286 = arith.addi %mul3A_1284, %add3A_1285 : i32
    %jit3A_1287 = arith.constant 16 : i32
    %div3A_1288 = arith.divsi %add3A_1286, %jit3A_1287 : i32
    %sign3A_1289 = arith.constant 0 : i32
    %sign3A_1290 = arith.cmpi sgt, %add3A_1286, %sign3A_1289 : i32
    %sign3A_1291 = arith.extui %sign3A_1290 : i1 to i32
    %sign3A_1292 = arith.constant 0 : i32
    %sign3A_1293 = arith.cmpi slt, %add3A_1286, %sign3A_1292 : i32
    %sign3A_1294 = arith.extui %sign3A_1293 : i1 to i32
    %sign3A_1295 = arith.subi %sign3A_1291, %sign3A_1294 : i32
    %sign3A_1296 = arith.constant 0 : i32
    %sign3A_1297 = arith.cmpi sgt, %jit3A_1287, %sign3A_1296 : i32
    %sign3A_1298 = arith.extui %sign3A_1297 : i1 to i32
    %sign3A_1299 = arith.constant 0 : i32
    %sign3A_1300 = arith.cmpi slt, %jit3A_1287, %sign3A_1299 : i32
    %sign3A_1301 = arith.extui %sign3A_1300 : i1 to i32
    %sign3A_1302 = arith.subi %sign3A_1298, %sign3A_1301 : i32
    %ne3A_1303 = arith.cmpi ne, %sign3A_1295, %sign3A_1302 : i32
    %rem3A_1304 = arith.remsi %add3A_1286, %jit3A_1287 : i32
    %ne3A_1305 = arith.constant 0 : i32
    %ne3A_1306 = arith.cmpi ne, %rem3A_1304, %ne3A_1305 : i32
    %and3A_1307 = arith.andi %ne3A_1303, %ne3A_1306 : i1
    %sub3A_1308 = arith.constant 1 : i32
    %sub3A_1309 = arith.subi %div3A_1288, %sub3A_1308 : i32
    %select_n3A_1310 = arith.select %and3A_1307, %sub3A_1309, %div3A_1288 : i32
    %jit3A_1311 = arith.constant 16 : i32
    %eq3A_1312 = arith.constant 0 : i32
    %eq3A_1313 = arith.cmpi eq, %jit3A_1311, %eq3A_1312 : i32
    %jit3A_1314 = arith.constant 1 : i32
    %select_n3A_1315 = arith.select %eq3A_1313, %jit3A_1314, %jit3A_1311 : i32
    %rem3A_1316 = arith.remsi %add3A_1286, %select_n3A_1315 : i32
    %ne3A_1317 = arith.constant 0 : i32
    %ne3A_1318 = arith.cmpi ne, %rem3A_1316, %ne3A_1317 : i32
    %lt3A_1319 = arith.constant 0 : i32
    %lt3A_1320 = arith.cmpi slt, %rem3A_1316, %lt3A_1319 : i32
    %lt3A_1321 = arith.constant 0 : i32
    %lt3A_1322 = arith.cmpi slt, %select_n3A_1315, %lt3A_1321 : i32
    %ne3A_1323 = arith.xori %lt3A_1320, %lt3A_1322 : i1
    %and3A_1324 = arith.andi %ne3A_1323, %ne3A_1318 : i1
    %add3A_1325 = arith.addi %rem3A_1316, %select_n3A_1315 : i32
    %select_n3A_1326 = arith.select %and3A_1324, %add3A_1325, %rem3A_1316 : i32
    %mul3A_1327 = arith.constant 40000 : i32
    %mul3A_1328 = arith.muli %select_n3A_1310, %mul3A_1327 : i32
    %jit3A_1329 = arith.constant 128 : i32
    %div3A_1330 = arith.divsi %mul3A_1328, %jit3A_1329 : i32
    %sign3A_1331 = arith.constant 0 : i32
    %sign3A_1332 = arith.cmpi sgt, %mul3A_1328, %sign3A_1331 : i32
    %sign3A_1333 = arith.extui %sign3A_1332 : i1 to i32
    %sign3A_1334 = arith.constant 0 : i32
    %sign3A_1335 = arith.cmpi slt, %mul3A_1328, %sign3A_1334 : i32
    %sign3A_1336 = arith.extui %sign3A_1335 : i1 to i32
    %sign3A_1337 = arith.subi %sign3A_1333, %sign3A_1336 : i32
    %sign3A_1338 = arith.constant 0 : i32
    %sign3A_1339 = arith.cmpi sgt, %jit3A_1329, %sign3A_1338 : i32
    %sign3A_1340 = arith.extui %sign3A_1339 : i1 to i32
    %sign3A_1341 = arith.constant 0 : i32
    %sign3A_1342 = arith.cmpi slt, %jit3A_1329, %sign3A_1341 : i32
    %sign3A_1343 = arith.extui %sign3A_1342 : i1 to i32
    %sign3A_1344 = arith.subi %sign3A_1340, %sign3A_1343 : i32
    %ne3A_1345 = arith.cmpi ne, %sign3A_1337, %sign3A_1344 : i32
    %rem3A_1346 = arith.remsi %mul3A_1328, %jit3A_1329 : i32
    %ne3A_1347 = arith.constant 0 : i32
    %ne3A_1348 = arith.cmpi ne, %rem3A_1346, %ne3A_1347 : i32
    %and3A_1349 = arith.andi %ne3A_1345, %ne3A_1348 : i1
    %sub3A_1350 = arith.constant 1 : i32
    %sub3A_1351 = arith.subi %div3A_1330, %sub3A_1350 : i32
    %select_n3A_1352 = arith.select %and3A_1349, %sub3A_1351, %div3A_1330 : i32
    %mul3A_1353 = arith.constant 128 : i32
    %mul3A_1354 = arith.muli %select_n3A_1352, %mul3A_1353 : i32
    %sub3A_1355 = arith.subi %mul3A_1328, %mul3A_1354 : i32
    %dma_start3A_1356 = tpu.memref_slice %arg2[%select_n3A_1326, %mul3A_1354] : memref<16x1040000xf32, #tpu.memory_space<hbm>> -> memref<1x40064xf32, #tpu.memory_space<hbm>>
    %dma_start3A_1357 = tpu.memref_squeeze %dma_start3A_1356 : memref<1x40064xf32, #tpu.memory_space<hbm>> -> memref<40064xf32, #tpu.memory_space<hbm>>
    %dma_start3A_1358 = tpu.memref_slice %arg2[%select_n3A_1326, %mul3A_1354] : memref<16x1040000xf32, #tpu.memory_space<hbm>> -> memref<1x40064xf32, #tpu.memory_space<hbm>>
    %dma_start3A_1359 = tpu.memref_squeeze %dma_start3A_1358 : memref<1x40064xf32, #tpu.memory_space<hbm>> -> memref<40064xf32, #tpu.memory_space<hbm>>
    tpu.enqueue_dma source(%dma_start3A_1359 : memref<40064xf32, #tpu.memory_space<hbm>>) target(%arg6 : memref<40064xf32, #tpu.memory_space<vmem>>) target_semaphore(%arg11 : memref<!tpu.dma_semaphore, #tpu.memory_space<semaphore_mem>>)
    %mul3A_1360 = arith.constant 13 : i32
    %mul3A_1361 = arith.muli %add3A, %mul3A_1360 : i32
    %add3A_1362 = arith.constant 4 : i32
    %add3A_1363 = arith.addi %mul3A_1361, %add3A_1362 : i32
    %sub3A_1364 = arith.constant 1 : i32
    %sub3A_1365 = arith.subi %add3A_1363, %sub3A_1364 : i32
    %jit3A_1366 = arith.constant 16 : i32
    %div3A_1367 = arith.divsi %sub3A_1365, %jit3A_1366 : i32
    %sign3A_1368 = arith.constant 0 : i32
    %sign3A_1369 = arith.cmpi sgt, %sub3A_1365, %sign3A_1368 : i32
    %sign3A_1370 = arith.extui %sign3A_1369 : i1 to i32
    %sign3A_1371 = arith.constant 0 : i32
    %sign3A_1372 = arith.cmpi slt, %sub3A_1365, %sign3A_1371 : i32
    %sign3A_1373 = arith.extui %sign3A_1372 : i1 to i32
    %sign3A_1374 = arith.subi %sign3A_1370, %sign3A_1373 : i32
    %sign3A_1375 = arith.constant 0 : i32
    %sign3A_1376 = arith.cmpi sgt, %jit3A_1366, %sign3A_1375 : i32
    %sign3A_1377 = arith.extui %sign3A_1376 : i1 to i32
    %sign3A_1378 = arith.constant 0 : i32
    %sign3A_1379 = arith.cmpi slt, %jit3A_1366, %sign3A_1378 : i32
    %sign3A_1380 = arith.extui %sign3A_1379 : i1 to i32
    %sign3A_1381 = arith.subi %sign3A_1377, %sign3A_1380 : i32
    %ne3A_1382 = arith.cmpi ne, %sign3A_1374, %sign3A_1381 : i32
    %rem3A_1383 = arith.remsi %sub3A_1365, %jit3A_1366 : i32
    %ne3A_1384 = arith.constant 0 : i32
    %ne3A_1385 = arith.cmpi ne, %rem3A_1383, %ne3A_1384 : i32
    %and3A_1386 = arith.andi %ne3A_1382, %ne3A_1385 : i1
    %sub3A_1387 = arith.constant 1 : i32
    %sub3A_1388 = arith.subi %div3A_1367, %sub3A_1387 : i32
    %select_n3A_1389 = arith.select %and3A_1386, %sub3A_1388, %div3A_1367 : i32
    %ne3A_1390 = arith.cmpi ne, %select_n3A_1237, %select_n3A_1389 : i32
    %convert_element_type3A_1391 = arith.extui %ne3A_1390 : i1 to i32
    %cond3A_1392 = arith.constant 0 : i32
    %cond3A_1393 = arith.cmpi ne, %convert_element_type3A_1391, %cond3A_1392 : i32
    scf.if %cond3A_1393 {
      %dma_wait3A_3588 = arith.constant 0 : i32
      %dma_wait3A_3589 = tpu.memref_slice %arg3[%select_n3A_1160, %dma_wait3A_3588] : memref<26x16384xi32, #tpu.memory_space<hbm>> -> memref<1x16384xi32, #tpu.memory_space<hbm>>
      %dma_wait3A_3590 = tpu.memref_squeeze %dma_wait3A_3589 : memref<1x16384xi32, #tpu.memory_space<hbm>> -> memref<16384xi32, #tpu.memory_space<hbm>>
      %dma_wait3A_3591 = arith.constant 0 : i32
      %dma_wait3A_3592 = tpu.memref_slice %arg3[%select_n3A_1160, %dma_wait3A_3591] : memref<26x16384xi32, #tpu.memory_space<hbm>> -> memref<1x16384xi32, #tpu.memory_space<hbm>>
      %dma_wait3A_3593 = tpu.memref_squeeze %dma_wait3A_3592 : memref<1x16384xi32, #tpu.memory_space<hbm>> -> memref<16384xi32, #tpu.memory_space<hbm>>
      tpu.wait_dma2 semaphore(%arg14 : memref<!tpu.dma_semaphore, #tpu.memory_space<semaphore_mem>>) src(%dma_wait3A_3593 : memref<16384xi32, #tpu.memory_space<hbm>>) dst(%arg7 : memref<16384xi32, #tpu.memory_space<vmem>>)
    } else {
    }
    %dma_wait3A_1394 = tpu.memref_slice %arg2[%select_n3A_1046, %mul3A_1074] : memref<16x1040000xf32, #tpu.memory_space<hbm>> -> memref<1x40064xf32, #tpu.memory_space<hbm>>
    %dma_wait3A_1395 = tpu.memref_squeeze %dma_wait3A_1394 : memref<1x40064xf32, #tpu.memory_space<hbm>> -> memref<40064xf32, #tpu.memory_space<hbm>>
    %dma_wait3A_1396 = tpu.memref_slice %arg2[%select_n3A_1046, %mul3A_1074] : memref<16x1040000xf32, #tpu.memory_space<hbm>> -> memref<1x40064xf32, #tpu.memory_space<hbm>>
    %dma_wait3A_1397 = tpu.memref_squeeze %dma_wait3A_1396 : memref<1x40064xf32, #tpu.memory_space<hbm>> -> memref<40064xf32, #tpu.memory_space<hbm>>
    tpu.wait_dma2 semaphore(%arg10 : memref<!tpu.dma_semaphore, #tpu.memory_space<semaphore_mem>>) src(%dma_wait3A_1397 : memref<40064xf32, #tpu.memory_space<hbm>>) dst(%arg5 : memref<40064xf32, #tpu.memory_space<vmem>>)
    %dma_wait3A_1398 = arith.constant 0 : i32
    %dma_wait3A_1399 = tpu.memref_slice %arg4[%select_n3A_677, %select_n3A_693, %dma_wait3A_1398] : memref<26x16x16384xf32, #tpu.memory_space<hbm>> -> memref<1x1x16384xf32, #tpu.memory_space<hbm>>
    %dma_wait3A_1400 = tpu.memref_squeeze %dma_wait3A_1399 : memref<1x1x16384xf32, #tpu.memory_space<hbm>> -> memref<16384xf32, #tpu.memory_space<hbm>>
    %dma_wait3A_1401 = arith.constant 0 : i32
    %dma_wait3A_1402 = tpu.memref_slice %arg4[%select_n3A_677, %select_n3A_693, %dma_wait3A_1401] : memref<26x16x16384xf32, #tpu.memory_space<hbm>> -> memref<1x1x16384xf32, #tpu.memory_space<hbm>>
    %dma_wait3A_1403 = tpu.memref_squeeze %dma_wait3A_1402 : memref<1x1x16384xf32, #tpu.memory_space<hbm>> -> memref<16384xf32, #tpu.memory_space<hbm>>
    tpu.wait_dma2 semaphore(%arg12 : memref<!tpu.dma_semaphore, #tpu.memory_space<semaphore_mem>>) src(%arg8 : memref<16384xf32, #tpu.memory_space<vmem>>) dst(%dma_wait3A_1403 : memref<16384xf32, #tpu.memory_space<hbm>>)
    %parallel_loop3A_1404 = arith.constant 0 : i32
    %parallel_loop3A_1405 = arith.constant 16384 : i32
    %parallel_loop3A_1406 = arith.constant 16 : i32
    scf.for %parallel_loop3A_3588 = %parallel_loop3A_1404 to %parallel_loop3A_1405 step %parallel_loop3A_1406  : i32 {
      %parallel_loop3A_3589 = arith.index_cast %parallel_loop3A_3588 : i32 to index
      %parallel_loop3A_3590 = tpu.vector_load %arg7[%parallel_loop3A_3589] {strides = array<i32>} : memref<16384xi32, #tpu.memory_space<vmem>>, vector<16xi32>,
      %parallel_loop3A_3591 = vector.broadcast %sub3A_1282 : i32 to vector<16xi32>
      %parallel_loop3A_3592 = arith.addi %parallel_loop3A_3590, %parallel_loop3A_3591 : vector<16xi32>
      %parallel_loop3A_3593 = tpu.vector_load_idx %arg5[%parallel_loop3A_3592] : memref<40064xf32, #tpu.memory_space<vmem>>[vector<16xi32>], vector<16xf32>,
      %parallel_loop3A_3594 = arith.index_cast %parallel_loop3A_3588 : i32 to index
      %parallel_loop3A_3595 = tpu.vector_load %arg8[%parallel_loop3A_3594] {strides = array<i32>} : memref<16384xf32, #tpu.memory_space<vmem>>, vector<16xf32>,
      tpu.vector_store %arg8[%parallel_loop3A_3594], %parallel_loop3A_3593 {strides = array<i32>} : memref<16384xf32, #tpu.memory_space<vmem>>, vector<16xf32>,
    } {sc.loop_unroll_factor = 8 : i64, sc.parallel_access}
    %dma_start3A_1407 = arith.constant 0 : i32
    %dma_start3A_1408 = tpu.memref_slice %arg4[%select_n3A_1237, %select_n3A_1253, %dma_start3A_1407] : memref<26x16x16384xf32, #tpu.memory_space<hbm>> -> memref<1x1x16384xf32, #tpu.memory_space<hbm>>
    %dma_start3A_1409 = tpu.memref_squeeze %dma_start3A_1408 : memref<1x1x16384xf32, #tpu.memory_space<hbm>> -> memref<16384xf32, #tpu.memory_space<hbm>>
    %dma_start3A_1410 = arith.constant 0 : i32
    %dma_start3A_1411 = tpu.memref_slice %arg4[%select_n3A_1237, %select_n3A_1253, %dma_start3A_1410] : memref<26x16x16384xf32, #tpu.memory_space<hbm>> -> memref<1x1x16384xf32, #tpu.memory_space<hbm>>
    %dma_start3A_1412 = tpu.memref_squeeze %dma_start3A_1411 : memref<1x1x16384xf32, #tpu.memory_space<hbm>> -> memref<16384xf32, #tpu.memory_space<hbm>>
    tpu.enqueue_dma source(%arg8 : memref<16384xf32, #tpu.memory_space<vmem>>) target(%dma_start3A_1412 : memref<16384xf32, #tpu.memory_space<hbm>>) target_semaphore(%arg12 : memref<!tpu.dma_semaphore, #tpu.memory_space<semaphore_mem>>)
    %mul3A_1413 = arith.constant 13 : i32
    %mul3A_1414 = arith.muli %add3A, %mul3A_1413 : i32
    %add3A_1415 = arith.constant 5 : i32
    %add3A_1416 = arith.addi %mul3A_1414, %add3A_1415 : i32
    %jit3A_1417 = arith.constant 16 : i32
    %div3A_1418 = arith.divsi %add3A_1416, %jit3A_1417 : i32
    %sign3A_1419 = arith.constant 0 : i32
    %sign3A_1420 = arith.cmpi sgt, %add3A_1416, %sign3A_1419 : i32
    %sign3A_1421 = arith.extui %sign3A_1420 : i1 to i32
    %sign3A_1422 = arith.constant 0 : i32
    %sign3A_1423 = arith.cmpi slt, %add3A_1416, %sign3A_1422 : i32
    %sign3A_1424 = arith.extui %sign3A_1423 : i1 to i32
    %sign3A_1425 = arith.subi %sign3A_1421, %sign3A_1424 : i32
    %sign3A_1426 = arith.constant 0 : i32
    %sign3A_1427 = arith.cmpi sgt, %jit3A_1417, %sign3A_1426 : i32
    %sign3A_1428 = arith.extui %sign3A_1427 : i1 to i32
    %sign3A_1429 = arith.constant 0 : i32
    %sign3A_1430 = arith.cmpi slt, %jit3A_1417, %sign3A_1429 : i32
    %sign3A_1431 = arith.extui %sign3A_1430 : i1 to i32
    %sign3A_1432 = arith.subi %sign3A_1428, %sign3A_1431 : i32
    %ne3A_1433 = arith.cmpi ne, %sign3A_1425, %sign3A_1432 : i32
    %rem3A_1434 = arith.remsi %add3A_1416, %jit3A_1417 : i32
    %ne3A_1435 = arith.constant 0 : i32
    %ne3A_1436 = arith.cmpi ne, %rem3A_1434, %ne3A_1435 : i32
    %and3A_1437 = arith.andi %ne3A_1433, %ne3A_1436 : i1
    %sub3A_1438 = arith.constant 1 : i32
    %sub3A_1439 = arith.subi %div3A_1418, %sub3A_1438 : i32
    %select_n3A_1440 = arith.select %and3A_1437, %sub3A_1439, %div3A_1418 : i32
    %jit3A_1441 = arith.constant 16 : i32
    %eq3A_1442 = arith.constant 0 : i32
    %eq3A_1443 = arith.cmpi eq, %jit3A_1441, %eq3A_1442 : i32
    %jit3A_1444 = arith.constant 1 : i32
    %select_n3A_1445 = arith.select %eq3A_1443, %jit3A_1444, %jit3A_1441 : i32
    %rem3A_1446 = arith.remsi %add3A_1416, %select_n3A_1445 : i32
    %ne3A_1447 = arith.constant 0 : i32
    %ne3A_1448 = arith.cmpi ne, %rem3A_1446, %ne3A_1447 : i32
    %lt3A_1449 = arith.constant 0 : i32
    %lt3A_1450 = arith.cmpi slt, %rem3A_1446, %lt3A_1449 : i32
    %lt3A_1451 = arith.constant 0 : i32
    %lt3A_1452 = arith.cmpi slt, %select_n3A_1445, %lt3A_1451 : i32
    %ne3A_1453 = arith.xori %lt3A_1450, %lt3A_1452 : i1
    %and3A_1454 = arith.andi %ne3A_1453, %ne3A_1448 : i1
    %add3A_1455 = arith.addi %rem3A_1446, %select_n3A_1445 : i32
    %select_n3A_1456 = arith.select %and3A_1454, %add3A_1455, %rem3A_1446 : i32
    %mul3A_1457 = arith.constant 40000 : i32
    %mul3A_1458 = arith.muli %select_n3A_1440, %mul3A_1457 : i32
    %jit3A_1459 = arith.constant 128 : i32
    %div3A_1460 = arith.divsi %mul3A_1458, %jit3A_1459 : i32
    %sign3A_1461 = arith.constant 0 : i32
    %sign3A_1462 = arith.cmpi sgt, %mul3A_1458, %sign3A_1461 : i32
    %sign3A_1463 = arith.extui %sign3A_1462 : i1 to i32
    %sign3A_1464 = arith.constant 0 : i32
    %sign3A_1465 = arith.cmpi slt, %mul3A_1458, %sign3A_1464 : i32
    %sign3A_1466 = arith.extui %sign3A_1465 : i1 to i32
    %sign3A_1467 = arith.subi %sign3A_1463, %sign3A_1466 : i32
    %sign3A_1468 = arith.constant 0 : i32
    %sign3A_1469 = arith.cmpi sgt, %jit3A_1459, %sign3A_1468 : i32
    %sign3A_1470 = arith.extui %sign3A_1469 : i1 to i32
    %sign3A_1471 = arith.constant 0 : i32
    %sign3A_1472 = arith.cmpi slt, %jit3A_1459, %sign3A_1471 : i32
    %sign3A_1473 = arith.extui %sign3A_1472 : i1 to i32
    %sign3A_1474 = arith.subi %sign3A_1470, %sign3A_1473 : i32
    %ne3A_1475 = arith.cmpi ne, %sign3A_1467, %sign3A_1474 : i32
    %rem3A_1476 = arith.remsi %mul3A_1458, %jit3A_1459 : i32
    %ne3A_1477 = arith.constant 0 : i32
    %ne3A_1478 = arith.cmpi ne, %rem3A_1476, %ne3A_1477 : i32
    %and3A_1479 = arith.andi %ne3A_1475, %ne3A_1478 : i1
    %sub3A_1480 = arith.constant 1 : i32
    %sub3A_1481 = arith.subi %div3A_1460, %sub3A_1480 : i32
    %select_n3A_1482 = arith.select %and3A_1479, %sub3A_1481, %div3A_1460 : i32
    %mul3A_1483 = arith.constant 128 : i32
    %mul3A_1484 = arith.muli %select_n3A_1482, %mul3A_1483 : i32
    %sub3A_1485 = arith.subi %mul3A_1458, %mul3A_1484 : i32
    %ne3A_1486 = arith.cmpi ne, %select_n3A_1440, %select_n3A_1237 : i32
    %convert_element_type3A_1487 = arith.extui %ne3A_1486 : i1 to i32
    %cond3A_1488 = arith.constant 0 : i32
    %cond3A_1489 = arith.cmpi ne, %convert_element_type3A_1487, %cond3A_1488 : i32
    scf.if %cond3A_1489 {
      %dma_start3A_3588 = arith.constant 0 : i32
      %dma_start3A_3589 = tpu.memref_slice %arg3[%select_n3A_1440, %dma_start3A_3588] : memref<26x16384xi32, #tpu.memory_space<hbm>> -> memref<1x16384xi32, #tpu.memory_space<hbm>>
      %dma_start3A_3590 = tpu.memref_squeeze %dma_start3A_3589 : memref<1x16384xi32, #tpu.memory_space<hbm>> -> memref<16384xi32, #tpu.memory_space<hbm>>
      %dma_start3A_3591 = arith.constant 0 : i32
      %dma_start3A_3592 = tpu.memref_slice %arg3[%select_n3A_1440, %dma_start3A_3591] : memref<26x16384xi32, #tpu.memory_space<hbm>> -> memref<1x16384xi32, #tpu.memory_space<hbm>>
      %dma_start3A_3593 = tpu.memref_squeeze %dma_start3A_3592 : memref<1x16384xi32, #tpu.memory_space<hbm>> -> memref<16384xi32, #tpu.memory_space<hbm>>
      tpu.enqueue_dma source(%dma_start3A_3593 : memref<16384xi32, #tpu.memory_space<hbm>>) target(%arg7 : memref<16384xi32, #tpu.memory_space<vmem>>) target_semaphore(%arg14 : memref<!tpu.dma_semaphore, #tpu.memory_space<semaphore_mem>>)
    } else {
    }
    %mul3A_1490 = arith.constant 13 : i32
    %mul3A_1491 = arith.muli %add3A, %mul3A_1490 : i32
    %add3A_1492 = arith.constant 5 : i32
    %add3A_1493 = arith.addi %mul3A_1491, %add3A_1492 : i32
    %jit3A_1494 = arith.constant 16 : i32
    %div3A_1495 = arith.divsi %add3A_1493, %jit3A_1494 : i32
    %sign3A_1496 = arith.constant 0 : i32
    %sign3A_1497 = arith.cmpi sgt, %add3A_1493, %sign3A_1496 : i32
    %sign3A_1498 = arith.extui %sign3A_1497 : i1 to i32
    %sign3A_1499 = arith.constant 0 : i32
    %sign3A_1500 = arith.cmpi slt, %add3A_1493, %sign3A_1499 : i32
    %sign3A_1501 = arith.extui %sign3A_1500 : i1 to i32
    %sign3A_1502 = arith.subi %sign3A_1498, %sign3A_1501 : i32
    %sign3A_1503 = arith.constant 0 : i32
    %sign3A_1504 = arith.cmpi sgt, %jit3A_1494, %sign3A_1503 : i32
    %sign3A_1505 = arith.extui %sign3A_1504 : i1 to i32
    %sign3A_1506 = arith.constant 0 : i32
    %sign3A_1507 = arith.cmpi slt, %jit3A_1494, %sign3A_1506 : i32
    %sign3A_1508 = arith.extui %sign3A_1507 : i1 to i32
    %sign3A_1509 = arith.subi %sign3A_1505, %sign3A_1508 : i32
    %ne3A_1510 = arith.cmpi ne, %sign3A_1502, %sign3A_1509 : i32
    %rem3A_1511 = arith.remsi %add3A_1493, %jit3A_1494 : i32
    %ne3A_1512 = arith.constant 0 : i32
    %ne3A_1513 = arith.cmpi ne, %rem3A_1511, %ne3A_1512 : i32
    %and3A_1514 = arith.andi %ne3A_1510, %ne3A_1513 : i1
    %sub3A_1515 = arith.constant 1 : i32
    %sub3A_1516 = arith.subi %div3A_1495, %sub3A_1515 : i32
    %select_n3A_1517 = arith.select %and3A_1514, %sub3A_1516, %div3A_1495 : i32
    %jit3A_1518 = arith.constant 16 : i32
    %eq3A_1519 = arith.constant 0 : i32
    %eq3A_1520 = arith.cmpi eq, %jit3A_1518, %eq3A_1519 : i32
    %jit3A_1521 = arith.constant 1 : i32
    %select_n3A_1522 = arith.select %eq3A_1520, %jit3A_1521, %jit3A_1518 : i32
    %rem3A_1523 = arith.remsi %add3A_1493, %select_n3A_1522 : i32
    %ne3A_1524 = arith.constant 0 : i32
    %ne3A_1525 = arith.cmpi ne, %rem3A_1523, %ne3A_1524 : i32
    %lt3A_1526 = arith.constant 0 : i32
    %lt3A_1527 = arith.cmpi slt, %rem3A_1523, %lt3A_1526 : i32
    %lt3A_1528 = arith.constant 0 : i32
    %lt3A_1529 = arith.cmpi slt, %select_n3A_1522, %lt3A_1528 : i32
    %ne3A_1530 = arith.xori %lt3A_1527, %lt3A_1529 : i1
    %and3A_1531 = arith.andi %ne3A_1530, %ne3A_1525 : i1
    %add3A_1532 = arith.addi %rem3A_1523, %select_n3A_1522 : i32
    %select_n3A_1533 = arith.select %and3A_1531, %add3A_1532, %rem3A_1523 : i32
    %mul3A_1534 = arith.constant 40000 : i32
    %mul3A_1535 = arith.muli %select_n3A_1517, %mul3A_1534 : i32
    %jit3A_1536 = arith.constant 128 : i32
    %div3A_1537 = arith.divsi %mul3A_1535, %jit3A_1536 : i32
    %sign3A_1538 = arith.constant 0 : i32
    %sign3A_1539 = arith.cmpi sgt, %mul3A_1535, %sign3A_1538 : i32
    %sign3A_1540 = arith.extui %sign3A_1539 : i1 to i32
    %sign3A_1541 = arith.constant 0 : i32
    %sign3A_1542 = arith.cmpi slt, %mul3A_1535, %sign3A_1541 : i32
    %sign3A_1543 = arith.extui %sign3A_1542 : i1 to i32
    %sign3A_1544 = arith.subi %sign3A_1540, %sign3A_1543 : i32
    %sign3A_1545 = arith.constant 0 : i32
    %sign3A_1546 = arith.cmpi sgt, %jit3A_1536, %sign3A_1545 : i32
    %sign3A_1547 = arith.extui %sign3A_1546 : i1 to i32
    %sign3A_1548 = arith.constant 0 : i32
    %sign3A_1549 = arith.cmpi slt, %jit3A_1536, %sign3A_1548 : i32
    %sign3A_1550 = arith.extui %sign3A_1549 : i1 to i32
    %sign3A_1551 = arith.subi %sign3A_1547, %sign3A_1550 : i32
    %ne3A_1552 = arith.cmpi ne, %sign3A_1544, %sign3A_1551 : i32
    %rem3A_1553 = arith.remsi %mul3A_1535, %jit3A_1536 : i32
    %ne3A_1554 = arith.constant 0 : i32
    %ne3A_1555 = arith.cmpi ne, %rem3A_1553, %ne3A_1554 : i32
    %and3A_1556 = arith.andi %ne3A_1552, %ne3A_1555 : i1
    %sub3A_1557 = arith.constant 1 : i32
    %sub3A_1558 = arith.subi %div3A_1537, %sub3A_1557 : i32
    %select_n3A_1559 = arith.select %and3A_1556, %sub3A_1558, %div3A_1537 : i32
    %mul3A_1560 = arith.constant 128 : i32
    %mul3A_1561 = arith.muli %select_n3A_1559, %mul3A_1560 : i32
    %sub3A_1562 = arith.subi %mul3A_1535, %mul3A_1561 : i32
    %mul3A_1563 = arith.constant 13 : i32
    %mul3A_1564 = arith.muli %add3A, %mul3A_1563 : i32
    %add3A_1565 = arith.constant 6 : i32
    %add3A_1566 = arith.addi %mul3A_1564, %add3A_1565 : i32
    %jit3A_1567 = arith.constant 16 : i32
    %div3A_1568 = arith.divsi %add3A_1566, %jit3A_1567 : i32
    %sign3A_1569 = arith.constant 0 : i32
    %sign3A_1570 = arith.cmpi sgt, %add3A_1566, %sign3A_1569 : i32
    %sign3A_1571 = arith.extui %sign3A_1570 : i1 to i32
    %sign3A_1572 = arith.constant 0 : i32
    %sign3A_1573 = arith.cmpi slt, %add3A_1566, %sign3A_1572 : i32
    %sign3A_1574 = arith.extui %sign3A_1573 : i1 to i32
    %sign3A_1575 = arith.subi %sign3A_1571, %sign3A_1574 : i32
    %sign3A_1576 = arith.constant 0 : i32
    %sign3A_1577 = arith.cmpi sgt, %jit3A_1567, %sign3A_1576 : i32
    %sign3A_1578 = arith.extui %sign3A_1577 : i1 to i32
    %sign3A_1579 = arith.constant 0 : i32
    %sign3A_1580 = arith.cmpi slt, %jit3A_1567, %sign3A_1579 : i32
    %sign3A_1581 = arith.extui %sign3A_1580 : i1 to i32
    %sign3A_1582 = arith.subi %sign3A_1578, %sign3A_1581 : i32
    %ne3A_1583 = arith.cmpi ne, %sign3A_1575, %sign3A_1582 : i32
    %rem3A_1584 = arith.remsi %add3A_1566, %jit3A_1567 : i32
    %ne3A_1585 = arith.constant 0 : i32
    %ne3A_1586 = arith.cmpi ne, %rem3A_1584, %ne3A_1585 : i32
    %and3A_1587 = arith.andi %ne3A_1583, %ne3A_1586 : i1
    %sub3A_1588 = arith.constant 1 : i32
    %sub3A_1589 = arith.subi %div3A_1568, %sub3A_1588 : i32
    %select_n3A_1590 = arith.select %and3A_1587, %sub3A_1589, %div3A_1568 : i32
    %jit3A_1591 = arith.constant 16 : i32
    %eq3A_1592 = arith.constant 0 : i32
    %eq3A_1593 = arith.cmpi eq, %jit3A_1591, %eq3A_1592 : i32
    %jit3A_1594 = arith.constant 1 : i32
    %select_n3A_1595 = arith.select %eq3A_1593, %jit3A_1594, %jit3A_1591 : i32
    %rem3A_1596 = arith.remsi %add3A_1566, %select_n3A_1595 : i32
    %ne3A_1597 = arith.constant 0 : i32
    %ne3A_1598 = arith.cmpi ne, %rem3A_1596, %ne3A_1597 : i32
    %lt3A_1599 = arith.constant 0 : i32
    %lt3A_1600 = arith.cmpi slt, %rem3A_1596, %lt3A_1599 : i32
    %lt3A_1601 = arith.constant 0 : i32
    %lt3A_1602 = arith.cmpi slt, %select_n3A_1595, %lt3A_1601 : i32
    %ne3A_1603 = arith.xori %lt3A_1600, %lt3A_1602 : i1
    %and3A_1604 = arith.andi %ne3A_1603, %ne3A_1598 : i1
    %add3A_1605 = arith.addi %rem3A_1596, %select_n3A_1595 : i32
    %select_n3A_1606 = arith.select %and3A_1604, %add3A_1605, %rem3A_1596 : i32
    %mul3A_1607 = arith.constant 40000 : i32
    %mul3A_1608 = arith.muli %select_n3A_1590, %mul3A_1607 : i32
    %jit3A_1609 = arith.constant 128 : i32
    %div3A_1610 = arith.divsi %mul3A_1608, %jit3A_1609 : i32
    %sign3A_1611 = arith.constant 0 : i32
    %sign3A_1612 = arith.cmpi sgt, %mul3A_1608, %sign3A_1611 : i32
    %sign3A_1613 = arith.extui %sign3A_1612 : i1 to i32
    %sign3A_1614 = arith.constant 0 : i32
    %sign3A_1615 = arith.cmpi slt, %mul3A_1608, %sign3A_1614 : i32
    %sign3A_1616 = arith.extui %sign3A_1615 : i1 to i32
    %sign3A_1617 = arith.subi %sign3A_1613, %sign3A_1616 : i32
    %sign3A_1618 = arith.constant 0 : i32
    %sign3A_1619 = arith.cmpi sgt, %jit3A_1609, %sign3A_1618 : i32
    %sign3A_1620 = arith.extui %sign3A_1619 : i1 to i32
    %sign3A_1621 = arith.constant 0 : i32
    %sign3A_1622 = arith.cmpi slt, %jit3A_1609, %sign3A_1621 : i32
    %sign3A_1623 = arith.extui %sign3A_1622 : i1 to i32
    %sign3A_1624 = arith.subi %sign3A_1620, %sign3A_1623 : i32
    %ne3A_1625 = arith.cmpi ne, %sign3A_1617, %sign3A_1624 : i32
    %rem3A_1626 = arith.remsi %mul3A_1608, %jit3A_1609 : i32
    %ne3A_1627 = arith.constant 0 : i32
    %ne3A_1628 = arith.cmpi ne, %rem3A_1626, %ne3A_1627 : i32
    %and3A_1629 = arith.andi %ne3A_1625, %ne3A_1628 : i1
    %sub3A_1630 = arith.constant 1 : i32
    %sub3A_1631 = arith.subi %div3A_1610, %sub3A_1630 : i32
    %select_n3A_1632 = arith.select %and3A_1629, %sub3A_1631, %div3A_1610 : i32
    %mul3A_1633 = arith.constant 128 : i32
    %mul3A_1634 = arith.muli %select_n3A_1632, %mul3A_1633 : i32
    %sub3A_1635 = arith.subi %mul3A_1608, %mul3A_1634 : i32
    %dma_start3A_1636 = tpu.memref_slice %arg2[%select_n3A_1606, %mul3A_1634] : memref<16x1040000xf32, #tpu.memory_space<hbm>> -> memref<1x40064xf32, #tpu.memory_space<hbm>>
    %dma_start3A_1637 = tpu.memref_squeeze %dma_start3A_1636 : memref<1x40064xf32, #tpu.memory_space<hbm>> -> memref<40064xf32, #tpu.memory_space<hbm>>
    %dma_start3A_1638 = tpu.memref_slice %arg2[%select_n3A_1606, %mul3A_1634] : memref<16x1040000xf32, #tpu.memory_space<hbm>> -> memref<1x40064xf32, #tpu.memory_space<hbm>>
    %dma_start3A_1639 = tpu.memref_squeeze %dma_start3A_1638 : memref<1x40064xf32, #tpu.memory_space<hbm>> -> memref<40064xf32, #tpu.memory_space<hbm>>
    tpu.enqueue_dma source(%dma_start3A_1639 : memref<40064xf32, #tpu.memory_space<hbm>>) target(%arg5 : memref<40064xf32, #tpu.memory_space<vmem>>) target_semaphore(%arg10 : memref<!tpu.dma_semaphore, #tpu.memory_space<semaphore_mem>>)
    %mul3A_1640 = arith.constant 13 : i32
    %mul3A_1641 = arith.muli %add3A, %mul3A_1640 : i32
    %add3A_1642 = arith.constant 5 : i32
    %add3A_1643 = arith.addi %mul3A_1641, %add3A_1642 : i32
    %sub3A_1644 = arith.constant 1 : i32
    %sub3A_1645 = arith.subi %add3A_1643, %sub3A_1644 : i32
    %jit3A_1646 = arith.constant 16 : i32
    %div3A_1647 = arith.divsi %sub3A_1645, %jit3A_1646 : i32
    %sign3A_1648 = arith.constant 0 : i32
    %sign3A_1649 = arith.cmpi sgt, %sub3A_1645, %sign3A_1648 : i32
    %sign3A_1650 = arith.extui %sign3A_1649 : i1 to i32
    %sign3A_1651 = arith.constant 0 : i32
    %sign3A_1652 = arith.cmpi slt, %sub3A_1645, %sign3A_1651 : i32
    %sign3A_1653 = arith.extui %sign3A_1652 : i1 to i32
    %sign3A_1654 = arith.subi %sign3A_1650, %sign3A_1653 : i32
    %sign3A_1655 = arith.constant 0 : i32
    %sign3A_1656 = arith.cmpi sgt, %jit3A_1646, %sign3A_1655 : i32
    %sign3A_1657 = arith.extui %sign3A_1656 : i1 to i32
    %sign3A_1658 = arith.constant 0 : i32
    %sign3A_1659 = arith.cmpi slt, %jit3A_1646, %sign3A_1658 : i32
    %sign3A_1660 = arith.extui %sign3A_1659 : i1 to i32
    %sign3A_1661 = arith.subi %sign3A_1657, %sign3A_1660 : i32
    %ne3A_1662 = arith.cmpi ne, %sign3A_1654, %sign3A_1661 : i32
    %rem3A_1663 = arith.remsi %sub3A_1645, %jit3A_1646 : i32
    %ne3A_1664 = arith.constant 0 : i32
    %ne3A_1665 = arith.cmpi ne, %rem3A_1663, %ne3A_1664 : i32
    %and3A_1666 = arith.andi %ne3A_1662, %ne3A_1665 : i1
    %sub3A_1667 = arith.constant 1 : i32
    %sub3A_1668 = arith.subi %div3A_1647, %sub3A_1667 : i32
    %select_n3A_1669 = arith.select %and3A_1666, %sub3A_1668, %div3A_1647 : i32
    %ne3A_1670 = arith.cmpi ne, %select_n3A_1517, %select_n3A_1669 : i32
    %convert_element_type3A_1671 = arith.extui %ne3A_1670 : i1 to i32
    %cond3A_1672 = arith.constant 0 : i32
    %cond3A_1673 = arith.cmpi ne, %convert_element_type3A_1671, %cond3A_1672 : i32
    scf.if %cond3A_1673 {
      %dma_wait3A_3588 = arith.constant 0 : i32
      %dma_wait3A_3589 = tpu.memref_slice %arg3[%select_n3A_1440, %dma_wait3A_3588] : memref<26x16384xi32, #tpu.memory_space<hbm>> -> memref<1x16384xi32, #tpu.memory_space<hbm>>
      %dma_wait3A_3590 = tpu.memref_squeeze %dma_wait3A_3589 : memref<1x16384xi32, #tpu.memory_space<hbm>> -> memref<16384xi32, #tpu.memory_space<hbm>>
      %dma_wait3A_3591 = arith.constant 0 : i32
      %dma_wait3A_3592 = tpu.memref_slice %arg3[%select_n3A_1440, %dma_wait3A_3591] : memref<26x16384xi32, #tpu.memory_space<hbm>> -> memref<1x16384xi32, #tpu.memory_space<hbm>>
      %dma_wait3A_3593 = tpu.memref_squeeze %dma_wait3A_3592 : memref<1x16384xi32, #tpu.memory_space<hbm>> -> memref<16384xi32, #tpu.memory_space<hbm>>
      tpu.wait_dma2 semaphore(%arg14 : memref<!tpu.dma_semaphore, #tpu.memory_space<semaphore_mem>>) src(%dma_wait3A_3593 : memref<16384xi32, #tpu.memory_space<hbm>>) dst(%arg7 : memref<16384xi32, #tpu.memory_space<vmem>>)
    } else {
    }
    %dma_wait3A_1674 = tpu.memref_slice %arg2[%select_n3A_1326, %mul3A_1354] : memref<16x1040000xf32, #tpu.memory_space<hbm>> -> memref<1x40064xf32, #tpu.memory_space<hbm>>
    %dma_wait3A_1675 = tpu.memref_squeeze %dma_wait3A_1674 : memref<1x40064xf32, #tpu.memory_space<hbm>> -> memref<40064xf32, #tpu.memory_space<hbm>>
    %dma_wait3A_1676 = tpu.memref_slice %arg2[%select_n3A_1326, %mul3A_1354] : memref<16x1040000xf32, #tpu.memory_space<hbm>> -> memref<1x40064xf32, #tpu.memory_space<hbm>>
    %dma_wait3A_1677 = tpu.memref_squeeze %dma_wait3A_1676 : memref<1x40064xf32, #tpu.memory_space<hbm>> -> memref<40064xf32, #tpu.memory_space<hbm>>
    tpu.wait_dma2 semaphore(%arg11 : memref<!tpu.dma_semaphore, #tpu.memory_space<semaphore_mem>>) src(%dma_wait3A_1677 : memref<40064xf32, #tpu.memory_space<hbm>>) dst(%arg6 : memref<40064xf32, #tpu.memory_space<vmem>>)
    %dma_wait3A_1678 = arith.constant 0 : i32
    %dma_wait3A_1679 = tpu.memref_slice %arg4[%select_n3A_957, %select_n3A_973, %dma_wait3A_1678] : memref<26x16x16384xf32, #tpu.memory_space<hbm>> -> memref<1x1x16384xf32, #tpu.memory_space<hbm>>
    %dma_wait3A_1680 = tpu.memref_squeeze %dma_wait3A_1679 : memref<1x1x16384xf32, #tpu.memory_space<hbm>> -> memref<16384xf32, #tpu.memory_space<hbm>>
    %dma_wait3A_1681 = arith.constant 0 : i32
    %dma_wait3A_1682 = tpu.memref_slice %arg4[%select_n3A_957, %select_n3A_973, %dma_wait3A_1681] : memref<26x16x16384xf32, #tpu.memory_space<hbm>> -> memref<1x1x16384xf32, #tpu.memory_space<hbm>>
    %dma_wait3A_1683 = tpu.memref_squeeze %dma_wait3A_1682 : memref<1x1x16384xf32, #tpu.memory_space<hbm>> -> memref<16384xf32, #tpu.memory_space<hbm>>
    tpu.wait_dma2 semaphore(%arg13 : memref<!tpu.dma_semaphore, #tpu.memory_space<semaphore_mem>>) src(%arg9 : memref<16384xf32, #tpu.memory_space<vmem>>) dst(%dma_wait3A_1683 : memref<16384xf32, #tpu.memory_space<hbm>>)
    %parallel_loop3A_1684 = arith.constant 0 : i32
    %parallel_loop3A_1685 = arith.constant 16384 : i32
    %parallel_loop3A_1686 = arith.constant 16 : i32
    scf.for %parallel_loop3A_3588 = %parallel_loop3A_1684 to %parallel_loop3A_1685 step %parallel_loop3A_1686  : i32 {
      %parallel_loop3A_3589 = arith.index_cast %parallel_loop3A_3588 : i32 to index
      %parallel_loop3A_3590 = tpu.vector_load %arg7[%parallel_loop3A_3589] {strides = array<i32>} : memref<16384xi32, #tpu.memory_space<vmem>>, vector<16xi32>,
      %parallel_loop3A_3591 = vector.broadcast %sub3A_1562 : i32 to vector<16xi32>
      %parallel_loop3A_3592 = arith.addi %parallel_loop3A_3590, %parallel_loop3A_3591 : vector<16xi32>
      %parallel_loop3A_3593 = tpu.vector_load_idx %arg6[%parallel_loop3A_3592] : memref<40064xf32, #tpu.memory_space<vmem>>[vector<16xi32>], vector<16xf32>,
      %parallel_loop3A_3594 = arith.index_cast %parallel_loop3A_3588 : i32 to index
      %parallel_loop3A_3595 = tpu.vector_load %arg9[%parallel_loop3A_3594] {strides = array<i32>} : memref<16384xf32, #tpu.memory_space<vmem>>, vector<16xf32>,
      tpu.vector_store %arg9[%parallel_loop3A_3594], %parallel_loop3A_3593 {strides = array<i32>} : memref<16384xf32, #tpu.memory_space<vmem>>, vector<16xf32>,
    } {sc.loop_unroll_factor = 8 : i64, sc.parallel_access}
    %dma_start3A_1687 = arith.constant 0 : i32
    %dma_start3A_1688 = tpu.memref_slice %arg4[%select_n3A_1517, %select_n3A_1533, %dma_start3A_1687] : memref<26x16x16384xf32, #tpu.memory_space<hbm>> -> memref<1x1x16384xf32, #tpu.memory_space<hbm>>
    %dma_start3A_1689 = tpu.memref_squeeze %dma_start3A_1688 : memref<1x1x16384xf32, #tpu.memory_space<hbm>> -> memref<16384xf32, #tpu.memory_space<hbm>>
    %dma_start3A_1690 = arith.constant 0 : i32
    %dma_start3A_1691 = tpu.memref_slice %arg4[%select_n3A_1517, %select_n3A_1533, %dma_start3A_1690] : memref<26x16x16384xf32, #tpu.memory_space<hbm>> -> memref<1x1x16384xf32, #tpu.memory_space<hbm>>
    %dma_start3A_1692 = tpu.memref_squeeze %dma_start3A_1691 : memref<1x1x16384xf32, #tpu.memory_space<hbm>> -> memref<16384xf32, #tpu.memory_space<hbm>>
    tpu.enqueue_dma source(%arg9 : memref<16384xf32, #tpu.memory_space<vmem>>) target(%dma_start3A_1692 : memref<16384xf32, #tpu.memory_space<hbm>>) target_semaphore(%arg13 : memref<!tpu.dma_semaphore, #tpu.memory_space<semaphore_mem>>)
    %mul3A_1693 = arith.constant 13 : i32
    %mul3A_1694 = arith.muli %add3A, %mul3A_1693 : i32
    %add3A_1695 = arith.constant 6 : i32
    %add3A_1696 = arith.addi %mul3A_1694, %add3A_1695 : i32
    %jit3A_1697 = arith.constant 16 : i32
    %div3A_1698 = arith.divsi %add3A_1696, %jit3A_1697 : i32
    %sign3A_1699 = arith.constant 0 : i32
    %sign3A_1700 = arith.cmpi sgt, %add3A_1696, %sign3A_1699 : i32
    %sign3A_1701 = arith.extui %sign3A_1700 : i1 to i32
    %sign3A_1702 = arith.constant 0 : i32
    %sign3A_1703 = arith.cmpi slt, %add3A_1696, %sign3A_1702 : i32
    %sign3A_1704 = arith.extui %sign3A_1703 : i1 to i32
    %sign3A_1705 = arith.subi %sign3A_1701, %sign3A_1704 : i32
    %sign3A_1706 = arith.constant 0 : i32
    %sign3A_1707 = arith.cmpi sgt, %jit3A_1697, %sign3A_1706 : i32
    %sign3A_1708 = arith.extui %sign3A_1707 : i1 to i32
    %sign3A_1709 = arith.constant 0 : i32
    %sign3A_1710 = arith.cmpi slt, %jit3A_1697, %sign3A_1709 : i32
    %sign3A_1711 = arith.extui %sign3A_1710 : i1 to i32
    %sign3A_1712 = arith.subi %sign3A_1708, %sign3A_1711 : i32
    %ne3A_1713 = arith.cmpi ne, %sign3A_1705, %sign3A_1712 : i32
    %rem3A_1714 = arith.remsi %add3A_1696, %jit3A_1697 : i32
    %ne3A_1715 = arith.constant 0 : i32
    %ne3A_1716 = arith.cmpi ne, %rem3A_1714, %ne3A_1715 : i32
    %and3A_1717 = arith.andi %ne3A_1713, %ne3A_1716 : i1
    %sub3A_1718 = arith.constant 1 : i32
    %sub3A_1719 = arith.subi %div3A_1698, %sub3A_1718 : i32
    %select_n3A_1720 = arith.select %and3A_1717, %sub3A_1719, %div3A_1698 : i32
    %jit3A_1721 = arith.constant 16 : i32
    %eq3A_1722 = arith.constant 0 : i32
    %eq3A_1723 = arith.cmpi eq, %jit3A_1721, %eq3A_1722 : i32
    %jit3A_1724 = arith.constant 1 : i32
    %select_n3A_1725 = arith.select %eq3A_1723, %jit3A_1724, %jit3A_1721 : i32
    %rem3A_1726 = arith.remsi %add3A_1696, %select_n3A_1725 : i32
    %ne3A_1727 = arith.constant 0 : i32
    %ne3A_1728 = arith.cmpi ne, %rem3A_1726, %ne3A_1727 : i32
    %lt3A_1729 = arith.constant 0 : i32
    %lt3A_1730 = arith.cmpi slt, %rem3A_1726, %lt3A_1729 : i32
    %lt3A_1731 = arith.constant 0 : i32
    %lt3A_1732 = arith.cmpi slt, %select_n3A_1725, %lt3A_1731 : i32
    %ne3A_1733 = arith.xori %lt3A_1730, %lt3A_1732 : i1
    %and3A_1734 = arith.andi %ne3A_1733, %ne3A_1728 : i1
    %add3A_1735 = arith.addi %rem3A_1726, %select_n3A_1725 : i32
    %select_n3A_1736 = arith.select %and3A_1734, %add3A_1735, %rem3A_1726 : i32
    %mul3A_1737 = arith.constant 40000 : i32
    %mul3A_1738 = arith.muli %select_n3A_1720, %mul3A_1737 : i32
    %jit3A_1739 = arith.constant 128 : i32
    %div3A_1740 = arith.divsi %mul3A_1738, %jit3A_1739 : i32
    %sign3A_1741 = arith.constant 0 : i32
    %sign3A_1742 = arith.cmpi sgt, %mul3A_1738, %sign3A_1741 : i32
    %sign3A_1743 = arith.extui %sign3A_1742 : i1 to i32
    %sign3A_1744 = arith.constant 0 : i32
    %sign3A_1745 = arith.cmpi slt, %mul3A_1738, %sign3A_1744 : i32
    %sign3A_1746 = arith.extui %sign3A_1745 : i1 to i32
    %sign3A_1747 = arith.subi %sign3A_1743, %sign3A_1746 : i32
    %sign3A_1748 = arith.constant 0 : i32
    %sign3A_1749 = arith.cmpi sgt, %jit3A_1739, %sign3A_1748 : i32
    %sign3A_1750 = arith.extui %sign3A_1749 : i1 to i32
    %sign3A_1751 = arith.constant 0 : i32
    %sign3A_1752 = arith.cmpi slt, %jit3A_1739, %sign3A_1751 : i32
    %sign3A_1753 = arith.extui %sign3A_1752 : i1 to i32
    %sign3A_1754 = arith.subi %sign3A_1750, %sign3A_1753 : i32
    %ne3A_1755 = arith.cmpi ne, %sign3A_1747, %sign3A_1754 : i32
    %rem3A_1756 = arith.remsi %mul3A_1738, %jit3A_1739 : i32
    %ne3A_1757 = arith.constant 0 : i32
    %ne3A_1758 = arith.cmpi ne, %rem3A_1756, %ne3A_1757 : i32
    %and3A_1759 = arith.andi %ne3A_1755, %ne3A_1758 : i1
    %sub3A_1760 = arith.constant 1 : i32
    %sub3A_1761 = arith.subi %div3A_1740, %sub3A_1760 : i32
    %select_n3A_1762 = arith.select %and3A_1759, %sub3A_1761, %div3A_1740 : i32
    %mul3A_1763 = arith.constant 128 : i32
    %mul3A_1764 = arith.muli %select_n3A_1762, %mul3A_1763 : i32
    %sub3A_1765 = arith.subi %mul3A_1738, %mul3A_1764 : i32
    %ne3A_1766 = arith.cmpi ne, %select_n3A_1720, %select_n3A_1517 : i32
    %convert_element_type3A_1767 = arith.extui %ne3A_1766 : i1 to i32
    %cond3A_1768 = arith.constant 0 : i32
    %cond3A_1769 = arith.cmpi ne, %convert_element_type3A_1767, %cond3A_1768 : i32
    scf.if %cond3A_1769 {
      %dma_start3A_3588 = arith.constant 0 : i32
      %dma_start3A_3589 = tpu.memref_slice %arg3[%select_n3A_1720, %dma_start3A_3588] : memref<26x16384xi32, #tpu.memory_space<hbm>> -> memref<1x16384xi32, #tpu.memory_space<hbm>>
      %dma_start3A_3590 = tpu.memref_squeeze %dma_start3A_3589 : memref<1x16384xi32, #tpu.memory_space<hbm>> -> memref<16384xi32, #tpu.memory_space<hbm>>
      %dma_start3A_3591 = arith.constant 0 : i32
      %dma_start3A_3592 = tpu.memref_slice %arg3[%select_n3A_1720, %dma_start3A_3591] : memref<26x16384xi32, #tpu.memory_space<hbm>> -> memref<1x16384xi32, #tpu.memory_space<hbm>>
      %dma_start3A_3593 = tpu.memref_squeeze %dma_start3A_3592 : memref<1x16384xi32, #tpu.memory_space<hbm>> -> memref<16384xi32, #tpu.memory_space<hbm>>
      tpu.enqueue_dma source(%dma_start3A_3593 : memref<16384xi32, #tpu.memory_space<hbm>>) target(%arg7 : memref<16384xi32, #tpu.memory_space<vmem>>) target_semaphore(%arg14 : memref<!tpu.dma_semaphore, #tpu.memory_space<semaphore_mem>>)
    } else {
    }
    %mul3A_1770 = arith.constant 13 : i32
    %mul3A_1771 = arith.muli %add3A, %mul3A_1770 : i32
    %add3A_1772 = arith.constant 6 : i32
    %add3A_1773 = arith.addi %mul3A_1771, %add3A_1772 : i32
    %jit3A_1774 = arith.constant 16 : i32
    %div3A_1775 = arith.divsi %add3A_1773, %jit3A_1774 : i32
    %sign3A_1776 = arith.constant 0 : i32
    %sign3A_1777 = arith.cmpi sgt, %add3A_1773, %sign3A_1776 : i32
    %sign3A_1778 = arith.extui %sign3A_1777 : i1 to i32
    %sign3A_1779 = arith.constant 0 : i32
    %sign3A_1780 = arith.cmpi slt, %add3A_1773, %sign3A_1779 : i32
    %sign3A_1781 = arith.extui %sign3A_1780 : i1 to i32
    %sign3A_1782 = arith.subi %sign3A_1778, %sign3A_1781 : i32
    %sign3A_1783 = arith.constant 0 : i32
    %sign3A_1784 = arith.cmpi sgt, %jit3A_1774, %sign3A_1783 : i32
    %sign3A_1785 = arith.extui %sign3A_1784 : i1 to i32
    %sign3A_1786 = arith.constant 0 : i32
    %sign3A_1787 = arith.cmpi slt, %jit3A_1774, %sign3A_1786 : i32
    %sign3A_1788 = arith.extui %sign3A_1787 : i1 to i32
    %sign3A_1789 = arith.subi %sign3A_1785, %sign3A_1788 : i32
    %ne3A_1790 = arith.cmpi ne, %sign3A_1782, %sign3A_1789 : i32
    %rem3A_1791 = arith.remsi %add3A_1773, %jit3A_1774 : i32
    %ne3A_1792 = arith.constant 0 : i32
    %ne3A_1793 = arith.cmpi ne, %rem3A_1791, %ne3A_1792 : i32
    %and3A_1794 = arith.andi %ne3A_1790, %ne3A_1793 : i1
    %sub3A_1795 = arith.constant 1 : i32
    %sub3A_1796 = arith.subi %div3A_1775, %sub3A_1795 : i32
    %select_n3A_1797 = arith.select %and3A_1794, %sub3A_1796, %div3A_1775 : i32
    %jit3A_1798 = arith.constant 16 : i32
    %eq3A_1799 = arith.constant 0 : i32
    %eq3A_1800 = arith.cmpi eq, %jit3A_1798, %eq3A_1799 : i32
    %jit3A_1801 = arith.constant 1 : i32
    %select_n3A_1802 = arith.select %eq3A_1800, %jit3A_1801, %jit3A_1798 : i32
    %rem3A_1803 = arith.remsi %add3A_1773, %select_n3A_1802 : i32
    %ne3A_1804 = arith.constant 0 : i32
    %ne3A_1805 = arith.cmpi ne, %rem3A_1803, %ne3A_1804 : i32
    %lt3A_1806 = arith.constant 0 : i32
    %lt3A_1807 = arith.cmpi slt, %rem3A_1803, %lt3A_1806 : i32
    %lt3A_1808 = arith.constant 0 : i32
    %lt3A_1809 = arith.cmpi slt, %select_n3A_1802, %lt3A_1808 : i32
    %ne3A_1810 = arith.xori %lt3A_1807, %lt3A_1809 : i1
    %and3A_1811 = arith.andi %ne3A_1810, %ne3A_1805 : i1
    %add3A_1812 = arith.addi %rem3A_1803, %select_n3A_1802 : i32
    %select_n3A_1813 = arith.select %and3A_1811, %add3A_1812, %rem3A_1803 : i32
    %mul3A_1814 = arith.constant 40000 : i32
    %mul3A_1815 = arith.muli %select_n3A_1797, %mul3A_1814 : i32
    %jit3A_1816 = arith.constant 128 : i32
    %div3A_1817 = arith.divsi %mul3A_1815, %jit3A_1816 : i32
    %sign3A_1818 = arith.constant 0 : i32
    %sign3A_1819 = arith.cmpi sgt, %mul3A_1815, %sign3A_1818 : i32
    %sign3A_1820 = arith.extui %sign3A_1819 : i1 to i32
    %sign3A_1821 = arith.constant 0 : i32
    %sign3A_1822 = arith.cmpi slt, %mul3A_1815, %sign3A_1821 : i32
    %sign3A_1823 = arith.extui %sign3A_1822 : i1 to i32
    %sign3A_1824 = arith.subi %sign3A_1820, %sign3A_1823 : i32
    %sign3A_1825 = arith.constant 0 : i32
    %sign3A_1826 = arith.cmpi sgt, %jit3A_1816, %sign3A_1825 : i32
    %sign3A_1827 = arith.extui %sign3A_1826 : i1 to i32
    %sign3A_1828 = arith.constant 0 : i32
    %sign3A_1829 = arith.cmpi slt, %jit3A_1816, %sign3A_1828 : i32
    %sign3A_1830 = arith.extui %sign3A_1829 : i1 to i32
    %sign3A_1831 = arith.subi %sign3A_1827, %sign3A_1830 : i32
    %ne3A_1832 = arith.cmpi ne, %sign3A_1824, %sign3A_1831 : i32
    %rem3A_1833 = arith.remsi %mul3A_1815, %jit3A_1816 : i32
    %ne3A_1834 = arith.constant 0 : i32
    %ne3A_1835 = arith.cmpi ne, %rem3A_1833, %ne3A_1834 : i32
    %and3A_1836 = arith.andi %ne3A_1832, %ne3A_1835 : i1
    %sub3A_1837 = arith.constant 1 : i32
    %sub3A_1838 = arith.subi %div3A_1817, %sub3A_1837 : i32
    %select_n3A_1839 = arith.select %and3A_1836, %sub3A_1838, %div3A_1817 : i32
    %mul3A_1840 = arith.constant 128 : i32
    %mul3A_1841 = arith.muli %select_n3A_1839, %mul3A_1840 : i32
    %sub3A_1842 = arith.subi %mul3A_1815, %mul3A_1841 : i32
    %mul3A_1843 = arith.constant 13 : i32
    %mul3A_1844 = arith.muli %add3A, %mul3A_1843 : i32
    %add3A_1845 = arith.constant 7 : i32
    %add3A_1846 = arith.addi %mul3A_1844, %add3A_1845 : i32
    %jit3A_1847 = arith.constant 16 : i32
    %div3A_1848 = arith.divsi %add3A_1846, %jit3A_1847 : i32
    %sign3A_1849 = arith.constant 0 : i32
    %sign3A_1850 = arith.cmpi sgt, %add3A_1846, %sign3A_1849 : i32
    %sign3A_1851 = arith.extui %sign3A_1850 : i1 to i32
    %sign3A_1852 = arith.constant 0 : i32
    %sign3A_1853 = arith.cmpi slt, %add3A_1846, %sign3A_1852 : i32
    %sign3A_1854 = arith.extui %sign3A_1853 : i1 to i32
    %sign3A_1855 = arith.subi %sign3A_1851, %sign3A_1854 : i32
    %sign3A_1856 = arith.constant 0 : i32
    %sign3A_1857 = arith.cmpi sgt, %jit3A_1847, %sign3A_1856 : i32
    %sign3A_1858 = arith.extui %sign3A_1857 : i1 to i32
    %sign3A_1859 = arith.constant 0 : i32
    %sign3A_1860 = arith.cmpi slt, %jit3A_1847, %sign3A_1859 : i32
    %sign3A_1861 = arith.extui %sign3A_1860 : i1 to i32
    %sign3A_1862 = arith.subi %sign3A_1858, %sign3A_1861 : i32
    %ne3A_1863 = arith.cmpi ne, %sign3A_1855, %sign3A_1862 : i32
    %rem3A_1864 = arith.remsi %add3A_1846, %jit3A_1847 : i32
    %ne3A_1865 = arith.constant 0 : i32
    %ne3A_1866 = arith.cmpi ne, %rem3A_1864, %ne3A_1865 : i32
    %and3A_1867 = arith.andi %ne3A_1863, %ne3A_1866 : i1
    %sub3A_1868 = arith.constant 1 : i32
    %sub3A_1869 = arith.subi %div3A_1848, %sub3A_1868 : i32
    %select_n3A_1870 = arith.select %and3A_1867, %sub3A_1869, %div3A_1848 : i32
    %jit3A_1871 = arith.constant 16 : i32
    %eq3A_1872 = arith.constant 0 : i32
    %eq3A_1873 = arith.cmpi eq, %jit3A_1871, %eq3A_1872 : i32
    %jit3A_1874 = arith.constant 1 : i32
    %select_n3A_1875 = arith.select %eq3A_1873, %jit3A_1874, %jit3A_1871 : i32
    %rem3A_1876 = arith.remsi %add3A_1846, %select_n3A_1875 : i32
    %ne3A_1877 = arith.constant 0 : i32
    %ne3A_1878 = arith.cmpi ne, %rem3A_1876, %ne3A_1877 : i32
    %lt3A_1879 = arith.constant 0 : i32
    %lt3A_1880 = arith.cmpi slt, %rem3A_1876, %lt3A_1879 : i32
    %lt3A_1881 = arith.constant 0 : i32
    %lt3A_1882 = arith.cmpi slt, %select_n3A_1875, %lt3A_1881 : i32
    %ne3A_1883 = arith.xori %lt3A_1880, %lt3A_1882 : i1
    %and3A_1884 = arith.andi %ne3A_1883, %ne3A_1878 : i1
    %add3A_1885 = arith.addi %rem3A_1876, %select_n3A_1875 : i32
    %select_n3A_1886 = arith.select %and3A_1884, %add3A_1885, %rem3A_1876 : i32
    %mul3A_1887 = arith.constant 40000 : i32
    %mul3A_1888 = arith.muli %select_n3A_1870, %mul3A_1887 : i32
    %jit3A_1889 = arith.constant 128 : i32
    %div3A_1890 = arith.divsi %mul3A_1888, %jit3A_1889 : i32
    %sign3A_1891 = arith.constant 0 : i32
    %sign3A_1892 = arith.cmpi sgt, %mul3A_1888, %sign3A_1891 : i32
    %sign3A_1893 = arith.extui %sign3A_1892 : i1 to i32
    %sign3A_1894 = arith.constant 0 : i32
    %sign3A_1895 = arith.cmpi slt, %mul3A_1888, %sign3A_1894 : i32
    %sign3A_1896 = arith.extui %sign3A_1895 : i1 to i32
    %sign3A_1897 = arith.subi %sign3A_1893, %sign3A_1896 : i32
    %sign3A_1898 = arith.constant 0 : i32
    %sign3A_1899 = arith.cmpi sgt, %jit3A_1889, %sign3A_1898 : i32
    %sign3A_1900 = arith.extui %sign3A_1899 : i1 to i32
    %sign3A_1901 = arith.constant 0 : i32
    %sign3A_1902 = arith.cmpi slt, %jit3A_1889, %sign3A_1901 : i32
    %sign3A_1903 = arith.extui %sign3A_1902 : i1 to i32
    %sign3A_1904 = arith.subi %sign3A_1900, %sign3A_1903 : i32
    %ne3A_1905 = arith.cmpi ne, %sign3A_1897, %sign3A_1904 : i32
    %rem3A_1906 = arith.remsi %mul3A_1888, %jit3A_1889 : i32
    %ne3A_1907 = arith.constant 0 : i32
    %ne3A_1908 = arith.cmpi ne, %rem3A_1906, %ne3A_1907 : i32
    %and3A_1909 = arith.andi %ne3A_1905, %ne3A_1908 : i1
    %sub3A_1910 = arith.constant 1 : i32
    %sub3A_1911 = arith.subi %div3A_1890, %sub3A_1910 : i32
    %select_n3A_1912 = arith.select %and3A_1909, %sub3A_1911, %div3A_1890 : i32
    %mul3A_1913 = arith.constant 128 : i32
    %mul3A_1914 = arith.muli %select_n3A_1912, %mul3A_1913 : i32
    %sub3A_1915 = arith.subi %mul3A_1888, %mul3A_1914 : i32
    %dma_start3A_1916 = tpu.memref_slice %arg2[%select_n3A_1886, %mul3A_1914] : memref<16x1040000xf32, #tpu.memory_space<hbm>> -> memref<1x40064xf32, #tpu.memory_space<hbm>>
    %dma_start3A_1917 = tpu.memref_squeeze %dma_start3A_1916 : memref<1x40064xf32, #tpu.memory_space<hbm>> -> memref<40064xf32, #tpu.memory_space<hbm>>
    %dma_start3A_1918 = tpu.memref_slice %arg2[%select_n3A_1886, %mul3A_1914] : memref<16x1040000xf32, #tpu.memory_space<hbm>> -> memref<1x40064xf32, #tpu.memory_space<hbm>>
    %dma_start3A_1919 = tpu.memref_squeeze %dma_start3A_1918 : memref<1x40064xf32, #tpu.memory_space<hbm>> -> memref<40064xf32, #tpu.memory_space<hbm>>
    tpu.enqueue_dma source(%dma_start3A_1919 : memref<40064xf32, #tpu.memory_space<hbm>>) target(%arg6 : memref<40064xf32, #tpu.memory_space<vmem>>) target_semaphore(%arg11 : memref<!tpu.dma_semaphore, #tpu.memory_space<semaphore_mem>>)
    %mul3A_1920 = arith.constant 13 : i32
    %mul3A_1921 = arith.muli %add3A, %mul3A_1920 : i32
    %add3A_1922 = arith.constant 6 : i32
    %add3A_1923 = arith.addi %mul3A_1921, %add3A_1922 : i32
    %sub3A_1924 = arith.constant 1 : i32
    %sub3A_1925 = arith.subi %add3A_1923, %sub3A_1924 : i32
    %jit3A_1926 = arith.constant 16 : i32
    %div3A_1927 = arith.divsi %sub3A_1925, %jit3A_1926 : i32
    %sign3A_1928 = arith.constant 0 : i32
    %sign3A_1929 = arith.cmpi sgt, %sub3A_1925, %sign3A_1928 : i32
    %sign3A_1930 = arith.extui %sign3A_1929 : i1 to i32
    %sign3A_1931 = arith.constant 0 : i32
    %sign3A_1932 = arith.cmpi slt, %sub3A_1925, %sign3A_1931 : i32
    %sign3A_1933 = arith.extui %sign3A_1932 : i1 to i32
    %sign3A_1934 = arith.subi %sign3A_1930, %sign3A_1933 : i32
    %sign3A_1935 = arith.constant 0 : i32
    %sign3A_1936 = arith.cmpi sgt, %jit3A_1926, %sign3A_1935 : i32
    %sign3A_1937 = arith.extui %sign3A_1936 : i1 to i32
    %sign3A_1938 = arith.constant 0 : i32
    %sign3A_1939 = arith.cmpi slt, %jit3A_1926, %sign3A_1938 : i32
    %sign3A_1940 = arith.extui %sign3A_1939 : i1 to i32
    %sign3A_1941 = arith.subi %sign3A_1937, %sign3A_1940 : i32
    %ne3A_1942 = arith.cmpi ne, %sign3A_1934, %sign3A_1941 : i32
    %rem3A_1943 = arith.remsi %sub3A_1925, %jit3A_1926 : i32
    %ne3A_1944 = arith.constant 0 : i32
    %ne3A_1945 = arith.cmpi ne, %rem3A_1943, %ne3A_1944 : i32
    %and3A_1946 = arith.andi %ne3A_1942, %ne3A_1945 : i1
    %sub3A_1947 = arith.constant 1 : i32
    %sub3A_1948 = arith.subi %div3A_1927, %sub3A_1947 : i32
    %select_n3A_1949 = arith.select %and3A_1946, %sub3A_1948, %div3A_1927 : i32
    %ne3A_1950 = arith.cmpi ne, %select_n3A_1797, %select_n3A_1949 : i32
    %convert_element_type3A_1951 = arith.extui %ne3A_1950 : i1 to i32
    %cond3A_1952 = arith.constant 0 : i32
    %cond3A_1953 = arith.cmpi ne, %convert_element_type3A_1951, %cond3A_1952 : i32
    scf.if %cond3A_1953 {
      %dma_wait3A_3588 = arith.constant 0 : i32
      %dma_wait3A_3589 = tpu.memref_slice %arg3[%select_n3A_1720, %dma_wait3A_3588] : memref<26x16384xi32, #tpu.memory_space<hbm>> -> memref<1x16384xi32, #tpu.memory_space<hbm>>
      %dma_wait3A_3590 = tpu.memref_squeeze %dma_wait3A_3589 : memref<1x16384xi32, #tpu.memory_space<hbm>> -> memref<16384xi32, #tpu.memory_space<hbm>>
      %dma_wait3A_3591 = arith.constant 0 : i32
      %dma_wait3A_3592 = tpu.memref_slice %arg3[%select_n3A_1720, %dma_wait3A_3591] : memref<26x16384xi32, #tpu.memory_space<hbm>> -> memref<1x16384xi32, #tpu.memory_space<hbm>>
      %dma_wait3A_3593 = tpu.memref_squeeze %dma_wait3A_3592 : memref<1x16384xi32, #tpu.memory_space<hbm>> -> memref<16384xi32, #tpu.memory_space<hbm>>
      tpu.wait_dma2 semaphore(%arg14 : memref<!tpu.dma_semaphore, #tpu.memory_space<semaphore_mem>>) src(%dma_wait3A_3593 : memref<16384xi32, #tpu.memory_space<hbm>>) dst(%arg7 : memref<16384xi32, #tpu.memory_space<vmem>>)
    } else {
    }
    %dma_wait3A_1954 = tpu.memref_slice %arg2[%select_n3A_1606, %mul3A_1634] : memref<16x1040000xf32, #tpu.memory_space<hbm>> -> memref<1x40064xf32, #tpu.memory_space<hbm>>
    %dma_wait3A_1955 = tpu.memref_squeeze %dma_wait3A_1954 : memref<1x40064xf32, #tpu.memory_space<hbm>> -> memref<40064xf32, #tpu.memory_space<hbm>>
    %dma_wait3A_1956 = tpu.memref_slice %arg2[%select_n3A_1606, %mul3A_1634] : memref<16x1040000xf32, #tpu.memory_space<hbm>> -> memref<1x40064xf32, #tpu.memory_space<hbm>>
    %dma_wait3A_1957 = tpu.memref_squeeze %dma_wait3A_1956 : memref<1x40064xf32, #tpu.memory_space<hbm>> -> memref<40064xf32, #tpu.memory_space<hbm>>
    tpu.wait_dma2 semaphore(%arg10 : memref<!tpu.dma_semaphore, #tpu.memory_space<semaphore_mem>>) src(%dma_wait3A_1957 : memref<40064xf32, #tpu.memory_space<hbm>>) dst(%arg5 : memref<40064xf32, #tpu.memory_space<vmem>>)
    %dma_wait3A_1958 = arith.constant 0 : i32
    %dma_wait3A_1959 = tpu.memref_slice %arg4[%select_n3A_1237, %select_n3A_1253, %dma_wait3A_1958] : memref<26x16x16384xf32, #tpu.memory_space<hbm>> -> memref<1x1x16384xf32, #tpu.memory_space<hbm>>
    %dma_wait3A_1960 = tpu.memref_squeeze %dma_wait3A_1959 : memref<1x1x16384xf32, #tpu.memory_space<hbm>> -> memref<16384xf32, #tpu.memory_space<hbm>>
    %dma_wait3A_1961 = arith.constant 0 : i32
    %dma_wait3A_1962 = tpu.memref_slice %arg4[%select_n3A_1237, %select_n3A_1253, %dma_wait3A_1961] : memref<26x16x16384xf32, #tpu.memory_space<hbm>> -> memref<1x1x16384xf32, #tpu.memory_space<hbm>>
    %dma_wait3A_1963 = tpu.memref_squeeze %dma_wait3A_1962 : memref<1x1x16384xf32, #tpu.memory_space<hbm>> -> memref<16384xf32, #tpu.memory_space<hbm>>
    tpu.wait_dma2 semaphore(%arg12 : memref<!tpu.dma_semaphore, #tpu.memory_space<semaphore_mem>>) src(%arg8 : memref<16384xf32, #tpu.memory_space<vmem>>) dst(%dma_wait3A_1963 : memref<16384xf32, #tpu.memory_space<hbm>>)
    %parallel_loop3A_1964 = arith.constant 0 : i32
    %parallel_loop3A_1965 = arith.constant 16384 : i32
    %parallel_loop3A_1966 = arith.constant 16 : i32
    scf.for %parallel_loop3A_3588 = %parallel_loop3A_1964 to %parallel_loop3A_1965 step %parallel_loop3A_1966  : i32 {
      %parallel_loop3A_3589 = arith.index_cast %parallel_loop3A_3588 : i32 to index
      %parallel_loop3A_3590 = tpu.vector_load %arg7[%parallel_loop3A_3589] {strides = array<i32>} : memref<16384xi32, #tpu.memory_space<vmem>>, vector<16xi32>,
      %parallel_loop3A_3591 = vector.broadcast %sub3A_1842 : i32 to vector<16xi32>
      %parallel_loop3A_3592 = arith.addi %parallel_loop3A_3590, %parallel_loop3A_3591 : vector<16xi32>
      %parallel_loop3A_3593 = tpu.vector_load_idx %arg5[%parallel_loop3A_3592] : memref<40064xf32, #tpu.memory_space<vmem>>[vector<16xi32>], vector<16xf32>,
      %parallel_loop3A_3594 = arith.index_cast %parallel_loop3A_3588 : i32 to index
      %parallel_loop3A_3595 = tpu.vector_load %arg8[%parallel_loop3A_3594] {strides = array<i32>} : memref<16384xf32, #tpu.memory_space<vmem>>, vector<16xf32>,
      tpu.vector_store %arg8[%parallel_loop3A_3594], %parallel_loop3A_3593 {strides = array<i32>} : memref<16384xf32, #tpu.memory_space<vmem>>, vector<16xf32>,
    } {sc.loop_unroll_factor = 8 : i64, sc.parallel_access}
    %dma_start3A_1967 = arith.constant 0 : i32
    %dma_start3A_1968 = tpu.memref_slice %arg4[%select_n3A_1797, %select_n3A_1813, %dma_start3A_1967] : memref<26x16x16384xf32, #tpu.memory_space<hbm>> -> memref<1x1x16384xf32, #tpu.memory_space<hbm>>
    %dma_start3A_1969 = tpu.memref_squeeze %dma_start3A_1968 : memref<1x1x16384xf32, #tpu.memory_space<hbm>> -> memref<16384xf32, #tpu.memory_space<hbm>>
    %dma_start3A_1970 = arith.constant 0 : i32
    %dma_start3A_1971 = tpu.memref_slice %arg4[%select_n3A_1797, %select_n3A_1813, %dma_start3A_1970] : memref<26x16x16384xf32, #tpu.memory_space<hbm>> -> memref<1x1x16384xf32, #tpu.memory_space<hbm>>
    %dma_start3A_1972 = tpu.memref_squeeze %dma_start3A_1971 : memref<1x1x16384xf32, #tpu.memory_space<hbm>> -> memref<16384xf32, #tpu.memory_space<hbm>>
    tpu.enqueue_dma source(%arg8 : memref<16384xf32, #tpu.memory_space<vmem>>) target(%dma_start3A_1972 : memref<16384xf32, #tpu.memory_space<hbm>>) target_semaphore(%arg12 : memref<!tpu.dma_semaphore, #tpu.memory_space<semaphore_mem>>)
    %mul3A_1973 = arith.constant 13 : i32
    %mul3A_1974 = arith.muli %add3A, %mul3A_1973 : i32
    %add3A_1975 = arith.constant 7 : i32
    %add3A_1976 = arith.addi %mul3A_1974, %add3A_1975 : i32
    %jit3A_1977 = arith.constant 16 : i32
    %div3A_1978 = arith.divsi %add3A_1976, %jit3A_1977 : i32
    %sign3A_1979 = arith.constant 0 : i32
    %sign3A_1980 = arith.cmpi sgt, %add3A_1976, %sign3A_1979 : i32
    %sign3A_1981 = arith.extui %sign3A_1980 : i1 to i32
    %sign3A_1982 = arith.constant 0 : i32
    %sign3A_1983 = arith.cmpi slt, %add3A_1976, %sign3A_1982 : i32
    %sign3A_1984 = arith.extui %sign3A_1983 : i1 to i32
    %sign3A_1985 = arith.subi %sign3A_1981, %sign3A_1984 : i32
    %sign3A_1986 = arith.constant 0 : i32
    %sign3A_1987 = arith.cmpi sgt, %jit3A_1977, %sign3A_1986 : i32
    %sign3A_1988 = arith.extui %sign3A_1987 : i1 to i32
    %sign3A_1989 = arith.constant 0 : i32
    %sign3A_1990 = arith.cmpi slt, %jit3A_1977, %sign3A_1989 : i32
    %sign3A_1991 = arith.extui %sign3A_1990 : i1 to i32
    %sign3A_1992 = arith.subi %sign3A_1988, %sign3A_1991 : i32
    %ne3A_1993 = arith.cmpi ne, %sign3A_1985, %sign3A_1992 : i32
    %rem3A_1994 = arith.remsi %add3A_1976, %jit3A_1977 : i32
    %ne3A_1995 = arith.constant 0 : i32
    %ne3A_1996 = arith.cmpi ne, %rem3A_1994, %ne3A_1995 : i32
    %and3A_1997 = arith.andi %ne3A_1993, %ne3A_1996 : i1
    %sub3A_1998 = arith.constant 1 : i32
    %sub3A_1999 = arith.subi %div3A_1978, %sub3A_1998 : i32
    %select_n3A_2000 = arith.select %and3A_1997, %sub3A_1999, %div3A_1978 : i32
    %jit3A_2001 = arith.constant 16 : i32
    %eq3A_2002 = arith.constant 0 : i32
    %eq3A_2003 = arith.cmpi eq, %jit3A_2001, %eq3A_2002 : i32
    %jit3A_2004 = arith.constant 1 : i32
    %select_n3A_2005 = arith.select %eq3A_2003, %jit3A_2004, %jit3A_2001 : i32
    %rem3A_2006 = arith.remsi %add3A_1976, %select_n3A_2005 : i32
    %ne3A_2007 = arith.constant 0 : i32
    %ne3A_2008 = arith.cmpi ne, %rem3A_2006, %ne3A_2007 : i32
    %lt3A_2009 = arith.constant 0 : i32
    %lt3A_2010 = arith.cmpi slt, %rem3A_2006, %lt3A_2009 : i32
    %lt3A_2011 = arith.constant 0 : i32
    %lt3A_2012 = arith.cmpi slt, %select_n3A_2005, %lt3A_2011 : i32
    %ne3A_2013 = arith.xori %lt3A_2010, %lt3A_2012 : i1
    %and3A_2014 = arith.andi %ne3A_2013, %ne3A_2008 : i1
    %add3A_2015 = arith.addi %rem3A_2006, %select_n3A_2005 : i32
    %select_n3A_2016 = arith.select %and3A_2014, %add3A_2015, %rem3A_2006 : i32
    %mul3A_2017 = arith.constant 40000 : i32
    %mul3A_2018 = arith.muli %select_n3A_2000, %mul3A_2017 : i32
    %jit3A_2019 = arith.constant 128 : i32
    %div3A_2020 = arith.divsi %mul3A_2018, %jit3A_2019 : i32
    %sign3A_2021 = arith.constant 0 : i32
    %sign3A_2022 = arith.cmpi sgt, %mul3A_2018, %sign3A_2021 : i32
    %sign3A_2023 = arith.extui %sign3A_2022 : i1 to i32
    %sign3A_2024 = arith.constant 0 : i32
    %sign3A_2025 = arith.cmpi slt, %mul3A_2018, %sign3A_2024 : i32
    %sign3A_2026 = arith.extui %sign3A_2025 : i1 to i32
    %sign3A_2027 = arith.subi %sign3A_2023, %sign3A_2026 : i32
    %sign3A_2028 = arith.constant 0 : i32
    %sign3A_2029 = arith.cmpi sgt, %jit3A_2019, %sign3A_2028 : i32
    %sign3A_2030 = arith.extui %sign3A_2029 : i1 to i32
    %sign3A_2031 = arith.constant 0 : i32
    %sign3A_2032 = arith.cmpi slt, %jit3A_2019, %sign3A_2031 : i32
    %sign3A_2033 = arith.extui %sign3A_2032 : i1 to i32
    %sign3A_2034 = arith.subi %sign3A_2030, %sign3A_2033 : i32
    %ne3A_2035 = arith.cmpi ne, %sign3A_2027, %sign3A_2034 : i32
    %rem3A_2036 = arith.remsi %mul3A_2018, %jit3A_2019 : i32
    %ne3A_2037 = arith.constant 0 : i32
    %ne3A_2038 = arith.cmpi ne, %rem3A_2036, %ne3A_2037 : i32
    %and3A_2039 = arith.andi %ne3A_2035, %ne3A_2038 : i1
    %sub3A_2040 = arith.constant 1 : i32
    %sub3A_2041 = arith.subi %div3A_2020, %sub3A_2040 : i32
    %select_n3A_2042 = arith.select %and3A_2039, %sub3A_2041, %div3A_2020 : i32
    %mul3A_2043 = arith.constant 128 : i32
    %mul3A_2044 = arith.muli %select_n3A_2042, %mul3A_2043 : i32
    %sub3A_2045 = arith.subi %mul3A_2018, %mul3A_2044 : i32
    %ne3A_2046 = arith.cmpi ne, %select_n3A_2000, %select_n3A_1797 : i32
    %convert_element_type3A_2047 = arith.extui %ne3A_2046 : i1 to i32
    %cond3A_2048 = arith.constant 0 : i32
    %cond3A_2049 = arith.cmpi ne, %convert_element_type3A_2047, %cond3A_2048 : i32
    scf.if %cond3A_2049 {
      %dma_start3A_3588 = arith.constant 0 : i32
      %dma_start3A_3589 = tpu.memref_slice %arg3[%select_n3A_2000, %dma_start3A_3588] : memref<26x16384xi32, #tpu.memory_space<hbm>> -> memref<1x16384xi32, #tpu.memory_space<hbm>>
      %dma_start3A_3590 = tpu.memref_squeeze %dma_start3A_3589 : memref<1x16384xi32, #tpu.memory_space<hbm>> -> memref<16384xi32, #tpu.memory_space<hbm>>
      %dma_start3A_3591 = arith.constant 0 : i32
      %dma_start3A_3592 = tpu.memref_slice %arg3[%select_n3A_2000, %dma_start3A_3591] : memref<26x16384xi32, #tpu.memory_space<hbm>> -> memref<1x16384xi32, #tpu.memory_space<hbm>>
      %dma_start3A_3593 = tpu.memref_squeeze %dma_start3A_3592 : memref<1x16384xi32, #tpu.memory_space<hbm>> -> memref<16384xi32, #tpu.memory_space<hbm>>
      tpu.enqueue_dma source(%dma_start3A_3593 : memref<16384xi32, #tpu.memory_space<hbm>>) target(%arg7 : memref<16384xi32, #tpu.memory_space<vmem>>) target_semaphore(%arg14 : memref<!tpu.dma_semaphore, #tpu.memory_space<semaphore_mem>>)
    } else {
    }
    %mul3A_2050 = arith.constant 13 : i32
    %mul3A_2051 = arith.muli %add3A, %mul3A_2050 : i32
    %add3A_2052 = arith.constant 7 : i32
    %add3A_2053 = arith.addi %mul3A_2051, %add3A_2052 : i32
    %jit3A_2054 = arith.constant 16 : i32
    %div3A_2055 = arith.divsi %add3A_2053, %jit3A_2054 : i32
    %sign3A_2056 = arith.constant 0 : i32
    %sign3A_2057 = arith.cmpi sgt, %add3A_2053, %sign3A_2056 : i32
    %sign3A_2058 = arith.extui %sign3A_2057 : i1 to i32
    %sign3A_2059 = arith.constant 0 : i32
    %sign3A_2060 = arith.cmpi slt, %add3A_2053, %sign3A_2059 : i32
    %sign3A_2061 = arith.extui %sign3A_2060 : i1 to i32
    %sign3A_2062 = arith.subi %sign3A_2058, %sign3A_2061 : i32
    %sign3A_2063 = arith.constant 0 : i32
    %sign3A_2064 = arith.cmpi sgt, %jit3A_2054, %sign3A_2063 : i32
    %sign3A_2065 = arith.extui %sign3A_2064 : i1 to i32
    %sign3A_2066 = arith.constant 0 : i32
    %sign3A_2067 = arith.cmpi slt, %jit3A_2054, %sign3A_2066 : i32
    %sign3A_2068 = arith.extui %sign3A_2067 : i1 to i32
    %sign3A_2069 = arith.subi %sign3A_2065, %sign3A_2068 : i32
    %ne3A_2070 = arith.cmpi ne, %sign3A_2062, %sign3A_2069 : i32
    %rem3A_2071 = arith.remsi %add3A_2053, %jit3A_2054 : i32
    %ne3A_2072 = arith.constant 0 : i32
    %ne3A_2073 = arith.cmpi ne, %rem3A_2071, %ne3A_2072 : i32
    %and3A_2074 = arith.andi %ne3A_2070, %ne3A_2073 : i1
    %sub3A_2075 = arith.constant 1 : i32
    %sub3A_2076 = arith.subi %div3A_2055, %sub3A_2075 : i32
    %select_n3A_2077 = arith.select %and3A_2074, %sub3A_2076, %div3A_2055 : i32
    %jit3A_2078 = arith.constant 16 : i32
    %eq3A_2079 = arith.constant 0 : i32
    %eq3A_2080 = arith.cmpi eq, %jit3A_2078, %eq3A_2079 : i32
    %jit3A_2081 = arith.constant 1 : i32
    %select_n3A_2082 = arith.select %eq3A_2080, %jit3A_2081, %jit3A_2078 : i32
    %rem3A_2083 = arith.remsi %add3A_2053, %select_n3A_2082 : i32
    %ne3A_2084 = arith.constant 0 : i32
    %ne3A_2085 = arith.cmpi ne, %rem3A_2083, %ne3A_2084 : i32
    %lt3A_2086 = arith.constant 0 : i32
    %lt3A_2087 = arith.cmpi slt, %rem3A_2083, %lt3A_2086 : i32
    %lt3A_2088 = arith.constant 0 : i32
    %lt3A_2089 = arith.cmpi slt, %select_n3A_2082, %lt3A_2088 : i32
    %ne3A_2090 = arith.xori %lt3A_2087, %lt3A_2089 : i1
    %and3A_2091 = arith.andi %ne3A_2090, %ne3A_2085 : i1
    %add3A_2092 = arith.addi %rem3A_2083, %select_n3A_2082 : i32
    %select_n3A_2093 = arith.select %and3A_2091, %add3A_2092, %rem3A_2083 : i32
    %mul3A_2094 = arith.constant 40000 : i32
    %mul3A_2095 = arith.muli %select_n3A_2077, %mul3A_2094 : i32
    %jit3A_2096 = arith.constant 128 : i32
    %div3A_2097 = arith.divsi %mul3A_2095, %jit3A_2096 : i32
    %sign3A_2098 = arith.constant 0 : i32
    %sign3A_2099 = arith.cmpi sgt, %mul3A_2095, %sign3A_2098 : i32
    %sign3A_2100 = arith.extui %sign3A_2099 : i1 to i32
    %sign3A_2101 = arith.constant 0 : i32
    %sign3A_2102 = arith.cmpi slt, %mul3A_2095, %sign3A_2101 : i32
    %sign3A_2103 = arith.extui %sign3A_2102 : i1 to i32
    %sign3A_2104 = arith.subi %sign3A_2100, %sign3A_2103 : i32
    %sign3A_2105 = arith.constant 0 : i32
    %sign3A_2106 = arith.cmpi sgt, %jit3A_2096, %sign3A_2105 : i32
    %sign3A_2107 = arith.extui %sign3A_2106 : i1 to i32
    %sign3A_2108 = arith.constant 0 : i32
    %sign3A_2109 = arith.cmpi slt, %jit3A_2096, %sign3A_2108 : i32
    %sign3A_2110 = arith.extui %sign3A_2109 : i1 to i32
    %sign3A_2111 = arith.subi %sign3A_2107, %sign3A_2110 : i32
    %ne3A_2112 = arith.cmpi ne, %sign3A_2104, %sign3A_2111 : i32
    %rem3A_2113 = arith.remsi %mul3A_2095, %jit3A_2096 : i32
    %ne3A_2114 = arith.constant 0 : i32
    %ne3A_2115 = arith.cmpi ne, %rem3A_2113, %ne3A_2114 : i32
    %and3A_2116 = arith.andi %ne3A_2112, %ne3A_2115 : i1
    %sub3A_2117 = arith.constant 1 : i32
    %sub3A_2118 = arith.subi %div3A_2097, %sub3A_2117 : i32
    %select_n3A_2119 = arith.select %and3A_2116, %sub3A_2118, %div3A_2097 : i32
    %mul3A_2120 = arith.constant 128 : i32
    %mul3A_2121 = arith.muli %select_n3A_2119, %mul3A_2120 : i32
    %sub3A_2122 = arith.subi %mul3A_2095, %mul3A_2121 : i32
    %mul3A_2123 = arith.constant 13 : i32
    %mul3A_2124 = arith.muli %add3A, %mul3A_2123 : i32
    %add3A_2125 = arith.constant 8 : i32
    %add3A_2126 = arith.addi %mul3A_2124, %add3A_2125 : i32
    %jit3A_2127 = arith.constant 16 : i32
    %div3A_2128 = arith.divsi %add3A_2126, %jit3A_2127 : i32
    %sign3A_2129 = arith.constant 0 : i32
    %sign3A_2130 = arith.cmpi sgt, %add3A_2126, %sign3A_2129 : i32
    %sign3A_2131 = arith.extui %sign3A_2130 : i1 to i32
    %sign3A_2132 = arith.constant 0 : i32
    %sign3A_2133 = arith.cmpi slt, %add3A_2126, %sign3A_2132 : i32
    %sign3A_2134 = arith.extui %sign3A_2133 : i1 to i32
    %sign3A_2135 = arith.subi %sign3A_2131, %sign3A_2134 : i32
    %sign3A_2136 = arith.constant 0 : i32
    %sign3A_2137 = arith.cmpi sgt, %jit3A_2127, %sign3A_2136 : i32
    %sign3A_2138 = arith.extui %sign3A_2137 : i1 to i32
    %sign3A_2139 = arith.constant 0 : i32
    %sign3A_2140 = arith.cmpi slt, %jit3A_2127, %sign3A_2139 : i32
    %sign3A_2141 = arith.extui %sign3A_2140 : i1 to i32
    %sign3A_2142 = arith.subi %sign3A_2138, %sign3A_2141 : i32
    %ne3A_2143 = arith.cmpi ne, %sign3A_2135, %sign3A_2142 : i32
    %rem3A_2144 = arith.remsi %add3A_2126, %jit3A_2127 : i32
    %ne3A_2145 = arith.constant 0 : i32
    %ne3A_2146 = arith.cmpi ne, %rem3A_2144, %ne3A_2145 : i32
    %and3A_2147 = arith.andi %ne3A_2143, %ne3A_2146 : i1
    %sub3A_2148 = arith.constant 1 : i32
    %sub3A_2149 = arith.subi %div3A_2128, %sub3A_2148 : i32
    %select_n3A_2150 = arith.select %and3A_2147, %sub3A_2149, %div3A_2128 : i32
    %jit3A_2151 = arith.constant 16 : i32
    %eq3A_2152 = arith.constant 0 : i32
    %eq3A_2153 = arith.cmpi eq, %jit3A_2151, %eq3A_2152 : i32
    %jit3A_2154 = arith.constant 1 : i32
    %select_n3A_2155 = arith.select %eq3A_2153, %jit3A_2154, %jit3A_2151 : i32
    %rem3A_2156 = arith.remsi %add3A_2126, %select_n3A_2155 : i32
    %ne3A_2157 = arith.constant 0 : i32
    %ne3A_2158 = arith.cmpi ne, %rem3A_2156, %ne3A_2157 : i32
    %lt3A_2159 = arith.constant 0 : i32
    %lt3A_2160 = arith.cmpi slt, %rem3A_2156, %lt3A_2159 : i32
    %lt3A_2161 = arith.constant 0 : i32
    %lt3A_2162 = arith.cmpi slt, %select_n3A_2155, %lt3A_2161 : i32
    %ne3A_2163 = arith.xori %lt3A_2160, %lt3A_2162 : i1
    %and3A_2164 = arith.andi %ne3A_2163, %ne3A_2158 : i1
    %add3A_2165 = arith.addi %rem3A_2156, %select_n3A_2155 : i32
    %select_n3A_2166 = arith.select %and3A_2164, %add3A_2165, %rem3A_2156 : i32
    %mul3A_2167 = arith.constant 40000 : i32
    %mul3A_2168 = arith.muli %select_n3A_2150, %mul3A_2167 : i32
    %jit3A_2169 = arith.constant 128 : i32
    %div3A_2170 = arith.divsi %mul3A_2168, %jit3A_2169 : i32
    %sign3A_2171 = arith.constant 0 : i32
    %sign3A_2172 = arith.cmpi sgt, %mul3A_2168, %sign3A_2171 : i32
    %sign3A_2173 = arith.extui %sign3A_2172 : i1 to i32
    %sign3A_2174 = arith.constant 0 : i32
    %sign3A_2175 = arith.cmpi slt, %mul3A_2168, %sign3A_2174 : i32
    %sign3A_2176 = arith.extui %sign3A_2175 : i1 to i32
    %sign3A_2177 = arith.subi %sign3A_2173, %sign3A_2176 : i32
    %sign3A_2178 = arith.constant 0 : i32
    %sign3A_2179 = arith.cmpi sgt, %jit3A_2169, %sign3A_2178 : i32
    %sign3A_2180 = arith.extui %sign3A_2179 : i1 to i32
    %sign3A_2181 = arith.constant 0 : i32
    %sign3A_2182 = arith.cmpi slt, %jit3A_2169, %sign3A_2181 : i32
    %sign3A_2183 = arith.extui %sign3A_2182 : i1 to i32
    %sign3A_2184 = arith.subi %sign3A_2180, %sign3A_2183 : i32
    %ne3A_2185 = arith.cmpi ne, %sign3A_2177, %sign3A_2184 : i32
    %rem3A_2186 = arith.remsi %mul3A_2168, %jit3A_2169 : i32
    %ne3A_2187 = arith.constant 0 : i32
    %ne3A_2188 = arith.cmpi ne, %rem3A_2186, %ne3A_2187 : i32
    %and3A_2189 = arith.andi %ne3A_2185, %ne3A_2188 : i1
    %sub3A_2190 = arith.constant 1 : i32
    %sub3A_2191 = arith.subi %div3A_2170, %sub3A_2190 : i32
    %select_n3A_2192 = arith.select %and3A_2189, %sub3A_2191, %div3A_2170 : i32
    %mul3A_2193 = arith.constant 128 : i32
    %mul3A_2194 = arith.muli %select_n3A_2192, %mul3A_2193 : i32
    %sub3A_2195 = arith.subi %mul3A_2168, %mul3A_2194 : i32
    %dma_start3A_2196 = tpu.memref_slice %arg2[%select_n3A_2166, %mul3A_2194] : memref<16x1040000xf32, #tpu.memory_space<hbm>> -> memref<1x40064xf32, #tpu.memory_space<hbm>>
    %dma_start3A_2197 = tpu.memref_squeeze %dma_start3A_2196 : memref<1x40064xf32, #tpu.memory_space<hbm>> -> memref<40064xf32, #tpu.memory_space<hbm>>
    %dma_start3A_2198 = tpu.memref_slice %arg2[%select_n3A_2166, %mul3A_2194] : memref<16x1040000xf32, #tpu.memory_space<hbm>> -> memref<1x40064xf32, #tpu.memory_space<hbm>>
    %dma_start3A_2199 = tpu.memref_squeeze %dma_start3A_2198 : memref<1x40064xf32, #tpu.memory_space<hbm>> -> memref<40064xf32, #tpu.memory_space<hbm>>
    tpu.enqueue_dma source(%dma_start3A_2199 : memref<40064xf32, #tpu.memory_space<hbm>>) target(%arg5 : memref<40064xf32, #tpu.memory_space<vmem>>) target_semaphore(%arg10 : memref<!tpu.dma_semaphore, #tpu.memory_space<semaphore_mem>>)
    %mul3A_2200 = arith.constant 13 : i32
    %mul3A_2201 = arith.muli %add3A, %mul3A_2200 : i32
    %add3A_2202 = arith.constant 7 : i32
    %add3A_2203 = arith.addi %mul3A_2201, %add3A_2202 : i32
    %sub3A_2204 = arith.constant 1 : i32
    %sub3A_2205 = arith.subi %add3A_2203, %sub3A_2204 : i32
    %jit3A_2206 = arith.constant 16 : i32
    %div3A_2207 = arith.divsi %sub3A_2205, %jit3A_2206 : i32
    %sign3A_2208 = arith.constant 0 : i32
    %sign3A_2209 = arith.cmpi sgt, %sub3A_2205, %sign3A_2208 : i32
    %sign3A_2210 = arith.extui %sign3A_2209 : i1 to i32
    %sign3A_2211 = arith.constant 0 : i32
    %sign3A_2212 = arith.cmpi slt, %sub3A_2205, %sign3A_2211 : i32
    %sign3A_2213 = arith.extui %sign3A_2212 : i1 to i32
    %sign3A_2214 = arith.subi %sign3A_2210, %sign3A_2213 : i32
    %sign3A_2215 = arith.constant 0 : i32
    %sign3A_2216 = arith.cmpi sgt, %jit3A_2206, %sign3A_2215 : i32
    %sign3A_2217 = arith.extui %sign3A_2216 : i1 to i32
    %sign3A_2218 = arith.constant 0 : i32
    %sign3A_2219 = arith.cmpi slt, %jit3A_2206, %sign3A_2218 : i32
    %sign3A_2220 = arith.extui %sign3A_2219 : i1 to i32
    %sign3A_2221 = arith.subi %sign3A_2217, %sign3A_2220 : i32
    %ne3A_2222 = arith.cmpi ne, %sign3A_2214, %sign3A_2221 : i32
    %rem3A_2223 = arith.remsi %sub3A_2205, %jit3A_2206 : i32
    %ne3A_2224 = arith.constant 0 : i32
    %ne3A_2225 = arith.cmpi ne, %rem3A_2223, %ne3A_2224 : i32
    %and3A_2226 = arith.andi %ne3A_2222, %ne3A_2225 : i1
    %sub3A_2227 = arith.constant 1 : i32
    %sub3A_2228 = arith.subi %div3A_2207, %sub3A_2227 : i32
    %select_n3A_2229 = arith.select %and3A_2226, %sub3A_2228, %div3A_2207 : i32
    %ne3A_2230 = arith.cmpi ne, %select_n3A_2077, %select_n3A_2229 : i32
    %convert_element_type3A_2231 = arith.extui %ne3A_2230 : i1 to i32
    %cond3A_2232 = arith.constant 0 : i32
    %cond3A_2233 = arith.cmpi ne, %convert_element_type3A_2231, %cond3A_2232 : i32
    scf.if %cond3A_2233 {
      %dma_wait3A_3588 = arith.constant 0 : i32
      %dma_wait3A_3589 = tpu.memref_slice %arg3[%select_n3A_2000, %dma_wait3A_3588] : memref<26x16384xi32, #tpu.memory_space<hbm>> -> memref<1x16384xi32, #tpu.memory_space<hbm>>
      %dma_wait3A_3590 = tpu.memref_squeeze %dma_wait3A_3589 : memref<1x16384xi32, #tpu.memory_space<hbm>> -> memref<16384xi32, #tpu.memory_space<hbm>>
      %dma_wait3A_3591 = arith.constant 0 : i32
      %dma_wait3A_3592 = tpu.memref_slice %arg3[%select_n3A_2000, %dma_wait3A_3591] : memref<26x16384xi32, #tpu.memory_space<hbm>> -> memref<1x16384xi32, #tpu.memory_space<hbm>>
      %dma_wait3A_3593 = tpu.memref_squeeze %dma_wait3A_3592 : memref<1x16384xi32, #tpu.memory_space<hbm>> -> memref<16384xi32, #tpu.memory_space<hbm>>
      tpu.wait_dma2 semaphore(%arg14 : memref<!tpu.dma_semaphore, #tpu.memory_space<semaphore_mem>>) src(%dma_wait3A_3593 : memref<16384xi32, #tpu.memory_space<hbm>>) dst(%arg7 : memref<16384xi32, #tpu.memory_space<vmem>>)
    } else {
    }
    %dma_wait3A_2234 = tpu.memref_slice %arg2[%select_n3A_1886, %mul3A_1914] : memref<16x1040000xf32, #tpu.memory_space<hbm>> -> memref<1x40064xf32, #tpu.memory_space<hbm>>
    %dma_wait3A_2235 = tpu.memref_squeeze %dma_wait3A_2234 : memref<1x40064xf32, #tpu.memory_space<hbm>> -> memref<40064xf32, #tpu.memory_space<hbm>>
    %dma_wait3A_2236 = tpu.memref_slice %arg2[%select_n3A_1886, %mul3A_1914] : memref<16x1040000xf32, #tpu.memory_space<hbm>> -> memref<1x40064xf32, #tpu.memory_space<hbm>>
    %dma_wait3A_2237 = tpu.memref_squeeze %dma_wait3A_2236 : memref<1x40064xf32, #tpu.memory_space<hbm>> -> memref<40064xf32, #tpu.memory_space<hbm>>
    tpu.wait_dma2 semaphore(%arg11 : memref<!tpu.dma_semaphore, #tpu.memory_space<semaphore_mem>>) src(%dma_wait3A_2237 : memref<40064xf32, #tpu.memory_space<hbm>>) dst(%arg6 : memref<40064xf32, #tpu.memory_space<vmem>>)
    %dma_wait3A_2238 = arith.constant 0 : i32
    %dma_wait3A_2239 = tpu.memref_slice %arg4[%select_n3A_1517, %select_n3A_1533, %dma_wait3A_2238] : memref<26x16x16384xf32, #tpu.memory_space<hbm>> -> memref<1x1x16384xf32, #tpu.memory_space<hbm>>
    %dma_wait3A_2240 = tpu.memref_squeeze %dma_wait3A_2239 : memref<1x1x16384xf32, #tpu.memory_space<hbm>> -> memref<16384xf32, #tpu.memory_space<hbm>>
    %dma_wait3A_2241 = arith.constant 0 : i32
    %dma_wait3A_2242 = tpu.memref_slice %arg4[%select_n3A_1517, %select_n3A_1533, %dma_wait3A_2241] : memref<26x16x16384xf32, #tpu.memory_space<hbm>> -> memref<1x1x16384xf32, #tpu.memory_space<hbm>>
    %dma_wait3A_2243 = tpu.memref_squeeze %dma_wait3A_2242 : memref<1x1x16384xf32, #tpu.memory_space<hbm>> -> memref<16384xf32, #tpu.memory_space<hbm>>
    tpu.wait_dma2 semaphore(%arg13 : memref<!tpu.dma_semaphore, #tpu.memory_space<semaphore_mem>>) src(%arg9 : memref<16384xf32, #tpu.memory_space<vmem>>) dst(%dma_wait3A_2243 : memref<16384xf32, #tpu.memory_space<hbm>>)
    %parallel_loop3A_2244 = arith.constant 0 : i32
    %parallel_loop3A_2245 = arith.constant 16384 : i32
    %parallel_loop3A_2246 = arith.constant 16 : i32
    scf.for %parallel_loop3A_3588 = %parallel_loop3A_2244 to %parallel_loop3A_2245 step %parallel_loop3A_2246  : i32 {
      %parallel_loop3A_3589 = arith.index_cast %parallel_loop3A_3588 : i32 to index
      %parallel_loop3A_3590 = tpu.vector_load %arg7[%parallel_loop3A_3589] {strides = array<i32>} : memref<16384xi32, #tpu.memory_space<vmem>>, vector<16xi32>,
      %parallel_loop3A_3591 = vector.broadcast %sub3A_2122 : i32 to vector<16xi32>
      %parallel_loop3A_3592 = arith.addi %parallel_loop3A_3590, %parallel_loop3A_3591 : vector<16xi32>
      %parallel_loop3A_3593 = tpu.vector_load_idx %arg6[%parallel_loop3A_3592] : memref<40064xf32, #tpu.memory_space<vmem>>[vector<16xi32>], vector<16xf32>,
      %parallel_loop3A_3594 = arith.index_cast %parallel_loop3A_3588 : i32 to index
      %parallel_loop3A_3595 = tpu.vector_load %arg9[%parallel_loop3A_3594] {strides = array<i32>} : memref<16384xf32, #tpu.memory_space<vmem>>, vector<16xf32>,
      tpu.vector_store %arg9[%parallel_loop3A_3594], %parallel_loop3A_3593 {strides = array<i32>} : memref<16384xf32, #tpu.memory_space<vmem>>, vector<16xf32>,
    } {sc.loop_unroll_factor = 8 : i64, sc.parallel_access}
    %dma_start3A_2247 = arith.constant 0 : i32
    %dma_start3A_2248 = tpu.memref_slice %arg4[%select_n3A_2077, %select_n3A_2093, %dma_start3A_2247] : memref<26x16x16384xf32, #tpu.memory_space<hbm>> -> memref<1x1x16384xf32, #tpu.memory_space<hbm>>
    %dma_start3A_2249 = tpu.memref_squeeze %dma_start3A_2248 : memref<1x1x16384xf32, #tpu.memory_space<hbm>> -> memref<16384xf32, #tpu.memory_space<hbm>>
    %dma_start3A_2250 = arith.constant 0 : i32
    %dma_start3A_2251 = tpu.memref_slice %arg4[%select_n3A_2077, %select_n3A_2093, %dma_start3A_2250] : memref<26x16x16384xf32, #tpu.memory_space<hbm>> -> memref<1x1x16384xf32, #tpu.memory_space<hbm>>
    %dma_start3A_2252 = tpu.memref_squeeze %dma_start3A_2251 : memref<1x1x16384xf32, #tpu.memory_space<hbm>> -> memref<16384xf32, #tpu.memory_space<hbm>>
    tpu.enqueue_dma source(%arg9 : memref<16384xf32, #tpu.memory_space<vmem>>) target(%dma_start3A_2252 : memref<16384xf32, #tpu.memory_space<hbm>>) target_semaphore(%arg13 : memref<!tpu.dma_semaphore, #tpu.memory_space<semaphore_mem>>)
    %mul3A_2253 = arith.constant 13 : i32
    %mul3A_2254 = arith.muli %add3A, %mul3A_2253 : i32
    %add3A_2255 = arith.constant 8 : i32
    %add3A_2256 = arith.addi %mul3A_2254, %add3A_2255 : i32
    %jit3A_2257 = arith.constant 16 : i32
    %div3A_2258 = arith.divsi %add3A_2256, %jit3A_2257 : i32
    %sign3A_2259 = arith.constant 0 : i32
    %sign3A_2260 = arith.cmpi sgt, %add3A_2256, %sign3A_2259 : i32
    %sign3A_2261 = arith.extui %sign3A_2260 : i1 to i32
    %sign3A_2262 = arith.constant 0 : i32
    %sign3A_2263 = arith.cmpi slt, %add3A_2256, %sign3A_2262 : i32
    %sign3A_2264 = arith.extui %sign3A_2263 : i1 to i32
    %sign3A_2265 = arith.subi %sign3A_2261, %sign3A_2264 : i32
    %sign3A_2266 = arith.constant 0 : i32
    %sign3A_2267 = arith.cmpi sgt, %jit3A_2257, %sign3A_2266 : i32
    %sign3A_2268 = arith.extui %sign3A_2267 : i1 to i32
    %sign3A_2269 = arith.constant 0 : i32
    %sign3A_2270 = arith.cmpi slt, %jit3A_2257, %sign3A_2269 : i32
    %sign3A_2271 = arith.extui %sign3A_2270 : i1 to i32
    %sign3A_2272 = arith.subi %sign3A_2268, %sign3A_2271 : i32
    %ne3A_2273 = arith.cmpi ne, %sign3A_2265, %sign3A_2272 : i32
    %rem3A_2274 = arith.remsi %add3A_2256, %jit3A_2257 : i32
    %ne3A_2275 = arith.constant 0 : i32
    %ne3A_2276 = arith.cmpi ne, %rem3A_2274, %ne3A_2275 : i32
    %and3A_2277 = arith.andi %ne3A_2273, %ne3A_2276 : i1
    %sub3A_2278 = arith.constant 1 : i32
    %sub3A_2279 = arith.subi %div3A_2258, %sub3A_2278 : i32
    %select_n3A_2280 = arith.select %and3A_2277, %sub3A_2279, %div3A_2258 : i32
    %jit3A_2281 = arith.constant 16 : i32
    %eq3A_2282 = arith.constant 0 : i32
    %eq3A_2283 = arith.cmpi eq, %jit3A_2281, %eq3A_2282 : i32
    %jit3A_2284 = arith.constant 1 : i32
    %select_n3A_2285 = arith.select %eq3A_2283, %jit3A_2284, %jit3A_2281 : i32
    %rem3A_2286 = arith.remsi %add3A_2256, %select_n3A_2285 : i32
    %ne3A_2287 = arith.constant 0 : i32
    %ne3A_2288 = arith.cmpi ne, %rem3A_2286, %ne3A_2287 : i32
    %lt3A_2289 = arith.constant 0 : i32
    %lt3A_2290 = arith.cmpi slt, %rem3A_2286, %lt3A_2289 : i32
    %lt3A_2291 = arith.constant 0 : i32
    %lt3A_2292 = arith.cmpi slt, %select_n3A_2285, %lt3A_2291 : i32
    %ne3A_2293 = arith.xori %lt3A_2290, %lt3A_2292 : i1
    %and3A_2294 = arith.andi %ne3A_2293, %ne3A_2288 : i1
    %add3A_2295 = arith.addi %rem3A_2286, %select_n3A_2285 : i32
    %select_n3A_2296 = arith.select %and3A_2294, %add3A_2295, %rem3A_2286 : i32
    %mul3A_2297 = arith.constant 40000 : i32
    %mul3A_2298 = arith.muli %select_n3A_2280, %mul3A_2297 : i32
    %jit3A_2299 = arith.constant 128 : i32
    %div3A_2300 = arith.divsi %mul3A_2298, %jit3A_2299 : i32
    %sign3A_2301 = arith.constant 0 : i32
    %sign3A_2302 = arith.cmpi sgt, %mul3A_2298, %sign3A_2301 : i32
    %sign3A_2303 = arith.extui %sign3A_2302 : i1 to i32
    %sign3A_2304 = arith.constant 0 : i32
    %sign3A_2305 = arith.cmpi slt, %mul3A_2298, %sign3A_2304 : i32
    %sign3A_2306 = arith.extui %sign3A_2305 : i1 to i32
    %sign3A_2307 = arith.subi %sign3A_2303, %sign3A_2306 : i32
    %sign3A_2308 = arith.constant 0 : i32
    %sign3A_2309 = arith.cmpi sgt, %jit3A_2299, %sign3A_2308 : i32
    %sign3A_2310 = arith.extui %sign3A_2309 : i1 to i32
    %sign3A_2311 = arith.constant 0 : i32
    %sign3A_2312 = arith.cmpi slt, %jit3A_2299, %sign3A_2311 : i32
    %sign3A_2313 = arith.extui %sign3A_2312 : i1 to i32
    %sign3A_2314 = arith.subi %sign3A_2310, %sign3A_2313 : i32
    %ne3A_2315 = arith.cmpi ne, %sign3A_2307, %sign3A_2314 : i32
    %rem3A_2316 = arith.remsi %mul3A_2298, %jit3A_2299 : i32
    %ne3A_2317 = arith.constant 0 : i32
    %ne3A_2318 = arith.cmpi ne, %rem3A_2316, %ne3A_2317 : i32
    %and3A_2319 = arith.andi %ne3A_2315, %ne3A_2318 : i1
    %sub3A_2320 = arith.constant 1 : i32
    %sub3A_2321 = arith.subi %div3A_2300, %sub3A_2320 : i32
    %select_n3A_2322 = arith.select %and3A_2319, %sub3A_2321, %div3A_2300 : i32
    %mul3A_2323 = arith.constant 128 : i32
    %mul3A_2324 = arith.muli %select_n3A_2322, %mul3A_2323 : i32
    %sub3A_2325 = arith.subi %mul3A_2298, %mul3A_2324 : i32
    %ne3A_2326 = arith.cmpi ne, %select_n3A_2280, %select_n3A_2077 : i32
    %convert_element_type3A_2327 = arith.extui %ne3A_2326 : i1 to i32
    %cond3A_2328 = arith.constant 0 : i32
    %cond3A_2329 = arith.cmpi ne, %convert_element_type3A_2327, %cond3A_2328 : i32
    scf.if %cond3A_2329 {
      %dma_start3A_3588 = arith.constant 0 : i32
      %dma_start3A_3589 = tpu.memref_slice %arg3[%select_n3A_2280, %dma_start3A_3588] : memref<26x16384xi32, #tpu.memory_space<hbm>> -> memref<1x16384xi32, #tpu.memory_space<hbm>>
      %dma_start3A_3590 = tpu.memref_squeeze %dma_start3A_3589 : memref<1x16384xi32, #tpu.memory_space<hbm>> -> memref<16384xi32, #tpu.memory_space<hbm>>
      %dma_start3A_3591 = arith.constant 0 : i32
      %dma_start3A_3592 = tpu.memref_slice %arg3[%select_n3A_2280, %dma_start3A_3591] : memref<26x16384xi32, #tpu.memory_space<hbm>> -> memref<1x16384xi32, #tpu.memory_space<hbm>>
      %dma_start3A_3593 = tpu.memref_squeeze %dma_start3A_3592 : memref<1x16384xi32, #tpu.memory_space<hbm>> -> memref<16384xi32, #tpu.memory_space<hbm>>
      tpu.enqueue_dma source(%dma_start3A_3593 : memref<16384xi32, #tpu.memory_space<hbm>>) target(%arg7 : memref<16384xi32, #tpu.memory_space<vmem>>) target_semaphore(%arg14 : memref<!tpu.dma_semaphore, #tpu.memory_space<semaphore_mem>>)
    } else {
    }
    %mul3A_2330 = arith.constant 13 : i32
    %mul3A_2331 = arith.muli %add3A, %mul3A_2330 : i32
    %add3A_2332 = arith.constant 8 : i32
    %add3A_2333 = arith.addi %mul3A_2331, %add3A_2332 : i32
    %jit3A_2334 = arith.constant 16 : i32
    %div3A_2335 = arith.divsi %add3A_2333, %jit3A_2334 : i32
    %sign3A_2336 = arith.constant 0 : i32
    %sign3A_2337 = arith.cmpi sgt, %add3A_2333, %sign3A_2336 : i32
    %sign3A_2338 = arith.extui %sign3A_2337 : i1 to i32
    %sign3A_2339 = arith.constant 0 : i32
    %sign3A_2340 = arith.cmpi slt, %add3A_2333, %sign3A_2339 : i32
    %sign3A_2341 = arith.extui %sign3A_2340 : i1 to i32
    %sign3A_2342 = arith.subi %sign3A_2338, %sign3A_2341 : i32
    %sign3A_2343 = arith.constant 0 : i32
    %sign3A_2344 = arith.cmpi sgt, %jit3A_2334, %sign3A_2343 : i32
    %sign3A_2345 = arith.extui %sign3A_2344 : i1 to i32
    %sign3A_2346 = arith.constant 0 : i32
    %sign3A_2347 = arith.cmpi slt, %jit3A_2334, %sign3A_2346 : i32
    %sign3A_2348 = arith.extui %sign3A_2347 : i1 to i32
    %sign3A_2349 = arith.subi %sign3A_2345, %sign3A_2348 : i32
    %ne3A_2350 = arith.cmpi ne, %sign3A_2342, %sign3A_2349 : i32
    %rem3A_2351 = arith.remsi %add3A_2333, %jit3A_2334 : i32
    %ne3A_2352 = arith.constant 0 : i32
    %ne3A_2353 = arith.cmpi ne, %rem3A_2351, %ne3A_2352 : i32
    %and3A_2354 = arith.andi %ne3A_2350, %ne3A_2353 : i1
    %sub3A_2355 = arith.constant 1 : i32
    %sub3A_2356 = arith.subi %div3A_2335, %sub3A_2355 : i32
    %select_n3A_2357 = arith.select %and3A_2354, %sub3A_2356, %div3A_2335 : i32
    %jit3A_2358 = arith.constant 16 : i32
    %eq3A_2359 = arith.constant 0 : i32
    %eq3A_2360 = arith.cmpi eq, %jit3A_2358, %eq3A_2359 : i32
    %jit3A_2361 = arith.constant 1 : i32
    %select_n3A_2362 = arith.select %eq3A_2360, %jit3A_2361, %jit3A_2358 : i32
    %rem3A_2363 = arith.remsi %add3A_2333, %select_n3A_2362 : i32
    %ne3A_2364 = arith.constant 0 : i32
    %ne3A_2365 = arith.cmpi ne, %rem3A_2363, %ne3A_2364 : i32
    %lt3A_2366 = arith.constant 0 : i32
    %lt3A_2367 = arith.cmpi slt, %rem3A_2363, %lt3A_2366 : i32
    %lt3A_2368 = arith.constant 0 : i32
    %lt3A_2369 = arith.cmpi slt, %select_n3A_2362, %lt3A_2368 : i32
    %ne3A_2370 = arith.xori %lt3A_2367, %lt3A_2369 : i1
    %and3A_2371 = arith.andi %ne3A_2370, %ne3A_2365 : i1
    %add3A_2372 = arith.addi %rem3A_2363, %select_n3A_2362 : i32
    %select_n3A_2373 = arith.select %and3A_2371, %add3A_2372, %rem3A_2363 : i32
    %mul3A_2374 = arith.constant 40000 : i32
    %mul3A_2375 = arith.muli %select_n3A_2357, %mul3A_2374 : i32
    %jit3A_2376 = arith.constant 128 : i32
    %div3A_2377 = arith.divsi %mul3A_2375, %jit3A_2376 : i32
    %sign3A_2378 = arith.constant 0 : i32
    %sign3A_2379 = arith.cmpi sgt, %mul3A_2375, %sign3A_2378 : i32
    %sign3A_2380 = arith.extui %sign3A_2379 : i1 to i32
    %sign3A_2381 = arith.constant 0 : i32
    %sign3A_2382 = arith.cmpi slt, %mul3A_2375, %sign3A_2381 : i32
    %sign3A_2383 = arith.extui %sign3A_2382 : i1 to i32
    %sign3A_2384 = arith.subi %sign3A_2380, %sign3A_2383 : i32
    %sign3A_2385 = arith.constant 0 : i32
    %sign3A_2386 = arith.cmpi sgt, %jit3A_2376, %sign3A_2385 : i32
    %sign3A_2387 = arith.extui %sign3A_2386 : i1 to i32
    %sign3A_2388 = arith.constant 0 : i32
    %sign3A_2389 = arith.cmpi slt, %jit3A_2376, %sign3A_2388 : i32
    %sign3A_2390 = arith.extui %sign3A_2389 : i1 to i32
    %sign3A_2391 = arith.subi %sign3A_2387, %sign3A_2390 : i32
    %ne3A_2392 = arith.cmpi ne, %sign3A_2384, %sign3A_2391 : i32
    %rem3A_2393 = arith.remsi %mul3A_2375, %jit3A_2376 : i32
    %ne3A_2394 = arith.constant 0 : i32
    %ne3A_2395 = arith.cmpi ne, %rem3A_2393, %ne3A_2394 : i32
    %and3A_2396 = arith.andi %ne3A_2392, %ne3A_2395 : i1
    %sub3A_2397 = arith.constant 1 : i32
    %sub3A_2398 = arith.subi %div3A_2377, %sub3A_2397 : i32
    %select_n3A_2399 = arith.select %and3A_2396, %sub3A_2398, %div3A_2377 : i32
    %mul3A_2400 = arith.constant 128 : i32
    %mul3A_2401 = arith.muli %select_n3A_2399, %mul3A_2400 : i32
    %sub3A_2402 = arith.subi %mul3A_2375, %mul3A_2401 : i32
    %mul3A_2403 = arith.constant 13 : i32
    %mul3A_2404 = arith.muli %add3A, %mul3A_2403 : i32
    %add3A_2405 = arith.constant 9 : i32
    %add3A_2406 = arith.addi %mul3A_2404, %add3A_2405 : i32
    %jit3A_2407 = arith.constant 16 : i32
    %div3A_2408 = arith.divsi %add3A_2406, %jit3A_2407 : i32
    %sign3A_2409 = arith.constant 0 : i32
    %sign3A_2410 = arith.cmpi sgt, %add3A_2406, %sign3A_2409 : i32
    %sign3A_2411 = arith.extui %sign3A_2410 : i1 to i32
    %sign3A_2412 = arith.constant 0 : i32
    %sign3A_2413 = arith.cmpi slt, %add3A_2406, %sign3A_2412 : i32
    %sign3A_2414 = arith.extui %sign3A_2413 : i1 to i32
    %sign3A_2415 = arith.subi %sign3A_2411, %sign3A_2414 : i32
    %sign3A_2416 = arith.constant 0 : i32
    %sign3A_2417 = arith.cmpi sgt, %jit3A_2407, %sign3A_2416 : i32
    %sign3A_2418 = arith.extui %sign3A_2417 : i1 to i32
    %sign3A_2419 = arith.constant 0 : i32
    %sign3A_2420 = arith.cmpi slt, %jit3A_2407, %sign3A_2419 : i32
    %sign3A_2421 = arith.extui %sign3A_2420 : i1 to i32
    %sign3A_2422 = arith.subi %sign3A_2418, %sign3A_2421 : i32
    %ne3A_2423 = arith.cmpi ne, %sign3A_2415, %sign3A_2422 : i32
    %rem3A_2424 = arith.remsi %add3A_2406, %jit3A_2407 : i32
    %ne3A_2425 = arith.constant 0 : i32
    %ne3A_2426 = arith.cmpi ne, %rem3A_2424, %ne3A_2425 : i32
    %and3A_2427 = arith.andi %ne3A_2423, %ne3A_2426 : i1
    %sub3A_2428 = arith.constant 1 : i32
    %sub3A_2429 = arith.subi %div3A_2408, %sub3A_2428 : i32
    %select_n3A_2430 = arith.select %and3A_2427, %sub3A_2429, %div3A_2408 : i32
    %jit3A_2431 = arith.constant 16 : i32
    %eq3A_2432 = arith.constant 0 : i32
    %eq3A_2433 = arith.cmpi eq, %jit3A_2431, %eq3A_2432 : i32
    %jit3A_2434 = arith.constant 1 : i32
    %select_n3A_2435 = arith.select %eq3A_2433, %jit3A_2434, %jit3A_2431 : i32
    %rem3A_2436 = arith.remsi %add3A_2406, %select_n3A_2435 : i32
    %ne3A_2437 = arith.constant 0 : i32
    %ne3A_2438 = arith.cmpi ne, %rem3A_2436, %ne3A_2437 : i32
    %lt3A_2439 = arith.constant 0 : i32
    %lt3A_2440 = arith.cmpi slt, %rem3A_2436, %lt3A_2439 : i32
    %lt3A_2441 = arith.constant 0 : i32
    %lt3A_2442 = arith.cmpi slt, %select_n3A_2435, %lt3A_2441 : i32
    %ne3A_2443 = arith.xori %lt3A_2440, %lt3A_2442 : i1
    %and3A_2444 = arith.andi %ne3A_2443, %ne3A_2438 : i1
    %add3A_2445 = arith.addi %rem3A_2436, %select_n3A_2435 : i32
    %select_n3A_2446 = arith.select %and3A_2444, %add3A_2445, %rem3A_2436 : i32
    %mul3A_2447 = arith.constant 40000 : i32
    %mul3A_2448 = arith.muli %select_n3A_2430, %mul3A_2447 : i32
    %jit3A_2449 = arith.constant 128 : i32
    %div3A_2450 = arith.divsi %mul3A_2448, %jit3A_2449 : i32
    %sign3A_2451 = arith.constant 0 : i32
    %sign3A_2452 = arith.cmpi sgt, %mul3A_2448, %sign3A_2451 : i32
    %sign3A_2453 = arith.extui %sign3A_2452 : i1 to i32
    %sign3A_2454 = arith.constant 0 : i32
    %sign3A_2455 = arith.cmpi slt, %mul3A_2448, %sign3A_2454 : i32
    %sign3A_2456 = arith.extui %sign3A_2455 : i1 to i32
    %sign3A_2457 = arith.subi %sign3A_2453, %sign3A_2456 : i32
    %sign3A_2458 = arith.constant 0 : i32
    %sign3A_2459 = arith.cmpi sgt, %jit3A_2449, %sign3A_2458 : i32
    %sign3A_2460 = arith.extui %sign3A_2459 : i1 to i32
    %sign3A_2461 = arith.constant 0 : i32
    %sign3A_2462 = arith.cmpi slt, %jit3A_2449, %sign3A_2461 : i32
    %sign3A_2463 = arith.extui %sign3A_2462 : i1 to i32
    %sign3A_2464 = arith.subi %sign3A_2460, %sign3A_2463 : i32
    %ne3A_2465 = arith.cmpi ne, %sign3A_2457, %sign3A_2464 : i32
    %rem3A_2466 = arith.remsi %mul3A_2448, %jit3A_2449 : i32
    %ne3A_2467 = arith.constant 0 : i32
    %ne3A_2468 = arith.cmpi ne, %rem3A_2466, %ne3A_2467 : i32
    %and3A_2469 = arith.andi %ne3A_2465, %ne3A_2468 : i1
    %sub3A_2470 = arith.constant 1 : i32
    %sub3A_2471 = arith.subi %div3A_2450, %sub3A_2470 : i32
    %select_n3A_2472 = arith.select %and3A_2469, %sub3A_2471, %div3A_2450 : i32
    %mul3A_2473 = arith.constant 128 : i32
    %mul3A_2474 = arith.muli %select_n3A_2472, %mul3A_2473 : i32
    %sub3A_2475 = arith.subi %mul3A_2448, %mul3A_2474 : i32
    %dma_start3A_2476 = tpu.memref_slice %arg2[%select_n3A_2446, %mul3A_2474] : memref<16x1040000xf32, #tpu.memory_space<hbm>> -> memref<1x40064xf32, #tpu.memory_space<hbm>>
    %dma_start3A_2477 = tpu.memref_squeeze %dma_start3A_2476 : memref<1x40064xf32, #tpu.memory_space<hbm>> -> memref<40064xf32, #tpu.memory_space<hbm>>
    %dma_start3A_2478 = tpu.memref_slice %arg2[%select_n3A_2446, %mul3A_2474] : memref<16x1040000xf32, #tpu.memory_space<hbm>> -> memref<1x40064xf32, #tpu.memory_space<hbm>>
    %dma_start3A_2479 = tpu.memref_squeeze %dma_start3A_2478 : memref<1x40064xf32, #tpu.memory_space<hbm>> -> memref<40064xf32, #tpu.memory_space<hbm>>
    tpu.enqueue_dma source(%dma_start3A_2479 : memref<40064xf32, #tpu.memory_space<hbm>>) target(%arg6 : memref<40064xf32, #tpu.memory_space<vmem>>) target_semaphore(%arg11 : memref<!tpu.dma_semaphore, #tpu.memory_space<semaphore_mem>>)
    %mul3A_2480 = arith.constant 13 : i32
    %mul3A_2481 = arith.muli %add3A, %mul3A_2480 : i32
    %add3A_2482 = arith.constant 8 : i32
    %add3A_2483 = arith.addi %mul3A_2481, %add3A_2482 : i32
    %sub3A_2484 = arith.constant 1 : i32
    %sub3A_2485 = arith.subi %add3A_2483, %sub3A_2484 : i32
    %jit3A_2486 = arith.constant 16 : i32
    %div3A_2487 = arith.divsi %sub3A_2485, %jit3A_2486 : i32
    %sign3A_2488 = arith.constant 0 : i32
    %sign3A_2489 = arith.cmpi sgt, %sub3A_2485, %sign3A_2488 : i32
    %sign3A_2490 = arith.extui %sign3A_2489 : i1 to i32
    %sign3A_2491 = arith.constant 0 : i32
    %sign3A_2492 = arith.cmpi slt, %sub3A_2485, %sign3A_2491 : i32
    %sign3A_2493 = arith.extui %sign3A_2492 : i1 to i32
    %sign3A_2494 = arith.subi %sign3A_2490, %sign3A_2493 : i32
    %sign3A_2495 = arith.constant 0 : i32
    %sign3A_2496 = arith.cmpi sgt, %jit3A_2486, %sign3A_2495 : i32
    %sign3A_2497 = arith.extui %sign3A_2496 : i1 to i32
    %sign3A_2498 = arith.constant 0 : i32
    %sign3A_2499 = arith.cmpi slt, %jit3A_2486, %sign3A_2498 : i32
    %sign3A_2500 = arith.extui %sign3A_2499 : i1 to i32
    %sign3A_2501 = arith.subi %sign3A_2497, %sign3A_2500 : i32
    %ne3A_2502 = arith.cmpi ne, %sign3A_2494, %sign3A_2501 : i32
    %rem3A_2503 = arith.remsi %sub3A_2485, %jit3A_2486 : i32
    %ne3A_2504 = arith.constant 0 : i32
    %ne3A_2505 = arith.cmpi ne, %rem3A_2503, %ne3A_2504 : i32
    %and3A_2506 = arith.andi %ne3A_2502, %ne3A_2505 : i1
    %sub3A_2507 = arith.constant 1 : i32
    %sub3A_2508 = arith.subi %div3A_2487, %sub3A_2507 : i32
    %select_n3A_2509 = arith.select %and3A_2506, %sub3A_2508, %div3A_2487 : i32
    %ne3A_2510 = arith.cmpi ne, %select_n3A_2357, %select_n3A_2509 : i32
    %convert_element_type3A_2511 = arith.extui %ne3A_2510 : i1 to i32
    %cond3A_2512 = arith.constant 0 : i32
    %cond3A_2513 = arith.cmpi ne, %convert_element_type3A_2511, %cond3A_2512 : i32
    scf.if %cond3A_2513 {
      %dma_wait3A_3588 = arith.constant 0 : i32
      %dma_wait3A_3589 = tpu.memref_slice %arg3[%select_n3A_2280, %dma_wait3A_3588] : memref<26x16384xi32, #tpu.memory_space<hbm>> -> memref<1x16384xi32, #tpu.memory_space<hbm>>
      %dma_wait3A_3590 = tpu.memref_squeeze %dma_wait3A_3589 : memref<1x16384xi32, #tpu.memory_space<hbm>> -> memref<16384xi32, #tpu.memory_space<hbm>>
      %dma_wait3A_3591 = arith.constant 0 : i32
      %dma_wait3A_3592 = tpu.memref_slice %arg3[%select_n3A_2280, %dma_wait3A_3591] : memref<26x16384xi32, #tpu.memory_space<hbm>> -> memref<1x16384xi32, #tpu.memory_space<hbm>>
      %dma_wait3A_3593 = tpu.memref_squeeze %dma_wait3A_3592 : memref<1x16384xi32, #tpu.memory_space<hbm>> -> memref<16384xi32, #tpu.memory_space<hbm>>
      tpu.wait_dma2 semaphore(%arg14 : memref<!tpu.dma_semaphore, #tpu.memory_space<semaphore_mem>>) src(%dma_wait3A_3593 : memref<16384xi32, #tpu.memory_space<hbm>>) dst(%arg7 : memref<16384xi32, #tpu.memory_space<vmem>>)
    } else {
    }
    %dma_wait3A_2514 = tpu.memref_slice %arg2[%select_n3A_2166, %mul3A_2194] : memref<16x1040000xf32, #tpu.memory_space<hbm>> -> memref<1x40064xf32, #tpu.memory_space<hbm>>
    %dma_wait3A_2515 = tpu.memref_squeeze %dma_wait3A_2514 : memref<1x40064xf32, #tpu.memory_space<hbm>> -> memref<40064xf32, #tpu.memory_space<hbm>>
    %dma_wait3A_2516 = tpu.memref_slice %arg2[%select_n3A_2166, %mul3A_2194] : memref<16x1040000xf32, #tpu.memory_space<hbm>> -> memref<1x40064xf32, #tpu.memory_space<hbm>>
    %dma_wait3A_2517 = tpu.memref_squeeze %dma_wait3A_2516 : memref<1x40064xf32, #tpu.memory_space<hbm>> -> memref<40064xf32, #tpu.memory_space<hbm>>
    tpu.wait_dma2 semaphore(%arg10 : memref<!tpu.dma_semaphore, #tpu.memory_space<semaphore_mem>>) src(%dma_wait3A_2517 : memref<40064xf32, #tpu.memory_space<hbm>>) dst(%arg5 : memref<40064xf32, #tpu.memory_space<vmem>>)
    %dma_wait3A_2518 = arith.constant 0 : i32
    %dma_wait3A_2519 = tpu.memref_slice %arg4[%select_n3A_1797, %select_n3A_1813, %dma_wait3A_2518] : memref<26x16x16384xf32, #tpu.memory_space<hbm>> -> memref<1x1x16384xf32, #tpu.memory_space<hbm>>
    %dma_wait3A_2520 = tpu.memref_squeeze %dma_wait3A_2519 : memref<1x1x16384xf32, #tpu.memory_space<hbm>> -> memref<16384xf32, #tpu.memory_space<hbm>>
    %dma_wait3A_2521 = arith.constant 0 : i32
    %dma_wait3A_2522 = tpu.memref_slice %arg4[%select_n3A_1797, %select_n3A_1813, %dma_wait3A_2521] : memref<26x16x16384xf32, #tpu.memory_space<hbm>> -> memref<1x1x16384xf32, #tpu.memory_space<hbm>>
    %dma_wait3A_2523 = tpu.memref_squeeze %dma_wait3A_2522 : memref<1x1x16384xf32, #tpu.memory_space<hbm>> -> memref<16384xf32, #tpu.memory_space<hbm>>
    tpu.wait_dma2 semaphore(%arg12 : memref<!tpu.dma_semaphore, #tpu.memory_space<semaphore_mem>>) src(%arg8 : memref<16384xf32, #tpu.memory_space<vmem>>) dst(%dma_wait3A_2523 : memref<16384xf32, #tpu.memory_space<hbm>>)
    %parallel_loop3A_2524 = arith.constant 0 : i32
    %parallel_loop3A_2525 = arith.constant 16384 : i32
    %parallel_loop3A_2526 = arith.constant 16 : i32
    scf.for %parallel_loop3A_3588 = %parallel_loop3A_2524 to %parallel_loop3A_2525 step %parallel_loop3A_2526  : i32 {
      %parallel_loop3A_3589 = arith.index_cast %parallel_loop3A_3588 : i32 to index
      %parallel_loop3A_3590 = tpu.vector_load %arg7[%parallel_loop3A_3589] {strides = array<i32>} : memref<16384xi32, #tpu.memory_space<vmem>>, vector<16xi32>,
      %parallel_loop3A_3591 = vector.broadcast %sub3A_2402 : i32 to vector<16xi32>
      %parallel_loop3A_3592 = arith.addi %parallel_loop3A_3590, %parallel_loop3A_3591 : vector<16xi32>
      %parallel_loop3A_3593 = tpu.vector_load_idx %arg5[%parallel_loop3A_3592] : memref<40064xf32, #tpu.memory_space<vmem>>[vector<16xi32>], vector<16xf32>,
      %parallel_loop3A_3594 = arith.index_cast %parallel_loop3A_3588 : i32 to index
      %parallel_loop3A_3595 = tpu.vector_load %arg8[%parallel_loop3A_3594] {strides = array<i32>} : memref<16384xf32, #tpu.memory_space<vmem>>, vector<16xf32>,
      tpu.vector_store %arg8[%parallel_loop3A_3594], %parallel_loop3A_3593 {strides = array<i32>} : memref<16384xf32, #tpu.memory_space<vmem>>, vector<16xf32>,
    } {sc.loop_unroll_factor = 8 : i64, sc.parallel_access}
    %dma_start3A_2527 = arith.constant 0 : i32
    %dma_start3A_2528 = tpu.memref_slice %arg4[%select_n3A_2357, %select_n3A_2373, %dma_start3A_2527] : memref<26x16x16384xf32, #tpu.memory_space<hbm>> -> memref<1x1x16384xf32, #tpu.memory_space<hbm>>
    %dma_start3A_2529 = tpu.memref_squeeze %dma_start3A_2528 : memref<1x1x16384xf32, #tpu.memory_space<hbm>> -> memref<16384xf32, #tpu.memory_space<hbm>>
    %dma_start3A_2530 = arith.constant 0 : i32
    %dma_start3A_2531 = tpu.memref_slice %arg4[%select_n3A_2357, %select_n3A_2373, %dma_start3A_2530] : memref<26x16x16384xf32, #tpu.memory_space<hbm>> -> memref<1x1x16384xf32, #tpu.memory_space<hbm>>
    %dma_start3A_2532 = tpu.memref_squeeze %dma_start3A_2531 : memref<1x1x16384xf32, #tpu.memory_space<hbm>> -> memref<16384xf32, #tpu.memory_space<hbm>>
    tpu.enqueue_dma source(%arg8 : memref<16384xf32, #tpu.memory_space<vmem>>) target(%dma_start3A_2532 : memref<16384xf32, #tpu.memory_space<hbm>>) target_semaphore(%arg12 : memref<!tpu.dma_semaphore, #tpu.memory_space<semaphore_mem>>)
    %mul3A_2533 = arith.constant 13 : i32
    %mul3A_2534 = arith.muli %add3A, %mul3A_2533 : i32
    %add3A_2535 = arith.constant 9 : i32
    %add3A_2536 = arith.addi %mul3A_2534, %add3A_2535 : i32
    %jit3A_2537 = arith.constant 16 : i32
    %div3A_2538 = arith.divsi %add3A_2536, %jit3A_2537 : i32
    %sign3A_2539 = arith.constant 0 : i32
    %sign3A_2540 = arith.cmpi sgt, %add3A_2536, %sign3A_2539 : i32
    %sign3A_2541 = arith.extui %sign3A_2540 : i1 to i32
    %sign3A_2542 = arith.constant 0 : i32
    %sign3A_2543 = arith.cmpi slt, %add3A_2536, %sign3A_2542 : i32
    %sign3A_2544 = arith.extui %sign3A_2543 : i1 to i32
    %sign3A_2545 = arith.subi %sign3A_2541, %sign3A_2544 : i32
    %sign3A_2546 = arith.constant 0 : i32
    %sign3A_2547 = arith.cmpi sgt, %jit3A_2537, %sign3A_2546 : i32
    %sign3A_2548 = arith.extui %sign3A_2547 : i1 to i32
    %sign3A_2549 = arith.constant 0 : i32
    %sign3A_2550 = arith.cmpi slt, %jit3A_2537, %sign3A_2549 : i32
    %sign3A_2551 = arith.extui %sign3A_2550 : i1 to i32
    %sign3A_2552 = arith.subi %sign3A_2548, %sign3A_2551 : i32
    %ne3A_2553 = arith.cmpi ne, %sign3A_2545, %sign3A_2552 : i32
    %rem3A_2554 = arith.remsi %add3A_2536, %jit3A_2537 : i32
    %ne3A_2555 = arith.constant 0 : i32
    %ne3A_2556 = arith.cmpi ne, %rem3A_2554, %ne3A_2555 : i32
    %and3A_2557 = arith.andi %ne3A_2553, %ne3A_2556 : i1
    %sub3A_2558 = arith.constant 1 : i32
    %sub3A_2559 = arith.subi %div3A_2538, %sub3A_2558 : i32
    %select_n3A_2560 = arith.select %and3A_2557, %sub3A_2559, %div3A_2538 : i32
    %jit3A_2561 = arith.constant 16 : i32
    %eq3A_2562 = arith.constant 0 : i32
    %eq3A_2563 = arith.cmpi eq, %jit3A_2561, %eq3A_2562 : i32
    %jit3A_2564 = arith.constant 1 : i32
    %select_n3A_2565 = arith.select %eq3A_2563, %jit3A_2564, %jit3A_2561 : i32
    %rem3A_2566 = arith.remsi %add3A_2536, %select_n3A_2565 : i32
    %ne3A_2567 = arith.constant 0 : i32
    %ne3A_2568 = arith.cmpi ne, %rem3A_2566, %ne3A_2567 : i32
    %lt3A_2569 = arith.constant 0 : i32
    %lt3A_2570 = arith.cmpi slt, %rem3A_2566, %lt3A_2569 : i32
    %lt3A_2571 = arith.constant 0 : i32
    %lt3A_2572 = arith.cmpi slt, %select_n3A_2565, %lt3A_2571 : i32
    %ne3A_2573 = arith.xori %lt3A_2570, %lt3A_2572 : i1
    %and3A_2574 = arith.andi %ne3A_2573, %ne3A_2568 : i1
    %add3A_2575 = arith.addi %rem3A_2566, %select_n3A_2565 : i32
    %select_n3A_2576 = arith.select %and3A_2574, %add3A_2575, %rem3A_2566 : i32
    %mul3A_2577 = arith.constant 40000 : i32
    %mul3A_2578 = arith.muli %select_n3A_2560, %mul3A_2577 : i32
    %jit3A_2579 = arith.constant 128 : i32
    %div3A_2580 = arith.divsi %mul3A_2578, %jit3A_2579 : i32
    %sign3A_2581 = arith.constant 0 : i32
    %sign3A_2582 = arith.cmpi sgt, %mul3A_2578, %sign3A_2581 : i32
    %sign3A_2583 = arith.extui %sign3A_2582 : i1 to i32
    %sign3A_2584 = arith.constant 0 : i32
    %sign3A_2585 = arith.cmpi slt, %mul3A_2578, %sign3A_2584 : i32
    %sign3A_2586 = arith.extui %sign3A_2585 : i1 to i32
    %sign3A_2587 = arith.subi %sign3A_2583, %sign3A_2586 : i32
    %sign3A_2588 = arith.constant 0 : i32
    %sign3A_2589 = arith.cmpi sgt, %jit3A_2579, %sign3A_2588 : i32
    %sign3A_2590 = arith.extui %sign3A_2589 : i1 to i32
    %sign3A_2591 = arith.constant 0 : i32
    %sign3A_2592 = arith.cmpi slt, %jit3A_2579, %sign3A_2591 : i32
    %sign3A_2593 = arith.extui %sign3A_2592 : i1 to i32
    %sign3A_2594 = arith.subi %sign3A_2590, %sign3A_2593 : i32
    %ne3A_2595 = arith.cmpi ne, %sign3A_2587, %sign3A_2594 : i32
    %rem3A_2596 = arith.remsi %mul3A_2578, %jit3A_2579 : i32
    %ne3A_2597 = arith.constant 0 : i32
    %ne3A_2598 = arith.cmpi ne, %rem3A_2596, %ne3A_2597 : i32
    %and3A_2599 = arith.andi %ne3A_2595, %ne3A_2598 : i1
    %sub3A_2600 = arith.constant 1 : i32
    %sub3A_2601 = arith.subi %div3A_2580, %sub3A_2600 : i32
    %select_n3A_2602 = arith.select %and3A_2599, %sub3A_2601, %div3A_2580 : i32
    %mul3A_2603 = arith.constant 128 : i32
    %mul3A_2604 = arith.muli %select_n3A_2602, %mul3A_2603 : i32
    %sub3A_2605 = arith.subi %mul3A_2578, %mul3A_2604 : i32
    %ne3A_2606 = arith.cmpi ne, %select_n3A_2560, %select_n3A_2357 : i32
    %convert_element_type3A_2607 = arith.extui %ne3A_2606 : i1 to i32
    %cond3A_2608 = arith.constant 0 : i32
    %cond3A_2609 = arith.cmpi ne, %convert_element_type3A_2607, %cond3A_2608 : i32
    scf.if %cond3A_2609 {
      %dma_start3A_3588 = arith.constant 0 : i32
      %dma_start3A_3589 = tpu.memref_slice %arg3[%select_n3A_2560, %dma_start3A_3588] : memref<26x16384xi32, #tpu.memory_space<hbm>> -> memref<1x16384xi32, #tpu.memory_space<hbm>>
      %dma_start3A_3590 = tpu.memref_squeeze %dma_start3A_3589 : memref<1x16384xi32, #tpu.memory_space<hbm>> -> memref<16384xi32, #tpu.memory_space<hbm>>
      %dma_start3A_3591 = arith.constant 0 : i32
      %dma_start3A_3592 = tpu.memref_slice %arg3[%select_n3A_2560, %dma_start3A_3591] : memref<26x16384xi32, #tpu.memory_space<hbm>> -> memref<1x16384xi32, #tpu.memory_space<hbm>>
      %dma_start3A_3593 = tpu.memref_squeeze %dma_start3A_3592 : memref<1x16384xi32, #tpu.memory_space<hbm>> -> memref<16384xi32, #tpu.memory_space<hbm>>
      tpu.enqueue_dma source(%dma_start3A_3593 : memref<16384xi32, #tpu.memory_space<hbm>>) target(%arg7 : memref<16384xi32, #tpu.memory_space<vmem>>) target_semaphore(%arg14 : memref<!tpu.dma_semaphore, #tpu.memory_space<semaphore_mem>>)
    } else {
    }
    %mul3A_2610 = arith.constant 13 : i32
    %mul3A_2611 = arith.muli %add3A, %mul3A_2610 : i32
    %add3A_2612 = arith.constant 9 : i32
    %add3A_2613 = arith.addi %mul3A_2611, %add3A_2612 : i32
    %jit3A_2614 = arith.constant 16 : i32
    %div3A_2615 = arith.divsi %add3A_2613, %jit3A_2614 : i32
    %sign3A_2616 = arith.constant 0 : i32
    %sign3A_2617 = arith.cmpi sgt, %add3A_2613, %sign3A_2616 : i32
    %sign3A_2618 = arith.extui %sign3A_2617 : i1 to i32
    %sign3A_2619 = arith.constant 0 : i32
    %sign3A_2620 = arith.cmpi slt, %add3A_2613, %sign3A_2619 : i32
    %sign3A_2621 = arith.extui %sign3A_2620 : i1 to i32
    %sign3A_2622 = arith.subi %sign3A_2618, %sign3A_2621 : i32
    %sign3A_2623 = arith.constant 0 : i32
    %sign3A_2624 = arith.cmpi sgt, %jit3A_2614, %sign3A_2623 : i32
    %sign3A_2625 = arith.extui %sign3A_2624 : i1 to i32
    %sign3A_2626 = arith.constant 0 : i32
    %sign3A_2627 = arith.cmpi slt, %jit3A_2614, %sign3A_2626 : i32
    %sign3A_2628 = arith.extui %sign3A_2627 : i1 to i32
    %sign3A_2629 = arith.subi %sign3A_2625, %sign3A_2628 : i32
    %ne3A_2630 = arith.cmpi ne, %sign3A_2622, %sign3A_2629 : i32
    %rem3A_2631 = arith.remsi %add3A_2613, %jit3A_2614 : i32
    %ne3A_2632 = arith.constant 0 : i32
    %ne3A_2633 = arith.cmpi ne, %rem3A_2631, %ne3A_2632 : i32
    %and3A_2634 = arith.andi %ne3A_2630, %ne3A_2633 : i1
    %sub3A_2635 = arith.constant 1 : i32
    %sub3A_2636 = arith.subi %div3A_2615, %sub3A_2635 : i32
    %select_n3A_2637 = arith.select %and3A_2634, %sub3A_2636, %div3A_2615 : i32
    %jit3A_2638 = arith.constant 16 : i32
    %eq3A_2639 = arith.constant 0 : i32
    %eq3A_2640 = arith.cmpi eq, %jit3A_2638, %eq3A_2639 : i32
    %jit3A_2641 = arith.constant 1 : i32
    %select_n3A_2642 = arith.select %eq3A_2640, %jit3A_2641, %jit3A_2638 : i32
    %rem3A_2643 = arith.remsi %add3A_2613, %select_n3A_2642 : i32
    %ne3A_2644 = arith.constant 0 : i32
    %ne3A_2645 = arith.cmpi ne, %rem3A_2643, %ne3A_2644 : i32
    %lt3A_2646 = arith.constant 0 : i32
    %lt3A_2647 = arith.cmpi slt, %rem3A_2643, %lt3A_2646 : i32
    %lt3A_2648 = arith.constant 0 : i32
    %lt3A_2649 = arith.cmpi slt, %select_n3A_2642, %lt3A_2648 : i32
    %ne3A_2650 = arith.xori %lt3A_2647, %lt3A_2649 : i1
    %and3A_2651 = arith.andi %ne3A_2650, %ne3A_2645 : i1
    %add3A_2652 = arith.addi %rem3A_2643, %select_n3A_2642 : i32
    %select_n3A_2653 = arith.select %and3A_2651, %add3A_2652, %rem3A_2643 : i32
    %mul3A_2654 = arith.constant 40000 : i32
    %mul3A_2655 = arith.muli %select_n3A_2637, %mul3A_2654 : i32
    %jit3A_2656 = arith.constant 128 : i32
    %div3A_2657 = arith.divsi %mul3A_2655, %jit3A_2656 : i32
    %sign3A_2658 = arith.constant 0 : i32
    %sign3A_2659 = arith.cmpi sgt, %mul3A_2655, %sign3A_2658 : i32
    %sign3A_2660 = arith.extui %sign3A_2659 : i1 to i32
    %sign3A_2661 = arith.constant 0 : i32
    %sign3A_2662 = arith.cmpi slt, %mul3A_2655, %sign3A_2661 : i32
    %sign3A_2663 = arith.extui %sign3A_2662 : i1 to i32
    %sign3A_2664 = arith.subi %sign3A_2660, %sign3A_2663 : i32
    %sign3A_2665 = arith.constant 0 : i32
    %sign3A_2666 = arith.cmpi sgt, %jit3A_2656, %sign3A_2665 : i32
    %sign3A_2667 = arith.extui %sign3A_2666 : i1 to i32
    %sign3A_2668 = arith.constant 0 : i32
    %sign3A_2669 = arith.cmpi slt, %jit3A_2656, %sign3A_2668 : i32
    %sign3A_2670 = arith.extui %sign3A_2669 : i1 to i32
    %sign3A_2671 = arith.subi %sign3A_2667, %sign3A_2670 : i32
    %ne3A_2672 = arith.cmpi ne, %sign3A_2664, %sign3A_2671 : i32
    %rem3A_2673 = arith.remsi %mul3A_2655, %jit3A_2656 : i32
    %ne3A_2674 = arith.constant 0 : i32
    %ne3A_2675 = arith.cmpi ne, %rem3A_2673, %ne3A_2674 : i32
    %and3A_2676 = arith.andi %ne3A_2672, %ne3A_2675 : i1
    %sub3A_2677 = arith.constant 1 : i32
    %sub3A_2678 = arith.subi %div3A_2657, %sub3A_2677 : i32
    %select_n3A_2679 = arith.select %and3A_2676, %sub3A_2678, %div3A_2657 : i32
    %mul3A_2680 = arith.constant 128 : i32
    %mul3A_2681 = arith.muli %select_n3A_2679, %mul3A_2680 : i32
    %sub3A_2682 = arith.subi %mul3A_2655, %mul3A_2681 : i32
    %mul3A_2683 = arith.constant 13 : i32
    %mul3A_2684 = arith.muli %add3A, %mul3A_2683 : i32
    %add3A_2685 = arith.constant 10 : i32
    %add3A_2686 = arith.addi %mul3A_2684, %add3A_2685 : i32
    %jit3A_2687 = arith.constant 16 : i32
    %div3A_2688 = arith.divsi %add3A_2686, %jit3A_2687 : i32
    %sign3A_2689 = arith.constant 0 : i32
    %sign3A_2690 = arith.cmpi sgt, %add3A_2686, %sign3A_2689 : i32
    %sign3A_2691 = arith.extui %sign3A_2690 : i1 to i32
    %sign3A_2692 = arith.constant 0 : i32
    %sign3A_2693 = arith.cmpi slt, %add3A_2686, %sign3A_2692 : i32
    %sign3A_2694 = arith.extui %sign3A_2693 : i1 to i32
    %sign3A_2695 = arith.subi %sign3A_2691, %sign3A_2694 : i32
    %sign3A_2696 = arith.constant 0 : i32
    %sign3A_2697 = arith.cmpi sgt, %jit3A_2687, %sign3A_2696 : i32
    %sign3A_2698 = arith.extui %sign3A_2697 : i1 to i32
    %sign3A_2699 = arith.constant 0 : i32
    %sign3A_2700 = arith.cmpi slt, %jit3A_2687, %sign3A_2699 : i32
    %sign3A_2701 = arith.extui %sign3A_2700 : i1 to i32
    %sign3A_2702 = arith.subi %sign3A_2698, %sign3A_2701 : i32
    %ne3A_2703 = arith.cmpi ne, %sign3A_2695, %sign3A_2702 : i32
    %rem3A_2704 = arith.remsi %add3A_2686, %jit3A_2687 : i32
    %ne3A_2705 = arith.constant 0 : i32
    %ne3A_2706 = arith.cmpi ne, %rem3A_2704, %ne3A_2705 : i32
    %and3A_2707 = arith.andi %ne3A_2703, %ne3A_2706 : i1
    %sub3A_2708 = arith.constant 1 : i32
    %sub3A_2709 = arith.subi %div3A_2688, %sub3A_2708 : i32
    %select_n3A_2710 = arith.select %and3A_2707, %sub3A_2709, %div3A_2688 : i32
    %jit3A_2711 = arith.constant 16 : i32
    %eq3A_2712 = arith.constant 0 : i32
    %eq3A_2713 = arith.cmpi eq, %jit3A_2711, %eq3A_2712 : i32
    %jit3A_2714 = arith.constant 1 : i32
    %select_n3A_2715 = arith.select %eq3A_2713, %jit3A_2714, %jit3A_2711 : i32
    %rem3A_2716 = arith.remsi %add3A_2686, %select_n3A_2715 : i32
    %ne3A_2717 = arith.constant 0 : i32
    %ne3A_2718 = arith.cmpi ne, %rem3A_2716, %ne3A_2717 : i32
    %lt3A_2719 = arith.constant 0 : i32
    %lt3A_2720 = arith.cmpi slt, %rem3A_2716, %lt3A_2719 : i32
    %lt3A_2721 = arith.constant 0 : i32
    %lt3A_2722 = arith.cmpi slt, %select_n3A_2715, %lt3A_2721 : i32
    %ne3A_2723 = arith.xori %lt3A_2720, %lt3A_2722 : i1
    %and3A_2724 = arith.andi %ne3A_2723, %ne3A_2718 : i1
    %add3A_2725 = arith.addi %rem3A_2716, %select_n3A_2715 : i32
    %select_n3A_2726 = arith.select %and3A_2724, %add3A_2725, %rem3A_2716 : i32
    %mul3A_2727 = arith.constant 40000 : i32
    %mul3A_2728 = arith.muli %select_n3A_2710, %mul3A_2727 : i32
    %jit3A_2729 = arith.constant 128 : i32
    %div3A_2730 = arith.divsi %mul3A_2728, %jit3A_2729 : i32
    %sign3A_2731 = arith.constant 0 : i32
    %sign3A_2732 = arith.cmpi sgt, %mul3A_2728, %sign3A_2731 : i32
    %sign3A_2733 = arith.extui %sign3A_2732 : i1 to i32
    %sign3A_2734 = arith.constant 0 : i32
    %sign3A_2735 = arith.cmpi slt, %mul3A_2728, %sign3A_2734 : i32
    %sign3A_2736 = arith.extui %sign3A_2735 : i1 to i32
    %sign3A_2737 = arith.subi %sign3A_2733, %sign3A_2736 : i32
    %sign3A_2738 = arith.constant 0 : i32
    %sign3A_2739 = arith.cmpi sgt, %jit3A_2729, %sign3A_2738 : i32
    %sign3A_2740 = arith.extui %sign3A_2739 : i1 to i32
    %sign3A_2741 = arith.constant 0 : i32
    %sign3A_2742 = arith.cmpi slt, %jit3A_2729, %sign3A_2741 : i32
    %sign3A_2743 = arith.extui %sign3A_2742 : i1 to i32
    %sign3A_2744 = arith.subi %sign3A_2740, %sign3A_2743 : i32
    %ne3A_2745 = arith.cmpi ne, %sign3A_2737, %sign3A_2744 : i32
    %rem3A_2746 = arith.remsi %mul3A_2728, %jit3A_2729 : i32
    %ne3A_2747 = arith.constant 0 : i32
    %ne3A_2748 = arith.cmpi ne, %rem3A_2746, %ne3A_2747 : i32
    %and3A_2749 = arith.andi %ne3A_2745, %ne3A_2748 : i1
    %sub3A_2750 = arith.constant 1 : i32
    %sub3A_2751 = arith.subi %div3A_2730, %sub3A_2750 : i32
    %select_n3A_2752 = arith.select %and3A_2749, %sub3A_2751, %div3A_2730 : i32
    %mul3A_2753 = arith.constant 128 : i32
    %mul3A_2754 = arith.muli %select_n3A_2752, %mul3A_2753 : i32
    %sub3A_2755 = arith.subi %mul3A_2728, %mul3A_2754 : i32
    %dma_start3A_2756 = tpu.memref_slice %arg2[%select_n3A_2726, %mul3A_2754] : memref<16x1040000xf32, #tpu.memory_space<hbm>> -> memref<1x40064xf32, #tpu.memory_space<hbm>>
    %dma_start3A_2757 = tpu.memref_squeeze %dma_start3A_2756 : memref<1x40064xf32, #tpu.memory_space<hbm>> -> memref<40064xf32, #tpu.memory_space<hbm>>
    %dma_start3A_2758 = tpu.memref_slice %arg2[%select_n3A_2726, %mul3A_2754] : memref<16x1040000xf32, #tpu.memory_space<hbm>> -> memref<1x40064xf32, #tpu.memory_space<hbm>>
    %dma_start3A_2759 = tpu.memref_squeeze %dma_start3A_2758 : memref<1x40064xf32, #tpu.memory_space<hbm>> -> memref<40064xf32, #tpu.memory_space<hbm>>
    tpu.enqueue_dma source(%dma_start3A_2759 : memref<40064xf32, #tpu.memory_space<hbm>>) target(%arg5 : memref<40064xf32, #tpu.memory_space<vmem>>) target_semaphore(%arg10 : memref<!tpu.dma_semaphore, #tpu.memory_space<semaphore_mem>>)
    %mul3A_2760 = arith.constant 13 : i32
    %mul3A_2761 = arith.muli %add3A, %mul3A_2760 : i32
    %add3A_2762 = arith.constant 9 : i32
    %add3A_2763 = arith.addi %mul3A_2761, %add3A_2762 : i32
    %sub3A_2764 = arith.constant 1 : i32
    %sub3A_2765 = arith.subi %add3A_2763, %sub3A_2764 : i32
    %jit3A_2766 = arith.constant 16 : i32
    %div3A_2767 = arith.divsi %sub3A_2765, %jit3A_2766 : i32
    %sign3A_2768 = arith.constant 0 : i32
    %sign3A_2769 = arith.cmpi sgt, %sub3A_2765, %sign3A_2768 : i32
    %sign3A_2770 = arith.extui %sign3A_2769 : i1 to i32
    %sign3A_2771 = arith.constant 0 : i32
    %sign3A_2772 = arith.cmpi slt, %sub3A_2765, %sign3A_2771 : i32
    %sign3A_2773 = arith.extui %sign3A_2772 : i1 to i32
    %sign3A_2774 = arith.subi %sign3A_2770, %sign3A_2773 : i32
    %sign3A_2775 = arith.constant 0 : i32
    %sign3A_2776 = arith.cmpi sgt, %jit3A_2766, %sign3A_2775 : i32
    %sign3A_2777 = arith.extui %sign3A_2776 : i1 to i32
    %sign3A_2778 = arith.constant 0 : i32
    %sign3A_2779 = arith.cmpi slt, %jit3A_2766, %sign3A_2778 : i32
    %sign3A_2780 = arith.extui %sign3A_2779 : i1 to i32
    %sign3A_2781 = arith.subi %sign3A_2777, %sign3A_2780 : i32
    %ne3A_2782 = arith.cmpi ne, %sign3A_2774, %sign3A_2781 : i32
    %rem3A_2783 = arith.remsi %sub3A_2765, %jit3A_2766 : i32
    %ne3A_2784 = arith.constant 0 : i32
    %ne3A_2785 = arith.cmpi ne, %rem3A_2783, %ne3A_2784 : i32
    %and3A_2786 = arith.andi %ne3A_2782, %ne3A_2785 : i1
    %sub3A_2787 = arith.constant 1 : i32
    %sub3A_2788 = arith.subi %div3A_2767, %sub3A_2787 : i32
    %select_n3A_2789 = arith.select %and3A_2786, %sub3A_2788, %div3A_2767 : i32
    %ne3A_2790 = arith.cmpi ne, %select_n3A_2637, %select_n3A_2789 : i32
    %convert_element_type3A_2791 = arith.extui %ne3A_2790 : i1 to i32
    %cond3A_2792 = arith.constant 0 : i32
    %cond3A_2793 = arith.cmpi ne, %convert_element_type3A_2791, %cond3A_2792 : i32
    scf.if %cond3A_2793 {
      %dma_wait3A_3588 = arith.constant 0 : i32
      %dma_wait3A_3589 = tpu.memref_slice %arg3[%select_n3A_2560, %dma_wait3A_3588] : memref<26x16384xi32, #tpu.memory_space<hbm>> -> memref<1x16384xi32, #tpu.memory_space<hbm>>
      %dma_wait3A_3590 = tpu.memref_squeeze %dma_wait3A_3589 : memref<1x16384xi32, #tpu.memory_space<hbm>> -> memref<16384xi32, #tpu.memory_space<hbm>>
      %dma_wait3A_3591 = arith.constant 0 : i32
      %dma_wait3A_3592 = tpu.memref_slice %arg3[%select_n3A_2560, %dma_wait3A_3591] : memref<26x16384xi32, #tpu.memory_space<hbm>> -> memref<1x16384xi32, #tpu.memory_space<hbm>>
      %dma_wait3A_3593 = tpu.memref_squeeze %dma_wait3A_3592 : memref<1x16384xi32, #tpu.memory_space<hbm>> -> memref<16384xi32, #tpu.memory_space<hbm>>
      tpu.wait_dma2 semaphore(%arg14 : memref<!tpu.dma_semaphore, #tpu.memory_space<semaphore_mem>>) src(%dma_wait3A_3593 : memref<16384xi32, #tpu.memory_space<hbm>>) dst(%arg7 : memref<16384xi32, #tpu.memory_space<vmem>>)
    } else {
    }
    %dma_wait3A_2794 = tpu.memref_slice %arg2[%select_n3A_2446, %mul3A_2474] : memref<16x1040000xf32, #tpu.memory_space<hbm>> -> memref<1x40064xf32, #tpu.memory_space<hbm>>
    %dma_wait3A_2795 = tpu.memref_squeeze %dma_wait3A_2794 : memref<1x40064xf32, #tpu.memory_space<hbm>> -> memref<40064xf32, #tpu.memory_space<hbm>>
    %dma_wait3A_2796 = tpu.memref_slice %arg2[%select_n3A_2446, %mul3A_2474] : memref<16x1040000xf32, #tpu.memory_space<hbm>> -> memref<1x40064xf32, #tpu.memory_space<hbm>>
    %dma_wait3A_2797 = tpu.memref_squeeze %dma_wait3A_2796 : memref<1x40064xf32, #tpu.memory_space<hbm>> -> memref<40064xf32, #tpu.memory_space<hbm>>
    tpu.wait_dma2 semaphore(%arg11 : memref<!tpu.dma_semaphore, #tpu.memory_space<semaphore_mem>>) src(%dma_wait3A_2797 : memref<40064xf32, #tpu.memory_space<hbm>>) dst(%arg6 : memref<40064xf32, #tpu.memory_space<vmem>>)
    %dma_wait3A_2798 = arith.constant 0 : i32
    %dma_wait3A_2799 = tpu.memref_slice %arg4[%select_n3A_2077, %select_n3A_2093, %dma_wait3A_2798] : memref<26x16x16384xf32, #tpu.memory_space<hbm>> -> memref<1x1x16384xf32, #tpu.memory_space<hbm>>
    %dma_wait3A_2800 = tpu.memref_squeeze %dma_wait3A_2799 : memref<1x1x16384xf32, #tpu.memory_space<hbm>> -> memref<16384xf32, #tpu.memory_space<hbm>>
    %dma_wait3A_2801 = arith.constant 0 : i32
    %dma_wait3A_2802 = tpu.memref_slice %arg4[%select_n3A_2077, %select_n3A_2093, %dma_wait3A_2801] : memref<26x16x16384xf32, #tpu.memory_space<hbm>> -> memref<1x1x16384xf32, #tpu.memory_space<hbm>>
    %dma_wait3A_2803 = tpu.memref_squeeze %dma_wait3A_2802 : memref<1x1x16384xf32, #tpu.memory_space<hbm>> -> memref<16384xf32, #tpu.memory_space<hbm>>
    tpu.wait_dma2 semaphore(%arg13 : memref<!tpu.dma_semaphore, #tpu.memory_space<semaphore_mem>>) src(%arg9 : memref<16384xf32, #tpu.memory_space<vmem>>) dst(%dma_wait3A_2803 : memref<16384xf32, #tpu.memory_space<hbm>>)
    %parallel_loop3A_2804 = arith.constant 0 : i32
    %parallel_loop3A_2805 = arith.constant 16384 : i32
    %parallel_loop3A_2806 = arith.constant 16 : i32
    scf.for %parallel_loop3A_3588 = %parallel_loop3A_2804 to %parallel_loop3A_2805 step %parallel_loop3A_2806  : i32 {
      %parallel_loop3A_3589 = arith.index_cast %parallel_loop3A_3588 : i32 to index
      %parallel_loop3A_3590 = tpu.vector_load %arg7[%parallel_loop3A_3589] {strides = array<i32>} : memref<16384xi32, #tpu.memory_space<vmem>>, vector<16xi32>,
      %parallel_loop3A_3591 = vector.broadcast %sub3A_2682 : i32 to vector<16xi32>
      %parallel_loop3A_3592 = arith.addi %parallel_loop3A_3590, %parallel_loop3A_3591 : vector<16xi32>
      %parallel_loop3A_3593 = tpu.vector_load_idx %arg6[%parallel_loop3A_3592] : memref<40064xf32, #tpu.memory_space<vmem>>[vector<16xi32>], vector<16xf32>,
      %parallel_loop3A_3594 = arith.index_cast %parallel_loop3A_3588 : i32 to index
      %parallel_loop3A_3595 = tpu.vector_load %arg9[%parallel_loop3A_3594] {strides = array<i32>} : memref<16384xf32, #tpu.memory_space<vmem>>, vector<16xf32>,
      tpu.vector_store %arg9[%parallel_loop3A_3594], %parallel_loop3A_3593 {strides = array<i32>} : memref<16384xf32, #tpu.memory_space<vmem>>, vector<16xf32>,
    } {sc.loop_unroll_factor = 8 : i64, sc.parallel_access}
    %dma_start3A_2807 = arith.constant 0 : i32
    %dma_start3A_2808 = tpu.memref_slice %arg4[%select_n3A_2637, %select_n3A_2653, %dma_start3A_2807] : memref<26x16x16384xf32, #tpu.memory_space<hbm>> -> memref<1x1x16384xf32, #tpu.memory_space<hbm>>
    %dma_start3A_2809 = tpu.memref_squeeze %dma_start3A_2808 : memref<1x1x16384xf32, #tpu.memory_space<hbm>> -> memref<16384xf32, #tpu.memory_space<hbm>>
    %dma_start3A_2810 = arith.constant 0 : i32
    %dma_start3A_2811 = tpu.memref_slice %arg4[%select_n3A_2637, %select_n3A_2653, %dma_start3A_2810] : memref<26x16x16384xf32, #tpu.memory_space<hbm>> -> memref<1x1x16384xf32, #tpu.memory_space<hbm>>
    %dma_start3A_2812 = tpu.memref_squeeze %dma_start3A_2811 : memref<1x1x16384xf32, #tpu.memory_space<hbm>> -> memref<16384xf32, #tpu.memory_space<hbm>>
    tpu.enqueue_dma source(%arg9 : memref<16384xf32, #tpu.memory_space<vmem>>) target(%dma_start3A_2812 : memref<16384xf32, #tpu.memory_space<hbm>>) target_semaphore(%arg13 : memref<!tpu.dma_semaphore, #tpu.memory_space<semaphore_mem>>)
    %mul3A_2813 = arith.constant 13 : i32
    %mul3A_2814 = arith.muli %add3A, %mul3A_2813 : i32
    %add3A_2815 = arith.constant 10 : i32
    %add3A_2816 = arith.addi %mul3A_2814, %add3A_2815 : i32
    %jit3A_2817 = arith.constant 16 : i32
    %div3A_2818 = arith.divsi %add3A_2816, %jit3A_2817 : i32
    %sign3A_2819 = arith.constant 0 : i32
    %sign3A_2820 = arith.cmpi sgt, %add3A_2816, %sign3A_2819 : i32
    %sign3A_2821 = arith.extui %sign3A_2820 : i1 to i32
    %sign3A_2822 = arith.constant 0 : i32
    %sign3A_2823 = arith.cmpi slt, %add3A_2816, %sign3A_2822 : i32
    %sign3A_2824 = arith.extui %sign3A_2823 : i1 to i32
    %sign3A_2825 = arith.subi %sign3A_2821, %sign3A_2824 : i32
    %sign3A_2826 = arith.constant 0 : i32
    %sign3A_2827 = arith.cmpi sgt, %jit3A_2817, %sign3A_2826 : i32
    %sign3A_2828 = arith.extui %sign3A_2827 : i1 to i32
    %sign3A_2829 = arith.constant 0 : i32
    %sign3A_2830 = arith.cmpi slt, %jit3A_2817, %sign3A_2829 : i32
    %sign3A_2831 = arith.extui %sign3A_2830 : i1 to i32
    %sign3A_2832 = arith.subi %sign3A_2828, %sign3A_2831 : i32
    %ne3A_2833 = arith.cmpi ne, %sign3A_2825, %sign3A_2832 : i32
    %rem3A_2834 = arith.remsi %add3A_2816, %jit3A_2817 : i32
    %ne3A_2835 = arith.constant 0 : i32
    %ne3A_2836 = arith.cmpi ne, %rem3A_2834, %ne3A_2835 : i32
    %and3A_2837 = arith.andi %ne3A_2833, %ne3A_2836 : i1
    %sub3A_2838 = arith.constant 1 : i32
    %sub3A_2839 = arith.subi %div3A_2818, %sub3A_2838 : i32
    %select_n3A_2840 = arith.select %and3A_2837, %sub3A_2839, %div3A_2818 : i32
    %jit3A_2841 = arith.constant 16 : i32
    %eq3A_2842 = arith.constant 0 : i32
    %eq3A_2843 = arith.cmpi eq, %jit3A_2841, %eq3A_2842 : i32
    %jit3A_2844 = arith.constant 1 : i32
    %select_n3A_2845 = arith.select %eq3A_2843, %jit3A_2844, %jit3A_2841 : i32
    %rem3A_2846 = arith.remsi %add3A_2816, %select_n3A_2845 : i32
    %ne3A_2847 = arith.constant 0 : i32
    %ne3A_2848 = arith.cmpi ne, %rem3A_2846, %ne3A_2847 : i32
    %lt3A_2849 = arith.constant 0 : i32
    %lt3A_2850 = arith.cmpi slt, %rem3A_2846, %lt3A_2849 : i32
    %lt3A_2851 = arith.constant 0 : i32
    %lt3A_2852 = arith.cmpi slt, %select_n3A_2845, %lt3A_2851 : i32
    %ne3A_2853 = arith.xori %lt3A_2850, %lt3A_2852 : i1
    %and3A_2854 = arith.andi %ne3A_2853, %ne3A_2848 : i1
    %add3A_2855 = arith.addi %rem3A_2846, %select_n3A_2845 : i32
    %select_n3A_2856 = arith.select %and3A_2854, %add3A_2855, %rem3A_2846 : i32
    %mul3A_2857 = arith.constant 40000 : i32
    %mul3A_2858 = arith.muli %select_n3A_2840, %mul3A_2857 : i32
    %jit3A_2859 = arith.constant 128 : i32
    %div3A_2860 = arith.divsi %mul3A_2858, %jit3A_2859 : i32
    %sign3A_2861 = arith.constant 0 : i32
    %sign3A_2862 = arith.cmpi sgt, %mul3A_2858, %sign3A_2861 : i32
    %sign3A_2863 = arith.extui %sign3A_2862 : i1 to i32
    %sign3A_2864 = arith.constant 0 : i32
    %sign3A_2865 = arith.cmpi slt, %mul3A_2858, %sign3A_2864 : i32
    %sign3A_2866 = arith.extui %sign3A_2865 : i1 to i32
    %sign3A_2867 = arith.subi %sign3A_2863, %sign3A_2866 : i32
    %sign3A_2868 = arith.constant 0 : i32
    %sign3A_2869 = arith.cmpi sgt, %jit3A_2859, %sign3A_2868 : i32
    %sign3A_2870 = arith.extui %sign3A_2869 : i1 to i32
    %sign3A_2871 = arith.constant 0 : i32
    %sign3A_2872 = arith.cmpi slt, %jit3A_2859, %sign3A_2871 : i32
    %sign3A_2873 = arith.extui %sign3A_2872 : i1 to i32
    %sign3A_2874 = arith.subi %sign3A_2870, %sign3A_2873 : i32
    %ne3A_2875 = arith.cmpi ne, %sign3A_2867, %sign3A_2874 : i32
    %rem3A_2876 = arith.remsi %mul3A_2858, %jit3A_2859 : i32
    %ne3A_2877 = arith.constant 0 : i32
    %ne3A_2878 = arith.cmpi ne, %rem3A_2876, %ne3A_2877 : i32
    %and3A_2879 = arith.andi %ne3A_2875, %ne3A_2878 : i1
    %sub3A_2880 = arith.constant 1 : i32
    %sub3A_2881 = arith.subi %div3A_2860, %sub3A_2880 : i32
    %select_n3A_2882 = arith.select %and3A_2879, %sub3A_2881, %div3A_2860 : i32
    %mul3A_2883 = arith.constant 128 : i32
    %mul3A_2884 = arith.muli %select_n3A_2882, %mul3A_2883 : i32
    %sub3A_2885 = arith.subi %mul3A_2858, %mul3A_2884 : i32
    %ne3A_2886 = arith.cmpi ne, %select_n3A_2840, %select_n3A_2637 : i32
    %convert_element_type3A_2887 = arith.extui %ne3A_2886 : i1 to i32
    %cond3A_2888 = arith.constant 0 : i32
    %cond3A_2889 = arith.cmpi ne, %convert_element_type3A_2887, %cond3A_2888 : i32
    scf.if %cond3A_2889 {
      %dma_start3A_3588 = arith.constant 0 : i32
      %dma_start3A_3589 = tpu.memref_slice %arg3[%select_n3A_2840, %dma_start3A_3588] : memref<26x16384xi32, #tpu.memory_space<hbm>> -> memref<1x16384xi32, #tpu.memory_space<hbm>>
      %dma_start3A_3590 = tpu.memref_squeeze %dma_start3A_3589 : memref<1x16384xi32, #tpu.memory_space<hbm>> -> memref<16384xi32, #tpu.memory_space<hbm>>
      %dma_start3A_3591 = arith.constant 0 : i32
      %dma_start3A_3592 = tpu.memref_slice %arg3[%select_n3A_2840, %dma_start3A_3591] : memref<26x16384xi32, #tpu.memory_space<hbm>> -> memref<1x16384xi32, #tpu.memory_space<hbm>>
      %dma_start3A_3593 = tpu.memref_squeeze %dma_start3A_3592 : memref<1x16384xi32, #tpu.memory_space<hbm>> -> memref<16384xi32, #tpu.memory_space<hbm>>
      tpu.enqueue_dma source(%dma_start3A_3593 : memref<16384xi32, #tpu.memory_space<hbm>>) target(%arg7 : memref<16384xi32, #tpu.memory_space<vmem>>) target_semaphore(%arg14 : memref<!tpu.dma_semaphore, #tpu.memory_space<semaphore_mem>>)
    } else {
    }
    %mul3A_2890 = arith.constant 13 : i32
    %mul3A_2891 = arith.muli %add3A, %mul3A_2890 : i32
    %add3A_2892 = arith.constant 10 : i32
    %add3A_2893 = arith.addi %mul3A_2891, %add3A_2892 : i32
    %jit3A_2894 = arith.constant 16 : i32
    %div3A_2895 = arith.divsi %add3A_2893, %jit3A_2894 : i32
    %sign3A_2896 = arith.constant 0 : i32
    %sign3A_2897 = arith.cmpi sgt, %add3A_2893, %sign3A_2896 : i32
    %sign3A_2898 = arith.extui %sign3A_2897 : i1 to i32
    %sign3A_2899 = arith.constant 0 : i32
    %sign3A_2900 = arith.cmpi slt, %add3A_2893, %sign3A_2899 : i32
    %sign3A_2901 = arith.extui %sign3A_2900 : i1 to i32
    %sign3A_2902 = arith.subi %sign3A_2898, %sign3A_2901 : i32
    %sign3A_2903 = arith.constant 0 : i32
    %sign3A_2904 = arith.cmpi sgt, %jit3A_2894, %sign3A_2903 : i32
    %sign3A_2905 = arith.extui %sign3A_2904 : i1 to i32
    %sign3A_2906 = arith.constant 0 : i32
    %sign3A_2907 = arith.cmpi slt, %jit3A_2894, %sign3A_2906 : i32
    %sign3A_2908 = arith.extui %sign3A_2907 : i1 to i32
    %sign3A_2909 = arith.subi %sign3A_2905, %sign3A_2908 : i32
    %ne3A_2910 = arith.cmpi ne, %sign3A_2902, %sign3A_2909 : i32
    %rem3A_2911 = arith.remsi %add3A_2893, %jit3A_2894 : i32
    %ne3A_2912 = arith.constant 0 : i32
    %ne3A_2913 = arith.cmpi ne, %rem3A_2911, %ne3A_2912 : i32
    %and3A_2914 = arith.andi %ne3A_2910, %ne3A_2913 : i1
    %sub3A_2915 = arith.constant 1 : i32
    %sub3A_2916 = arith.subi %div3A_2895, %sub3A_2915 : i32
    %select_n3A_2917 = arith.select %and3A_2914, %sub3A_2916, %div3A_2895 : i32
    %jit3A_2918 = arith.constant 16 : i32
    %eq3A_2919 = arith.constant 0 : i32
    %eq3A_2920 = arith.cmpi eq, %jit3A_2918, %eq3A_2919 : i32
    %jit3A_2921 = arith.constant 1 : i32
    %select_n3A_2922 = arith.select %eq3A_2920, %jit3A_2921, %jit3A_2918 : i32
    %rem3A_2923 = arith.remsi %add3A_2893, %select_n3A_2922 : i32
    %ne3A_2924 = arith.constant 0 : i32
    %ne3A_2925 = arith.cmpi ne, %rem3A_2923, %ne3A_2924 : i32
    %lt3A_2926 = arith.constant 0 : i32
    %lt3A_2927 = arith.cmpi slt, %rem3A_2923, %lt3A_2926 : i32
    %lt3A_2928 = arith.constant 0 : i32
    %lt3A_2929 = arith.cmpi slt, %select_n3A_2922, %lt3A_2928 : i32
    %ne3A_2930 = arith.xori %lt3A_2927, %lt3A_2929 : i1
    %and3A_2931 = arith.andi %ne3A_2930, %ne3A_2925 : i1
    %add3A_2932 = arith.addi %rem3A_2923, %select_n3A_2922 : i32
    %select_n3A_2933 = arith.select %and3A_2931, %add3A_2932, %rem3A_2923 : i32
    %mul3A_2934 = arith.constant 40000 : i32
    %mul3A_2935 = arith.muli %select_n3A_2917, %mul3A_2934 : i32
    %jit3A_2936 = arith.constant 128 : i32
    %div3A_2937 = arith.divsi %mul3A_2935, %jit3A_2936 : i32
    %sign3A_2938 = arith.constant 0 : i32
    %sign3A_2939 = arith.cmpi sgt, %mul3A_2935, %sign3A_2938 : i32
    %sign3A_2940 = arith.extui %sign3A_2939 : i1 to i32
    %sign3A_2941 = arith.constant 0 : i32
    %sign3A_2942 = arith.cmpi slt, %mul3A_2935, %sign3A_2941 : i32
    %sign3A_2943 = arith.extui %sign3A_2942 : i1 to i32
    %sign3A_2944 = arith.subi %sign3A_2940, %sign3A_2943 : i32
    %sign3A_2945 = arith.constant 0 : i32
    %sign3A_2946 = arith.cmpi sgt, %jit3A_2936, %sign3A_2945 : i32
    %sign3A_2947 = arith.extui %sign3A_2946 : i1 to i32
    %sign3A_2948 = arith.constant 0 : i32
    %sign3A_2949 = arith.cmpi slt, %jit3A_2936, %sign3A_2948 : i32
    %sign3A_2950 = arith.extui %sign3A_2949 : i1 to i32
    %sign3A_2951 = arith.subi %sign3A_2947, %sign3A_2950 : i32
    %ne3A_2952 = arith.cmpi ne, %sign3A_2944, %sign3A_2951 : i32
    %rem3A_2953 = arith.remsi %mul3A_2935, %jit3A_2936 : i32
    %ne3A_2954 = arith.constant 0 : i32
    %ne3A_2955 = arith.cmpi ne, %rem3A_2953, %ne3A_2954 : i32
    %and3A_2956 = arith.andi %ne3A_2952, %ne3A_2955 : i1
    %sub3A_2957 = arith.constant 1 : i32
    %sub3A_2958 = arith.subi %div3A_2937, %sub3A_2957 : i32
    %select_n3A_2959 = arith.select %and3A_2956, %sub3A_2958, %div3A_2937 : i32
    %mul3A_2960 = arith.constant 128 : i32
    %mul3A_2961 = arith.muli %select_n3A_2959, %mul3A_2960 : i32
    %sub3A_2962 = arith.subi %mul3A_2935, %mul3A_2961 : i32
    %mul3A_2963 = arith.constant 13 : i32
    %mul3A_2964 = arith.muli %add3A, %mul3A_2963 : i32
    %add3A_2965 = arith.constant 11 : i32
    %add3A_2966 = arith.addi %mul3A_2964, %add3A_2965 : i32
    %jit3A_2967 = arith.constant 16 : i32
    %div3A_2968 = arith.divsi %add3A_2966, %jit3A_2967 : i32
    %sign3A_2969 = arith.constant 0 : i32
    %sign3A_2970 = arith.cmpi sgt, %add3A_2966, %sign3A_2969 : i32
    %sign3A_2971 = arith.extui %sign3A_2970 : i1 to i32
    %sign3A_2972 = arith.constant 0 : i32
    %sign3A_2973 = arith.cmpi slt, %add3A_2966, %sign3A_2972 : i32
    %sign3A_2974 = arith.extui %sign3A_2973 : i1 to i32
    %sign3A_2975 = arith.subi %sign3A_2971, %sign3A_2974 : i32
    %sign3A_2976 = arith.constant 0 : i32
    %sign3A_2977 = arith.cmpi sgt, %jit3A_2967, %sign3A_2976 : i32
    %sign3A_2978 = arith.extui %sign3A_2977 : i1 to i32
    %sign3A_2979 = arith.constant 0 : i32
    %sign3A_2980 = arith.cmpi slt, %jit3A_2967, %sign3A_2979 : i32
    %sign3A_2981 = arith.extui %sign3A_2980 : i1 to i32
    %sign3A_2982 = arith.subi %sign3A_2978, %sign3A_2981 : i32
    %ne3A_2983 = arith.cmpi ne, %sign3A_2975, %sign3A_2982 : i32
    %rem3A_2984 = arith.remsi %add3A_2966, %jit3A_2967 : i32
    %ne3A_2985 = arith.constant 0 : i32
    %ne3A_2986 = arith.cmpi ne, %rem3A_2984, %ne3A_2985 : i32
    %and3A_2987 = arith.andi %ne3A_2983, %ne3A_2986 : i1
    %sub3A_2988 = arith.constant 1 : i32
    %sub3A_2989 = arith.subi %div3A_2968, %sub3A_2988 : i32
    %select_n3A_2990 = arith.select %and3A_2987, %sub3A_2989, %div3A_2968 : i32
    %jit3A_2991 = arith.constant 16 : i32
    %eq3A_2992 = arith.constant 0 : i32
    %eq3A_2993 = arith.cmpi eq, %jit3A_2991, %eq3A_2992 : i32
    %jit3A_2994 = arith.constant 1 : i32
    %select_n3A_2995 = arith.select %eq3A_2993, %jit3A_2994, %jit3A_2991 : i32
    %rem3A_2996 = arith.remsi %add3A_2966, %select_n3A_2995 : i32
    %ne3A_2997 = arith.constant 0 : i32
    %ne3A_2998 = arith.cmpi ne, %rem3A_2996, %ne3A_2997 : i32
    %lt3A_2999 = arith.constant 0 : i32
    %lt3A_3000 = arith.cmpi slt, %rem3A_2996, %lt3A_2999 : i32
    %lt3A_3001 = arith.constant 0 : i32
    %lt3A_3002 = arith.cmpi slt, %select_n3A_2995, %lt3A_3001 : i32
    %ne3A_3003 = arith.xori %lt3A_3000, %lt3A_3002 : i1
    %and3A_3004 = arith.andi %ne3A_3003, %ne3A_2998 : i1
    %add3A_3005 = arith.addi %rem3A_2996, %select_n3A_2995 : i32
    %select_n3A_3006 = arith.select %and3A_3004, %add3A_3005, %rem3A_2996 : i32
    %mul3A_3007 = arith.constant 40000 : i32
    %mul3A_3008 = arith.muli %select_n3A_2990, %mul3A_3007 : i32
    %jit3A_3009 = arith.constant 128 : i32
    %div3A_3010 = arith.divsi %mul3A_3008, %jit3A_3009 : i32
    %sign3A_3011 = arith.constant 0 : i32
    %sign3A_3012 = arith.cmpi sgt, %mul3A_3008, %sign3A_3011 : i32
    %sign3A_3013 = arith.extui %sign3A_3012 : i1 to i32
    %sign3A_3014 = arith.constant 0 : i32
    %sign3A_3015 = arith.cmpi slt, %mul3A_3008, %sign3A_3014 : i32
    %sign3A_3016 = arith.extui %sign3A_3015 : i1 to i32
    %sign3A_3017 = arith.subi %sign3A_3013, %sign3A_3016 : i32
    %sign3A_3018 = arith.constant 0 : i32
    %sign3A_3019 = arith.cmpi sgt, %jit3A_3009, %sign3A_3018 : i32
    %sign3A_3020 = arith.extui %sign3A_3019 : i1 to i32
    %sign3A_3021 = arith.constant 0 : i32
    %sign3A_3022 = arith.cmpi slt, %jit3A_3009, %sign3A_3021 : i32
    %sign3A_3023 = arith.extui %sign3A_3022 : i1 to i32
    %sign3A_3024 = arith.subi %sign3A_3020, %sign3A_3023 : i32
    %ne3A_3025 = arith.cmpi ne, %sign3A_3017, %sign3A_3024 : i32
    %rem3A_3026 = arith.remsi %mul3A_3008, %jit3A_3009 : i32
    %ne3A_3027 = arith.constant 0 : i32
    %ne3A_3028 = arith.cmpi ne, %rem3A_3026, %ne3A_3027 : i32
    %and3A_3029 = arith.andi %ne3A_3025, %ne3A_3028 : i1
    %sub3A_3030 = arith.constant 1 : i32
    %sub3A_3031 = arith.subi %div3A_3010, %sub3A_3030 : i32
    %select_n3A_3032 = arith.select %and3A_3029, %sub3A_3031, %div3A_3010 : i32
    %mul3A_3033 = arith.constant 128 : i32
    %mul3A_3034 = arith.muli %select_n3A_3032, %mul3A_3033 : i32
    %sub3A_3035 = arith.subi %mul3A_3008, %mul3A_3034 : i32
    %dma_start3A_3036 = tpu.memref_slice %arg2[%select_n3A_3006, %mul3A_3034] : memref<16x1040000xf32, #tpu.memory_space<hbm>> -> memref<1x40064xf32, #tpu.memory_space<hbm>>
    %dma_start3A_3037 = tpu.memref_squeeze %dma_start3A_3036 : memref<1x40064xf32, #tpu.memory_space<hbm>> -> memref<40064xf32, #tpu.memory_space<hbm>>
    %dma_start3A_3038 = tpu.memref_slice %arg2[%select_n3A_3006, %mul3A_3034] : memref<16x1040000xf32, #tpu.memory_space<hbm>> -> memref<1x40064xf32, #tpu.memory_space<hbm>>
    %dma_start3A_3039 = tpu.memref_squeeze %dma_start3A_3038 : memref<1x40064xf32, #tpu.memory_space<hbm>> -> memref<40064xf32, #tpu.memory_space<hbm>>
    tpu.enqueue_dma source(%dma_start3A_3039 : memref<40064xf32, #tpu.memory_space<hbm>>) target(%arg6 : memref<40064xf32, #tpu.memory_space<vmem>>) target_semaphore(%arg11 : memref<!tpu.dma_semaphore, #tpu.memory_space<semaphore_mem>>)
    %mul3A_3040 = arith.constant 13 : i32
    %mul3A_3041 = arith.muli %add3A, %mul3A_3040 : i32
    %add3A_3042 = arith.constant 10 : i32
    %add3A_3043 = arith.addi %mul3A_3041, %add3A_3042 : i32
    %sub3A_3044 = arith.constant 1 : i32
    %sub3A_3045 = arith.subi %add3A_3043, %sub3A_3044 : i32
    %jit3A_3046 = arith.constant 16 : i32
    %div3A_3047 = arith.divsi %sub3A_3045, %jit3A_3046 : i32
    %sign3A_3048 = arith.constant 0 : i32
    %sign3A_3049 = arith.cmpi sgt, %sub3A_3045, %sign3A_3048 : i32
    %sign3A_3050 = arith.extui %sign3A_3049 : i1 to i32
    %sign3A_3051 = arith.constant 0 : i32
    %sign3A_3052 = arith.cmpi slt, %sub3A_3045, %sign3A_3051 : i32
    %sign3A_3053 = arith.extui %sign3A_3052 : i1 to i32
    %sign3A_3054 = arith.subi %sign3A_3050, %sign3A_3053 : i32
    %sign3A_3055 = arith.constant 0 : i32
    %sign3A_3056 = arith.cmpi sgt, %jit3A_3046, %sign3A_3055 : i32
    %sign3A_3057 = arith.extui %sign3A_3056 : i1 to i32
    %sign3A_3058 = arith.constant 0 : i32
    %sign3A_3059 = arith.cmpi slt, %jit3A_3046, %sign3A_3058 : i32
    %sign3A_3060 = arith.extui %sign3A_3059 : i1 to i32
    %sign3A_3061 = arith.subi %sign3A_3057, %sign3A_3060 : i32
    %ne3A_3062 = arith.cmpi ne, %sign3A_3054, %sign3A_3061 : i32
    %rem3A_3063 = arith.remsi %sub3A_3045, %jit3A_3046 : i32
    %ne3A_3064 = arith.constant 0 : i32
    %ne3A_3065 = arith.cmpi ne, %rem3A_3063, %ne3A_3064 : i32
    %and3A_3066 = arith.andi %ne3A_3062, %ne3A_3065 : i1
    %sub3A_3067 = arith.constant 1 : i32
    %sub3A_3068 = arith.subi %div3A_3047, %sub3A_3067 : i32
    %select_n3A_3069 = arith.select %and3A_3066, %sub3A_3068, %div3A_3047 : i32
    %ne3A_3070 = arith.cmpi ne, %select_n3A_2917, %select_n3A_3069 : i32
    %convert_element_type3A_3071 = arith.extui %ne3A_3070 : i1 to i32
    %cond3A_3072 = arith.constant 0 : i32
    %cond3A_3073 = arith.cmpi ne, %convert_element_type3A_3071, %cond3A_3072 : i32
    scf.if %cond3A_3073 {
      %dma_wait3A_3588 = arith.constant 0 : i32
      %dma_wait3A_3589 = tpu.memref_slice %arg3[%select_n3A_2840, %dma_wait3A_3588] : memref<26x16384xi32, #tpu.memory_space<hbm>> -> memref<1x16384xi32, #tpu.memory_space<hbm>>
      %dma_wait3A_3590 = tpu.memref_squeeze %dma_wait3A_3589 : memref<1x16384xi32, #tpu.memory_space<hbm>> -> memref<16384xi32, #tpu.memory_space<hbm>>
      %dma_wait3A_3591 = arith.constant 0 : i32
      %dma_wait3A_3592 = tpu.memref_slice %arg3[%select_n3A_2840, %dma_wait3A_3591] : memref<26x16384xi32, #tpu.memory_space<hbm>> -> memref<1x16384xi32, #tpu.memory_space<hbm>>
      %dma_wait3A_3593 = tpu.memref_squeeze %dma_wait3A_3592 : memref<1x16384xi32, #tpu.memory_space<hbm>> -> memref<16384xi32, #tpu.memory_space<hbm>>
      tpu.wait_dma2 semaphore(%arg14 : memref<!tpu.dma_semaphore, #tpu.memory_space<semaphore_mem>>) src(%dma_wait3A_3593 : memref<16384xi32, #tpu.memory_space<hbm>>) dst(%arg7 : memref<16384xi32, #tpu.memory_space<vmem>>)
    } else {
    }
    %dma_wait3A_3074 = tpu.memref_slice %arg2[%select_n3A_2726, %mul3A_2754] : memref<16x1040000xf32, #tpu.memory_space<hbm>> -> memref<1x40064xf32, #tpu.memory_space<hbm>>
    %dma_wait3A_3075 = tpu.memref_squeeze %dma_wait3A_3074 : memref<1x40064xf32, #tpu.memory_space<hbm>> -> memref<40064xf32, #tpu.memory_space<hbm>>
    %dma_wait3A_3076 = tpu.memref_slice %arg2[%select_n3A_2726, %mul3A_2754] : memref<16x1040000xf32, #tpu.memory_space<hbm>> -> memref<1x40064xf32, #tpu.memory_space<hbm>>
    %dma_wait3A_3077 = tpu.memref_squeeze %dma_wait3A_3076 : memref<1x40064xf32, #tpu.memory_space<hbm>> -> memref<40064xf32, #tpu.memory_space<hbm>>
    tpu.wait_dma2 semaphore(%arg10 : memref<!tpu.dma_semaphore, #tpu.memory_space<semaphore_mem>>) src(%dma_wait3A_3077 : memref<40064xf32, #tpu.memory_space<hbm>>) dst(%arg5 : memref<40064xf32, #tpu.memory_space<vmem>>)
    %dma_wait3A_3078 = arith.constant 0 : i32
    %dma_wait3A_3079 = tpu.memref_slice %arg4[%select_n3A_2357, %select_n3A_2373, %dma_wait3A_3078] : memref<26x16x16384xf32, #tpu.memory_space<hbm>> -> memref<1x1x16384xf32, #tpu.memory_space<hbm>>
    %dma_wait3A_3080 = tpu.memref_squeeze %dma_wait3A_3079 : memref<1x1x16384xf32, #tpu.memory_space<hbm>> -> memref<16384xf32, #tpu.memory_space<hbm>>
    %dma_wait3A_3081 = arith.constant 0 : i32
    %dma_wait3A_3082 = tpu.memref_slice %arg4[%select_n3A_2357, %select_n3A_2373, %dma_wait3A_3081] : memref<26x16x16384xf32, #tpu.memory_space<hbm>> -> memref<1x1x16384xf32, #tpu.memory_space<hbm>>
    %dma_wait3A_3083 = tpu.memref_squeeze %dma_wait3A_3082 : memref<1x1x16384xf32, #tpu.memory_space<hbm>> -> memref<16384xf32, #tpu.memory_space<hbm>>
    tpu.wait_dma2 semaphore(%arg12 : memref<!tpu.dma_semaphore, #tpu.memory_space<semaphore_mem>>) src(%arg8 : memref<16384xf32, #tpu.memory_space<vmem>>) dst(%dma_wait3A_3083 : memref<16384xf32, #tpu.memory_space<hbm>>)
    %parallel_loop3A_3084 = arith.constant 0 : i32
    %parallel_loop3A_3085 = arith.constant 16384 : i32
    %parallel_loop3A_3086 = arith.constant 16 : i32
    scf.for %parallel_loop3A_3588 = %parallel_loop3A_3084 to %parallel_loop3A_3085 step %parallel_loop3A_3086  : i32 {
      %parallel_loop3A_3589 = arith.index_cast %parallel_loop3A_3588 : i32 to index
      %parallel_loop3A_3590 = tpu.vector_load %arg7[%parallel_loop3A_3589] {strides = array<i32>} : memref<16384xi32, #tpu.memory_space<vmem>>, vector<16xi32>,
      %parallel_loop3A_3591 = vector.broadcast %sub3A_2962 : i32 to vector<16xi32>
      %parallel_loop3A_3592 = arith.addi %parallel_loop3A_3590, %parallel_loop3A_3591 : vector<16xi32>
      %parallel_loop3A_3593 = tpu.vector_load_idx %arg5[%parallel_loop3A_3592] : memref<40064xf32, #tpu.memory_space<vmem>>[vector<16xi32>], vector<16xf32>,
      %parallel_loop3A_3594 = arith.index_cast %parallel_loop3A_3588 : i32 to index
      %parallel_loop3A_3595 = tpu.vector_load %arg8[%parallel_loop3A_3594] {strides = array<i32>} : memref<16384xf32, #tpu.memory_space<vmem>>, vector<16xf32>,
      tpu.vector_store %arg8[%parallel_loop3A_3594], %parallel_loop3A_3593 {strides = array<i32>} : memref<16384xf32, #tpu.memory_space<vmem>>, vector<16xf32>,
    } {sc.loop_unroll_factor = 8 : i64, sc.parallel_access}
    %dma_start3A_3087 = arith.constant 0 : i32
    %dma_start3A_3088 = tpu.memref_slice %arg4[%select_n3A_2917, %select_n3A_2933, %dma_start3A_3087] : memref<26x16x16384xf32, #tpu.memory_space<hbm>> -> memref<1x1x16384xf32, #tpu.memory_space<hbm>>
    %dma_start3A_3089 = tpu.memref_squeeze %dma_start3A_3088 : memref<1x1x16384xf32, #tpu.memory_space<hbm>> -> memref<16384xf32, #tpu.memory_space<hbm>>
    %dma_start3A_3090 = arith.constant 0 : i32
    %dma_start3A_3091 = tpu.memref_slice %arg4[%select_n3A_2917, %select_n3A_2933, %dma_start3A_3090] : memref<26x16x16384xf32, #tpu.memory_space<hbm>> -> memref<1x1x16384xf32, #tpu.memory_space<hbm>>
    %dma_start3A_3092 = tpu.memref_squeeze %dma_start3A_3091 : memref<1x1x16384xf32, #tpu.memory_space<hbm>> -> memref<16384xf32, #tpu.memory_space<hbm>>
    tpu.enqueue_dma source(%arg8 : memref<16384xf32, #tpu.memory_space<vmem>>) target(%dma_start3A_3092 : memref<16384xf32, #tpu.memory_space<hbm>>) target_semaphore(%arg12 : memref<!tpu.dma_semaphore, #tpu.memory_space<semaphore_mem>>)
    %mul3A_3093 = arith.constant 13 : i32
    %mul3A_3094 = arith.muli %add3A, %mul3A_3093 : i32
    %add3A_3095 = arith.constant 11 : i32
    %add3A_3096 = arith.addi %mul3A_3094, %add3A_3095 : i32
    %jit3A_3097 = arith.constant 16 : i32
    %div3A_3098 = arith.divsi %add3A_3096, %jit3A_3097 : i32
    %sign3A_3099 = arith.constant 0 : i32
    %sign3A_3100 = arith.cmpi sgt, %add3A_3096, %sign3A_3099 : i32
    %sign3A_3101 = arith.extui %sign3A_3100 : i1 to i32
    %sign3A_3102 = arith.constant 0 : i32
    %sign3A_3103 = arith.cmpi slt, %add3A_3096, %sign3A_3102 : i32
    %sign3A_3104 = arith.extui %sign3A_3103 : i1 to i32
    %sign3A_3105 = arith.subi %sign3A_3101, %sign3A_3104 : i32
    %sign3A_3106 = arith.constant 0 : i32
    %sign3A_3107 = arith.cmpi sgt, %jit3A_3097, %sign3A_3106 : i32
    %sign3A_3108 = arith.extui %sign3A_3107 : i1 to i32
    %sign3A_3109 = arith.constant 0 : i32
    %sign3A_3110 = arith.cmpi slt, %jit3A_3097, %sign3A_3109 : i32
    %sign3A_3111 = arith.extui %sign3A_3110 : i1 to i32
    %sign3A_3112 = arith.subi %sign3A_3108, %sign3A_3111 : i32
    %ne3A_3113 = arith.cmpi ne, %sign3A_3105, %sign3A_3112 : i32
    %rem3A_3114 = arith.remsi %add3A_3096, %jit3A_3097 : i32
    %ne3A_3115 = arith.constant 0 : i32
    %ne3A_3116 = arith.cmpi ne, %rem3A_3114, %ne3A_3115 : i32
    %and3A_3117 = arith.andi %ne3A_3113, %ne3A_3116 : i1
    %sub3A_3118 = arith.constant 1 : i32
    %sub3A_3119 = arith.subi %div3A_3098, %sub3A_3118 : i32
    %select_n3A_3120 = arith.select %and3A_3117, %sub3A_3119, %div3A_3098 : i32
    %jit3A_3121 = arith.constant 16 : i32
    %eq3A_3122 = arith.constant 0 : i32
    %eq3A_3123 = arith.cmpi eq, %jit3A_3121, %eq3A_3122 : i32
    %jit3A_3124 = arith.constant 1 : i32
    %select_n3A_3125 = arith.select %eq3A_3123, %jit3A_3124, %jit3A_3121 : i32
    %rem3A_3126 = arith.remsi %add3A_3096, %select_n3A_3125 : i32
    %ne3A_3127 = arith.constant 0 : i32
    %ne3A_3128 = arith.cmpi ne, %rem3A_3126, %ne3A_3127 : i32
    %lt3A_3129 = arith.constant 0 : i32
    %lt3A_3130 = arith.cmpi slt, %rem3A_3126, %lt3A_3129 : i32
    %lt3A_3131 = arith.constant 0 : i32
    %lt3A_3132 = arith.cmpi slt, %select_n3A_3125, %lt3A_3131 : i32
    %ne3A_3133 = arith.xori %lt3A_3130, %lt3A_3132 : i1
    %and3A_3134 = arith.andi %ne3A_3133, %ne3A_3128 : i1
    %add3A_3135 = arith.addi %rem3A_3126, %select_n3A_3125 : i32
    %select_n3A_3136 = arith.select %and3A_3134, %add3A_3135, %rem3A_3126 : i32
    %mul3A_3137 = arith.constant 40000 : i32
    %mul3A_3138 = arith.muli %select_n3A_3120, %mul3A_3137 : i32
    %jit3A_3139 = arith.constant 128 : i32
    %div3A_3140 = arith.divsi %mul3A_3138, %jit3A_3139 : i32
    %sign3A_3141 = arith.constant 0 : i32
    %sign3A_3142 = arith.cmpi sgt, %mul3A_3138, %sign3A_3141 : i32
    %sign3A_3143 = arith.extui %sign3A_3142 : i1 to i32
    %sign3A_3144 = arith.constant 0 : i32
    %sign3A_3145 = arith.cmpi slt, %mul3A_3138, %sign3A_3144 : i32
    %sign3A_3146 = arith.extui %sign3A_3145 : i1 to i32
    %sign3A_3147 = arith.subi %sign3A_3143, %sign3A_3146 : i32
    %sign3A_3148 = arith.constant 0 : i32
    %sign3A_3149 = arith.cmpi sgt, %jit3A_3139, %sign3A_3148 : i32
    %sign3A_3150 = arith.extui %sign3A_3149 : i1 to i32
    %sign3A_3151 = arith.constant 0 : i32
    %sign3A_3152 = arith.cmpi slt, %jit3A_3139, %sign3A_3151 : i32
    %sign3A_3153 = arith.extui %sign3A_3152 : i1 to i32
    %sign3A_3154 = arith.subi %sign3A_3150, %sign3A_3153 : i32
    %ne3A_3155 = arith.cmpi ne, %sign3A_3147, %sign3A_3154 : i32
    %rem3A_3156 = arith.remsi %mul3A_3138, %jit3A_3139 : i32
    %ne3A_3157 = arith.constant 0 : i32
    %ne3A_3158 = arith.cmpi ne, %rem3A_3156, %ne3A_3157 : i32
    %and3A_3159 = arith.andi %ne3A_3155, %ne3A_3158 : i1
    %sub3A_3160 = arith.constant 1 : i32
    %sub3A_3161 = arith.subi %div3A_3140, %sub3A_3160 : i32
    %select_n3A_3162 = arith.select %and3A_3159, %sub3A_3161, %div3A_3140 : i32
    %mul3A_3163 = arith.constant 128 : i32
    %mul3A_3164 = arith.muli %select_n3A_3162, %mul3A_3163 : i32
    %sub3A_3165 = arith.subi %mul3A_3138, %mul3A_3164 : i32
    %ne3A_3166 = arith.cmpi ne, %select_n3A_3120, %select_n3A_2917 : i32
    %convert_element_type3A_3167 = arith.extui %ne3A_3166 : i1 to i32
    %cond3A_3168 = arith.constant 0 : i32
    %cond3A_3169 = arith.cmpi ne, %convert_element_type3A_3167, %cond3A_3168 : i32
    scf.if %cond3A_3169 {
      %dma_start3A_3588 = arith.constant 0 : i32
      %dma_start3A_3589 = tpu.memref_slice %arg3[%select_n3A_3120, %dma_start3A_3588] : memref<26x16384xi32, #tpu.memory_space<hbm>> -> memref<1x16384xi32, #tpu.memory_space<hbm>>
      %dma_start3A_3590 = tpu.memref_squeeze %dma_start3A_3589 : memref<1x16384xi32, #tpu.memory_space<hbm>> -> memref<16384xi32, #tpu.memory_space<hbm>>
      %dma_start3A_3591 = arith.constant 0 : i32
      %dma_start3A_3592 = tpu.memref_slice %arg3[%select_n3A_3120, %dma_start3A_3591] : memref<26x16384xi32, #tpu.memory_space<hbm>> -> memref<1x16384xi32, #tpu.memory_space<hbm>>
      %dma_start3A_3593 = tpu.memref_squeeze %dma_start3A_3592 : memref<1x16384xi32, #tpu.memory_space<hbm>> -> memref<16384xi32, #tpu.memory_space<hbm>>
      tpu.enqueue_dma source(%dma_start3A_3593 : memref<16384xi32, #tpu.memory_space<hbm>>) target(%arg7 : memref<16384xi32, #tpu.memory_space<vmem>>) target_semaphore(%arg14 : memref<!tpu.dma_semaphore, #tpu.memory_space<semaphore_mem>>)
    } else {
    }
    %mul3A_3170 = arith.constant 13 : i32
    %mul3A_3171 = arith.muli %add3A, %mul3A_3170 : i32
    %add3A_3172 = arith.constant 11 : i32
    %add3A_3173 = arith.addi %mul3A_3171, %add3A_3172 : i32
    %jit3A_3174 = arith.constant 16 : i32
    %div3A_3175 = arith.divsi %add3A_3173, %jit3A_3174 : i32
    %sign3A_3176 = arith.constant 0 : i32
    %sign3A_3177 = arith.cmpi sgt, %add3A_3173, %sign3A_3176 : i32
    %sign3A_3178 = arith.extui %sign3A_3177 : i1 to i32
    %sign3A_3179 = arith.constant 0 : i32
    %sign3A_3180 = arith.cmpi slt, %add3A_3173, %sign3A_3179 : i32
    %sign3A_3181 = arith.extui %sign3A_3180 : i1 to i32
    %sign3A_3182 = arith.subi %sign3A_3178, %sign3A_3181 : i32
    %sign3A_3183 = arith.constant 0 : i32
    %sign3A_3184 = arith.cmpi sgt, %jit3A_3174, %sign3A_3183 : i32
    %sign3A_3185 = arith.extui %sign3A_3184 : i1 to i32
    %sign3A_3186 = arith.constant 0 : i32
    %sign3A_3187 = arith.cmpi slt, %jit3A_3174, %sign3A_3186 : i32
    %sign3A_3188 = arith.extui %sign3A_3187 : i1 to i32
    %sign3A_3189 = arith.subi %sign3A_3185, %sign3A_3188 : i32
    %ne3A_3190 = arith.cmpi ne, %sign3A_3182, %sign3A_3189 : i32
    %rem3A_3191 = arith.remsi %add3A_3173, %jit3A_3174 : i32
    %ne3A_3192 = arith.constant 0 : i32
    %ne3A_3193 = arith.cmpi ne, %rem3A_3191, %ne3A_3192 : i32
    %and3A_3194 = arith.andi %ne3A_3190, %ne3A_3193 : i1
    %sub3A_3195 = arith.constant 1 : i32
    %sub3A_3196 = arith.subi %div3A_3175, %sub3A_3195 : i32
    %select_n3A_3197 = arith.select %and3A_3194, %sub3A_3196, %div3A_3175 : i32
    %jit3A_3198 = arith.constant 16 : i32
    %eq3A_3199 = arith.constant 0 : i32
    %eq3A_3200 = arith.cmpi eq, %jit3A_3198, %eq3A_3199 : i32
    %jit3A_3201 = arith.constant 1 : i32
    %select_n3A_3202 = arith.select %eq3A_3200, %jit3A_3201, %jit3A_3198 : i32
    %rem3A_3203 = arith.remsi %add3A_3173, %select_n3A_3202 : i32
    %ne3A_3204 = arith.constant 0 : i32
    %ne3A_3205 = arith.cmpi ne, %rem3A_3203, %ne3A_3204 : i32
    %lt3A_3206 = arith.constant 0 : i32
    %lt3A_3207 = arith.cmpi slt, %rem3A_3203, %lt3A_3206 : i32
    %lt3A_3208 = arith.constant 0 : i32
    %lt3A_3209 = arith.cmpi slt, %select_n3A_3202, %lt3A_3208 : i32
    %ne3A_3210 = arith.xori %lt3A_3207, %lt3A_3209 : i1
    %and3A_3211 = arith.andi %ne3A_3210, %ne3A_3205 : i1
    %add3A_3212 = arith.addi %rem3A_3203, %select_n3A_3202 : i32
    %select_n3A_3213 = arith.select %and3A_3211, %add3A_3212, %rem3A_3203 : i32
    %mul3A_3214 = arith.constant 40000 : i32
    %mul3A_3215 = arith.muli %select_n3A_3197, %mul3A_3214 : i32
    %jit3A_3216 = arith.constant 128 : i32
    %div3A_3217 = arith.divsi %mul3A_3215, %jit3A_3216 : i32
    %sign3A_3218 = arith.constant 0 : i32
    %sign3A_3219 = arith.cmpi sgt, %mul3A_3215, %sign3A_3218 : i32
    %sign3A_3220 = arith.extui %sign3A_3219 : i1 to i32
    %sign3A_3221 = arith.constant 0 : i32
    %sign3A_3222 = arith.cmpi slt, %mul3A_3215, %sign3A_3221 : i32
    %sign3A_3223 = arith.extui %sign3A_3222 : i1 to i32
    %sign3A_3224 = arith.subi %sign3A_3220, %sign3A_3223 : i32
    %sign3A_3225 = arith.constant 0 : i32
    %sign3A_3226 = arith.cmpi sgt, %jit3A_3216, %sign3A_3225 : i32
    %sign3A_3227 = arith.extui %sign3A_3226 : i1 to i32
    %sign3A_3228 = arith.constant 0 : i32
    %sign3A_3229 = arith.cmpi slt, %jit3A_3216, %sign3A_3228 : i32
    %sign3A_3230 = arith.extui %sign3A_3229 : i1 to i32
    %sign3A_3231 = arith.subi %sign3A_3227, %sign3A_3230 : i32
    %ne3A_3232 = arith.cmpi ne, %sign3A_3224, %sign3A_3231 : i32
    %rem3A_3233 = arith.remsi %mul3A_3215, %jit3A_3216 : i32
    %ne3A_3234 = arith.constant 0 : i32
    %ne3A_3235 = arith.cmpi ne, %rem3A_3233, %ne3A_3234 : i32
    %and3A_3236 = arith.andi %ne3A_3232, %ne3A_3235 : i1
    %sub3A_3237 = arith.constant 1 : i32
    %sub3A_3238 = arith.subi %div3A_3217, %sub3A_3237 : i32
    %select_n3A_3239 = arith.select %and3A_3236, %sub3A_3238, %div3A_3217 : i32
    %mul3A_3240 = arith.constant 128 : i32
    %mul3A_3241 = arith.muli %select_n3A_3239, %mul3A_3240 : i32
    %sub3A_3242 = arith.subi %mul3A_3215, %mul3A_3241 : i32
    %mul3A_3243 = arith.constant 13 : i32
    %mul3A_3244 = arith.muli %add3A, %mul3A_3243 : i32
    %add3A_3245 = arith.constant 12 : i32
    %add3A_3246 = arith.addi %mul3A_3244, %add3A_3245 : i32
    %jit3A_3247 = arith.constant 16 : i32
    %div3A_3248 = arith.divsi %add3A_3246, %jit3A_3247 : i32
    %sign3A_3249 = arith.constant 0 : i32
    %sign3A_3250 = arith.cmpi sgt, %add3A_3246, %sign3A_3249 : i32
    %sign3A_3251 = arith.extui %sign3A_3250 : i1 to i32
    %sign3A_3252 = arith.constant 0 : i32
    %sign3A_3253 = arith.cmpi slt, %add3A_3246, %sign3A_3252 : i32
    %sign3A_3254 = arith.extui %sign3A_3253 : i1 to i32
    %sign3A_3255 = arith.subi %sign3A_3251, %sign3A_3254 : i32
    %sign3A_3256 = arith.constant 0 : i32
    %sign3A_3257 = arith.cmpi sgt, %jit3A_3247, %sign3A_3256 : i32
    %sign3A_3258 = arith.extui %sign3A_3257 : i1 to i32
    %sign3A_3259 = arith.constant 0 : i32
    %sign3A_3260 = arith.cmpi slt, %jit3A_3247, %sign3A_3259 : i32
    %sign3A_3261 = arith.extui %sign3A_3260 : i1 to i32
    %sign3A_3262 = arith.subi %sign3A_3258, %sign3A_3261 : i32
    %ne3A_3263 = arith.cmpi ne, %sign3A_3255, %sign3A_3262 : i32
    %rem3A_3264 = arith.remsi %add3A_3246, %jit3A_3247 : i32
    %ne3A_3265 = arith.constant 0 : i32
    %ne3A_3266 = arith.cmpi ne, %rem3A_3264, %ne3A_3265 : i32
    %and3A_3267 = arith.andi %ne3A_3263, %ne3A_3266 : i1
    %sub3A_3268 = arith.constant 1 : i32
    %sub3A_3269 = arith.subi %div3A_3248, %sub3A_3268 : i32
    %select_n3A_3270 = arith.select %and3A_3267, %sub3A_3269, %div3A_3248 : i32
    %jit3A_3271 = arith.constant 16 : i32
    %eq3A_3272 = arith.constant 0 : i32
    %eq3A_3273 = arith.cmpi eq, %jit3A_3271, %eq3A_3272 : i32
    %jit3A_3274 = arith.constant 1 : i32
    %select_n3A_3275 = arith.select %eq3A_3273, %jit3A_3274, %jit3A_3271 : i32
    %rem3A_3276 = arith.remsi %add3A_3246, %select_n3A_3275 : i32
    %ne3A_3277 = arith.constant 0 : i32
    %ne3A_3278 = arith.cmpi ne, %rem3A_3276, %ne3A_3277 : i32
    %lt3A_3279 = arith.constant 0 : i32
    %lt3A_3280 = arith.cmpi slt, %rem3A_3276, %lt3A_3279 : i32
    %lt3A_3281 = arith.constant 0 : i32
    %lt3A_3282 = arith.cmpi slt, %select_n3A_3275, %lt3A_3281 : i32
    %ne3A_3283 = arith.xori %lt3A_3280, %lt3A_3282 : i1
    %and3A_3284 = arith.andi %ne3A_3283, %ne3A_3278 : i1
    %add3A_3285 = arith.addi %rem3A_3276, %select_n3A_3275 : i32
    %select_n3A_3286 = arith.select %and3A_3284, %add3A_3285, %rem3A_3276 : i32
    %mul3A_3287 = arith.constant 40000 : i32
    %mul3A_3288 = arith.muli %select_n3A_3270, %mul3A_3287 : i32
    %jit3A_3289 = arith.constant 128 : i32
    %div3A_3290 = arith.divsi %mul3A_3288, %jit3A_3289 : i32
    %sign3A_3291 = arith.constant 0 : i32
    %sign3A_3292 = arith.cmpi sgt, %mul3A_3288, %sign3A_3291 : i32
    %sign3A_3293 = arith.extui %sign3A_3292 : i1 to i32
    %sign3A_3294 = arith.constant 0 : i32
    %sign3A_3295 = arith.cmpi slt, %mul3A_3288, %sign3A_3294 : i32
    %sign3A_3296 = arith.extui %sign3A_3295 : i1 to i32
    %sign3A_3297 = arith.subi %sign3A_3293, %sign3A_3296 : i32
    %sign3A_3298 = arith.constant 0 : i32
    %sign3A_3299 = arith.cmpi sgt, %jit3A_3289, %sign3A_3298 : i32
    %sign3A_3300 = arith.extui %sign3A_3299 : i1 to i32
    %sign3A_3301 = arith.constant 0 : i32
    %sign3A_3302 = arith.cmpi slt, %jit3A_3289, %sign3A_3301 : i32
    %sign3A_3303 = arith.extui %sign3A_3302 : i1 to i32
    %sign3A_3304 = arith.subi %sign3A_3300, %sign3A_3303 : i32
    %ne3A_3305 = arith.cmpi ne, %sign3A_3297, %sign3A_3304 : i32
    %rem3A_3306 = arith.remsi %mul3A_3288, %jit3A_3289 : i32
    %ne3A_3307 = arith.constant 0 : i32
    %ne3A_3308 = arith.cmpi ne, %rem3A_3306, %ne3A_3307 : i32
    %and3A_3309 = arith.andi %ne3A_3305, %ne3A_3308 : i1
    %sub3A_3310 = arith.constant 1 : i32
    %sub3A_3311 = arith.subi %div3A_3290, %sub3A_3310 : i32
    %select_n3A_3312 = arith.select %and3A_3309, %sub3A_3311, %div3A_3290 : i32
    %mul3A_3313 = arith.constant 128 : i32
    %mul3A_3314 = arith.muli %select_n3A_3312, %mul3A_3313 : i32
    %sub3A_3315 = arith.subi %mul3A_3288, %mul3A_3314 : i32
    %dma_start3A_3316 = tpu.memref_slice %arg2[%select_n3A_3286, %mul3A_3314] : memref<16x1040000xf32, #tpu.memory_space<hbm>> -> memref<1x40064xf32, #tpu.memory_space<hbm>>
    %dma_start3A_3317 = tpu.memref_squeeze %dma_start3A_3316 : memref<1x40064xf32, #tpu.memory_space<hbm>> -> memref<40064xf32, #tpu.memory_space<hbm>>
    %dma_start3A_3318 = tpu.memref_slice %arg2[%select_n3A_3286, %mul3A_3314] : memref<16x1040000xf32, #tpu.memory_space<hbm>> -> memref<1x40064xf32, #tpu.memory_space<hbm>>
    %dma_start3A_3319 = tpu.memref_squeeze %dma_start3A_3318 : memref<1x40064xf32, #tpu.memory_space<hbm>> -> memref<40064xf32, #tpu.memory_space<hbm>>
    tpu.enqueue_dma source(%dma_start3A_3319 : memref<40064xf32, #tpu.memory_space<hbm>>) target(%arg5 : memref<40064xf32, #tpu.memory_space<vmem>>) target_semaphore(%arg10 : memref<!tpu.dma_semaphore, #tpu.memory_space<semaphore_mem>>)
    %mul3A_3320 = arith.constant 13 : i32
    %mul3A_3321 = arith.muli %add3A, %mul3A_3320 : i32
    %add3A_3322 = arith.constant 11 : i32
    %add3A_3323 = arith.addi %mul3A_3321, %add3A_3322 : i32
    %sub3A_3324 = arith.constant 1 : i32
    %sub3A_3325 = arith.subi %add3A_3323, %sub3A_3324 : i32
    %jit3A_3326 = arith.constant 16 : i32
    %div3A_3327 = arith.divsi %sub3A_3325, %jit3A_3326 : i32
    %sign3A_3328 = arith.constant 0 : i32
    %sign3A_3329 = arith.cmpi sgt, %sub3A_3325, %sign3A_3328 : i32
    %sign3A_3330 = arith.extui %sign3A_3329 : i1 to i32
    %sign3A_3331 = arith.constant 0 : i32
    %sign3A_3332 = arith.cmpi slt, %sub3A_3325, %sign3A_3331 : i32
    %sign3A_3333 = arith.extui %sign3A_3332 : i1 to i32
    %sign3A_3334 = arith.subi %sign3A_3330, %sign3A_3333 : i32
    %sign3A_3335 = arith.constant 0 : i32
    %sign3A_3336 = arith.cmpi sgt, %jit3A_3326, %sign3A_3335 : i32
    %sign3A_3337 = arith.extui %sign3A_3336 : i1 to i32
    %sign3A_3338 = arith.constant 0 : i32
    %sign3A_3339 = arith.cmpi slt, %jit3A_3326, %sign3A_3338 : i32
    %sign3A_3340 = arith.extui %sign3A_3339 : i1 to i32
    %sign3A_3341 = arith.subi %sign3A_3337, %sign3A_3340 : i32
    %ne3A_3342 = arith.cmpi ne, %sign3A_3334, %sign3A_3341 : i32
    %rem3A_3343 = arith.remsi %sub3A_3325, %jit3A_3326 : i32
    %ne3A_3344 = arith.constant 0 : i32
    %ne3A_3345 = arith.cmpi ne, %rem3A_3343, %ne3A_3344 : i32
    %and3A_3346 = arith.andi %ne3A_3342, %ne3A_3345 : i1
    %sub3A_3347 = arith.constant 1 : i32
    %sub3A_3348 = arith.subi %div3A_3327, %sub3A_3347 : i32
    %select_n3A_3349 = arith.select %and3A_3346, %sub3A_3348, %div3A_3327 : i32
    %ne3A_3350 = arith.cmpi ne, %select_n3A_3197, %select_n3A_3349 : i32
    %convert_element_type3A_3351 = arith.extui %ne3A_3350 : i1 to i32
    %cond3A_3352 = arith.constant 0 : i32
    %cond3A_3353 = arith.cmpi ne, %convert_element_type3A_3351, %cond3A_3352 : i32
    scf.if %cond3A_3353 {
      %dma_wait3A_3588 = arith.constant 0 : i32
      %dma_wait3A_3589 = tpu.memref_slice %arg3[%select_n3A_3120, %dma_wait3A_3588] : memref<26x16384xi32, #tpu.memory_space<hbm>> -> memref<1x16384xi32, #tpu.memory_space<hbm>>
      %dma_wait3A_3590 = tpu.memref_squeeze %dma_wait3A_3589 : memref<1x16384xi32, #tpu.memory_space<hbm>> -> memref<16384xi32, #tpu.memory_space<hbm>>
      %dma_wait3A_3591 = arith.constant 0 : i32
      %dma_wait3A_3592 = tpu.memref_slice %arg3[%select_n3A_3120, %dma_wait3A_3591] : memref<26x16384xi32, #tpu.memory_space<hbm>> -> memref<1x16384xi32, #tpu.memory_space<hbm>>
      %dma_wait3A_3593 = tpu.memref_squeeze %dma_wait3A_3592 : memref<1x16384xi32, #tpu.memory_space<hbm>> -> memref<16384xi32, #tpu.memory_space<hbm>>
      tpu.wait_dma2 semaphore(%arg14 : memref<!tpu.dma_semaphore, #tpu.memory_space<semaphore_mem>>) src(%dma_wait3A_3593 : memref<16384xi32, #tpu.memory_space<hbm>>) dst(%arg7 : memref<16384xi32, #tpu.memory_space<vmem>>)
    } else {
    }
    %dma_wait3A_3354 = tpu.memref_slice %arg2[%select_n3A_3006, %mul3A_3034] : memref<16x1040000xf32, #tpu.memory_space<hbm>> -> memref<1x40064xf32, #tpu.memory_space<hbm>>
    %dma_wait3A_3355 = tpu.memref_squeeze %dma_wait3A_3354 : memref<1x40064xf32, #tpu.memory_space<hbm>> -> memref<40064xf32, #tpu.memory_space<hbm>>
    %dma_wait3A_3356 = tpu.memref_slice %arg2[%select_n3A_3006, %mul3A_3034] : memref<16x1040000xf32, #tpu.memory_space<hbm>> -> memref<1x40064xf32, #tpu.memory_space<hbm>>
    %dma_wait3A_3357 = tpu.memref_squeeze %dma_wait3A_3356 : memref<1x40064xf32, #tpu.memory_space<hbm>> -> memref<40064xf32, #tpu.memory_space<hbm>>
    tpu.wait_dma2 semaphore(%arg11 : memref<!tpu.dma_semaphore, #tpu.memory_space<semaphore_mem>>) src(%dma_wait3A_3357 : memref<40064xf32, #tpu.memory_space<hbm>>) dst(%arg6 : memref<40064xf32, #tpu.memory_space<vmem>>)
    %dma_wait3A_3358 = arith.constant 0 : i32
    %dma_wait3A_3359 = tpu.memref_slice %arg4[%select_n3A_2637, %select_n3A_2653, %dma_wait3A_3358] : memref<26x16x16384xf32, #tpu.memory_space<hbm>> -> memref<1x1x16384xf32, #tpu.memory_space<hbm>>
    %dma_wait3A_3360 = tpu.memref_squeeze %dma_wait3A_3359 : memref<1x1x16384xf32, #tpu.memory_space<hbm>> -> memref<16384xf32, #tpu.memory_space<hbm>>
    %dma_wait3A_3361 = arith.constant 0 : i32
    %dma_wait3A_3362 = tpu.memref_slice %arg4[%select_n3A_2637, %select_n3A_2653, %dma_wait3A_3361] : memref<26x16x16384xf32, #tpu.memory_space<hbm>> -> memref<1x1x16384xf32, #tpu.memory_space<hbm>>
    %dma_wait3A_3363 = tpu.memref_squeeze %dma_wait3A_3362 : memref<1x1x16384xf32, #tpu.memory_space<hbm>> -> memref<16384xf32, #tpu.memory_space<hbm>>
    tpu.wait_dma2 semaphore(%arg13 : memref<!tpu.dma_semaphore, #tpu.memory_space<semaphore_mem>>) src(%arg9 : memref<16384xf32, #tpu.memory_space<vmem>>) dst(%dma_wait3A_3363 : memref<16384xf32, #tpu.memory_space<hbm>>)
    %parallel_loop3A_3364 = arith.constant 0 : i32
    %parallel_loop3A_3365 = arith.constant 16384 : i32
    %parallel_loop3A_3366 = arith.constant 16 : i32
    scf.for %parallel_loop3A_3588 = %parallel_loop3A_3364 to %parallel_loop3A_3365 step %parallel_loop3A_3366  : i32 {
      %parallel_loop3A_3589 = arith.index_cast %parallel_loop3A_3588 : i32 to index
      %parallel_loop3A_3590 = tpu.vector_load %arg7[%parallel_loop3A_3589] {strides = array<i32>} : memref<16384xi32, #tpu.memory_space<vmem>>, vector<16xi32>,
      %parallel_loop3A_3591 = vector.broadcast %sub3A_3242 : i32 to vector<16xi32>
      %parallel_loop3A_3592 = arith.addi %parallel_loop3A_3590, %parallel_loop3A_3591 : vector<16xi32>
      %parallel_loop3A_3593 = tpu.vector_load_idx %arg6[%parallel_loop3A_3592] : memref<40064xf32, #tpu.memory_space<vmem>>[vector<16xi32>], vector<16xf32>,
      %parallel_loop3A_3594 = arith.index_cast %parallel_loop3A_3588 : i32 to index
      %parallel_loop3A_3595 = tpu.vector_load %arg9[%parallel_loop3A_3594] {strides = array<i32>} : memref<16384xf32, #tpu.memory_space<vmem>>, vector<16xf32>,
      tpu.vector_store %arg9[%parallel_loop3A_3594], %parallel_loop3A_3593 {strides = array<i32>} : memref<16384xf32, #tpu.memory_space<vmem>>, vector<16xf32>,
    } {sc.loop_unroll_factor = 8 : i64, sc.parallel_access}
    %dma_start3A_3367 = arith.constant 0 : i32
    %dma_start3A_3368 = tpu.memref_slice %arg4[%select_n3A_3197, %select_n3A_3213, %dma_start3A_3367] : memref<26x16x16384xf32, #tpu.memory_space<hbm>> -> memref<1x1x16384xf32, #tpu.memory_space<hbm>>
    %dma_start3A_3369 = tpu.memref_squeeze %dma_start3A_3368 : memref<1x1x16384xf32, #tpu.memory_space<hbm>> -> memref<16384xf32, #tpu.memory_space<hbm>>
    %dma_start3A_3370 = arith.constant 0 : i32
    %dma_start3A_3371 = tpu.memref_slice %arg4[%select_n3A_3197, %select_n3A_3213, %dma_start3A_3370] : memref<26x16x16384xf32, #tpu.memory_space<hbm>> -> memref<1x1x16384xf32, #tpu.memory_space<hbm>>
    %dma_start3A_3372 = tpu.memref_squeeze %dma_start3A_3371 : memref<1x1x16384xf32, #tpu.memory_space<hbm>> -> memref<16384xf32, #tpu.memory_space<hbm>>
    tpu.enqueue_dma source(%arg9 : memref<16384xf32, #tpu.memory_space<vmem>>) target(%dma_start3A_3372 : memref<16384xf32, #tpu.memory_space<hbm>>) target_semaphore(%arg13 : memref<!tpu.dma_semaphore, #tpu.memory_space<semaphore_mem>>)
    %mul3A_3373 = arith.constant 13 : i32
    %mul3A_3374 = arith.muli %add3A, %mul3A_3373 : i32
    %add3A_3375 = arith.constant 12 : i32
    %add3A_3376 = arith.addi %mul3A_3374, %add3A_3375 : i32
    %jit3A_3377 = arith.constant 16 : i32
    %div3A_3378 = arith.divsi %add3A_3376, %jit3A_3377 : i32
    %sign3A_3379 = arith.constant 0 : i32
    %sign3A_3380 = arith.cmpi sgt, %add3A_3376, %sign3A_3379 : i32
    %sign3A_3381 = arith.extui %sign3A_3380 : i1 to i32
    %sign3A_3382 = arith.constant 0 : i32
    %sign3A_3383 = arith.cmpi slt, %add3A_3376, %sign3A_3382 : i32
    %sign3A_3384 = arith.extui %sign3A_3383 : i1 to i32
    %sign3A_3385 = arith.subi %sign3A_3381, %sign3A_3384 : i32
    %sign3A_3386 = arith.constant 0 : i32
    %sign3A_3387 = arith.cmpi sgt, %jit3A_3377, %sign3A_3386 : i32
    %sign3A_3388 = arith.extui %sign3A_3387 : i1 to i32
    %sign3A_3389 = arith.constant 0 : i32
    %sign3A_3390 = arith.cmpi slt, %jit3A_3377, %sign3A_3389 : i32
    %sign3A_3391 = arith.extui %sign3A_3390 : i1 to i32
    %sign3A_3392 = arith.subi %sign3A_3388, %sign3A_3391 : i32
    %ne3A_3393 = arith.cmpi ne, %sign3A_3385, %sign3A_3392 : i32
    %rem3A_3394 = arith.remsi %add3A_3376, %jit3A_3377 : i32
    %ne3A_3395 = arith.constant 0 : i32
    %ne3A_3396 = arith.cmpi ne, %rem3A_3394, %ne3A_3395 : i32
    %and3A_3397 = arith.andi %ne3A_3393, %ne3A_3396 : i1
    %sub3A_3398 = arith.constant 1 : i32
    %sub3A_3399 = arith.subi %div3A_3378, %sub3A_3398 : i32
    %select_n3A_3400 = arith.select %and3A_3397, %sub3A_3399, %div3A_3378 : i32
    %jit3A_3401 = arith.constant 16 : i32
    %eq3A_3402 = arith.constant 0 : i32
    %eq3A_3403 = arith.cmpi eq, %jit3A_3401, %eq3A_3402 : i32
    %jit3A_3404 = arith.constant 1 : i32
    %select_n3A_3405 = arith.select %eq3A_3403, %jit3A_3404, %jit3A_3401 : i32
    %rem3A_3406 = arith.remsi %add3A_3376, %select_n3A_3405 : i32
    %ne3A_3407 = arith.constant 0 : i32
    %ne3A_3408 = arith.cmpi ne, %rem3A_3406, %ne3A_3407 : i32
    %lt3A_3409 = arith.constant 0 : i32
    %lt3A_3410 = arith.cmpi slt, %rem3A_3406, %lt3A_3409 : i32
    %lt3A_3411 = arith.constant 0 : i32
    %lt3A_3412 = arith.cmpi slt, %select_n3A_3405, %lt3A_3411 : i32
    %ne3A_3413 = arith.xori %lt3A_3410, %lt3A_3412 : i1
    %and3A_3414 = arith.andi %ne3A_3413, %ne3A_3408 : i1
    %add3A_3415 = arith.addi %rem3A_3406, %select_n3A_3405 : i32
    %select_n3A_3416 = arith.select %and3A_3414, %add3A_3415, %rem3A_3406 : i32
    %mul3A_3417 = arith.constant 40000 : i32
    %mul3A_3418 = arith.muli %select_n3A_3400, %mul3A_3417 : i32
    %jit3A_3419 = arith.constant 128 : i32
    %div3A_3420 = arith.divsi %mul3A_3418, %jit3A_3419 : i32
    %sign3A_3421 = arith.constant 0 : i32
    %sign3A_3422 = arith.cmpi sgt, %mul3A_3418, %sign3A_3421 : i32
    %sign3A_3423 = arith.extui %sign3A_3422 : i1 to i32
    %sign3A_3424 = arith.constant 0 : i32
    %sign3A_3425 = arith.cmpi slt, %mul3A_3418, %sign3A_3424 : i32
    %sign3A_3426 = arith.extui %sign3A_3425 : i1 to i32
    %sign3A_3427 = arith.subi %sign3A_3423, %sign3A_3426 : i32
    %sign3A_3428 = arith.constant 0 : i32
    %sign3A_3429 = arith.cmpi sgt, %jit3A_3419, %sign3A_3428 : i32
    %sign3A_3430 = arith.extui %sign3A_3429 : i1 to i32
    %sign3A_3431 = arith.constant 0 : i32
    %sign3A_3432 = arith.cmpi slt, %jit3A_3419, %sign3A_3431 : i32
    %sign3A_3433 = arith.extui %sign3A_3432 : i1 to i32
    %sign3A_3434 = arith.subi %sign3A_3430, %sign3A_3433 : i32
    %ne3A_3435 = arith.cmpi ne, %sign3A_3427, %sign3A_3434 : i32
    %rem3A_3436 = arith.remsi %mul3A_3418, %jit3A_3419 : i32
    %ne3A_3437 = arith.constant 0 : i32
    %ne3A_3438 = arith.cmpi ne, %rem3A_3436, %ne3A_3437 : i32
    %and3A_3439 = arith.andi %ne3A_3435, %ne3A_3438 : i1
    %sub3A_3440 = arith.constant 1 : i32
    %sub3A_3441 = arith.subi %div3A_3420, %sub3A_3440 : i32
    %select_n3A_3442 = arith.select %and3A_3439, %sub3A_3441, %div3A_3420 : i32
    %mul3A_3443 = arith.constant 128 : i32
    %mul3A_3444 = arith.muli %select_n3A_3442, %mul3A_3443 : i32
    %sub3A_3445 = arith.subi %mul3A_3418, %mul3A_3444 : i32
    %ne3A_3446 = arith.cmpi ne, %select_n3A_3400, %select_n3A_3197 : i32
    %convert_element_type3A_3447 = arith.extui %ne3A_3446 : i1 to i32
    %cond3A_3448 = arith.constant 0 : i32
    %cond3A_3449 = arith.cmpi ne, %convert_element_type3A_3447, %cond3A_3448 : i32
    scf.if %cond3A_3449 {
      %dma_start3A_3588 = arith.constant 0 : i32
      %dma_start3A_3589 = tpu.memref_slice %arg3[%select_n3A_3400, %dma_start3A_3588] : memref<26x16384xi32, #tpu.memory_space<hbm>> -> memref<1x16384xi32, #tpu.memory_space<hbm>>
      %dma_start3A_3590 = tpu.memref_squeeze %dma_start3A_3589 : memref<1x16384xi32, #tpu.memory_space<hbm>> -> memref<16384xi32, #tpu.memory_space<hbm>>
      %dma_start3A_3591 = arith.constant 0 : i32
      %dma_start3A_3592 = tpu.memref_slice %arg3[%select_n3A_3400, %dma_start3A_3591] : memref<26x16384xi32, #tpu.memory_space<hbm>> -> memref<1x16384xi32, #tpu.memory_space<hbm>>
      %dma_start3A_3593 = tpu.memref_squeeze %dma_start3A_3592 : memref<1x16384xi32, #tpu.memory_space<hbm>> -> memref<16384xi32, #tpu.memory_space<hbm>>
      tpu.enqueue_dma source(%dma_start3A_3593 : memref<16384xi32, #tpu.memory_space<hbm>>) target(%arg7 : memref<16384xi32, #tpu.memory_space<vmem>>) target_semaphore(%arg14 : memref<!tpu.dma_semaphore, #tpu.memory_space<semaphore_mem>>)
    } else {
    }
    %mul3A_3450 = arith.constant 13 : i32
    %mul3A_3451 = arith.muli %add3A, %mul3A_3450 : i32
    %add3A_3452 = arith.constant 12 : i32
    %add3A_3453 = arith.addi %mul3A_3451, %add3A_3452 : i32
    %jit3A_3454 = arith.constant 16 : i32
    %div3A_3455 = arith.divsi %add3A_3453, %jit3A_3454 : i32
    %sign3A_3456 = arith.constant 0 : i32
    %sign3A_3457 = arith.cmpi sgt, %add3A_3453, %sign3A_3456 : i32
    %sign3A_3458 = arith.extui %sign3A_3457 : i1 to i32
    %sign3A_3459 = arith.constant 0 : i32
    %sign3A_3460 = arith.cmpi slt, %add3A_3453, %sign3A_3459 : i32
    %sign3A_3461 = arith.extui %sign3A_3460 : i1 to i32
    %sign3A_3462 = arith.subi %sign3A_3458, %sign3A_3461 : i32
    %sign3A_3463 = arith.constant 0 : i32
    %sign3A_3464 = arith.cmpi sgt, %jit3A_3454, %sign3A_3463 : i32
    %sign3A_3465 = arith.extui %sign3A_3464 : i1 to i32
    %sign3A_3466 = arith.constant 0 : i32
    %sign3A_3467 = arith.cmpi slt, %jit3A_3454, %sign3A_3466 : i32
    %sign3A_3468 = arith.extui %sign3A_3467 : i1 to i32
    %sign3A_3469 = arith.subi %sign3A_3465, %sign3A_3468 : i32
    %ne3A_3470 = arith.cmpi ne, %sign3A_3462, %sign3A_3469 : i32
    %rem3A_3471 = arith.remsi %add3A_3453, %jit3A_3454 : i32
    %ne3A_3472 = arith.constant 0 : i32
    %ne3A_3473 = arith.cmpi ne, %rem3A_3471, %ne3A_3472 : i32
    %and3A_3474 = arith.andi %ne3A_3470, %ne3A_3473 : i1
    %sub3A_3475 = arith.constant 1 : i32
    %sub3A_3476 = arith.subi %div3A_3455, %sub3A_3475 : i32
    %select_n3A_3477 = arith.select %and3A_3474, %sub3A_3476, %div3A_3455 : i32
    %jit3A_3478 = arith.constant 16 : i32
    %eq3A_3479 = arith.constant 0 : i32
    %eq3A_3480 = arith.cmpi eq, %jit3A_3478, %eq3A_3479 : i32
    %jit3A_3481 = arith.constant 1 : i32
    %select_n3A_3482 = arith.select %eq3A_3480, %jit3A_3481, %jit3A_3478 : i32
    %rem3A_3483 = arith.remsi %add3A_3453, %select_n3A_3482 : i32
    %ne3A_3484 = arith.constant 0 : i32
    %ne3A_3485 = arith.cmpi ne, %rem3A_3483, %ne3A_3484 : i32
    %lt3A_3486 = arith.constant 0 : i32
    %lt3A_3487 = arith.cmpi slt, %rem3A_3483, %lt3A_3486 : i32
    %lt3A_3488 = arith.constant 0 : i32
    %lt3A_3489 = arith.cmpi slt, %select_n3A_3482, %lt3A_3488 : i32
    %ne3A_3490 = arith.xori %lt3A_3487, %lt3A_3489 : i1
    %and3A_3491 = arith.andi %ne3A_3490, %ne3A_3485 : i1
    %add3A_3492 = arith.addi %rem3A_3483, %select_n3A_3482 : i32
    %select_n3A_3493 = arith.select %and3A_3491, %add3A_3492, %rem3A_3483 : i32
    %mul3A_3494 = arith.constant 40000 : i32
    %mul3A_3495 = arith.muli %select_n3A_3477, %mul3A_3494 : i32
    %jit3A_3496 = arith.constant 128 : i32
    %div3A_3497 = arith.divsi %mul3A_3495, %jit3A_3496 : i32
    %sign3A_3498 = arith.constant 0 : i32
    %sign3A_3499 = arith.cmpi sgt, %mul3A_3495, %sign3A_3498 : i32
    %sign3A_3500 = arith.extui %sign3A_3499 : i1 to i32
    %sign3A_3501 = arith.constant 0 : i32
    %sign3A_3502 = arith.cmpi slt, %mul3A_3495, %sign3A_3501 : i32
    %sign3A_3503 = arith.extui %sign3A_3502 : i1 to i32
    %sign3A_3504 = arith.subi %sign3A_3500, %sign3A_3503 : i32
    %sign3A_3505 = arith.constant 0 : i32
    %sign3A_3506 = arith.cmpi sgt, %jit3A_3496, %sign3A_3505 : i32
    %sign3A_3507 = arith.extui %sign3A_3506 : i1 to i32
    %sign3A_3508 = arith.constant 0 : i32
    %sign3A_3509 = arith.cmpi slt, %jit3A_3496, %sign3A_3508 : i32
    %sign3A_3510 = arith.extui %sign3A_3509 : i1 to i32
    %sign3A_3511 = arith.subi %sign3A_3507, %sign3A_3510 : i32
    %ne3A_3512 = arith.cmpi ne, %sign3A_3504, %sign3A_3511 : i32
    %rem3A_3513 = arith.remsi %mul3A_3495, %jit3A_3496 : i32
    %ne3A_3514 = arith.constant 0 : i32
    %ne3A_3515 = arith.cmpi ne, %rem3A_3513, %ne3A_3514 : i32
    %and3A_3516 = arith.andi %ne3A_3512, %ne3A_3515 : i1
    %sub3A_3517 = arith.constant 1 : i32
    %sub3A_3518 = arith.subi %div3A_3497, %sub3A_3517 : i32
    %select_n3A_3519 = arith.select %and3A_3516, %sub3A_3518, %div3A_3497 : i32
    %mul3A_3520 = arith.constant 128 : i32
    %mul3A_3521 = arith.muli %select_n3A_3519, %mul3A_3520 : i32
    %sub3A_3522 = arith.subi %mul3A_3495, %mul3A_3521 : i32
    %mul3A_3523 = arith.constant 13 : i32
    %mul3A_3524 = arith.muli %add3A, %mul3A_3523 : i32
    %add3A_3525 = arith.constant 12 : i32
    %add3A_3526 = arith.addi %mul3A_3524, %add3A_3525 : i32
    %sub3A_3527 = arith.constant 1 : i32
    %sub3A_3528 = arith.subi %add3A_3526, %sub3A_3527 : i32
    %jit3A_3529 = arith.constant 16 : i32
    %div3A_3530 = arith.divsi %sub3A_3528, %jit3A_3529 : i32
    %sign3A_3531 = arith.constant 0 : i32
    %sign3A_3532 = arith.cmpi sgt, %sub3A_3528, %sign3A_3531 : i32
    %sign3A_3533 = arith.extui %sign3A_3532 : i1 to i32
    %sign3A_3534 = arith.constant 0 : i32
    %sign3A_3535 = arith.cmpi slt, %sub3A_3528, %sign3A_3534 : i32
    %sign3A_3536 = arith.extui %sign3A_3535 : i1 to i32
    %sign3A_3537 = arith.subi %sign3A_3533, %sign3A_3536 : i32
    %sign3A_3538 = arith.constant 0 : i32
    %sign3A_3539 = arith.cmpi sgt, %jit3A_3529, %sign3A_3538 : i32
    %sign3A_3540 = arith.extui %sign3A_3539 : i1 to i32
    %sign3A_3541 = arith.constant 0 : i32
    %sign3A_3542 = arith.cmpi slt, %jit3A_3529, %sign3A_3541 : i32
    %sign3A_3543 = arith.extui %sign3A_3542 : i1 to i32
    %sign3A_3544 = arith.subi %sign3A_3540, %sign3A_3543 : i32
    %ne3A_3545 = arith.cmpi ne, %sign3A_3537, %sign3A_3544 : i32
    %rem3A_3546 = arith.remsi %sub3A_3528, %jit3A_3529 : i32
    %ne3A_3547 = arith.constant 0 : i32
    %ne3A_3548 = arith.cmpi ne, %rem3A_3546, %ne3A_3547 : i32
    %and3A_3549 = arith.andi %ne3A_3545, %ne3A_3548 : i1
    %sub3A_3550 = arith.constant 1 : i32
    %sub3A_3551 = arith.subi %div3A_3530, %sub3A_3550 : i32
    %select_n3A_3552 = arith.select %and3A_3549, %sub3A_3551, %div3A_3530 : i32
    %ne3A_3553 = arith.cmpi ne, %select_n3A_3477, %select_n3A_3552 : i32
    %convert_element_type3A_3554 = arith.extui %ne3A_3553 : i1 to i32
    %cond3A_3555 = arith.constant 0 : i32
    %cond3A_3556 = arith.cmpi ne, %convert_element_type3A_3554, %cond3A_3555 : i32
    scf.if %cond3A_3556 {
      %dma_wait3A_3588 = arith.constant 0 : i32
      %dma_wait3A_3589 = tpu.memref_slice %arg3[%select_n3A_3400, %dma_wait3A_3588] : memref<26x16384xi32, #tpu.memory_space<hbm>> -> memref<1x16384xi32, #tpu.memory_space<hbm>>
      %dma_wait3A_3590 = tpu.memref_squeeze %dma_wait3A_3589 : memref<1x16384xi32, #tpu.memory_space<hbm>> -> memref<16384xi32, #tpu.memory_space<hbm>>
      %dma_wait3A_3591 = arith.constant 0 : i32
      %dma_wait3A_3592 = tpu.memref_slice %arg3[%select_n3A_3400, %dma_wait3A_3591] : memref<26x16384xi32, #tpu.memory_space<hbm>> -> memref<1x16384xi32, #tpu.memory_space<hbm>>
      %dma_wait3A_3593 = tpu.memref_squeeze %dma_wait3A_3592 : memref<1x16384xi32, #tpu.memory_space<hbm>> -> memref<16384xi32, #tpu.memory_space<hbm>>
      tpu.wait_dma2 semaphore(%arg14 : memref<!tpu.dma_semaphore, #tpu.memory_space<semaphore_mem>>) src(%dma_wait3A_3593 : memref<16384xi32, #tpu.memory_space<hbm>>) dst(%arg7 : memref<16384xi32, #tpu.memory_space<vmem>>)
    } else {
    }
    %dma_wait3A_3557 = tpu.memref_slice %arg2[%select_n3A_3286, %mul3A_3314] : memref<16x1040000xf32, #tpu.memory_space<hbm>> -> memref<1x40064xf32, #tpu.memory_space<hbm>>
    %dma_wait3A_3558 = tpu.memref_squeeze %dma_wait3A_3557 : memref<1x40064xf32, #tpu.memory_space<hbm>> -> memref<40064xf32, #tpu.memory_space<hbm>>
    %dma_wait3A_3559 = tpu.memref_slice %arg2[%select_n3A_3286, %mul3A_3314] : memref<16x1040000xf32, #tpu.memory_space<hbm>> -> memref<1x40064xf32, #tpu.memory_space<hbm>>
    %dma_wait3A_3560 = tpu.memref_squeeze %dma_wait3A_3559 : memref<1x40064xf32, #tpu.memory_space<hbm>> -> memref<40064xf32, #tpu.memory_space<hbm>>
    tpu.wait_dma2 semaphore(%arg10 : memref<!tpu.dma_semaphore, #tpu.memory_space<semaphore_mem>>) src(%dma_wait3A_3560 : memref<40064xf32, #tpu.memory_space<hbm>>) dst(%arg5 : memref<40064xf32, #tpu.memory_space<vmem>>)
    %dma_wait3A_3561 = arith.constant 0 : i32
    %dma_wait3A_3562 = tpu.memref_slice %arg4[%select_n3A_2917, %select_n3A_2933, %dma_wait3A_3561] : memref<26x16x16384xf32, #tpu.memory_space<hbm>> -> memref<1x1x16384xf32, #tpu.memory_space<hbm>>
    %dma_wait3A_3563 = tpu.memref_squeeze %dma_wait3A_3562 : memref<1x1x16384xf32, #tpu.memory_space<hbm>> -> memref<16384xf32, #tpu.memory_space<hbm>>
    %dma_wait3A_3564 = arith.constant 0 : i32
    %dma_wait3A_3565 = tpu.memref_slice %arg4[%select_n3A_2917, %select_n3A_2933, %dma_wait3A_3564] : memref<26x16x16384xf32, #tpu.memory_space<hbm>> -> memref<1x1x16384xf32, #tpu.memory_space<hbm>>
    %dma_wait3A_3566 = tpu.memref_squeeze %dma_wait3A_3565 : memref<1x1x16384xf32, #tpu.memory_space<hbm>> -> memref<16384xf32, #tpu.memory_space<hbm>>
    tpu.wait_dma2 semaphore(%arg12 : memref<!tpu.dma_semaphore, #tpu.memory_space<semaphore_mem>>) src(%arg8 : memref<16384xf32, #tpu.memory_space<vmem>>) dst(%dma_wait3A_3566 : memref<16384xf32, #tpu.memory_space<hbm>>)
    %parallel_loop3A_3567 = arith.constant 0 : i32
    %parallel_loop3A_3568 = arith.constant 16384 : i32
    %parallel_loop3A_3569 = arith.constant 16 : i32
    scf.for %parallel_loop3A_3588 = %parallel_loop3A_3567 to %parallel_loop3A_3568 step %parallel_loop3A_3569  : i32 {
      %parallel_loop3A_3589 = arith.index_cast %parallel_loop3A_3588 : i32 to index
      %parallel_loop3A_3590 = tpu.vector_load %arg7[%parallel_loop3A_3589] {strides = array<i32>} : memref<16384xi32, #tpu.memory_space<vmem>>, vector<16xi32>,
      %parallel_loop3A_3591 = vector.broadcast %sub3A_3522 : i32 to vector<16xi32>
      %parallel_loop3A_3592 = arith.addi %parallel_loop3A_3590, %parallel_loop3A_3591 : vector<16xi32>
      %parallel_loop3A_3593 = tpu.vector_load_idx %arg5[%parallel_loop3A_3592] : memref<40064xf32, #tpu.memory_space<vmem>>[vector<16xi32>], vector<16xf32>,
      %parallel_loop3A_3594 = arith.index_cast %parallel_loop3A_3588 : i32 to index
      %parallel_loop3A_3595 = tpu.vector_load %arg8[%parallel_loop3A_3594] {strides = array<i32>} : memref<16384xf32, #tpu.memory_space<vmem>>, vector<16xf32>,
      tpu.vector_store %arg8[%parallel_loop3A_3594], %parallel_loop3A_3593 {strides = array<i32>} : memref<16384xf32, #tpu.memory_space<vmem>>, vector<16xf32>,
    } {sc.loop_unroll_factor = 8 : i64, sc.parallel_access}
    %dma_start3A_3570 = arith.constant 0 : i32
    %dma_start3A_3571 = tpu.memref_slice %arg4[%select_n3A_3477, %select_n3A_3493, %dma_start3A_3570] : memref<26x16x16384xf32, #tpu.memory_space<hbm>> -> memref<1x1x16384xf32, #tpu.memory_space<hbm>>
    %dma_start3A_3572 = tpu.memref_squeeze %dma_start3A_3571 : memref<1x1x16384xf32, #tpu.memory_space<hbm>> -> memref<16384xf32, #tpu.memory_space<hbm>>
    %dma_start3A_3573 = arith.constant 0 : i32
    %dma_start3A_3574 = tpu.memref_slice %arg4[%select_n3A_3477, %select_n3A_3493, %dma_start3A_3573] : memref<26x16x16384xf32, #tpu.memory_space<hbm>> -> memref<1x1x16384xf32, #tpu.memory_space<hbm>>
    %dma_start3A_3575 = tpu.memref_squeeze %dma_start3A_3574 : memref<1x1x16384xf32, #tpu.memory_space<hbm>> -> memref<16384xf32, #tpu.memory_space<hbm>>
    tpu.enqueue_dma source(%arg8 : memref<16384xf32, #tpu.memory_space<vmem>>) target(%dma_start3A_3575 : memref<16384xf32, #tpu.memory_space<hbm>>) target_semaphore(%arg12 : memref<!tpu.dma_semaphore, #tpu.memory_space<semaphore_mem>>)
    %dma_wait3A_3576 = arith.constant 0 : i32
    %dma_wait3A_3577 = tpu.memref_slice %arg4[%select_n3A_3477, %select_n3A_3493, %dma_wait3A_3576] : memref<26x16x16384xf32, #tpu.memory_space<hbm>> -> memref<1x1x16384xf32, #tpu.memory_space<hbm>>
    %dma_wait3A_3578 = tpu.memref_squeeze %dma_wait3A_3577 : memref<1x1x16384xf32, #tpu.memory_space<hbm>> -> memref<16384xf32, #tpu.memory_space<hbm>>
    %dma_wait3A_3579 = arith.constant 0 : i32
    %dma_wait3A_3580 = tpu.memref_slice %arg4[%select_n3A_3477, %select_n3A_3493, %dma_wait3A_3579] : memref<26x16x16384xf32, #tpu.memory_space<hbm>> -> memref<1x1x16384xf32, #tpu.memory_space<hbm>>
    %dma_wait3A_3581 = tpu.memref_squeeze %dma_wait3A_3580 : memref<1x1x16384xf32, #tpu.memory_space<hbm>> -> memref<16384xf32, #tpu.memory_space<hbm>>
    tpu.wait_dma2 semaphore(%arg12 : memref<!tpu.dma_semaphore, #tpu.memory_space<semaphore_mem>>) src(%arg8 : memref<16384xf32, #tpu.memory_space<vmem>>) dst(%dma_wait3A_3581 : memref<16384xf32, #tpu.memory_space<hbm>>)
    %dma_wait3A_3582 = arith.constant 0 : i32
    %dma_wait3A_3583 = tpu.memref_slice %arg4[%select_n3A_3197, %select_n3A_3213, %dma_wait3A_3582] : memref<26x16x16384xf32, #tpu.memory_space<hbm>> -> memref<1x1x16384xf32, #tpu.memory_space<hbm>>
    %dma_wait3A_3584 = tpu.memref_squeeze %dma_wait3A_3583 : memref<1x1x16384xf32, #tpu.memory_space<hbm>> -> memref<16384xf32, #tpu.memory_space<hbm>>
    %dma_wait3A_3585 = arith.constant 0 : i32
    %dma_wait3A_3586 = tpu.memref_slice %arg4[%select_n3A_3197, %select_n3A_3213, %dma_wait3A_3585] : memref<26x16x16384xf32, #tpu.memory_space<hbm>> -> memref<1x1x16384xf32, #tpu.memory_space<hbm>>
    %dma_wait3A_3587 = tpu.memref_squeeze %dma_wait3A_3586 : memref<1x1x16384xf32, #tpu.memory_space<hbm>> -> memref<16384xf32, #tpu.memory_space<hbm>>
    tpu.wait_dma2 semaphore(%arg13 : memref<!tpu.dma_semaphore, #tpu.memory_space<semaphore_mem>>) src(%arg9 : memref<16384xf32, #tpu.memory_space<vmem>>) dst(%dma_wait3A_3587 : memref<16384xf32, #tpu.memory_space<hbm>>)
    return
  }
}

</mosaic_0001>

<sc_bundles>
// kernel: kernel.3.cloned.1.call-start
scs
__scs_entry_jumppad:
0x0: {  	(pc) =	sbr.rel $0x88, $3  }
0x1: {  	(tag) =	ssettag $0x0;
	lr =	simm.s32 $0x1  }
0x2: {  	[smem:$0x3F9F] =	sst lr;
	_ =	strace $0xD0000000  }
0x3: {  	_ = 	snop  }
0x4: {  	_ = 	snop  }
0x5: {  	_ = 	snop  }
0x6: {  	_ = 	snop  }
0x7: {  	_ = 	snop  }
__scs_overlays_trampoline_lowered:
0x8: {  	[smem:$0x3FAE] =	sst s0  }
0x9: {  	[smem:$0x3FAF] =	sst s1  }
0xa: {  	[smem:$0x3FB0] =	sst s2  }
0xb: {  	[smem:$0x3FB1] =	sst s3  }
0xc: {  	[smem:$0x3FB2] =	sst s4  }
0xd: {  	[smem:$0x3FB3] =	sst s5  }
0xe: {  	[smem:$0x3FB4] =	sst s6  }
0xf: {  	[smem:$0x3FB5] =	sst s7  }
0x10: {  	[smem:$0x3FB6] =	sst s8  }
0x11: {  	[smem:$0x3FB7] =	sst s9;
	s0 =	simm.s32 @!p0 $0x0  }
0x12: {  	s1 =	sld [smem:$0x3F9D];
	s0 =	simm.s32 @p0 $0x1  }
0x13: {  	[smem:$0x3FB8] =	sst s0;
	s0 =	simm.s32 @!p1 $0x0  }
0x14: {  	s2 =	sld [smem:$0x3F9C];
	s0 =	simm.s32 @p1 $0x1  }
0x15: {  	[smem:$0x3FB9] =	sst s0;
	s0 =	simm.s32 @!p2 $0x0  }
0x16: {  	s3 =	sld [smem:$0x3FDB];
	s0 =	simm.s32 @p2 $0x1  }
0x17: {  	s4 =	simm.s32 $0x1BF5;
	[smem:$0x3FBB] =	sst s0  }
0x18: {  	s0 =	sld [smem:$0x3F9E];
	_ =	swait.ge [sflag:s4], $0x0  }
0x19: {  	s7 =	sld [smem:$0x3F9F]  }
0x1a: {  	s8 =	sadd.s32 $0xFFFFE003, lr  }
0x1b: {  	s9 =	sadd.s32 $0xFFFFFEF7, lr;
	s5 =	simm.s32 $0xFFFFFFFF;
	p2 =	slt.u32 s8, $0xFFFFF086  }
0x1c: {  	p1 =	slt.u32 s9, $0xF7A;
	s5 =	simm.s32 @!p2 $0x0  }
0x1d: {  	s5 =	simm.s32 @p1 $0x1;
	p0 =	seq.s32 s7, s2  }
0x1e: {  	s7 =	smul.u32 @!p0 $0xF7A, s2;
	p2 =	seq.s32 @!p0 s5, $0x0  }
0x1f: {  	s9 =	smul.u32 $0xF7A, s1;
	s8 =	simm.s32 @!p0 $0x1BF5;
	p2 =	por !p2, p0  }
0x20: {  	[sflag:s8] =	ssyncset.s32 @!p0 $0xFFFFF086;
	s6 =	sadd.s32 @!p0 s3, s7;
	s7 =	simm.s32 @!p0 $0x108  }
0x21: {  	s3 =	sadd.s32 s3, s9;
	s6 =	sadd.s32 @!p0 $0x88, s6;
	s7 =	simm.s32 @p2 $0x1082  }
0x22: {  	[simem:s7], [sflag:s8] =	dma.local @!p0 [hbm:s6], $0xF7A  }
0x23: {  	s9 =	sor.u32 $0xD0000000, s2;
	s6 =	simm.s32 $0x108;
	_ =	swait.ge @!p0 [sflag:s8], $0x0  }
0x24: {  	s3 =	sadd.s32 $0x88, s3;
	s6 =	simm.s32 @!p1 $0x1082;
	[sflag:s4] =	ssyncset.s32 $0xFFFFF086  }
0x25: {  	[simem:s6], [sflag:s4] =	dma.local [hbm:s3], $0xF7A  }
0x26: {  	[smem:$0x3F9F] =	sst s1;
	(tag) =	ssettag s2;
	_ =	strace s9  }
0x27: {  	s1 =	sld [smem:$0x3FAF]  }
0x28: {  	s2 =	sld [smem:$0x3FB0]  }
0x29: {  	s4 =	sld [smem:$0x3FB2]  }
0x2a: {  	p0 =	seq.s32 s5, $0x0;
	s5 =	sld [smem:$0x3FB3]  }
0x2b: {  	s6 =	sld [smem:$0x3FB4]  }
0x2c: {  	s7 =	sld [smem:$0x3FB5]  }
0x2d: {  	s3 =	simm.s32 $0x108;
	s8 =	sld [smem:$0x3FB6]  }
0x2e: {  	s3 =	simm.s32 @!p0 $0x1082;
	s9 =	sld [smem:$0x3FB7]  }
0x2f: {  	lr =	sadd.s32 s0, s3;
	s0 =	sld [smem:$0x3FAE]  }
0x30: {  	s3 =	sld [smem:$0x3FB1]  }
0x31: {  	[smem:$0x3FBA] =	sst s10  }
0x32: {  	s10 =	sld [smem:$0x3FB8];
	_ =	sdelay $0x3  }
0x33: {  	p0 =	seq.s32 s10, $0x1;
	s10 =	sld [smem:$0x3FBA];
	_ =	sdelay $0x3  }
0x34: {  	[smem:$0x3FBA] =	sst s10  }
0x35: {  	s10 =	sld [smem:$0x3FB9];
	_ =	sdelay $0x3  }
0x36: {  	p1 =	seq.s32 s10, $0x1;
	s10 =	sld [smem:$0x3FBA];
	_ =	sdelay $0x3  }
0x37: {  	[smem:$0x3FBA] =	sst s10  }
0x38: {  	s10 =	sld [smem:$0x3FBB]  }
0x39: {  	_ = 	snop;
	(pc) =	sbr.ind lr, $3  }
0x3a: {  	_ = 	snop  }
0x3b: {  	_ = 	snop  }
0x3c: {  	p2 =	seq.s32 s10, $0x1;
	s10 =	sld [smem:$0x3FBA]  }
0x3d: {  	_ =	shalt  }
0x3e: {  	_ =	shalt  }
0x3f: {  	_ =	shalt  }
0x40: {  	_ =	shalt  }
0x41: {  	_ =	shalt  }
0x42: {  	_ =	shalt  }
0x43: {  	_ =	shalt  }
0x44: {  	_ =	shalt  }
0x45: {  	_ =	shalt  }
0x46: {  	_ =	shalt  }
0x47: {  	_ =	shalt  }
0x48: {  	_ =	shalt  }
0x49: {  	_ =	shalt  }
0x4a: {  	_ =	shalt  }
0x4b: {  	_ =	shalt  }
0x4c: {  	_ =	shalt  }
0x4d: {  	_ =	shalt  }
0x4e: {  	_ =	shalt  }
0x4f: {  	_ =	shalt  }
0x50: {  	_ =	shalt  }
0x51: {  	_ =	shalt  }
0x52: {  	_ =	shalt  }
0x53: {  	_ =	shalt  }
0x54: {  	_ =	shalt  }
0x55: {  	_ =	shalt  }
0x56: {  	_ =	shalt  }
0x57: {  	_ =	shalt  }
0x58: {  	_ =	shalt  }
0x59: {  	_ =	shalt  }
0x5a: {  	_ =	shalt  }
0x5b: {  	_ =	shalt  }
0x5c: {  	_ =	shalt  }
0x5d: {  	_ =	shalt  }
0x5e: {  	_ =	shalt  }
0x5f: {  	_ =	shalt  }
0x60: {  	_ =	shalt  }
0x61: {  	_ =	shalt  }
0x62: {  	_ =	shalt  }
0x63: {  	_ =	shalt  }
0x64: {  	_ =	shalt  }
0x65: {  	_ =	shalt  }
0x66: {  	_ =	shalt  }
0x67: {  	_ =	shalt  }
0x68: {  	_ =	shalt  }
0x69: {  	_ =	shalt  }
0x6a: {  	_ =	shalt  }
0x6b: {  	_ =	shalt  }
0x6c: {  	_ =	shalt  }
0x6d: {  	_ =	shalt  }
0x6e: {  	_ =	shalt  }
0x6f: {  	_ =	shalt  }
0x70: {  	_ =	shalt  }
0x71: {  	_ =	shalt  }
0x72: {  	_ =	shalt  }
0x73: {  	_ =	shalt  }
0x74: {  	_ =	shalt  }
0x75: {  	_ =	shalt  }
0x76: {  	_ =	shalt  }
0x77: {  	_ =	shalt  }
0x78: {  	_ =	shalt  }
0x79: {  	_ =	shalt  }
0x7a: {  	_ =	shalt  }
0x7b: {  	_ =	shalt  }
0x7c: {  	_ =	shalt  }
0x7d: {  	_ =	shalt  }
0x7e: {  	_ =	shalt  }
0x7f: {  	_ =	shalt  }
0x80: {  	_ =	shalt  }
0x81: {  	_ =	shalt  }
0x82: {  	_ =	shalt  }
0x83: {  	_ =	shalt  }
0x84: {  	_ =	shalt  }
0x85: {  	_ =	shalt  }
0x86: {  	_ =	shalt  }
0x87: {  	_ =	shalt  }
.Lfunc_end0:
.L_simem_size_0:
called_computation_lowered:
.L_overlay_start_0:
0x88: {  	s2 =	sld [smem:$0x3FD9]  }
0x89: {  	s3 =	sld [smem:$0x3FFE];
	_ =	sdelay $0x1  }
0x8a: {  	s1 =	srdreg.scid  }
0x8b: {  	s0 =	sand.u32 $0x1, s1  }
0x8c: {  	s18 =	sshll.u32 s0, $0xA;
	s2 =	sadd.s32 s3, s2  }
0x8d: {  	s2 =	sadd.s32 s2, s18  }
0x8e: {  	[smem:$0x3FC6] =	sst s2  }
0x8f: {  	_ = 	snop  }
0x90: {  	s2 =	sld [smem:$0x3FC9]  }
0x91: {  	s19 =	sld [smem:$0x3FC8]  }
0x92: {  	s4 =	sld [smem:$0x3FD0];
	(tm) =	ssettm $0x1  }
0x93: {  	s5 =	sld [smem:$0x3FFB];
	_ =	sdelay $0x3  }
0x94: {  	_ =	strace s5  }
0x95: {  	s5 =	sld [smem:$0x3FFC];
	_ =	sdelay $0x3  }
0x96: {  	_ =	strace s5  }
0x97: {  	s5 =	sld [smem:$0x3FFD];
	_ =	sdelay $0x3  }
0x98: {  	_ =	strace s5  }
0x99: {  	_ =	strace $0x8FFFFFFF  }
0x9a: {  	s20 =	sld [smem:$0x3FDB];
	_ =	sdelay $0x1  }
0x9b: {  	s6 =	simm.s32 $_scs_section_size  }
0x9c: {  	s7 =	simm.s32 $_size__tile_overlayer_lowered;
	s8 =	simm.s32 $_tile_overlayer_lowered  }
0x9d: {  	s23 =	simm.s32 $0x1BFF;
	s22 =	sshll.u32 s8, $0x1;
	s5 =	sadd.s32 s6, s20  }
0x9e: {  	s9 =	simm.s32 $0x0;
	s21 =	sshll.u32 s7, $0x1;
	s7 =	sadd.s32 s22, s5  }
0x9f: {  	[timem:s9], [sflag:s23] =	dma.local [hbm:s7], s21  }
0xa0: {  	_ =	swait.ge [sflag:s23], s21  }
0xa1: {  	s6 =	ssub.s32 $0x0, s21;
	[sflag:s23] =	ssyncset.done $0x0  }
0xa2: {  	[sflag:s23] =	ssyncadd.s32 s6;
	_ =	sdelay $0x1  }
0xa3: {  	s24 =	simm.s32 $0x1B8B  }
0xa4: {  	_ =	swait.ge [sflag:s24], $0x1  }
0xa5: {  	[sflag:s24] =	ssyncset.done $0x0  }
0xa6: {  	s25 =	simm.s32 $0x1B8E;
	[sflag:s24] =	ssyncadd.s32 $0xFFFFFFFF  }
0xa7: {  	s26 =	simm.s32 $execute0_lowered;
	[smem:$0x3FD2] =	sst s25  }
0xa8: {  	s6 =	sshll.u32 s26, $0x1;
	_ =	strace $0x80000046;
	[dreg:$0x1] =	wrdreg $0xFFFFFFFF  }
0xa9: {  	s28 =	simm.s32 $_size_execute0_lowered;
	s5 =	sadd.s32 s5, s6;
	[dreg:$0x0] =	wrdreg $0x0  }
0xaa: {  	s6 =	sshll.u32 s28, $0x1;
	[dreg:$0x2] =	wrdreg s5  }
0xab: {  	[dreg:$0x3] =	wrdreg s6  }
0xac: {  	[dreg:$0x4] =	wrdreg $0xC0  }
0xad: {  	_ =	task [dreg:s9], $0x5FFFF  }
0xae: {  	[dreg:$0x1] =	wrdreg $0xFFFFFFFF  }
0xaf: {  	[dreg:$0x0] =	wrdreg $0x60  }
0xb0: {  	[dreg:$0x2] =	wrdreg s19  }
0xb1: {  	[dreg:$0x3] =	wrdreg s2  }
0xb2: {  	[dreg:$0x4] =	wrdreg s4  }
0xb3: {  	[dreg:$0x5] =	wrdreg $0x9  }
0xb4: {  	_ =	task.clear_ibuf [dreg:s9], $0x6FFFF;
	_ =	strace $0x90000046  }
0xb5: {  	s29 =	simm.s32 $0x9;
	_ =	strace $0x80000048  }
0xb6: {  	_ =	swait.ge [sflag:s29], $0x1  }
0xb7: {  	[sflag:s29] =	ssyncadd.s32 $0xFFFFFFFF  }
0xb8: {  	_ =	strace $0x90000048  }
0xb9: {  	_ =	sfence  }
0xba: {  	s30 =	sld [smem:$0x0];
	_ =	sdelay $0x2  }
0xbb: {  	s31 =	sshll.u32 s1, $0xD;
	s1 =	sshrl.u32 s1, $0x2  }
0xbc: {  	s3 =	sand.u32 $0x4000, s31;
	s1 =	sadd.s32 s1, s30  }
0xbd: {  	s0 =	sor.u32 s3, s0;
	s1 =	sshll.u32 s1, $0x11  }
0xbe: {  	s0 =	sor.u32 s1, s0  }
0xbf: {  	s0 =	sadd.s32 $0x8F2B, s0  }
0xc0: {  	[sflag:s0] =	ssyncadd.remote.s32 $0x1  }
0xc1: {  	_ =	sfence.sel $0xFFFF  }
0xc2: {  	[dreg:$0x0] =	wrdreg $0xFFFFFFFF;
	(pc) =	sbr.abs _section_cstart, $3  }
0xc3: {  	[dreg:$0x1] =	wrdreg $0xFFFFFFFF  }
0xc4: {  	_ =	task.clear_ibuf [dreg:s9], $0x2FFFF;
	_ =	strace $0x9FFFFFFF  }
0xc5: {  	(tm) =	ssettm $0x7FFFFFFF  }
tec
execute0_lowered:
.L_overlay_start_1:
0x0: {  	(tag) =	ssettag $0x1  }
0x1: {  	s0 =	srdreg.scid;
	s1 =	stileid.u32  }
0x2: {  	s0 =	sand.u32 $0x1, s0;
	s1 =	sshll.u32 s1, $0x1  }
0x3: {  	s1 =	sor.u32 s0, s1;
	s0 =	ssub.s32 $0x2, s0  }
0x4: {  	s2 =	sshrl.u32 s0, $0x1  }
0x5: {  	s16 =	rddreg [dreg:$0x1];
	s9 =	smul.u32 $0xD, s1;
	s0 =	ssub.s32 s0, s2  }
0x6: {  	[dreg:$0x1d] =	wrdreg s0  }
0x7: {  	s23 =	sand.u32 $0x8, s9;
	s14 =	sshrl.u32 s9, $0x4;
	s24 =	sshll.u32 s9, $0x7  }
0x8: {  	s12 =	sadd.s32 $0x1, s9;
	s8 =	sand.u32 $0x70, s9;
	s1 =	sadd.s32 $0x4, s9  }
0x9: {  	s30 =	sadd.s32 $0x9, s9;
	s28 =	sadd.s32 $0xA, s9;
	s0 =	sshrl.u32 s23, $0x3  }
0xa: {  	s3 =	sand.u32 $0x380, s24;
	s4 =	smul.u32 $0x4E200, s14;
	[smem:$0x7DF] =	sst s14  }
0xb: {  	s15 =	sshrl.u32 s12, $0x4;
	s6 =	sand.u32 $0x8, s12;
	s2 =	sand.u32 $0xC000, s24  }
0xc: {  	s10 =	sshll.u32 s12, $0x7;
	[smem:$0x7F6] =	sst s12;
	s8 =	sadd.s32 s16, s8  }
0xd: {  	s20 =	sand.u32 $0x70, s12;
	[smem:$0x7F9] =	sst s1;
	s5 =	smul.u32 $0x7EF400, s0  }
0xe: {  	s6 =	sshrl.u32 s6, $0x3;
	s7 =	smul.u32 $0x4E200, s15;
	[smem:$0x7DE] =	sst s15  }
0xf: {  	s11 =	sand.u32 $0x380, s10;
	s0 =	sshll.u32 s0, $0x11;
	s19 =	sand.u32 $0x1C000, s10  }
0x10: {  	s2 =	sadd.s32 s2, s8;
	s4 =	sand.u32 $0xFFFC00, s4;
	s25 =	smul.u32 $0x7EF400, s6  }
0x11: {  	[dreg:$0x1e] =	wrdreg s2;
	s4 =	sadd.s32 s4, s5;
	s7 =	sand.u32 $0x7FFFFC00, s7  }
0x12: {  	s5 =	sadd.s32 s7, s25;
	s26 =	sor.u32 s3, s4;
	s7 =	sadd.s32 $0x2, s9  }
0x13: {  	s25 =	sshll.u32 s15, $0x12;
	[smem:$0x7DB] =	sst s26;
	s4 =	sor.u32 s11, s5  }
0x14: {  	s5 =	sshll.u32 s14, $0x12;
	s14 =	sshrl.u32 s7, $0x4;
	s17 =	sand.u32 $0x8, s7  }
0x15: {  	s22 =	sshll.u32 s7, $0x7;
	[smem:$0x7F7] =	sst s7;
	s26 =	sadd.s32 $0x3, s9  }
0x16: {  	[smem:$0x7DC] =	sst s4;
	s0 =	sor.u32 s5, s0;
	s18 =	smul.u32 $0x4E200, s14  }
0x17: {  	[smem:$0x7E1] =	sst s14;
	s4 =	sadd.s32 s16, s20;
	s5 =	sshll.u32 s6, $0x11  }
0x18: {  	s12 =	sshrl.u32 s26, $0x4;
	s6 =	sand.u32 $0x8, s26;
	s20 =	sshll.u32 s14, $0x12  }
0x19: {  	s14 =	sshrl.u32 s1, $0x4;
	[smem:$0x7F8] =	sst s26;
	s0 =	sor.u32 s3, s0  }
0x1a: {  	s23 =	sadd.s32 s19, s4;
	s3 =	sand.u32 $0x380, s22;
	[smem:$0x7E3] =	sst s12  }
0x1b: {  	s4 =	sshrl.u32 s6, $0x3;
	s13 =	smul.u32 $0x4E200, s12;
	[smem:$0x7E5] =	sst s14  }
0x1c: {  	[smem:$0x7EB] =	sst s0;
	s0 =	sshrl.u32 s17, $0x3;
	s2 =	sand.u32 $0x7FFFFC00, s18  }
0x1d: {  	[dreg:$0x1f] =	wrdreg s23;
	s17 =	sand.u32 $0x70, s7;
	s18 =	smul.u32 $0x7EF400, s4  }
0x1e: {  	s7 =	sand.u32 $0x1C000, s22;
	s21 =	smul.u32 $0x7EF400, s0;
	s0 =	sshll.u32 s0, $0x11  }
0x1f: {  	s22 =	sshll.u32 s26, $0x7;
	s23 =	sand.u32 $0x70, s26;
	s0 =	sor.u32 s20, s0  }
0x20: {  	s20 =	sand.u32 $0x70, s1;
	s2 =	sadd.s32 s2, s21;
	s21 =	sand.u32 $0x8, s1  }
0x21: {  	s0 =	sor.u32 s3, s0;
	s24 =	sor.u32 s3, s2;
	s2 =	sor.u32 s25, s5  }
0x22: {  	s5 =	sand.u32 $0x7FFFFC00, s13;
	s25 =	sand.u32 $0x1C000, s22;
	[smem:$0x7ED] =	sst s0  }
0x23: {  	[smem:$0x7DD] =	sst s24;
	s15 =	sor.u32 s11, s2;
	s2 =	sadd.s32 s16, s17  }
0x24: {  	s24 =	smul.u32 $0x4E200, s14;
	s17 =	sshll.u32 s4, $0x11;
	s11 =	sadd.s32 $0x5, s9  }
0x25: {  	[smem:$0x7EC] =	sst s15;
	s19 =	sadd.s32 s7, s2;
	s2 =	sadd.s32 s5, s18  }
0x26: {  	s5 =	sshrl.u32 s21, $0x3;
	s7 =	sadd.s32 s16, s23;
	s18 =	sshll.u32 s12, $0x12  }
0x27: {  	s21 =	sadd.s32 s16, s20;
	s23 =	sand.u32 $0x8, s11;
	[smem:$0x7FA] =	sst s11  }
0x28: {  	s12 =	sshll.u32 s14, $0x12;
	[dreg:$0x4] =	wrdreg s19;
	s26 =	smul.u32 $0x7EF400, s5  }
0x29: {  	s13 =	sadd.s32 s25, s7;
	s15 =	sand.u32 $0x7FFFFC00, s24;
	s3 =	sor.u32 s18, s17  }
0x2a: {  	s19 =	sand.u32 $0x380, s22;
	s22 =	sshll.u32 s1, $0x7;
	s7 =	sshrl.u32 s23, $0x3  }
0x2b: {  	s10 =	sshll.u32 s5, $0x11;
	s23 =	sshll.u32 s11, $0x7;
	[dreg:$0x5] =	wrdreg s13  }
0x2c: {  	s18 =	sor.u32 s19, s2;
	s24 =	sand.u32 $0x1C000, s22;
	s4 =	smul.u32 $0x7EF400, s7  }
0x2d: {  	s13 =	sor.u32 s12, s10;
	s20 =	sand.u32 $0x380, s22;
	s0 =	sadd.s32 s15, s26  }
0x2e: {  	s15 =	sshrl.u32 s11, $0x4;
	s26 =	sor.u32 s19, s3;
	s3 =	sadd.s32 s24, s21  }
0x2f: {  	s19 =	sadd.s32 $0x6, s9;
	s24 =	sand.u32 $0x70, s11;
	[smem:$0x7E7] =	sst s15  }
0x30: {  	s11 =	sadd.s32 $0x7, s9;
	s25 =	smul.u32 $0x4E200, s15;
	[smem:$0x7EE] =	sst s26  }
0x31: {  	[dreg:$0x6] =	wrdreg s3;
	s14 =	sshrl.u32 s19, $0x4;
	s21 =	sand.u32 $0x8, s19  }
0x32: {  	s17 =	sor.u32 s20, s0;
	s26 =	sand.u32 $0x1C000, s23;
	s3 =	sor.u32 s20, s13  }
0x33: {  	s10 =	sand.u32 $0x8, s11;
	s31 =	sshrl.u32 s11, $0x4;
	[smem:$0x7FB] =	sst s19  }
0x34: {  	s13 =	sshll.u32 s19, $0x7;
	s19 =	sand.u32 $0x70, s19;
	[smem:$0x7FC] =	sst s11  }
0x35: {  	s0 =	sshrl.u32 s21, $0x3;
	s22 =	smul.u32 $0x4E200, s14;
	[smem:$0x7E9] =	sst s14  }
0x36: {  	[smem:$0x7EF] =	sst s3;
	s21 =	smul.u32 $0x4E200, s31;
	s1 =	sshll.u32 s14, $0x12  }
0x37: {  	s14 =	sshll.u32 s11, $0x7;
	s17 =	sshrl.u32 s17, $0x3;
	s8 =	sand.u32 $0x7FFFFC00, s25  }
0x38: {  	s25 =	smul.u32 $0x7EF400, s0;
	s0 =	sshll.u32 s0, $0x11;
	s2 =	sadd.s32 s8, s4  }
0x39: {  	s8 =	sadd.s32 s16, s24;
	s5 =	sand.u32 $0x7FFFFC00, s22;
	s22 =	sand.u32 $0x1C000, s13  }
0x3a: {  	s0 =	sor.u32 s1, s0;
	s4 =	sadd.s32 s26, s8;
	s3 =	sadd.s32 s5, s25  }
0x3b: {  	s5 =	sshll.u32 s7, $0x11;
	s7 =	sshll.u32 s15, $0x12;
	s8 =	sand.u32 $0x380, s23  }
0x3c: {  	s26 =	sand.u32 $0x7FFFFC00, s21;
	s21 =	sand.u32 $0x1C000, s14;
	[dreg:$0x7] =	wrdreg s4  }
0x3d: {  	s4 =	sor.u32 s7, s5;
	s20 =	sor.u32 s8, s2;
	s2 =	sshrl.u32 s10, $0x3  }
0x3e: {  	s7 =	sadd.s32 s16, s19;
	s10 =	sand.u32 $0x70, s11;
	s23 =	smul.u32 $0x7EF400, s2  }
0x3f: {  	s24 =	sor.u32 s8, s4;
	s25 =	sadd.s32 s22, s7;
	s7 =	sand.u32 $0x380, s13  }
0x40: {  	s12 =	sadd.s32 s16, s10;
	s13 =	sadd.s32 $0x8, s9;
	[smem:$0x7F0] =	sst s24  }
0x41: {  	s2 =	sshll.u32 s2, $0x11;
	s8 =	sand.u32 $0x8, s30;
	[dreg:$0x8] =	wrdreg s25  }
0x42: {  	s19 =	sor.u32 s7, s3;
	s29 =	sshrl.u32 s13, $0x4;
	s15 =	sand.u32 $0x8, s13  }
0x43: {  	s0 =	sor.u32 s7, s0;
	s7 =	sand.u32 $0x380, s14;
	s14 =	sshrl.u32 s30, $0x4  }
0x44: {  	[smem:$0x7FD] =	sst s13;
	s5 =	sadd.s32 s26, s23;
	s10 =	sshrl.u32 s15, $0x3  }
0x45: {  	s22 =	smul.u32 $0x4E200, s29;
	[smem:$0x7F1] =	sst s0;
	s23 =	sadd.s32 s21, s12  }
0x46: {  	s26 =	sshll.u32 s31, $0x12;
	s11 =	smul.u32 $0x4E200, s14;
	s12 =	sshll.u32 s13, $0x7  }
0x47: {  	[dreg:$0x9] =	wrdreg s23;
	s24 =	smul.u32 $0x7EF400, s10;
	s2 =	sor.u32 s26, s2  }
0x48: {  	s23 =	sand.u32 $0x70, s13;
	s1 =	sshll.u32 s10, $0x11;
	s4 =	sand.u32 $0x380, s12  }
0x49: {  	s10 =	sshll.u32 s28, $0x7;
	s25 =	sand.u32 $0x7FFFFC00, s22;
	s22 =	sor.u32 s7, s5  }
0x4a: {  	s5 =	sshrl.u32 s8, $0x3;
	s23 =	sadd.s32 s16, s23;
	s6 =	sand.u32 $0x7FFFFC00, s11  }
0x4b: {  	s21 =	sor.u32 s7, s2;
	s2 =	sshll.u32 s29, $0x12;
	s7 =	sshll.u32 s30, $0x7  }
0x4c: {  	s11 =	sand.u32 $0x70, s30;
	s0 =	sadd.s32 s25, s24;
	s24 =	smul.u32 $0x7EF400, s5  }
0x4d: {  	s25 =	sand.u32 $0x1C000, s12;
	[smem:$0x7F2] =	sst s21;
	s3 =	sor.u32 s2, s1  }
0x4e: {  	s22 =	sshrl.u32 s22, $0x3;
	s26 =	sadd.s32 s25, s23;
	s21 =	sor.u32 s4, s0  }
0x4f: {  	s25 =	sadd.s32 s16, s11;
	s23 =	sand.u32 $0x1C000, s7;
	s3 =	sor.u32 s4, s3  }
0x50: {  	s4 =	sshll.u32 s14, $0x12;
	s11 =	sadd.s32 $0xB, s9;
	[dreg:$0xa] =	wrdreg s26  }
0x51: {  	s13 =	sadd.s32 s6, s24;
	s6 =	sand.u32 $0x8, s28;
	[smem:$0x7F3] =	sst s3  }
0x52: {  	s0 =	sadd.s32 s23, s25;
	s3 =	sshll.u32 s5, $0x11;
	s23 =	sand.u32 $0x380, s7  }
0x53: {  	s15 =	sshrl.u32 s11, $0x4;
	s24 =	sshrl.u32 s6, $0x3;
	s6 =	sshrl.u32 s28, $0x4  }
0x54: {  	[dreg:$0xb] =	wrdreg s0;
	s5 =	sor.u32 s4, s3;
	s7 =	smul.u32 $0x4E200, s15  }
0x55: {  	s25 =	sor.u32 s23, s13;
	s3 =	sand.u32 $0x8, s11;
	s12 =	smul.u32 $0x4E200, s6  }
0x56: {  	s4 =	sand.u32 $0x1C000, s10;
	s26 =	smul.u32 $0x7EF400, s24;
	s1 =	sor.u32 s23, s5  }
0x57: {  	s24 =	sshll.u32 s24, $0x11;
	p2 =	seq.s32 s6, s14;
	p3 =	seq.s32 s15, s6  }
0x58: {  	[smem:$0x7F4] =	sst s1;
	s1 =	sand.u32 $0x70, s11;
	s2 =	sand.u32 $0x7FFFFC00, s12  }
0x59: {  	s12 =	sshrl.u32 s3, $0x3;
	s3 =	sshll.u32 s11, $0x7;
	s5 =	sadd.s32 s16, s1  }
0x5a: {  	s1 =	sld [smem:$0x7DB];
	s8 =	sadd.s32 s2, s26;
	s26 =	sand.u32 $0x70, s28  }
0x5b: {  	s23 =	smul.u32 $0x7EF400, s12;
	s0 =	sadd.s32 s16, s26;
	s26 =	sshll.u32 s6, $0x12  }
0x5c: {  	s16 =	sand.u32 $0x1C000, s3;
	s6 =	sld [smem:$0x7EC];
	s13 =	sadd.s32 s4, s0  }
0x5d: {  	s0 =	sand.u32 $0x7FFFFC00, s7;
	s4 =	sor.u32 s26, s24;
	s7 =	sadd.s32 $0xC, s9  }
0x5e: {  	[dreg:$0xc] =	wrdreg s13;
	s23 =	sadd.s32 s0, s23;
	s13 =	sand.u32 $0x380, s10  }
0x5f: {  	s10 =	sshrl.u32 s7, $0x4;
	s0 =	sand.u32 $0x8, s7;
	s8 =	sor.u32 s13, s8  }
0x60: {  	s26 =	sshrl.u32 s0, $0x3;
	s4 =	sor.u32 s13, s4;
	s13 =	sld [smem:$0x7DC]  }
0x61: {  	s24 =	smul.u32 $0x4E200, s10;
	s0 =	sadd.s32 s16, s5;
	[smem:$0x7F5] =	sst s4  }
0x62: {  	s25 =	sshrl.u32 s25, $0x3;
	s2 =	smul.u32 $0x7EF400, s26;
	[dreg:$0xd] =	wrdreg s0  }
0x63: {  	p4 =	seq.s32 s10, s15;
	s4 =	rddreg [dreg:$0x0];
	s24 =	sand.u32 $0x7FFFFC00, s24  }
0x64: {  	s8 =	sshrl.u32 s8, $0x3;
	s5 =	sadd.s32 s24, s2;
	s2 =	sshrl.u32 s1, $0x3  }
0x65: {  	s17 =	sadd.s32 s4, s17;
	s16 =	sshrl.u32 s13, $0x3;
	s24 =	sadd.s32 s4, s2  }
0x66: {  	s1 =	sadd.s32 s4, s16;
	s2 =	sld [smem:$0x7DD];
	s16 =	sshrl.u32 s18, $0x3  }
0x67: {  	s18 =	sshrl.u32 s20, $0x3;
	s20 =	sshrl.u32 s19, $0x3;
	[dreg:$0xe] =	wrdreg s24  }
0x68: {  	[dreg:$0xf] =	wrdreg s1;
	s16 =	sadd.s32 s4, s16;
	s18 =	sadd.s32 s4, s18  }
0x69: {  	s19 =	sadd.s32 s4, s20;
	s20 =	sadd.s32 s4, s22;
	s24 =	sshrl.u32 s21, $0x3  }
0x6a: {  	s22 =	sadd.s32 s4, s25;
	s21 =	sadd.s32 s4, s24;
	s13 =	sshrl.u32 s2, $0x3  }
0x6b: {  	s2 =	sand.u32 $0x380, s3;
	s3 =	sshll.u32 s7, $0x7;
	s13 =	sadd.s32 s4, s13  }
0x6c: {  	s0 =	sor.u32 s2, s23;
	s23 =	sadd.s32 s4, s8;
	s8 =	sshll.u32 s12, $0x11  }
0x6d: {  	s12 =	sshll.u32 s15, $0x12;
	s1 =	sshrl.u32 s0, $0x3;
	s0 =	sand.u32 $0x380, s3  }
0x6e: {  	s15 =	sshll.u32 s26, $0x11;
	s26 =	simm.s32 $0x0;
	s5 =	sor.u32 s0, s5  }
0x6f: {  	[smem:$0x7FF] =	sst s26;
	s24 =	sadd.s32 s4, s1;
	s1 =	sshrl.u32 s5, $0x3  }
0x70: {  	s8 =	sor.u32 s12, s8;
	s25 =	sadd.s32 s4, s1;
	s4 =	sld [smem:$0x7DE]  }
0x71: {  	s1 =	sor.u32 s2, s8;
	s8 =	sld [smem:$0x7DF]  }
0x72: {  	s12 =	sand.u32 $0x70, s7;
	s5 =	rddreg [dreg:$0x1]  }
0x73: {  	s3 =	sand.u32 $0x1C000, s3;
	s2 =	sadd.s32 s5, s12;
	s12 =	sld [smem:$0x7E1]  }
0x74: {  	s2 =	sadd.s32 s3, s2;
	s3 =	rddreg [dreg:$0x2];
	p0 =	seq.s32 s4, s8  }
0x75: {  	s8 =	sld [smem:$0x7E3];
	s5 =	simm.s32 @!p0 $0x0  }
0x76: {  	s1 =	sshrl.u32 s1, $0x3;
	s5 =	simm.s32 @p0 $0x1;
	p0 =	seq.s32 s12, s4  }
0x77: {  	[dreg:$0x10] =	wrdreg s2;
	s1 =	sadd.s32 s3, s1;
	s4 =	simm.s32 @!p0 $0x0  }
0x78: {  	s4 =	simm.s32 @p0 $0x1;
	p0 =	seq.s32 s8, s12;
	s12 =	sld [smem:$0x7E5]  }
0x79: {  	[dreg:$0x1c] =	wrdreg s1  }
0x7a: {  	[smem:$0x7E0] =	sst s5;
	s5 =	simm.s32 @!p0 $0x0  }
0x7b: {  	[smem:$0x7E2] =	sst s4;
	s5 =	simm.s32 @p0 $0x1;
	p0 =	seq.s32 s12, s8  }
0x7c: {  	s8 =	sld [smem:$0x7E7];
	s4 =	simm.s32 @!p0 $0x0  }
0x7d: {  	[smem:$0x7E4] =	sst s5;
	s4 =	simm.s32 @p0 $0x1  }
0x7e: {  	p1 =	seq.s32 s14, s29;
	[smem:$0x7E6] =	sst s4;
	s4 =	simm.s32 @!p4 $0x0  }
0x7f: {  	p0 =	seq.s32 s8, s12;
	s12 =	sld [smem:$0x7E9];
	s4 =	simm.s32 @p4 $0x1  }
0x80: {  	s14 =	sshll.u32 s10, $0x12;
	s5 =	simm.s32 @!p0 $0x0;
	[smem:$0x7EA] =	sst s4  }
0x81: {  	s5 =	simm.s32 @p0 $0x1;
	s4 =	sor.u32 s14, s15;
	s14 =	sld [smem:$0x7EF]  }
0x82: {  	[smem:$0x7E8] =	sst s5  }
0x83: {  	s5 =	sld [smem:$0x7EB]  }
0x84: {  	p5 =	seq.s32 s12, s8;
	s8 =	sld [smem:$0x7ED]  }
0x85: {  	s15 =	sld [smem:$0x7F0];
	p6 =	seq.s32 s31, s12  }
0x86: {  	s0 =	sor.u32 s0, s4;
	s12 =	sld [smem:$0x7EE];
	s2 =	sshrl.u32 s5, $0x3  }
0x87: {  	s4 =	sshrl.u32 s8, $0x3;
	s8 =	sld [smem:$0x7F2];
	s2 =	sadd.s32 s3, s2  }
0x88: {  	s10 =	sadd.s32 s3, s4;
	[dreg:$0x11] =	wrdreg s2;
	s2 =	sshrl.u32 s6, $0x3  }
0x89: {  	[dreg:$0x13] =	wrdreg s10;
	s2 =	sadd.s32 s3, s2  }
0x8a: {  	[dreg:$0x12] =	wrdreg s2;
	s2 =	sshrl.u32 s12, $0x3  }
0x8b: {  	s6 =	sld [smem:$0x7F1];
	s2 =	sadd.s32 s3, s2  }
0x8c: {  	[dreg:$0x14] =	wrdreg s2;
	s2 =	sshrl.u32 s14, $0x3  }
0x8d: {  	s10 =	sld [smem:$0x7F3];
	s2 =	sadd.s32 s3, s2  }
0x8e: {  	[dreg:$0x15] =	wrdreg s2;
	s2 =	sshrl.u32 s6, $0x3  }
0x8f: {  	s14 =	sld [smem:$0x7F4];
	s2 =	sadd.s32 s3, s2  }
0x90: {  	[dreg:$0x17] =	wrdreg s2;
	s2 =	sshrl.u32 s8, $0x3  }
0x91: {  	s4 =	sshrl.u32 s15, $0x3;
	s15 =	sld [smem:$0x7F5];
	s2 =	sadd.s32 s3, s2  }
0x92: {  	s5 =	sadd.s32 s3, s4;
	[dreg:$0x18] =	wrdreg s2;
	s2 =	sshrl.u32 s14, $0x3  }
0x93: {  	[dreg:$0x16] =	wrdreg s5;
	s4 =	sshrl.u32 s10, $0x3;
	s2 =	sadd.s32 s3, s2  }
0x94: {  	s12 =	sadd.s32 s3, s4;
	[dreg:$0x1a] =	wrdreg s2;
	s2 =	sshrl.u32 s15, $0x3  }
0x95: {  	[dreg:$0x19] =	wrdreg s12;
	s2 =	sadd.s32 s3, s2  }
0x96: {  	[dreg:$0x1b] =	wrdreg s2  }
0x97: {  	_ =	strace $0x80000047  }
0x98: {  	s0 =	sshrl.u32 s0, $0x3;
	s2 =	sld [smem:$0x7F6]  }
0x99: {  	s10 =	sadd.s32 s3, s0;
	s3 =	sld [smem:$0x7F7]  }
0x9a: {  	s4 =	sld [smem:$0x7F8]  }
0x9b: {  	s7 =	sshll.u32 s7, $0x2;
	s5 =	sld [smem:$0x7F9]  }
0x9c: {  	s7 =	sand.u32 $0x40, s7;
	s1 =	sshll.u32 s9, $0x2;
	s6 =	sld [smem:$0x7FA]  }
0x9d: {  	p0 =	seq.s32 s29, s31;
	s31 =	simm.s32 $0x1B900;
	s8 =	sld [smem:$0x7FB]  }
0x9e: {  	s0 =	sand.u32 $0x40, s1;
	s14 =	sshll.u32 s30, $0x2;
	s9 =	sld [smem:$0x7FC]  }
0x9f: {  	s30 =	sand.u32 $0x40, s14;
	s15 =	sshll.u32 s28, $0x2;
	s12 =	sld [smem:$0x7FD]  }
0xa0: {  	s28 =	simm.s32 $0x1;
	s15 =	sand.u32 $0x40, s15;
	s14 =	rddreg [dreg:$0x1d]  }
0xa1: {  	v9 =	vmov s30;
	s30 =	simm.s32 $0x2;
	v10 =	vmov s15;
	s15 =	rddreg [dreg:$0x1f];
	s1 =	sshll.u32 s2, $0x2  }
0xa2: {  	s2 =	sshll.u32 s3, $0x2;
	s3 =	sshll.u32 s4, $0x2;
	s1 =	sand.u32 $0x40, s1  }
0xa3: {  	s2 =	sand.u32 $0x40, s2;
	s4 =	sand.u32 $0x40, s3;
	s3 =	sshll.u32 s5, $0x2  }
0xa4: {  	s5 =	sand.u32 $0x40, s3;
	s3 =	sshll.u32 s6, $0x2;
	s6 =	sshll.u32 s8, $0x2  }
0xa5: {  	v1 =	vmov s1;
	v2 =	vmov s2;
	v3 =	vmov s4;
	s4 =	simm.s32 $0x6;
	s1 =	simm.s32 $0x4;
	s2 =	simm.s32 $0x0  }
0xa6: {  	s8 =	sand.u32 $0x40, s3;
	s6 =	sand.u32 $0x40, s6;
	s3 =	sshll.u32 s9, $0x2  }
0xa7: {  	s9 =	sand.u32 $0x40, s3;
	s3 =	sshll.u32 s12, $0x2;
	s12 =	sshll.u32 s11, $0x2  }
0xa8: {  	v12 =	vmov s7;
	v0 =	vmov s0;
	s11 =	simm.s32 $0x80;
	s29 =	sand.u32 $0x40, s3;
	s0 =	sand.u32 $0x40, s12  }
0xa9: {  	v4 =	vmov s5;
	v5 =	vmov s8;
	v6 =	vmov s6;
	s3 =	smax.u32 s14, $0x1;
	s12 =	simm.s32 $0x400;
	s14 =	simm.s32 $0x9C80  }
0xaa: {  	v7 =	vmov s9;
	s9 =	rddreg [dreg:$0x1e];
	v8 =	vmov s29;
	s29 =	simm.s32 $0x17900;
	v11 =	vmov s0;
	s0 =	simm.s32 $0x3  }
.LBB2_1:
0xab: {  	s5 =	rddreg [dreg:$0xe]  }
0xac: {  	[tilespmem:s26], [sflag:$0x1] =	stream.strided.gather [hbm4b:s5+s11], $0x9C80, s12, s11, $0x38;
	[tilespmem:$0x1F900] =	vst v63  }
0xad: {  	s6 =	simm.s32 $0x13900  }
0xae: {  	[tilespmem:s6], [sflag:$0x6] =	stream.strided.gather [hbm4b:s9+s11], $0x4000, s12, s11, $0x38;
	[tilespmem:$0x1F900] =	vst v63  }
0xaf: {  	_ =	swait.ge [sflag:s4], $0x4000  }
0xb0: {  	[sflag:s4] =	ssyncset.done $0x0  }
0xb1: {  	s7 =	rddreg [dreg:$0xf];
	[sflag:s4] =	ssyncadd.s32 $0xFFFFC000  }
0xb2: {  	[tilespmem:s14], [sflag:$0x2] =	stream.strided.gather [hbm4b:s7+s11], $0x9C80, s12, s11, $0x38;
	[tilespmem:$0x1F900] =	vst v63  }
0xb3: {  	_ =	swait.ge [sflag:s28], $0x9C80  }
0xb4: {  	[sflag:s28] =	ssyncset.done $0x0  }
0xb5: {  	s8 =	simm.s32 $0x13940;
	[sflag:s28] =	ssyncadd.s32 $0xFFFF6380  }
0xb6: {  	v13 =	vld [tilespmem:s8+$0x30]  }
0xb7: {  	v14 =	vld [tilespmem:s8+$0xFFFFFFD0]  }
0xb8: {  	v15 =	vld [tilespmem:s8+$0xFFFFFFE0]  }
0xb9: {  	v16 =	vld [tilespmem:s8+$0xFFFFFFF0]  }
0xba: {  	v17 =	vld [tilespmem:s8+$0x0]  }
0xbb: {  	v18 =	vld [tilespmem:s8+$0x10];
	v13 =	vadd.s32 v0, v13  }
0xbc: {  	v14 =	vadd.s32 v0, v14  }
0xbd: {  	v15 =	vadd.s32 v0, v15  }
0xbe: {  	v19 =	vld [tilespmem:s8+$0x20];
	v16 =	vadd.s32 v0, v16  }
0xbf: {  	v21 =	vld [tilespmem:s8+$0xFFFFFFC0];
	v22 =	vadd.s32 v0, v17  }
0xc0: {  	v23 =	vadd.s32 v0, v18;
	v20 =	vld.idx.msk [tilespmem:v13+s26+$0x0], $0xffff  }
0xc1: {  	v17 =	vld.idx.msk [tilespmem:v14+s26+$0x0], $0xffff  }
0xc2: {  	v18 =	vld.idx.msk [tilespmem:v15+s26+$0x0], $0xffff  }
0xc3: {  	v16 =	vld.idx.msk [tilespmem:v16+s26+$0x0], $0xffff  }
0xc4: {  	v15 =	vld.idx.msk [tilespmem:v22+s26+$0x0], $0xffff  }
0xc5: {  	s5 =	simm.s32 $0x17940;
	s6 =	simm.s32 $0x0;
	s8 =	simm.s32 $0x139C0;
	v13 =	vadd.s32 v0, v19;
	v14 =	vadd.s32 v0, v21;
	v19 =	vld.idx.msk [tilespmem:v23+s26+$0x0], $0xffff  }
.LBB2_2:
0xc6: {  	v21 =	vld [tilespmem:s8+$0x30];
	s6 =	sadd.s32 $0x80, s6;
	[tilespmem:s5+$0x30] =	vst v20  }
0xc7: {  	v20 =	vld [tilespmem:s8+$0xFFFFFFD0];
	p4 =	slt.u32 s6, $0x3F80;
	[tilespmem:s5+$0xFFFFFFD0] =	vst v17  }
0xc8: {  	v17 =	vld [tilespmem:s8+$0xFFFFFFE0];
	[tilespmem:s5+$0xFFFFFFE0] =	vst v18  }
0xc9: {  	v18 =	vld [tilespmem:s8+$0xFFFFFFF0];
	[tilespmem:s5+$0xFFFFFFF0] =	vst v16  }
0xca: {  	v16 =	vld [tilespmem:s8+$0x0];
	[tilespmem:s5+$0x0] =	vst v15  }
0xcb: {  	v15 =	vld [tilespmem:s8+$0x10];
	v21 =	vadd.s32 v0, v21;
	[tilespmem:s5+$0x10] =	vst v19  }
0xcc: {  	v19 =	vadd.s32 v0, v20;
	v22 =	vld [tilespmem:s8+$0x20]  }
0xcd: {  	v23 =	vld [tilespmem:s8+$0xFFFFFFC0];
	v24 =	vadd.s32 v0, v17  }
0xce: {  	v25 =	vadd.s32 v0, v18;
	v26 =	vld.idx.msk [tilespmem:v14+s26+$0x0], $0xffff  }
0xcf: {  	v27 =	vadd.s32 v0, v16;
	v28 =	vld.idx.msk [tilespmem:v13+s26+$0x0], $0xffff  }
0xd0: {  	v29 =	vadd.s32 v0, v15;
	v20 =	vld.idx.msk [tilespmem:v21+s26+$0x0], $0xffff  }
.Ltmp0:
0xd1: {  	v17 =	vld.idx.msk [tilespmem:v19+s26+$0x0], $0xffff;
	v13 =	vadd.s32 v0, v22;
	(pc) =	sbr.rel @p4 .LBB2_2-.Ltmp0, $4  }
0xd2: {  	v14 =	vadd.s32 v0, v23;
	v18 =	vld.idx.msk [tilespmem:v24+s26+$0x0], $0xffff  }
0xd3: {  	v16 =	vld.idx.msk [tilespmem:v25+s26+$0x0], $0xffff  }
0xd4: {  	v15 =	vld.idx.msk [tilespmem:v27+s26+$0x0], $0xffff;
	[tilespmem:s5+$0xFFFFFFC0] =	vst v26  }
0xd5: {  	s8 =	sadd.s32 $0x80, s8;
	v19 =	vld.idx.msk [tilespmem:v29+s26+$0x0], $0xffff;
	[tilespmem:s5+$0x20] =	vst v28;
	s5 =	sadd.s32 $0x80, s5  }
0xd6: {  	_ =	sdelay $0x2  }
0xd7: {  	[tilespmem:s5+$0x30] =	vst v20  }
0xd8: {  	[tilespmem:s5+$0xFFFFFFD0] =	vst v17;
	v14 =	vld.idx.msk [tilespmem:v14+s26+$0x0], $0xffff  }
0xd9: {  	v13 =	vld.idx.msk [tilespmem:v13+s26+$0x0], $0xffff;
	[tilespmem:s5+$0xFFFFFFE0] =	vst v18  }
0xda: {  	[tilespmem:s5+$0xFFFFFFF0] =	vst v16  }
0xdb: {  	[tilespmem:s5+$0x0] =	vst v15  }
0xdc: {  	[tilespmem:s5+$0x10] =	vst v19  }
0xdd: {  	[tilespmem:s5+$0xFFFFFFC0] =	vst v14  }
0xde: {  	[tilespmem:s5+$0x20] =	vst v13  }
0xdf: {  	s7 =	sld [smem:$0x7E0]  }
0xe0: {  	s5 =	rddreg [dreg:$0x11]  }
0xe1: {  	[hbm4b:s5+s11] =	stream.strided.scatter [tilespmem:s29], [sflag:$0x3], $0x4000, s12, s11, $0x38;
	[tilespmem:$0x1F900] =	vst v63  }
0xe2: {  	p4 =	seq.s32 s7, $0x1  }
0xe3: {  	s5 =	simm.s32 @p4 $0x80;
	s6 =	simm.s32 @p4 $0x400;
	s7 =	simm.s32 @p4 $0x0  }
0xe4: {  	[tilespmem:s7], [sflag:$0x1] =	stream.strided.gather @p4 [hbm4b:s13+s5], $0x9C80, s6, s5, $0x38;
	[tilespmem:$0x1F900] =	vst v63  }
0xe5: {  	s5 =	simm.s32 @!p4 $0x80;
	s6 =	simm.s32 @!p4 $0x400;
	s7 =	simm.s32 @!p4 $0x13900  }
0xe6: {  	[tilespmem:s7], [sflag:$0x5] =	stream.strided.gather @!p4 [hbm4b:s15+s5], $0x4000, s6, s5, $0x38;
	[tilespmem:$0x1F900] =	vst v63  }
0xe7: {  	s7 =	simm.s32 @!p4 $0x0  }
0xe8: {  	[tilespmem:s7], [sflag:$0x1] =	stream.strided.gather @!p4 [hbm4b:s13+s5], $0x9C80, s6, s5, $0x38;
	[tilespmem:$0x1F900] =	vst v63  }
0xe9: {  	s5 =	simm.s32 @!p4 $0x5  }
0xea: {  	_ =	swait.ge @!p4 [sflag:s5], $0x4000  }
0xeb: {  	[sflag:s5] =	ssyncset.done @!p4 $0x0  }
0xec: {  	[sflag:s5] =	ssyncadd.s32 @!p4 $0xFFFFC000  }
0xed: {  	_ =	swait.ge [sflag:s30], $0x9C80  }
0xee: {  	[sflag:s30] =	ssyncset.done $0x0  }
0xef: {  	s8 =	simm.s32 $0x13940;
	[sflag:s30] =	ssyncadd.s32 $0xFFFF6380  }
0xf0: {  	v13 =	vld [tilespmem:s8+$0x30]  }
0xf1: {  	v14 =	vld [tilespmem:s8+$0xFFFFFFD0]  }
0xf2: {  	v15 =	vld [tilespmem:s8+$0xFFFFFFE0]  }
0xf3: {  	v16 =	vld [tilespmem:s8+$0xFFFFFFF0]  }
0xf4: {  	v17 =	vld [tilespmem:s8+$0x0]  }
0xf5: {  	v18 =	vld [tilespmem:s8+$0x10];
	v13 =	vadd.s32 v1, v13  }
0xf6: {  	v14 =	vadd.s32 v1, v14  }
0xf7: {  	v15 =	vadd.s32 v1, v15  }
0xf8: {  	v19 =	vld [tilespmem:s8+$0x20];
	v16 =	vadd.s32 v1, v16  }
0xf9: {  	v21 =	vld [tilespmem:s8+$0xFFFFFFC0];
	v22 =	vadd.s32 v1, v17  }
0xfa: {  	v23 =	vadd.s32 v1, v18;
	v20 =	vld.idx.msk [tilespmem:v13+s14+$0x0], $0xffff  }
0xfb: {  	v17 =	vld.idx.msk [tilespmem:v14+s14+$0x0], $0xffff  }
0xfc: {  	v18 =	vld.idx.msk [tilespmem:v15+s14+$0x0], $0xffff  }
0xfd: {  	v16 =	vld.idx.msk [tilespmem:v16+s14+$0x0], $0xffff  }
0xfe: {  	v15 =	vld.idx.msk [tilespmem:v22+s14+$0x0], $0xffff  }
0xff: {  	s6 =	simm.s32 $0x0;
	s5 =	simm.s32 $0x1B940;
	s8 =	simm.s32 $0x139C0;
	v13 =	vadd.s32 v1, v19;
	v14 =	vadd.s32 v1, v21;
	v19 =	vld.idx.msk [tilespmem:v23+s14+$0x0], $0xffff  }
.LBB2_4:
0x100: {  	v21 =	vld [tilespmem:s8+$0x30];
	s6 =	sadd.s32 $0x80, s6;
	[tilespmem:s5+$0x30] =	vst v20  }
0x101: {  	v20 =	vld [tilespmem:s8+$0xFFFFFFD0];
	p4 =	slt.u32 s6, $0x3F80;
	[tilespmem:s5+$0xFFFFFFD0] =	vst v17  }
0x102: {  	v17 =	vld [tilespmem:s8+$0xFFFFFFE0];
	[tilespmem:s5+$0xFFFFFFE0] =	vst v18  }
0x103: {  	v18 =	vld [tilespmem:s8+$0xFFFFFFF0];
	[tilespmem:s5+$0xFFFFFFF0] =	vst v16  }
0x104: {  	v16 =	vld [tilespmem:s8+$0x0];
	[tilespmem:s5+$0x0] =	vst v15  }
0x105: {  	v15 =	vld [tilespmem:s8+$0x10];
	v21 =	vadd.s32 v1, v21;
	[tilespmem:s5+$0x10] =	vst v19  }
0x106: {  	v19 =	vadd.s32 v1, v20;
	v22 =	vld [tilespmem:s8+$0x20]  }
0x107: {  	v23 =	vld [tilespmem:s8+$0xFFFFFFC0];
	v24 =	vadd.s32 v1, v17  }
0x108: {  	v25 =	vadd.s32 v1, v18;
	v26 =	vld.idx.msk [tilespmem:v14+s14+$0x0], $0xffff  }
0x109: {  	v27 =	vadd.s32 v1, v16;
	v28 =	vld.idx.msk [tilespmem:v13+s14+$0x0], $0xffff  }
0x10a: {  	v29 =	vadd.s32 v1, v15;
	v20 =	vld.idx.msk [tilespmem:v21+s14+$0x0], $0xffff  }
.Ltmp1:
0x10b: {  	v17 =	vld.idx.msk [tilespmem:v19+s14+$0x0], $0xffff;
	v13 =	vadd.s32 v1, v22;
	(pc) =	sbr.rel @p4 .LBB2_4-.Ltmp1, $4  }
0x10c: {  	v14 =	vadd.s32 v1, v23;
	v18 =	vld.idx.msk [tilespmem:v24+s14+$0x0], $0xffff  }
0x10d: {  	v16 =	vld.idx.msk [tilespmem:v25+s14+$0x0], $0xffff  }
0x10e: {  	v15 =	vld.idx.msk [tilespmem:v27+s14+$0x0], $0xffff;
	[tilespmem:s5+$0xFFFFFFC0] =	vst v26  }
0x10f: {  	s8 =	sadd.s32 $0x80, s8;
	v19 =	vld.idx.msk [tilespmem:v29+s14+$0x0], $0xffff;
	[tilespmem:s5+$0x20] =	vst v28;
	s5 =	sadd.s32 $0x80, s5  }
0x110: {  	_ =	sdelay $0x2  }
0x111: {  	[tilespmem:s5+$0x30] =	vst v20  }
0x112: {  	[tilespmem:s5+$0xFFFFFFD0] =	vst v17;
	v14 =	vld.idx.msk [tilespmem:v14+s14+$0x0], $0xffff  }
0x113: {  	v13 =	vld.idx.msk [tilespmem:v13+s14+$0x0], $0xffff;
	[tilespmem:s5+$0xFFFFFFE0] =	vst v18  }
0x114: {  	[tilespmem:s5+$0xFFFFFFF0] =	vst v16  }
0x115: {  	[tilespmem:s5+$0x0] =	vst v15  }
0x116: {  	[tilespmem:s5+$0x10] =	vst v19  }
0x117: {  	[tilespmem:s5+$0xFFFFFFC0] =	vst v14  }
0x118: {  	[tilespmem:s5+$0x20] =	vst v13  }
0x119: {  	s7 =	sld [smem:$0x7E2]  }
0x11a: {  	s5 =	rddreg [dreg:$0x12]  }
0x11b: {  	[hbm4b:s5+s11] =	stream.strided.scatter [tilespmem:s31], [sflag:$0x4], $0x4000, s12, s11, $0x38;
	[tilespmem:$0x1F900] =	vst v63  }
0x11c: {  	s8 =	rddreg [dreg:$0x4];
	p4 =	seq.s32 s7, $0x1  }
0x11d: {  	s5 =	simm.s32 @p4 $0x80;
	s6 =	simm.s32 @p4 $0x400;
	s7 =	simm.s32 @p4 $0x9C80  }
0x11e: {  	[tilespmem:s7], [sflag:$0x2] =	stream.strided.gather @p4 [hbm4b:s16+s5], $0x9C80, s6, s5, $0x38;
	[tilespmem:$0x1F900] =	vst v63  }
0x11f: {  	s5 =	simm.s32 @!p4 $0x80;
	s6 =	simm.s32 @!p4 $0x400;
	s7 =	simm.s32 @!p4 $0x13900  }
0x120: {  	[tilespmem:s7], [sflag:$0x5] =	stream.strided.gather @!p4 [hbm4b:s8+s5], $0x4000, s6, s5, $0x38;
	[tilespmem:$0x1F900] =	vst v63  }
0x121: {  	s7 =	simm.s32 @!p4 $0x9C80  }
0x122: {  	[tilespmem:s7], [sflag:$0x2] =	stream.strided.gather @!p4 [hbm4b:s16+s5], $0x9C80, s6, s5, $0x38;
	[tilespmem:$0x1F900] =	vst v63  }
0x123: {  	s5 =	simm.s32 @!p4 $0x5  }
0x124: {  	_ =	swait.ge @!p4 [sflag:s5], $0x4000  }
0x125: {  	[sflag:s5] =	ssyncset.done @!p4 $0x0  }
0x126: {  	[sflag:s5] =	ssyncadd.s32 @!p4 $0xFFFFC000  }
0x127: {  	_ =	swait.ge [sflag:s28], $0x9C80  }
0x128: {  	[sflag:s28] =	ssyncset.done $0x0  }
0x129: {  	[sflag:s28] =	ssyncadd.s32 $0xFFFF6380  }
0x12a: {  	_ =	swait.ge [sflag:s0], $0x4000  }
0x12b: {  	[sflag:s0] =	ssyncset.done $0x0  }
0x12c: {  	s8 =	simm.s32 $0x13940;
	[sflag:s0] =	ssyncadd.s32 $0xFFFFC000  }
0x12d: {  	v13 =	vld [tilespmem:s8+$0x30]  }
0x12e: {  	v14 =	vld [tilespmem:s8+$0xFFFFFFD0]  }
0x12f: {  	v15 =	vld [tilespmem:s8+$0xFFFFFFE0]  }
0x130: {  	v16 =	vld [tilespmem:s8+$0xFFFFFFF0]  }
0x131: {  	v17 =	vld [tilespmem:s8+$0x0]  }
0x132: {  	v18 =	vld [tilespmem:s8+$0x10];
	v13 =	vadd.s32 v2, v13  }
0x133: {  	v14 =	vadd.s32 v2, v14  }
0x134: {  	v15 =	vadd.s32 v2, v15  }
0x135: {  	v19 =	vld [tilespmem:s8+$0x20];
	v16 =	vadd.s32 v2, v16  }
0x136: {  	v21 =	vld [tilespmem:s8+$0xFFFFFFC0];
	v22 =	vadd.s32 v2, v17  }
0x137: {  	v23 =	vadd.s32 v2, v18;
	v20 =	vld.idx.msk [tilespmem:v13+s26+$0x0], $0xffff  }
0x138: {  	v17 =	vld.idx.msk [tilespmem:v14+s26+$0x0], $0xffff  }
0x139: {  	v18 =	vld.idx.msk [tilespmem:v15+s26+$0x0], $0xffff  }
0x13a: {  	v16 =	vld.idx.msk [tilespmem:v16+s26+$0x0], $0xffff  }
0x13b: {  	v15 =	vld.idx.msk [tilespmem:v22+s26+$0x0], $0xffff  }
0x13c: {  	s6 =	simm.s32 $0x0;
	s5 =	simm.s32 $0x17940;
	s8 =	simm.s32 $0x139C0;
	v13 =	vadd.s32 v2, v19;
	v14 =	vadd.s32 v2, v21;
	v19 =	vld.idx.msk [tilespmem:v23+s26+$0x0], $0xffff  }
.LBB2_6:
0x13d: {  	v21 =	vld [tilespmem:s8+$0x30];
	s6 =	sadd.s32 $0x80, s6;
	[tilespmem:s5+$0x30] =	vst v20  }
0x13e: {  	v20 =	vld [tilespmem:s8+$0xFFFFFFD0];
	p4 =	slt.u32 s6, $0x3F80;
	[tilespmem:s5+$0xFFFFFFD0] =	vst v17  }
0x13f: {  	v17 =	vld [tilespmem:s8+$0xFFFFFFE0];
	[tilespmem:s5+$0xFFFFFFE0] =	vst v18  }
0x140: {  	v18 =	vld [tilespmem:s8+$0xFFFFFFF0];
	[tilespmem:s5+$0xFFFFFFF0] =	vst v16  }
0x141: {  	v16 =	vld [tilespmem:s8+$0x0];
	[tilespmem:s5+$0x0] =	vst v15  }
0x142: {  	v15 =	vld [tilespmem:s8+$0x10];
	v21 =	vadd.s32 v2, v21;
	[tilespmem:s5+$0x10] =	vst v19  }
0x143: {  	v19 =	vadd.s32 v2, v20;
	v22 =	vld [tilespmem:s8+$0x20]  }
0x144: {  	v23 =	vld [tilespmem:s8+$0xFFFFFFC0];
	v24 =	vadd.s32 v2, v17  }
0x145: {  	v25 =	vadd.s32 v2, v18;
	v26 =	vld.idx.msk [tilespmem:v14+s26+$0x0], $0xffff  }
0x146: {  	v27 =	vadd.s32 v2, v16;
	v28 =	vld.idx.msk [tilespmem:v13+s26+$0x0], $0xffff  }
0x147: {  	v29 =	vadd.s32 v2, v15;
	v20 =	vld.idx.msk [tilespmem:v21+s26+$0x0], $0xffff  }
.Ltmp2:
0x148: {  	v17 =	vld.idx.msk [tilespmem:v19+s26+$0x0], $0xffff;
	v13 =	vadd.s32 v2, v22;
	(pc) =	sbr.rel @p4 .LBB2_6-.Ltmp2, $4  }
0x149: {  	v14 =	vadd.s32 v2, v23;
	v18 =	vld.idx.msk [tilespmem:v24+s26+$0x0], $0xffff  }
0x14a: {  	v16 =	vld.idx.msk [tilespmem:v25+s26+$0x0], $0xffff  }
0x14b: {  	v15 =	vld.idx.msk [tilespmem:v27+s26+$0x0], $0xffff;
	[tilespmem:s5+$0xFFFFFFC0] =	vst v26  }
0x14c: {  	s8 =	sadd.s32 $0x80, s8;
	v19 =	vld.idx.msk [tilespmem:v29+s26+$0x0], $0xffff;
	[tilespmem:s5+$0x20] =	vst v28;
	s5 =	sadd.s32 $0x80, s5  }
0x14d: {  	_ =	sdelay $0x2  }
0x14e: {  	[tilespmem:s5+$0x30] =	vst v20  }
0x14f: {  	[tilespmem:s5+$0xFFFFFFD0] =	vst v17;
	v14 =	vld.idx.msk [tilespmem:v14+s26+$0x0], $0xffff  }
0x150: {  	v13 =	vld.idx.msk [tilespmem:v13+s26+$0x0], $0xffff;
	[tilespmem:s5+$0xFFFFFFE0] =	vst v18  }
0x151: {  	[tilespmem:s5+$0xFFFFFFF0] =	vst v16  }
0x152: {  	[tilespmem:s5+$0x0] =	vst v15  }
0x153: {  	[tilespmem:s5+$0x10] =	vst v19  }
0x154: {  	[tilespmem:s5+$0xFFFFFFC0] =	vst v14  }
0x155: {  	[tilespmem:s5+$0x20] =	vst v13  }
0x156: {  	s7 =	sld [smem:$0x7E4]  }
0x157: {  	s5 =	rddreg [dreg:$0x13]  }
0x158: {  	[hbm4b:s5+s11] =	stream.strided.scatter [tilespmem:s29], [sflag:$0x3], $0x4000, s12, s11, $0x38;
	[tilespmem:$0x1F900] =	vst v63  }
0x159: {  	s8 =	rddreg [dreg:$0x5];
	p4 =	seq.s32 s7, $0x1  }
0x15a: {  	s5 =	simm.s32 @p4 $0x80;
	s6 =	simm.s32 @p4 $0x400;
	s7 =	simm.s32 @p4 $0x0  }
0x15b: {  	[tilespmem:s7], [sflag:$0x1] =	stream.strided.gather @p4 [hbm4b:s17+s5], $0x9C80, s6, s5, $0x38;
	[tilespmem:$0x1F900] =	vst v63  }
0x15c: {  	s5 =	simm.s32 @!p4 $0x80;
	s6 =	simm.s32 @!p4 $0x400;
	s7 =	simm.s32 @!p4 $0x13900  }
0x15d: {  	[tilespmem:s7], [sflag:$0x5] =	stream.strided.gather @!p4 [hbm4b:s8+s5], $0x4000, s6, s5, $0x38;
	[tilespmem:$0x1F900] =	vst v63  }
0x15e: {  	s7 =	simm.s32 @!p4 $0x0  }
0x15f: {  	[tilespmem:s7], [sflag:$0x1] =	stream.strided.gather @!p4 [hbm4b:s17+s5], $0x9C80, s6, s5, $0x38;
	[tilespmem:$0x1F900] =	vst v63  }
0x160: {  	s5 =	simm.s32 @!p4 $0x5  }
0x161: {  	_ =	swait.ge @!p4 [sflag:s5], $0x4000  }
0x162: {  	[sflag:s5] =	ssyncset.done @!p4 $0x0  }
0x163: {  	[sflag:s5] =	ssyncadd.s32 @!p4 $0xFFFFC000  }
0x164: {  	_ =	swait.ge [sflag:s30], $0x9C80  }
0x165: {  	[sflag:s30] =	ssyncset.done $0x0  }
0x166: {  	[sflag:s30] =	ssyncadd.s32 $0xFFFF6380  }
0x167: {  	_ =	swait.ge [sflag:s1], $0x4000  }
0x168: {  	[sflag:s1] =	ssyncset.done $0x0  }
0x169: {  	s8 =	simm.s32 $0x13940;
	[sflag:s1] =	ssyncadd.s32 $0xFFFFC000  }
0x16a: {  	v13 =	vld [tilespmem:s8+$0x30]  }
0x16b: {  	v14 =	vld [tilespmem:s8+$0xFFFFFFD0]  }
0x16c: {  	v15 =	vld [tilespmem:s8+$0xFFFFFFE0]  }
0x16d: {  	v16 =	vld [tilespmem:s8+$0xFFFFFFF0]  }
0x16e: {  	v17 =	vld [tilespmem:s8+$0x0]  }
0x16f: {  	v18 =	vld [tilespmem:s8+$0x10];
	v13 =	vadd.s32 v3, v13  }
0x170: {  	v14 =	vadd.s32 v3, v14  }
0x171: {  	v15 =	vadd.s32 v3, v15  }
0x172: {  	v19 =	vld [tilespmem:s8+$0x20];
	v16 =	vadd.s32 v3, v16  }
0x173: {  	v21 =	vld [tilespmem:s8+$0xFFFFFFC0];
	v22 =	vadd.s32 v3, v17  }
0x174: {  	v23 =	vadd.s32 v3, v18;
	v20 =	vld.idx.msk [tilespmem:v13+s14+$0x0], $0xffff  }
0x175: {  	v17 =	vld.idx.msk [tilespmem:v14+s14+$0x0], $0xffff  }
0x176: {  	v18 =	vld.idx.msk [tilespmem:v15+s14+$0x0], $0xffff  }
0x177: {  	v16 =	vld.idx.msk [tilespmem:v16+s14+$0x0], $0xffff  }
0x178: {  	v15 =	vld.idx.msk [tilespmem:v22+s14+$0x0], $0xffff  }
0x179: {  	s6 =	simm.s32 $0x0;
	s5 =	simm.s32 $0x1B940;
	s8 =	simm.s32 $0x139C0;
	v13 =	vadd.s32 v3, v19;
	v14 =	vadd.s32 v3, v21;
	v19 =	vld.idx.msk [tilespmem:v23+s14+$0x0], $0xffff  }
.LBB2_8:
0x17a: {  	v21 =	vld [tilespmem:s8+$0x30];
	s6 =	sadd.s32 $0x80, s6;
	[tilespmem:s5+$0x30] =	vst v20  }
0x17b: {  	v20 =	vld [tilespmem:s8+$0xFFFFFFD0];
	p4 =	slt.u32 s6, $0x3F80;
	[tilespmem:s5+$0xFFFFFFD0] =	vst v17  }
0x17c: {  	v17 =	vld [tilespmem:s8+$0xFFFFFFE0];
	[tilespmem:s5+$0xFFFFFFE0] =	vst v18  }
0x17d: {  	v18 =	vld [tilespmem:s8+$0xFFFFFFF0];
	[tilespmem:s5+$0xFFFFFFF0] =	vst v16  }
0x17e: {  	v16 =	vld [tilespmem:s8+$0x0];
	[tilespmem:s5+$0x0] =	vst v15  }
0x17f: {  	v15 =	vld [tilespmem:s8+$0x10];
	v21 =	vadd.s32 v3, v21;
	[tilespmem:s5+$0x10] =	vst v19  }
0x180: {  	v19 =	vadd.s32 v3, v20;
	v22 =	vld [tilespmem:s8+$0x20]  }
0x181: {  	v23 =	vld [tilespmem:s8+$0xFFFFFFC0];
	v24 =	vadd.s32 v3, v17  }
0x182: {  	v25 =	vadd.s32 v3, v18;
	v26 =	vld.idx.msk [tilespmem:v14+s14+$0x0], $0xffff  }
0x183: {  	v27 =	vadd.s32 v3, v16;
	v28 =	vld.idx.msk [tilespmem:v13+s14+$0x0], $0xffff  }
0x184: {  	v29 =	vadd.s32 v3, v15;
	v20 =	vld.idx.msk [tilespmem:v21+s14+$0x0], $0xffff  }
.Ltmp3:
0x185: {  	v17 =	vld.idx.msk [tilespmem:v19+s14+$0x0], $0xffff;
	v13 =	vadd.s32 v3, v22;
	(pc) =	sbr.rel @p4 .LBB2_8-.Ltmp3, $4  }
0x186: {  	v14 =	vadd.s32 v3, v23;
	v18 =	vld.idx.msk [tilespmem:v24+s14+$0x0], $0xffff  }
0x187: {  	v16 =	vld.idx.msk [tilespmem:v25+s14+$0x0], $0xffff  }
0x188: {  	v15 =	vld.idx.msk [tilespmem:v27+s14+$0x0], $0xffff;
	[tilespmem:s5+$0xFFFFFFC0] =	vst v26  }
0x189: {  	s8 =	sadd.s32 $0x80, s8;
	v19 =	vld.idx.msk [tilespmem:v29+s14+$0x0], $0xffff;
	[tilespmem:s5+$0x20] =	vst v28;
	s5 =	sadd.s32 $0x80, s5  }
0x18a: {  	_ =	sdelay $0x2  }
0x18b: {  	[tilespmem:s5+$0x30] =	vst v20  }
0x18c: {  	[tilespmem:s5+$0xFFFFFFD0] =	vst v17;
	v14 =	vld.idx.msk [tilespmem:v14+s14+$0x0], $0xffff  }
0x18d: {  	v13 =	vld.idx.msk [tilespmem:v13+s14+$0x0], $0xffff;
	[tilespmem:s5+$0xFFFFFFE0] =	vst v18  }
0x18e: {  	[tilespmem:s5+$0xFFFFFFF0] =	vst v16  }
0x18f: {  	[tilespmem:s5+$0x0] =	vst v15  }
0x190: {  	[tilespmem:s5+$0x10] =	vst v19  }
0x191: {  	[tilespmem:s5+$0xFFFFFFC0] =	vst v14  }
0x192: {  	[tilespmem:s5+$0x20] =	vst v13  }
0x193: {  	s7 =	sld [smem:$0x7E6]  }
0x194: {  	s5 =	rddreg [dreg:$0x14]  }
0x195: {  	[hbm4b:s5+s11] =	stream.strided.scatter [tilespmem:s31], [sflag:$0x4], $0x4000, s12, s11, $0x38;
	[tilespmem:$0x1F900] =	vst v63  }
0x196: {  	s8 =	rddreg [dreg:$0x6];
	p4 =	seq.s32 s7, $0x1  }
0x197: {  	s5 =	simm.s32 @p4 $0x80;
	s6 =	simm.s32 @p4 $0x400;
	s7 =	simm.s32 @p4 $0x9C80  }
0x198: {  	[tilespmem:s7], [sflag:$0x2] =	stream.strided.gather @p4 [hbm4b:s18+s5], $0x9C80, s6, s5, $0x38;
	[tilespmem:$0x1F900] =	vst v63  }
0x199: {  	s5 =	simm.s32 @!p4 $0x80;
	s6 =	simm.s32 @!p4 $0x400;
	s7 =	simm.s32 @!p4 $0x13900  }
0x19a: {  	[tilespmem:s7], [sflag:$0x5] =	stream.strided.gather @!p4 [hbm4b:s8+s5], $0x4000, s6, s5, $0x38;
	[tilespmem:$0x1F900] =	vst v63  }
0x19b: {  	s7 =	simm.s32 @!p4 $0x9C80  }
0x19c: {  	[tilespmem:s7], [sflag:$0x2] =	stream.strided.gather @!p4 [hbm4b:s18+s5], $0x9C80, s6, s5, $0x38;
	[tilespmem:$0x1F900] =	vst v63  }
0x19d: {  	s5 =	simm.s32 @!p4 $0x5  }
0x19e: {  	_ =	swait.ge @!p4 [sflag:s5], $0x4000  }
0x19f: {  	[sflag:s5] =	ssyncset.done @!p4 $0x0  }
0x1a0: {  	[sflag:s5] =	ssyncadd.s32 @!p4 $0xFFFFC000  }
0x1a1: {  	_ =	swait.ge [sflag:s28], $0x9C80  }
0x1a2: {  	[sflag:s28] =	ssyncset.done $0x0  }
0x1a3: {  	[sflag:s28] =	ssyncadd.s32 $0xFFFF6380  }
0x1a4: {  	_ =	swait.ge [sflag:s0], $0x4000  }
0x1a5: {  	[sflag:s0] =	ssyncset.done $0x0  }
0x1a6: {  	s8 =	simm.s32 $0x13940;
	[sflag:s0] =	ssyncadd.s32 $0xFFFFC000  }
0x1a7: {  	v13 =	vld [tilespmem:s8+$0x30]  }
0x1a8: {  	v14 =	vld [tilespmem:s8+$0xFFFFFFD0]  }
0x1a9: {  	v15 =	vld [tilespmem:s8+$0xFFFFFFE0]  }
0x1aa: {  	v16 =	vld [tilespmem:s8+$0xFFFFFFF0]  }
0x1ab: {  	v17 =	vld [tilespmem:s8+$0x0]  }
0x1ac: {  	v18 =	vld [tilespmem:s8+$0x10];
	v13 =	vadd.s32 v4, v13  }
0x1ad: {  	v14 =	vadd.s32 v4, v14  }
0x1ae: {  	v15 =	vadd.s32 v4, v15  }
0x1af: {  	v19 =	vld [tilespmem:s8+$0x20];
	v16 =	vadd.s32 v4, v16  }
0x1b0: {  	v21 =	vld [tilespmem:s8+$0xFFFFFFC0];
	v22 =	vadd.s32 v4, v17  }
0x1b1: {  	v23 =	vadd.s32 v4, v18;
	v20 =	vld.idx.msk [tilespmem:v13+s26+$0x0], $0xffff  }
0x1b2: {  	v17 =	vld.idx.msk [tilespmem:v14+s26+$0x0], $0xffff  }
0x1b3: {  	v18 =	vld.idx.msk [tilespmem:v15+s26+$0x0], $0xffff  }
0x1b4: {  	v16 =	vld.idx.msk [tilespmem:v16+s26+$0x0], $0xffff  }
0x1b5: {  	v15 =	vld.idx.msk [tilespmem:v22+s26+$0x0], $0xffff  }
0x1b6: {  	s6 =	simm.s32 $0x0;
	s5 =	simm.s32 $0x17940;
	s8 =	simm.s32 $0x139C0;
	v13 =	vadd.s32 v4, v19;
	v14 =	vadd.s32 v4, v21;
	v19 =	vld.idx.msk [tilespmem:v23+s26+$0x0], $0xffff  }
.LBB2_10:
0x1b7: {  	v21 =	vld [tilespmem:s8+$0x30];
	s6 =	sadd.s32 $0x80, s6;
	[tilespmem:s5+$0x30] =	vst v20  }
0x1b8: {  	v20 =	vld [tilespmem:s8+$0xFFFFFFD0];
	p4 =	slt.u32 s6, $0x3F80;
	[tilespmem:s5+$0xFFFFFFD0] =	vst v17  }
0x1b9: {  	v17 =	vld [tilespmem:s8+$0xFFFFFFE0];
	[tilespmem:s5+$0xFFFFFFE0] =	vst v18  }
0x1ba: {  	v18 =	vld [tilespmem:s8+$0xFFFFFFF0];
	[tilespmem:s5+$0xFFFFFFF0] =	vst v16  }
0x1bb: {  	v16 =	vld [tilespmem:s8+$0x0];
	[tilespmem:s5+$0x0] =	vst v15  }
0x1bc: {  	v15 =	vld [tilespmem:s8+$0x10];
	v21 =	vadd.s32 v4, v21;
	[tilespmem:s5+$0x10] =	vst v19  }
0x1bd: {  	v19 =	vadd.s32 v4, v20;
	v22 =	vld [tilespmem:s8+$0x20]  }
0x1be: {  	v23 =	vld [tilespmem:s8+$0xFFFFFFC0];
	v24 =	vadd.s32 v4, v17  }
0x1bf: {  	v25 =	vadd.s32 v4, v18;
	v26 =	vld.idx.msk [tilespmem:v14+s26+$0x0], $0xffff  }
0x1c0: {  	v27 =	vadd.s32 v4, v16;
	v28 =	vld.idx.msk [tilespmem:v13+s26+$0x0], $0xffff  }
0x1c1: {  	v29 =	vadd.s32 v4, v15;
	v20 =	vld.idx.msk [tilespmem:v21+s26+$0x0], $0xffff  }
.Ltmp4:
0x1c2: {  	v17 =	vld.idx.msk [tilespmem:v19+s26+$0x0], $0xffff;
	v13 =	vadd.s32 v4, v22;
	(pc) =	sbr.rel @p4 .LBB2_10-.Ltmp4, $4  }
0x1c3: {  	v14 =	vadd.s32 v4, v23;
	v18 =	vld.idx.msk [tilespmem:v24+s26+$0x0], $0xffff  }
0x1c4: {  	v16 =	vld.idx.msk [tilespmem:v25+s26+$0x0], $0xffff  }
0x1c5: {  	v15 =	vld.idx.msk [tilespmem:v27+s26+$0x0], $0xffff;
	[tilespmem:s5+$0xFFFFFFC0] =	vst v26  }
0x1c6: {  	s8 =	sadd.s32 $0x80, s8;
	v19 =	vld.idx.msk [tilespmem:v29+s26+$0x0], $0xffff;
	[tilespmem:s5+$0x20] =	vst v28;
	s5 =	sadd.s32 $0x80, s5  }
0x1c7: {  	_ =	sdelay $0x2  }
0x1c8: {  	[tilespmem:s5+$0x30] =	vst v20  }
0x1c9: {  	[tilespmem:s5+$0xFFFFFFD0] =	vst v17;
	v14 =	vld.idx.msk [tilespmem:v14+s26+$0x0], $0xffff  }
0x1ca: {  	v13 =	vld.idx.msk [tilespmem:v13+s26+$0x0], $0xffff;
	[tilespmem:s5+$0xFFFFFFE0] =	vst v18  }
0x1cb: {  	[tilespmem:s5+$0xFFFFFFF0] =	vst v16  }
0x1cc: {  	[tilespmem:s5+$0x0] =	vst v15  }
0x1cd: {  	[tilespmem:s5+$0x10] =	vst v19  }
0x1ce: {  	[tilespmem:s5+$0xFFFFFFC0] =	vst v14  }
0x1cf: {  	[tilespmem:s5+$0x20] =	vst v13  }
0x1d0: {  	s7 =	sld [smem:$0x7E8]  }
0x1d1: {  	s5 =	rddreg [dreg:$0x15]  }
0x1d2: {  	[hbm4b:s5+s11] =	stream.strided.scatter [tilespmem:s29], [sflag:$0x3], $0x4000, s12, s11, $0x38;
	[tilespmem:$0x1F900] =	vst v63  }
0x1d3: {  	s8 =	rddreg [dreg:$0x7];
	p4 =	seq.s32 s7, $0x1  }
0x1d4: {  	s5 =	simm.s32 @p4 $0x80;
	s6 =	simm.s32 @p4 $0x400;
	s7 =	simm.s32 @p4 $0x0  }
0x1d5: {  	[tilespmem:s7], [sflag:$0x1] =	stream.strided.gather @p4 [hbm4b:s19+s5], $0x9C80, s6, s5, $0x38;
	[tilespmem:$0x1F900] =	vst v63  }
0x1d6: {  	s5 =	simm.s32 @!p4 $0x80;
	s6 =	simm.s32 @!p4 $0x400;
	s7 =	simm.s32 @!p4 $0x13900  }
0x1d7: {  	[tilespmem:s7], [sflag:$0x5] =	stream.strided.gather @!p4 [hbm4b:s8+s5], $0x4000, s6, s5, $0x38;
	[tilespmem:$0x1F900] =	vst v63  }
0x1d8: {  	s7 =	simm.s32 @!p4 $0x0  }
0x1d9: {  	[tilespmem:s7], [sflag:$0x1] =	stream.strided.gather @!p4 [hbm4b:s19+s5], $0x9C80, s6, s5, $0x38;
	[tilespmem:$0x1F900] =	vst v63  }
0x1da: {  	s5 =	simm.s32 @!p4 $0x5  }
0x1db: {  	_ =	swait.ge @!p4 [sflag:s5], $0x4000  }
0x1dc: {  	[sflag:s5] =	ssyncset.done @!p4 $0x0  }
0x1dd: {  	[sflag:s5] =	ssyncadd.s32 @!p4 $0xFFFFC000  }
0x1de: {  	_ =	swait.ge [sflag:s30], $0x9C80  }
0x1df: {  	[sflag:s30] =	ssyncset.done $0x0  }
0x1e0: {  	[sflag:s30] =	ssyncadd.s32 $0xFFFF6380  }
0x1e1: {  	_ =	swait.ge [sflag:s1], $0x4000  }
0x1e2: {  	[sflag:s1] =	ssyncset.done $0x0  }
0x1e3: {  	s8 =	simm.s32 $0x13940;
	[sflag:s1] =	ssyncadd.s32 $0xFFFFC000  }
0x1e4: {  	v13 =	vld [tilespmem:s8+$0x30]  }
0x1e5: {  	v14 =	vld [tilespmem:s8+$0xFFFFFFD0]  }
0x1e6: {  	v15 =	vld [tilespmem:s8+$0xFFFFFFE0]  }
0x1e7: {  	v16 =	vld [tilespmem:s8+$0xFFFFFFF0]  }
0x1e8: {  	v17 =	vld [tilespmem:s8+$0x0]  }
0x1e9: {  	v18 =	vld [tilespmem:s8+$0x10];
	v13 =	vadd.s32 v5, v13  }
0x1ea: {  	v14 =	vadd.s32 v5, v14  }
0x1eb: {  	v15 =	vadd.s32 v5, v15  }
0x1ec: {  	v19 =	vld [tilespmem:s8+$0x20];
	v16 =	vadd.s32 v5, v16  }
0x1ed: {  	v21 =	vld [tilespmem:s8+$0xFFFFFFC0];
	v22 =	vadd.s32 v5, v17  }
0x1ee: {  	v23 =	vadd.s32 v5, v18;
	v20 =	vld.idx.msk [tilespmem:v13+s14+$0x0], $0xffff  }
0x1ef: {  	v17 =	vld.idx.msk [tilespmem:v14+s14+$0x0], $0xffff  }
0x1f0: {  	v18 =	vld.idx.msk [tilespmem:v15+s14+$0x0], $0xffff  }
0x1f1: {  	v16 =	vld.idx.msk [tilespmem:v16+s14+$0x0], $0xffff  }
0x1f2: {  	v15 =	vld.idx.msk [tilespmem:v22+s14+$0x0], $0xffff  }
0x1f3: {  	s6 =	simm.s32 $0x0;
	s5 =	simm.s32 $0x1B940;
	s8 =	simm.s32 $0x139C0;
	v13 =	vadd.s32 v5, v19;
	v14 =	vadd.s32 v5, v21;
	v19 =	vld.idx.msk [tilespmem:v23+s14+$0x0], $0xffff  }
.LBB2_12:
0x1f4: {  	v21 =	vld [tilespmem:s8+$0x30];
	s6 =	sadd.s32 $0x80, s6;
	[tilespmem:s5+$0x30] =	vst v20  }
0x1f5: {  	v20 =	vld [tilespmem:s8+$0xFFFFFFD0];
	p4 =	slt.u32 s6, $0x3F80;
	[tilespmem:s5+$0xFFFFFFD0] =	vst v17  }
0x1f6: {  	v17 =	vld [tilespmem:s8+$0xFFFFFFE0];
	[tilespmem:s5+$0xFFFFFFE0] =	vst v18  }
0x1f7: {  	v18 =	vld [tilespmem:s8+$0xFFFFFFF0];
	[tilespmem:s5+$0xFFFFFFF0] =	vst v16  }
0x1f8: {  	v16 =	vld [tilespmem:s8+$0x0];
	[tilespmem:s5+$0x0] =	vst v15  }
0x1f9: {  	v15 =	vld [tilespmem:s8+$0x10];
	v21 =	vadd.s32 v5, v21;
	[tilespmem:s5+$0x10] =	vst v19  }
0x1fa: {  	v19 =	vadd.s32 v5, v20;
	v22 =	vld [tilespmem:s8+$0x20]  }
0x1fb: {  	v23 =	vld [tilespmem:s8+$0xFFFFFFC0];
	v24 =	vadd.s32 v5, v17  }
0x1fc: {  	v25 =	vadd.s32 v5, v18;
	v26 =	vld.idx.msk [tilespmem:v14+s14+$0x0], $0xffff  }
0x1fd: {  	v27 =	vadd.s32 v5, v16;
	v28 =	vld.idx.msk [tilespmem:v13+s14+$0x0], $0xffff  }
0x1fe: {  	v29 =	vadd.s32 v5, v15;
	v20 =	vld.idx.msk [tilespmem:v21+s14+$0x0], $0xffff  }
.Ltmp5:
0x1ff: {  	v17 =	vld.idx.msk [tilespmem:v19+s14+$0x0], $0xffff;
	v13 =	vadd.s32 v5, v22;
	(pc) =	sbr.rel @p4 .LBB2_12-.Ltmp5, $4  }
0x200: {  	v14 =	vadd.s32 v5, v23;
	v18 =	vld.idx.msk [tilespmem:v24+s14+$0x0], $0xffff  }
0x201: {  	v16 =	vld.idx.msk [tilespmem:v25+s14+$0x0], $0xffff  }
0x202: {  	v15 =	vld.idx.msk [tilespmem:v27+s14+$0x0], $0xffff;
	[tilespmem:s5+$0xFFFFFFC0] =	vst v26  }
0x203: {  	s8 =	sadd.s32 $0x80, s8;
	v19 =	vld.idx.msk [tilespmem:v29+s14+$0x0], $0xffff;
	[tilespmem:s5+$0x20] =	vst v28;
	s5 =	sadd.s32 $0x80, s5  }
0x204: {  	_ =	sdelay $0x2  }
0x205: {  	[tilespmem:s5+$0x30] =	vst v20  }
0x206: {  	[tilespmem:s5+$0xFFFFFFD0] =	vst v17;
	v14 =	vld.idx.msk [tilespmem:v14+s14+$0x0], $0xffff  }
0x207: {  	v13 =	vld.idx.msk [tilespmem:v13+s14+$0x0], $0xffff;
	[tilespmem:s5+$0xFFFFFFE0] =	vst v18  }
0x208: {  	[tilespmem:s5+$0xFFFFFFF0] =	vst v16  }
0x209: {  	[tilespmem:s5+$0x0] =	vst v15  }
0x20a: {  	[tilespmem:s5+$0x10] =	vst v19  }
0x20b: {  	[tilespmem:s5+$0xFFFFFFC0] =	vst v14  }
0x20c: {  	[tilespmem:s5+$0x20] =	vst v13  }
0x20d: {  	s6 =	simm.s32 @p5 $0x400;
	s5 =	rddreg [dreg:$0x16]  }
0x20e: {  	[hbm4b:s5+s11] =	stream.strided.scatter [tilespmem:s31], [sflag:$0x4], $0x4000, s12, s11, $0x38;
	[tilespmem:$0x1F900] =	vst v63  }
0x20f: {  	s7 =	simm.s32 @p5 $0x9C80;
	s8 =	rddreg [dreg:$0x8];
	s5 =	simm.s32 @p5 $0x80  }
0x210: {  	[tilespmem:s7], [sflag:$0x2] =	stream.strided.gather @p5 [hbm4b:s20+s5], $0x9C80, s6, s5, $0x38;
	[tilespmem:$0x1F900] =	vst v63  }
0x211: {  	s5 =	simm.s32 @!p5 $0x80;
	s6 =	simm.s32 @!p5 $0x400;
	s7 =	simm.s32 @!p5 $0x13900  }
0x212: {  	[tilespmem:s7], [sflag:$0x5] =	stream.strided.gather @!p5 [hbm4b:s8+s5], $0x4000, s6, s5, $0x38;
	[tilespmem:$0x1F900] =	vst v63  }
0x213: {  	s7 =	simm.s32 @!p5 $0x9C80  }
0x214: {  	[tilespmem:s7], [sflag:$0x2] =	stream.strided.gather @!p5 [hbm4b:s20+s5], $0x9C80, s6, s5, $0x38;
	[tilespmem:$0x1F900] =	vst v63  }
0x215: {  	s5 =	simm.s32 @!p5 $0x5  }
0x216: {  	_ =	swait.ge @!p5 [sflag:s5], $0x4000  }
0x217: {  	[sflag:s5] =	ssyncset.done @!p5 $0x0  }
0x218: {  	[sflag:s5] =	ssyncadd.s32 @!p5 $0xFFFFC000  }
0x219: {  	_ =	swait.ge [sflag:s28], $0x9C80  }
0x21a: {  	[sflag:s28] =	ssyncset.done $0x0  }
0x21b: {  	[sflag:s28] =	ssyncadd.s32 $0xFFFF6380  }
0x21c: {  	_ =	swait.ge [sflag:s0], $0x4000  }
0x21d: {  	[sflag:s0] =	ssyncset.done $0x0  }
0x21e: {  	s8 =	simm.s32 $0x13940;
	[sflag:s0] =	ssyncadd.s32 $0xFFFFC000  }
0x21f: {  	v13 =	vld [tilespmem:s8+$0x30]  }
0x220: {  	v14 =	vld [tilespmem:s8+$0xFFFFFFD0]  }
0x221: {  	v15 =	vld [tilespmem:s8+$0xFFFFFFE0]  }
0x222: {  	v16 =	vld [tilespmem:s8+$0xFFFFFFF0]  }
0x223: {  	v17 =	vld [tilespmem:s8+$0x0]  }
0x224: {  	v18 =	vld [tilespmem:s8+$0x10];
	v13 =	vadd.s32 v6, v13  }
0x225: {  	v14 =	vadd.s32 v6, v14  }
0x226: {  	v15 =	vadd.s32 v6, v15  }
0x227: {  	v19 =	vld [tilespmem:s8+$0x20];
	v16 =	vadd.s32 v6, v16  }
0x228: {  	v21 =	vld [tilespmem:s8+$0xFFFFFFC0];
	v22 =	vadd.s32 v6, v17  }
0x229: {  	v23 =	vadd.s32 v6, v18;
	v20 =	vld.idx.msk [tilespmem:v13+s26+$0x0], $0xffff  }
0x22a: {  	v17 =	vld.idx.msk [tilespmem:v14+s26+$0x0], $0xffff  }
0x22b: {  	v18 =	vld.idx.msk [tilespmem:v15+s26+$0x0], $0xffff  }
0x22c: {  	v16 =	vld.idx.msk [tilespmem:v16+s26+$0x0], $0xffff  }
0x22d: {  	v15 =	vld.idx.msk [tilespmem:v22+s26+$0x0], $0xffff  }
0x22e: {  	s6 =	simm.s32 $0x0;
	s5 =	simm.s32 $0x17940;
	s8 =	simm.s32 $0x139C0;
	v13 =	vadd.s32 v6, v19;
	v14 =	vadd.s32 v6, v21;
	v19 =	vld.idx.msk [tilespmem:v23+s26+$0x0], $0xffff  }
.LBB2_14:
0x22f: {  	v21 =	vld [tilespmem:s8+$0x30];
	s6 =	sadd.s32 $0x80, s6;
	[tilespmem:s5+$0x30] =	vst v20  }
0x230: {  	v20 =	vld [tilespmem:s8+$0xFFFFFFD0];
	p4 =	slt.u32 s6, $0x3F80;
	[tilespmem:s5+$0xFFFFFFD0] =	vst v17  }
0x231: {  	v17 =	vld [tilespmem:s8+$0xFFFFFFE0];
	[tilespmem:s5+$0xFFFFFFE0] =	vst v18  }
0x232: {  	v18 =	vld [tilespmem:s8+$0xFFFFFFF0];
	[tilespmem:s5+$0xFFFFFFF0] =	vst v16  }
0x233: {  	v16 =	vld [tilespmem:s8+$0x0];
	[tilespmem:s5+$0x0] =	vst v15  }
0x234: {  	v15 =	vld [tilespmem:s8+$0x10];
	v21 =	vadd.s32 v6, v21;
	[tilespmem:s5+$0x10] =	vst v19  }
0x235: {  	v19 =	vadd.s32 v6, v20;
	v22 =	vld [tilespmem:s8+$0x20]  }
0x236: {  	v23 =	vld [tilespmem:s8+$0xFFFFFFC0];
	v24 =	vadd.s32 v6, v17  }
0x237: {  	v25 =	vadd.s32 v6, v18;
	v26 =	vld.idx.msk [tilespmem:v14+s26+$0x0], $0xffff  }
0x238: {  	v27 =	vadd.s32 v6, v16;
	v28 =	vld.idx.msk [tilespmem:v13+s26+$0x0], $0xffff  }
0x239: {  	v29 =	vadd.s32 v6, v15;
	v20 =	vld.idx.msk [tilespmem:v21+s26+$0x0], $0xffff  }
.Ltmp6:
0x23a: {  	v17 =	vld.idx.msk [tilespmem:v19+s26+$0x0], $0xffff;
	v13 =	vadd.s32 v6, v22;
	(pc) =	sbr.rel @p4 .LBB2_14-.Ltmp6, $4  }
0x23b: {  	v14 =	vadd.s32 v6, v23;
	v18 =	vld.idx.msk [tilespmem:v24+s26+$0x0], $0xffff  }
0x23c: {  	v16 =	vld.idx.msk [tilespmem:v25+s26+$0x0], $0xffff  }
0x23d: {  	v15 =	vld.idx.msk [tilespmem:v27+s26+$0x0], $0xffff;
	[tilespmem:s5+$0xFFFFFFC0] =	vst v26  }
0x23e: {  	s8 =	sadd.s32 $0x80, s8;
	v19 =	vld.idx.msk [tilespmem:v29+s26+$0x0], $0xffff;
	[tilespmem:s5+$0x20] =	vst v28;
	s5 =	sadd.s32 $0x80, s5  }
0x23f: {  	_ =	sdelay $0x2  }
0x240: {  	[tilespmem:s5+$0x30] =	vst v20  }
0x241: {  	[tilespmem:s5+$0xFFFFFFD0] =	vst v17;
	v14 =	vld.idx.msk [tilespmem:v14+s26+$0x0], $0xffff  }
0x242: {  	v13 =	vld.idx.msk [tilespmem:v13+s26+$0x0], $0xffff;
	[tilespmem:s5+$0xFFFFFFE0] =	vst v18  }
0x243: {  	[tilespmem:s5+$0xFFFFFFF0] =	vst v16  }
0x244: {  	[tilespmem:s5+$0x0] =	vst v15  }
0x245: {  	[tilespmem:s5+$0x10] =	vst v19  }
0x246: {  	[tilespmem:s5+$0xFFFFFFC0] =	vst v14  }
0x247: {  	[tilespmem:s5+$0x20] =	vst v13  }
0x248: {  	s6 =	simm.s32 @p6 $0x400;
	s5 =	rddreg [dreg:$0x17]  }
0x249: {  	[hbm4b:s5+s11] =	stream.strided.scatter [tilespmem:s29], [sflag:$0x3], $0x4000, s12, s11, $0x38;
	[tilespmem:$0x1F900] =	vst v63  }
0x24a: {  	s7 =	simm.s32 @p6 $0x0;
	s8 =	rddreg [dreg:$0x9];
	s5 =	simm.s32 @p6 $0x80  }
0x24b: {  	[tilespmem:s7], [sflag:$0x1] =	stream.strided.gather @p6 [hbm4b:s21+s5], $0x9C80, s6, s5, $0x38;
	[tilespmem:$0x1F900] =	vst v63  }
0x24c: {  	s5 =	simm.s32 @!p6 $0x80;
	s6 =	simm.s32 @!p6 $0x400;
	s7 =	simm.s32 @!p6 $0x13900  }
0x24d: {  	[tilespmem:s7], [sflag:$0x5] =	stream.strided.gather @!p6 [hbm4b:s8+s5], $0x4000, s6, s5, $0x38;
	[tilespmem:$0x1F900] =	vst v63  }
0x24e: {  	s7 =	simm.s32 @!p6 $0x0  }
0x24f: {  	[tilespmem:s7], [sflag:$0x1] =	stream.strided.gather @!p6 [hbm4b:s21+s5], $0x9C80, s6, s5, $0x38;
	[tilespmem:$0x1F900] =	vst v63  }
0x250: {  	s5 =	simm.s32 @!p6 $0x5  }
0x251: {  	_ =	swait.ge @!p6 [sflag:s5], $0x4000  }
0x252: {  	[sflag:s5] =	ssyncset.done @!p6 $0x0  }
0x253: {  	[sflag:s5] =	ssyncadd.s32 @!p6 $0xFFFFC000  }
0x254: {  	_ =	swait.ge [sflag:s30], $0x9C80  }
0x255: {  	[sflag:s30] =	ssyncset.done $0x0  }
0x256: {  	[sflag:s30] =	ssyncadd.s32 $0xFFFF6380  }
0x257: {  	_ =	swait.ge [sflag:s1], $0x4000  }
0x258: {  	[sflag:s1] =	ssyncset.done $0x0  }
0x259: {  	s8 =	simm.s32 $0x13940;
	[sflag:s1] =	ssyncadd.s32 $0xFFFFC000  }
0x25a: {  	v13 =	vld [tilespmem:s8+$0x30]  }
0x25b: {  	v14 =	vld [tilespmem:s8+$0xFFFFFFD0]  }
0x25c: {  	v15 =	vld [tilespmem:s8+$0xFFFFFFE0]  }
0x25d: {  	v16 =	vld [tilespmem:s8+$0xFFFFFFF0]  }
0x25e: {  	v17 =	vld [tilespmem:s8+$0x0]  }
0x25f: {  	v18 =	vld [tilespmem:s8+$0x10];
	v13 =	vadd.s32 v7, v13  }
0x260: {  	v14 =	vadd.s32 v7, v14  }
0x261: {  	v15 =	vadd.s32 v7, v15  }
0x262: {  	v19 =	vld [tilespmem:s8+$0x20];
	v16 =	vadd.s32 v7, v16  }
0x263: {  	v21 =	vld [tilespmem:s8+$0xFFFFFFC0];
	v22 =	vadd.s32 v7, v17  }
0x264: {  	v23 =	vadd.s32 v7, v18;
	v20 =	vld.idx.msk [tilespmem:v13+s14+$0x0], $0xffff  }
0x265: {  	v17 =	vld.idx.msk [tilespmem:v14+s14+$0x0], $0xffff  }
0x266: {  	v18 =	vld.idx.msk [tilespmem:v15+s14+$0x0], $0xffff  }
0x267: {  	v16 =	vld.idx.msk [tilespmem:v16+s14+$0x0], $0xffff  }
0x268: {  	v15 =	vld.idx.msk [tilespmem:v22+s14+$0x0], $0xffff  }
0x269: {  	s6 =	simm.s32 $0x0;
	s5 =	simm.s32 $0x1B940;
	s8 =	simm.s32 $0x139C0;
	v13 =	vadd.s32 v7, v19;
	v14 =	vadd.s32 v7, v21;
	v19 =	vld.idx.msk [tilespmem:v23+s14+$0x0], $0xffff  }
.LBB2_16:
0x26a: {  	v21 =	vld [tilespmem:s8+$0x30];
	s6 =	sadd.s32 $0x80, s6;
	[tilespmem:s5+$0x30] =	vst v20  }
0x26b: {  	v20 =	vld [tilespmem:s8+$0xFFFFFFD0];
	p4 =	slt.u32 s6, $0x3F80;
	[tilespmem:s5+$0xFFFFFFD0] =	vst v17  }
0x26c: {  	v17 =	vld [tilespmem:s8+$0xFFFFFFE0];
	[tilespmem:s5+$0xFFFFFFE0] =	vst v18  }
0x26d: {  	v18 =	vld [tilespmem:s8+$0xFFFFFFF0];
	[tilespmem:s5+$0xFFFFFFF0] =	vst v16  }
0x26e: {  	v16 =	vld [tilespmem:s8+$0x0];
	[tilespmem:s5+$0x0] =	vst v15  }
0x26f: {  	v15 =	vld [tilespmem:s8+$0x10];
	v21 =	vadd.s32 v7, v21;
	[tilespmem:s5+$0x10] =	vst v19  }
0x270: {  	v19 =	vadd.s32 v7, v20;
	v22 =	vld [tilespmem:s8+$0x20]  }
0x271: {  	v23 =	vld [tilespmem:s8+$0xFFFFFFC0];
	v24 =	vadd.s32 v7, v17  }
0x272: {  	v25 =	vadd.s32 v7, v18;
	v26 =	vld.idx.msk [tilespmem:v14+s14+$0x0], $0xffff  }
0x273: {  	v27 =	vadd.s32 v7, v16;
	v28 =	vld.idx.msk [tilespmem:v13+s14+$0x0], $0xffff  }
0x274: {  	v29 =	vadd.s32 v7, v15;
	v20 =	vld.idx.msk [tilespmem:v21+s14+$0x0], $0xffff  }
.Ltmp7:
0x275: {  	v17 =	vld.idx.msk [tilespmem:v19+s14+$0x0], $0xffff;
	v13 =	vadd.s32 v7, v22;
	(pc) =	sbr.rel @p4 .LBB2_16-.Ltmp7, $4  }
0x276: {  	v14 =	vadd.s32 v7, v23;
	v18 =	vld.idx.msk [tilespmem:v24+s14+$0x0], $0xffff  }
0x277: {  	v16 =	vld.idx.msk [tilespmem:v25+s14+$0x0], $0xffff  }
0x278: {  	v15 =	vld.idx.msk [tilespmem:v27+s14+$0x0], $0xffff;
	[tilespmem:s5+$0xFFFFFFC0] =	vst v26  }
0x279: {  	s8 =	sadd.s32 $0x80, s8;
	v19 =	vld.idx.msk [tilespmem:v29+s14+$0x0], $0xffff;
	[tilespmem:s5+$0x20] =	vst v28;
	s5 =	sadd.s32 $0x80, s5  }
0x27a: {  	_ =	sdelay $0x2  }
0x27b: {  	[tilespmem:s5+$0x30] =	vst v20  }
0x27c: {  	[tilespmem:s5+$0xFFFFFFD0] =	vst v17;
	v14 =	vld.idx.msk [tilespmem:v14+s14+$0x0], $0xffff  }
0x27d: {  	v13 =	vld.idx.msk [tilespmem:v13+s14+$0x0], $0xffff;
	[tilespmem:s5+$0xFFFFFFE0] =	vst v18  }
0x27e: {  	[tilespmem:s5+$0xFFFFFFF0] =	vst v16  }
0x27f: {  	[tilespmem:s5+$0x0] =	vst v15  }
0x280: {  	[tilespmem:s5+$0x10] =	vst v19  }
0x281: {  	[tilespmem:s5+$0xFFFFFFC0] =	vst v14  }
0x282: {  	[tilespmem:s5+$0x20] =	vst v13  }
0x283: {  	s6 =	simm.s32 @p0 $0x400;
	s5 =	rddreg [dreg:$0x18]  }
0x284: {  	[hbm4b:s5+s11] =	stream.strided.scatter [tilespmem:s31], [sflag:$0x4], $0x4000, s12, s11, $0x38;
	[tilespmem:$0x1F900] =	vst v63  }
0x285: {  	s7 =	simm.s32 @p0 $0x9C80;
	s8 =	rddreg [dreg:$0xa];
	s5 =	simm.s32 @p0 $0x80  }
0x286: {  	[tilespmem:s7], [sflag:$0x2] =	stream.strided.gather @p0 [hbm4b:s22+s5], $0x9C80, s6, s5, $0x38;
	[tilespmem:$0x1F900] =	vst v63  }
0x287: {  	s5 =	simm.s32 @!p0 $0x80;
	s6 =	simm.s32 @!p0 $0x400;
	s7 =	simm.s32 @!p0 $0x13900  }
0x288: {  	[tilespmem:s7], [sflag:$0x5] =	stream.strided.gather @!p0 [hbm4b:s8+s5], $0x4000, s6, s5, $0x38;
	[tilespmem:$0x1F900] =	vst v63  }
0x289: {  	s7 =	simm.s32 @!p0 $0x9C80  }
0x28a: {  	[tilespmem:s7], [sflag:$0x2] =	stream.strided.gather @!p0 [hbm4b:s22+s5], $0x9C80, s6, s5, $0x38;
	[tilespmem:$0x1F900] =	vst v63  }
0x28b: {  	s5 =	simm.s32 @!p0 $0x5  }
0x28c: {  	_ =	swait.ge @!p0 [sflag:s5], $0x4000  }
0x28d: {  	[sflag:s5] =	ssyncset.done @!p0 $0x0  }
0x28e: {  	[sflag:s5] =	ssyncadd.s32 @!p0 $0xFFFFC000  }
0x28f: {  	_ =	swait.ge [sflag:s28], $0x9C80  }
0x290: {  	[sflag:s28] =	ssyncset.done $0x0  }
0x291: {  	[sflag:s28] =	ssyncadd.s32 $0xFFFF6380  }
0x292: {  	_ =	swait.ge [sflag:s0], $0x4000  }
0x293: {  	[sflag:s0] =	ssyncset.done $0x0  }
0x294: {  	s8 =	simm.s32 $0x13940;
	[sflag:s0] =	ssyncadd.s32 $0xFFFFC000  }
0x295: {  	v13 =	vld [tilespmem:s8+$0x30]  }
0x296: {  	v14 =	vld [tilespmem:s8+$0xFFFFFFD0]  }
0x297: {  	v15 =	vld [tilespmem:s8+$0xFFFFFFE0]  }
0x298: {  	v16 =	vld [tilespmem:s8+$0xFFFFFFF0]  }
0x299: {  	v17 =	vld [tilespmem:s8+$0x0]  }
0x29a: {  	v18 =	vld [tilespmem:s8+$0x10];
	v13 =	vadd.s32 v8, v13  }
0x29b: {  	v14 =	vadd.s32 v8, v14  }
0x29c: {  	v15 =	vadd.s32 v8, v15  }
0x29d: {  	v19 =	vld [tilespmem:s8+$0x20];
	v16 =	vadd.s32 v8, v16  }
0x29e: {  	v21 =	vld [tilespmem:s8+$0xFFFFFFC0];
	v22 =	vadd.s32 v8, v17  }
0x29f: {  	v23 =	vadd.s32 v8, v18;
	v20 =	vld.idx.msk [tilespmem:v13+s26+$0x0], $0xffff  }
0x2a0: {  	v17 =	vld.idx.msk [tilespmem:v14+s26+$0x0], $0xffff  }
0x2a1: {  	v18 =	vld.idx.msk [tilespmem:v15+s26+$0x0], $0xffff  }
0x2a2: {  	v16 =	vld.idx.msk [tilespmem:v16+s26+$0x0], $0xffff  }
0x2a3: {  	v15 =	vld.idx.msk [tilespmem:v22+s26+$0x0], $0xffff  }
0x2a4: {  	s6 =	simm.s32 $0x0;
	s5 =	simm.s32 $0x17940;
	s8 =	simm.s32 $0x139C0;
	v13 =	vadd.s32 v8, v19;
	v14 =	vadd.s32 v8, v21;
	v19 =	vld.idx.msk [tilespmem:v23+s26+$0x0], $0xffff  }
.LBB2_18:
0x2a5: {  	v21 =	vld [tilespmem:s8+$0x30];
	s6 =	sadd.s32 $0x80, s6;
	[tilespmem:s5+$0x30] =	vst v20  }
0x2a6: {  	v20 =	vld [tilespmem:s8+$0xFFFFFFD0];
	p4 =	slt.u32 s6, $0x3F80;
	[tilespmem:s5+$0xFFFFFFD0] =	vst v17  }
0x2a7: {  	v17 =	vld [tilespmem:s8+$0xFFFFFFE0];
	[tilespmem:s5+$0xFFFFFFE0] =	vst v18  }
0x2a8: {  	v18 =	vld [tilespmem:s8+$0xFFFFFFF0];
	[tilespmem:s5+$0xFFFFFFF0] =	vst v16  }
0x2a9: {  	v16 =	vld [tilespmem:s8+$0x0];
	[tilespmem:s5+$0x0] =	vst v15  }
0x2aa: {  	v15 =	vld [tilespmem:s8+$0x10];
	v21 =	vadd.s32 v8, v21;
	[tilespmem:s5+$0x10] =	vst v19  }
0x2ab: {  	v19 =	vadd.s32 v8, v20;
	v22 =	vld [tilespmem:s8+$0x20]  }
0x2ac: {  	v23 =	vld [tilespmem:s8+$0xFFFFFFC0];
	v24 =	vadd.s32 v8, v17  }
0x2ad: {  	v25 =	vadd.s32 v8, v18;
	v26 =	vld.idx.msk [tilespmem:v14+s26+$0x0], $0xffff  }
0x2ae: {  	v27 =	vadd.s32 v8, v16;
	v28 =	vld.idx.msk [tilespmem:v13+s26+$0x0], $0xffff  }
0x2af: {  	v29 =	vadd.s32 v8, v15;
	v20 =	vld.idx.msk [tilespmem:v21+s26+$0x0], $0xffff  }
.Ltmp8:
0x2b0: {  	v17 =	vld.idx.msk [tilespmem:v19+s26+$0x0], $0xffff;
	v13 =	vadd.s32 v8, v22;
	(pc) =	sbr.rel @p4 .LBB2_18-.Ltmp8, $4  }
0x2b1: {  	v14 =	vadd.s32 v8, v23;
	v18 =	vld.idx.msk [tilespmem:v24+s26+$0x0], $0xffff  }
0x2b2: {  	v16 =	vld.idx.msk [tilespmem:v25+s26+$0x0], $0xffff  }
0x2b3: {  	v15 =	vld.idx.msk [tilespmem:v27+s26+$0x0], $0xffff;
	[tilespmem:s5+$0xFFFFFFC0] =	vst v26  }
0x2b4: {  	s8 =	sadd.s32 $0x80, s8;
	v19 =	vld.idx.msk [tilespmem:v29+s26+$0x0], $0xffff;
	[tilespmem:s5+$0x20] =	vst v28;
	s5 =	sadd.s32 $0x80, s5  }
0x2b5: {  	_ =	sdelay $0x2  }
0x2b6: {  	[tilespmem:s5+$0x30] =	vst v20  }
0x2b7: {  	[tilespmem:s5+$0xFFFFFFD0] =	vst v17;
	v14 =	vld.idx.msk [tilespmem:v14+s26+$0x0], $0xffff  }
0x2b8: {  	v13 =	vld.idx.msk [tilespmem:v13+s26+$0x0], $0xffff;
	[tilespmem:s5+$0xFFFFFFE0] =	vst v18  }
0x2b9: {  	[tilespmem:s5+$0xFFFFFFF0] =	vst v16  }
0x2ba: {  	[tilespmem:s5+$0x0] =	vst v15  }
0x2bb: {  	[tilespmem:s5+$0x10] =	vst v19  }
0x2bc: {  	[tilespmem:s5+$0xFFFFFFC0] =	vst v14  }
0x2bd: {  	[tilespmem:s5+$0x20] =	vst v13  }
0x2be: {  	s6 =	simm.s32 @p1 $0x400;
	s5 =	rddreg [dreg:$0x19]  }
0x2bf: {  	[hbm4b:s5+s11] =	stream.strided.scatter [tilespmem:s29], [sflag:$0x3], $0x4000, s12, s11, $0x38;
	[tilespmem:$0x1F900] =	vst v63  }
0x2c0: {  	s7 =	simm.s32 @p1 $0x0;
	s8 =	rddreg [dreg:$0xb];
	s5 =	simm.s32 @p1 $0x80  }
0x2c1: {  	[tilespmem:s7], [sflag:$0x1] =	stream.strided.gather @p1 [hbm4b:s23+s5], $0x9C80, s6, s5, $0x38;
	[tilespmem:$0x1F900] =	vst v63  }
0x2c2: {  	s5 =	simm.s32 @!p1 $0x80;
	s6 =	simm.s32 @!p1 $0x400;
	s7 =	simm.s32 @!p1 $0x13900  }
0x2c3: {  	[tilespmem:s7], [sflag:$0x5] =	stream.strided.gather @!p1 [hbm4b:s8+s5], $0x4000, s6, s5, $0x38;
	[tilespmem:$0x1F900] =	vst v63  }
0x2c4: {  	s7 =	simm.s32 @!p1 $0x0  }
0x2c5: {  	[tilespmem:s7], [sflag:$0x1] =	stream.strided.gather @!p1 [hbm4b:s23+s5], $0x9C80, s6, s5, $0x38;
	[tilespmem:$0x1F900] =	vst v63  }
0x2c6: {  	s5 =	simm.s32 @!p1 $0x5  }
0x2c7: {  	_ =	swait.ge @!p1 [sflag:s5], $0x4000  }
0x2c8: {  	[sflag:s5] =	ssyncset.done @!p1 $0x0  }
0x2c9: {  	[sflag:s5] =	ssyncadd.s32 @!p1 $0xFFFFC000  }
0x2ca: {  	_ =	swait.ge [sflag:s30], $0x9C80  }
0x2cb: {  	[sflag:s30] =	ssyncset.done $0x0  }
0x2cc: {  	[sflag:s30] =	ssyncadd.s32 $0xFFFF6380  }
0x2cd: {  	_ =	swait.ge [sflag:s1], $0x4000  }
0x2ce: {  	[sflag:s1] =	ssyncset.done $0x0  }
0x2cf: {  	s8 =	simm.s32 $0x13940;
	[sflag:s1] =	ssyncadd.s32 $0xFFFFC000  }
0x2d0: {  	v13 =	vld [tilespmem:s8+$0x30]  }
0x2d1: {  	v14 =	vld [tilespmem:s8+$0xFFFFFFD0]  }
0x2d2: {  	v15 =	vld [tilespmem:s8+$0xFFFFFFE0]  }
0x2d3: {  	v16 =	vld [tilespmem:s8+$0xFFFFFFF0]  }
0x2d4: {  	v17 =	vld [tilespmem:s8+$0x0]  }
0x2d5: {  	v18 =	vld [tilespmem:s8+$0x10];
	v13 =	vadd.s32 v9, v13  }
0x2d6: {  	v14 =	vadd.s32 v9, v14  }
0x2d7: {  	v15 =	vadd.s32 v9, v15  }
0x2d8: {  	v19 =	vld [tilespmem:s8+$0x20];
	v16 =	vadd.s32 v9, v16  }
0x2d9: {  	v21 =	vld [tilespmem:s8+$0xFFFFFFC0];
	v22 =	vadd.s32 v9, v17  }
0x2da: {  	v23 =	vadd.s32 v9, v18;
	v20 =	vld.idx.msk [tilespmem:v13+s14+$0x0], $0xffff  }
0x2db: {  	v17 =	vld.idx.msk [tilespmem:v14+s14+$0x0], $0xffff  }
0x2dc: {  	v18 =	vld.idx.msk [tilespmem:v15+s14+$0x0], $0xffff  }
0x2dd: {  	v16 =	vld.idx.msk [tilespmem:v16+s14+$0x0], $0xffff  }
0x2de: {  	v15 =	vld.idx.msk [tilespmem:v22+s14+$0x0], $0xffff  }
0x2df: {  	s6 =	simm.s32 $0x0;
	s5 =	simm.s32 $0x1B940;
	s8 =	simm.s32 $0x139C0;
	v13 =	vadd.s32 v9, v19;
	v14 =	vadd.s32 v9, v21;
	v19 =	vld.idx.msk [tilespmem:v23+s14+$0x0], $0xffff  }
.LBB2_20:
0x2e0: {  	v21 =	vld [tilespmem:s8+$0x30];
	s6 =	sadd.s32 $0x80, s6;
	[tilespmem:s5+$0x30] =	vst v20  }
0x2e1: {  	v20 =	vld [tilespmem:s8+$0xFFFFFFD0];
	p4 =	slt.u32 s6, $0x3F80;
	[tilespmem:s5+$0xFFFFFFD0] =	vst v17  }
0x2e2: {  	v17 =	vld [tilespmem:s8+$0xFFFFFFE0];
	[tilespmem:s5+$0xFFFFFFE0] =	vst v18  }
0x2e3: {  	v18 =	vld [tilespmem:s8+$0xFFFFFFF0];
	[tilespmem:s5+$0xFFFFFFF0] =	vst v16  }
0x2e4: {  	v16 =	vld [tilespmem:s8+$0x0];
	[tilespmem:s5+$0x0] =	vst v15  }
0x2e5: {  	v15 =	vld [tilespmem:s8+$0x10];
	v21 =	vadd.s32 v9, v21;
	[tilespmem:s5+$0x10] =	vst v19  }
0x2e6: {  	v19 =	vadd.s32 v9, v20;
	v22 =	vld [tilespmem:s8+$0x20]  }
0x2e7: {  	v23 =	vld [tilespmem:s8+$0xFFFFFFC0];
	v24 =	vadd.s32 v9, v17  }
0x2e8: {  	v25 =	vadd.s32 v9, v18;
	v26 =	vld.idx.msk [tilespmem:v14+s14+$0x0], $0xffff  }
0x2e9: {  	v27 =	vadd.s32 v9, v16;
	v28 =	vld.idx.msk [tilespmem:v13+s14+$0x0], $0xffff  }
0x2ea: {  	v29 =	vadd.s32 v9, v15;
	v20 =	vld.idx.msk [tilespmem:v21+s14+$0x0], $0xffff  }
.Ltmp9:
0x2eb: {  	v17 =	vld.idx.msk [tilespmem:v19+s14+$0x0], $0xffff;
	v13 =	vadd.s32 v9, v22;
	(pc) =	sbr.rel @p4 .LBB2_20-.Ltmp9, $4  }
0x2ec: {  	v14 =	vadd.s32 v9, v23;
	v18 =	vld.idx.msk [tilespmem:v24+s14+$0x0], $0xffff  }
0x2ed: {  	v16 =	vld.idx.msk [tilespmem:v25+s14+$0x0], $0xffff  }
0x2ee: {  	v15 =	vld.idx.msk [tilespmem:v27+s14+$0x0], $0xffff;
	[tilespmem:s5+$0xFFFFFFC0] =	vst v26  }
0x2ef: {  	s8 =	sadd.s32 $0x80, s8;
	v19 =	vld.idx.msk [tilespmem:v29+s14+$0x0], $0xffff;
	[tilespmem:s5+$0x20] =	vst v28;
	s5 =	sadd.s32 $0x80, s5  }
0x2f0: {  	_ =	sdelay $0x2  }
0x2f1: {  	[tilespmem:s5+$0x30] =	vst v20  }
0x2f2: {  	[tilespmem:s5+$0xFFFFFFD0] =	vst v17;
	v14 =	vld.idx.msk [tilespmem:v14+s14+$0x0], $0xffff  }
0x2f3: {  	v13 =	vld.idx.msk [tilespmem:v13+s14+$0x0], $0xffff;
	[tilespmem:s5+$0xFFFFFFE0] =	vst v18  }
0x2f4: {  	[tilespmem:s5+$0xFFFFFFF0] =	vst v16  }
0x2f5: {  	[tilespmem:s5+$0x0] =	vst v15  }
0x2f6: {  	[tilespmem:s5+$0x10] =	vst v19  }
0x2f7: {  	[tilespmem:s5+$0xFFFFFFC0] =	vst v14  }
0x2f8: {  	[tilespmem:s5+$0x20] =	vst v13  }
0x2f9: {  	s6 =	simm.s32 @p2 $0x400;
	s5 =	rddreg [dreg:$0x1a]  }
0x2fa: {  	[hbm4b:s5+s11] =	stream.strided.scatter [tilespmem:s31], [sflag:$0x4], $0x4000, s12, s11, $0x38;
	[tilespmem:$0x1F900] =	vst v63  }
0x2fb: {  	s7 =	simm.s32 @p2 $0x9C80;
	s8 =	rddreg [dreg:$0xc];
	s5 =	simm.s32 @p2 $0x80  }
0x2fc: {  	[tilespmem:s7], [sflag:$0x2] =	stream.strided.gather @p2 [hbm4b:s24+s5], $0x9C80, s6, s5, $0x38;
	[tilespmem:$0x1F900] =	vst v63  }
0x2fd: {  	s5 =	simm.s32 @!p2 $0x80;
	s6 =	simm.s32 @!p2 $0x400;
	s7 =	simm.s32 @!p2 $0x13900  }
0x2fe: {  	[tilespmem:s7], [sflag:$0x5] =	stream.strided.gather @!p2 [hbm4b:s8+s5], $0x4000, s6, s5, $0x38;
	[tilespmem:$0x1F900] =	vst v63  }
0x2ff: {  	s7 =	simm.s32 @!p2 $0x9C80  }
0x300: {  	[tilespmem:s7], [sflag:$0x2] =	stream.strided.gather @!p2 [hbm4b:s24+s5], $0x9C80, s6, s5, $0x38;
	[tilespmem:$0x1F900] =	vst v63  }
0x301: {  	s5 =	simm.s32 @!p2 $0x5  }
0x302: {  	_ =	swait.ge @!p2 [sflag:s5], $0x4000  }
0x303: {  	[sflag:s5] =	ssyncset.done @!p2 $0x0  }
0x304: {  	[sflag:s5] =	ssyncadd.s32 @!p2 $0xFFFFC000  }
0x305: {  	_ =	swait.ge [sflag:s28], $0x9C80  }
0x306: {  	[sflag:s28] =	ssyncset.done $0x0  }
0x307: {  	[sflag:s28] =	ssyncadd.s32 $0xFFFF6380  }
0x308: {  	_ =	swait.ge [sflag:s0], $0x4000  }
0x309: {  	[sflag:s0] =	ssyncset.done $0x0  }
0x30a: {  	s8 =	simm.s32 $0x13940;
	[sflag:s0] =	ssyncadd.s32 $0xFFFFC000  }
0x30b: {  	v13 =	vld [tilespmem:s8+$0x30]  }
0x30c: {  	v14 =	vld [tilespmem:s8+$0xFFFFFFD0]  }
0x30d: {  	v15 =	vld [tilespmem:s8+$0xFFFFFFE0]  }
0x30e: {  	v16 =	vld [tilespmem:s8+$0xFFFFFFF0]  }
0x30f: {  	v17 =	vld [tilespmem:s8+$0x0]  }
0x310: {  	v18 =	vld [tilespmem:s8+$0x10];
	v13 =	vadd.s32 v10, v13  }
0x311: {  	v14 =	vadd.s32 v10, v14  }
0x312: {  	v15 =	vadd.s32 v10, v15  }
0x313: {  	v19 =	vld [tilespmem:s8+$0x20];
	v16 =	vadd.s32 v10, v16  }
0x314: {  	v21 =	vld [tilespmem:s8+$0xFFFFFFC0];
	v22 =	vadd.s32 v10, v17  }
0x315: {  	v23 =	vadd.s32 v10, v18;
	v20 =	vld.idx.msk [tilespmem:v13+s26+$0x0], $0xffff  }
0x316: {  	v17 =	vld.idx.msk [tilespmem:v14+s26+$0x0], $0xffff  }
0x317: {  	v18 =	vld.idx.msk [tilespmem:v15+s26+$0x0], $0xffff  }
0x318: {  	v16 =	vld.idx.msk [tilespmem:v16+s26+$0x0], $0xffff  }
0x319: {  	v15 =	vld.idx.msk [tilespmem:v22+s26+$0x0], $0xffff  }
0x31a: {  	s6 =	simm.s32 $0x0;
	s5 =	simm.s32 $0x17940;
	s8 =	simm.s32 $0x139C0;
	v13 =	vadd.s32 v10, v19;
	v14 =	vadd.s32 v10, v21;
	v19 =	vld.idx.msk [tilespmem:v23+s26+$0x0], $0xffff  }
.LBB2_22:
0x31b: {  	v21 =	vld [tilespmem:s8+$0x30];
	s6 =	sadd.s32 $0x80, s6;
	[tilespmem:s5+$0x30] =	vst v20  }
0x31c: {  	v20 =	vld [tilespmem:s8+$0xFFFFFFD0];
	p4 =	slt.u32 s6, $0x3F80;
	[tilespmem:s5+$0xFFFFFFD0] =	vst v17  }
0x31d: {  	v17 =	vld [tilespmem:s8+$0xFFFFFFE0];
	[tilespmem:s5+$0xFFFFFFE0] =	vst v18  }
0x31e: {  	v18 =	vld [tilespmem:s8+$0xFFFFFFF0];
	[tilespmem:s5+$0xFFFFFFF0] =	vst v16  }
0x31f: {  	v16 =	vld [tilespmem:s8+$0x0];
	[tilespmem:s5+$0x0] =	vst v15  }
0x320: {  	v15 =	vld [tilespmem:s8+$0x10];
	v21 =	vadd.s32 v10, v21;
	[tilespmem:s5+$0x10] =	vst v19  }
0x321: {  	v19 =	vadd.s32 v10, v20;
	v22 =	vld [tilespmem:s8+$0x20]  }
0x322: {  	v23 =	vld [tilespmem:s8+$0xFFFFFFC0];
	v24 =	vadd.s32 v10, v17  }
0x323: {  	v25 =	vadd.s32 v10, v18;
	v26 =	vld.idx.msk [tilespmem:v14+s26+$0x0], $0xffff  }
0x324: {  	v27 =	vadd.s32 v10, v16;
	v28 =	vld.idx.msk [tilespmem:v13+s26+$0x0], $0xffff  }
0x325: {  	v29 =	vadd.s32 v10, v15;
	v20 =	vld.idx.msk [tilespmem:v21+s26+$0x0], $0xffff  }
.Ltmp10:
0x326: {  	v17 =	vld.idx.msk [tilespmem:v19+s26+$0x0], $0xffff;
	v13 =	vadd.s32 v10, v22;
	(pc) =	sbr.rel @p4 .LBB2_22-.Ltmp10, $4  }
0x327: {  	v14 =	vadd.s32 v10, v23;
	v18 =	vld.idx.msk [tilespmem:v24+s26+$0x0], $0xffff  }
0x328: {  	v16 =	vld.idx.msk [tilespmem:v25+s26+$0x0], $0xffff  }
0x329: {  	v15 =	vld.idx.msk [tilespmem:v27+s26+$0x0], $0xffff;
	[tilespmem:s5+$0xFFFFFFC0] =	vst v26  }
0x32a: {  	s8 =	sadd.s32 $0x80, s8;
	v19 =	vld.idx.msk [tilespmem:v29+s26+$0x0], $0xffff;
	[tilespmem:s5+$0x20] =	vst v28;
	s5 =	sadd.s32 $0x80, s5  }
0x32b: {  	_ =	sdelay $0x2  }
0x32c: {  	[tilespmem:s5+$0x30] =	vst v20  }
0x32d: {  	[tilespmem:s5+$0xFFFFFFD0] =	vst v17;
	v14 =	vld.idx.msk [tilespmem:v14+s26+$0x0], $0xffff  }
0x32e: {  	v13 =	vld.idx.msk [tilespmem:v13+s26+$0x0], $0xffff;
	[tilespmem:s5+$0xFFFFFFE0] =	vst v18  }
0x32f: {  	[tilespmem:s5+$0xFFFFFFF0] =	vst v16  }
0x330: {  	[tilespmem:s5+$0x0] =	vst v15  }
0x331: {  	[tilespmem:s5+$0x10] =	vst v19  }
0x332: {  	[tilespmem:s5+$0xFFFFFFC0] =	vst v14  }
0x333: {  	[tilespmem:s5+$0x20] =	vst v13  }
0x334: {  	s6 =	simm.s32 @p3 $0x400;
	s5 =	rddreg [dreg:$0x1b]  }
0x335: {  	[hbm4b:s5+s11] =	stream.strided.scatter [tilespmem:s29], [sflag:$0x3], $0x4000, s12, s11, $0x38;
	[tilespmem:$0x1F900] =	vst v63  }
0x336: {  	s7 =	simm.s32 @p3 $0x0;
	s8 =	rddreg [dreg:$0xd];
	s5 =	simm.s32 @p3 $0x80  }
0x337: {  	[tilespmem:s7], [sflag:$0x1] =	stream.strided.gather @p3 [hbm4b:s25+s5], $0x9C80, s6, s5, $0x38;
	[tilespmem:$0x1F900] =	vst v63  }
0x338: {  	s5 =	simm.s32 @!p3 $0x80;
	s6 =	simm.s32 @!p3 $0x400;
	s7 =	simm.s32 @!p3 $0x13900  }
0x339: {  	[tilespmem:s7], [sflag:$0x5] =	stream.strided.gather @!p3 [hbm4b:s8+s5], $0x4000, s6, s5, $0x38;
	[tilespmem:$0x1F900] =	vst v63  }
0x33a: {  	s7 =	simm.s32 @!p3 $0x0  }
0x33b: {  	[tilespmem:s7], [sflag:$0x1] =	stream.strided.gather @!p3 [hbm4b:s25+s5], $0x9C80, s6, s5, $0x38;
	[tilespmem:$0x1F900] =	vst v63  }
0x33c: {  	s5 =	simm.s32 @!p3 $0x5  }
0x33d: {  	_ =	swait.ge @!p3 [sflag:s5], $0x4000  }
0x33e: {  	[sflag:s5] =	ssyncset.done @!p3 $0x0  }
0x33f: {  	[sflag:s5] =	ssyncadd.s32 @!p3 $0xFFFFC000  }
0x340: {  	_ =	swait.ge [sflag:s30], $0x9C80  }
0x341: {  	[sflag:s30] =	ssyncset.done $0x0  }
0x342: {  	[sflag:s30] =	ssyncadd.s32 $0xFFFF6380  }
0x343: {  	_ =	swait.ge [sflag:s1], $0x4000  }
0x344: {  	[sflag:s1] =	ssyncset.done $0x0  }
0x345: {  	s8 =	simm.s32 $0x13940;
	[sflag:s1] =	ssyncadd.s32 $0xFFFFC000  }
0x346: {  	v13 =	vld [tilespmem:s8+$0x30]  }
0x347: {  	v14 =	vld [tilespmem:s8+$0xFFFFFFD0]  }
0x348: {  	v15 =	vld [tilespmem:s8+$0xFFFFFFE0]  }
0x349: {  	v16 =	vld [tilespmem:s8+$0xFFFFFFF0]  }
0x34a: {  	v17 =	vld [tilespmem:s8+$0x0]  }
0x34b: {  	v18 =	vld [tilespmem:s8+$0x10];
	v13 =	vadd.s32 v11, v13  }
0x34c: {  	v14 =	vadd.s32 v11, v14  }
0x34d: {  	v15 =	vadd.s32 v11, v15  }
0x34e: {  	v19 =	vld [tilespmem:s8+$0x20];
	v16 =	vadd.s32 v11, v16  }
0x34f: {  	v21 =	vld [tilespmem:s8+$0xFFFFFFC0];
	v22 =	vadd.s32 v11, v17  }
0x350: {  	v23 =	vadd.s32 v11, v18;
	v20 =	vld.idx.msk [tilespmem:v13+s14+$0x0], $0xffff  }
0x351: {  	v17 =	vld.idx.msk [tilespmem:v14+s14+$0x0], $0xffff  }
0x352: {  	v18 =	vld.idx.msk [tilespmem:v15+s14+$0x0], $0xffff  }
0x353: {  	v16 =	vld.idx.msk [tilespmem:v16+s14+$0x0], $0xffff  }
0x354: {  	v15 =	vld.idx.msk [tilespmem:v22+s14+$0x0], $0xffff  }
0x355: {  	s6 =	simm.s32 $0x0;
	s5 =	simm.s32 $0x1B940;
	s8 =	simm.s32 $0x139C0;
	v13 =	vadd.s32 v11, v19;
	v14 =	vadd.s32 v11, v21;
	v19 =	vld.idx.msk [tilespmem:v23+s14+$0x0], $0xffff  }
.LBB2_24:
0x356: {  	v21 =	vld [tilespmem:s8+$0x30];
	s6 =	sadd.s32 $0x80, s6;
	[tilespmem:s5+$0x30] =	vst v20  }
0x357: {  	v20 =	vld [tilespmem:s8+$0xFFFFFFD0];
	p4 =	slt.u32 s6, $0x3F80;
	[tilespmem:s5+$0xFFFFFFD0] =	vst v17  }
0x358: {  	v17 =	vld [tilespmem:s8+$0xFFFFFFE0];
	[tilespmem:s5+$0xFFFFFFE0] =	vst v18  }
0x359: {  	v18 =	vld [tilespmem:s8+$0xFFFFFFF0];
	[tilespmem:s5+$0xFFFFFFF0] =	vst v16  }
0x35a: {  	v16 =	vld [tilespmem:s8+$0x0];
	[tilespmem:s5+$0x0] =	vst v15  }
0x35b: {  	v15 =	vld [tilespmem:s8+$0x10];
	v21 =	vadd.s32 v11, v21;
	[tilespmem:s5+$0x10] =	vst v19  }
0x35c: {  	v19 =	vadd.s32 v11, v20;
	v22 =	vld [tilespmem:s8+$0x20]  }
0x35d: {  	v23 =	vld [tilespmem:s8+$0xFFFFFFC0];
	v24 =	vadd.s32 v11, v17  }
0x35e: {  	v25 =	vadd.s32 v11, v18;
	v26 =	vld.idx.msk [tilespmem:v14+s14+$0x0], $0xffff  }
0x35f: {  	v27 =	vadd.s32 v11, v16;
	v28 =	vld.idx.msk [tilespmem:v13+s14+$0x0], $0xffff  }
0x360: {  	v29 =	vadd.s32 v11, v15;
	v20 =	vld.idx.msk [tilespmem:v21+s14+$0x0], $0xffff  }
.Ltmp11:
0x361: {  	v17 =	vld.idx.msk [tilespmem:v19+s14+$0x0], $0xffff;
	v13 =	vadd.s32 v11, v22;
	(pc) =	sbr.rel @p4 .LBB2_24-.Ltmp11, $4  }
0x362: {  	v14 =	vadd.s32 v11, v23;
	v18 =	vld.idx.msk [tilespmem:v24+s14+$0x0], $0xffff  }
0x363: {  	v16 =	vld.idx.msk [tilespmem:v25+s14+$0x0], $0xffff  }
0x364: {  	v15 =	vld.idx.msk [tilespmem:v27+s14+$0x0], $0xffff;
	[tilespmem:s5+$0xFFFFFFC0] =	vst v26  }
0x365: {  	s8 =	sadd.s32 $0x80, s8;
	v19 =	vld.idx.msk [tilespmem:v29+s14+$0x0], $0xffff;
	[tilespmem:s5+$0x20] =	vst v28;
	s5 =	sadd.s32 $0x80, s5  }
0x366: {  	_ =	sdelay $0x2  }
0x367: {  	[tilespmem:s5+$0x30] =	vst v20  }
0x368: {  	[tilespmem:s5+$0xFFFFFFD0] =	vst v17;
	v14 =	vld.idx.msk [tilespmem:v14+s14+$0x0], $0xffff  }
0x369: {  	v13 =	vld.idx.msk [tilespmem:v13+s14+$0x0], $0xffff;
	[tilespmem:s5+$0xFFFFFFE0] =	vst v18  }
0x36a: {  	[tilespmem:s5+$0xFFFFFFF0] =	vst v16  }
0x36b: {  	[tilespmem:s5+$0x0] =	vst v15  }
0x36c: {  	[tilespmem:s5+$0x10] =	vst v19  }
0x36d: {  	[tilespmem:s5+$0xFFFFFFC0] =	vst v14  }
0x36e: {  	[tilespmem:s5+$0x20] =	vst v13  }
0x36f: {  	s7 =	sld [smem:$0x7EA]  }
0x370: {  	s5 =	rddreg [dreg:$0x1c]  }
0x371: {  	[hbm4b:s5+s11] =	stream.strided.scatter [tilespmem:s31], [sflag:$0x4], $0x4000, s12, s11, $0x38;
	[tilespmem:$0x1F900] =	vst v63  }
0x372: {  	s8 =	rddreg [dreg:$0x10];
	p4 =	seq.s32 s7, $0x1  }
0x373: {  	s5 =	simm.s32 @!p4 $0x80;
	s6 =	simm.s32 @!p4 $0x400;
	s7 =	simm.s32 @!p4 $0x13900  }
0x374: {  	[tilespmem:s7], [sflag:$0x5] =	stream.strided.gather @!p4 [hbm4b:s8+s5], $0x4000, s6, s5, $0x38;
	[tilespmem:$0x1F900] =	vst v63  }
0x375: {  	s5 =	simm.s32 @!p4 $0x5  }
0x376: {  	_ =	swait.ge @!p4 [sflag:s5], $0x4000  }
0x377: {  	[sflag:s5] =	ssyncset.done @!p4 $0x0  }
0x378: {  	[sflag:s5] =	ssyncadd.s32 @!p4 $0xFFFFC000  }
0x379: {  	_ =	swait.ge [sflag:s28], $0x9C80  }
0x37a: {  	[sflag:s28] =	ssyncset.done $0x0  }
0x37b: {  	[sflag:s28] =	ssyncadd.s32 $0xFFFF6380  }
0x37c: {  	_ =	swait.ge [sflag:s0], $0x4000  }
0x37d: {  	[sflag:s0] =	ssyncset.done $0x0  }
0x37e: {  	s8 =	simm.s32 $0x13940;
	[sflag:s0] =	ssyncadd.s32 $0xFFFFC000  }
0x37f: {  	v13 =	vld [tilespmem:s8+$0x30]  }
0x380: {  	v14 =	vld [tilespmem:s8+$0xFFFFFFD0]  }
0x381: {  	v15 =	vld [tilespmem:s8+$0xFFFFFFE0]  }
0x382: {  	v16 =	vld [tilespmem:s8+$0xFFFFFFF0]  }
0x383: {  	v17 =	vld [tilespmem:s8+$0x0]  }
0x384: {  	v18 =	vld [tilespmem:s8+$0x10];
	v13 =	vadd.s32 v12, v13  }
0x385: {  	v14 =	vadd.s32 v12, v14  }
0x386: {  	v15 =	vadd.s32 v12, v15  }
0x387: {  	v19 =	vld [tilespmem:s8+$0x20];
	v16 =	vadd.s32 v12, v16  }
0x388: {  	v21 =	vld [tilespmem:s8+$0xFFFFFFC0];
	v22 =	vadd.s32 v12, v17  }
0x389: {  	v23 =	vadd.s32 v12, v18;
	v20 =	vld.idx.msk [tilespmem:v13+s26+$0x0], $0xffff  }
0x38a: {  	v17 =	vld.idx.msk [tilespmem:v14+s26+$0x0], $0xffff  }
0x38b: {  	v18 =	vld.idx.msk [tilespmem:v15+s26+$0x0], $0xffff  }
0x38c: {  	v16 =	vld.idx.msk [tilespmem:v16+s26+$0x0], $0xffff  }
0x38d: {  	v15 =	vld.idx.msk [tilespmem:v22+s26+$0x0], $0xffff  }
0x38e: {  	s6 =	simm.s32 $0x0;
	s5 =	simm.s32 $0x17940;
	s8 =	simm.s32 $0x139C0;
	v13 =	vadd.s32 v12, v19;
	v14 =	vadd.s32 v12, v21;
	v19 =	vld.idx.msk [tilespmem:v23+s26+$0x0], $0xffff  }
.LBB2_26:
0x38f: {  	v21 =	vld [tilespmem:s8+$0x30];
	s6 =	sadd.s32 $0x80, s6;
	[tilespmem:s5+$0x30] =	vst v20  }
0x390: {  	v20 =	vld [tilespmem:s8+$0xFFFFFFD0];
	p4 =	slt.u32 s6, $0x3F80;
	[tilespmem:s5+$0xFFFFFFD0] =	vst v17  }
0x391: {  	v17 =	vld [tilespmem:s8+$0xFFFFFFE0];
	[tilespmem:s5+$0xFFFFFFE0] =	vst v18  }
0x392: {  	v18 =	vld [tilespmem:s8+$0xFFFFFFF0];
	[tilespmem:s5+$0xFFFFFFF0] =	vst v16  }
0x393: {  	v16 =	vld [tilespmem:s8+$0x0];
	[tilespmem:s5+$0x0] =	vst v15  }
0x394: {  	v15 =	vld [tilespmem:s8+$0x10];
	v21 =	vadd.s32 v12, v21;
	[tilespmem:s5+$0x10] =	vst v19  }
0x395: {  	v19 =	vadd.s32 v12, v20;
	v22 =	vld [tilespmem:s8+$0x20]  }
0x396: {  	v23 =	vld [tilespmem:s8+$0xFFFFFFC0];
	v24 =	vadd.s32 v12, v17  }
0x397: {  	v25 =	vadd.s32 v12, v18;
	v26 =	vld.idx.msk [tilespmem:v14+s26+$0x0], $0xffff  }
0x398: {  	v27 =	vadd.s32 v12, v16;
	v28 =	vld.idx.msk [tilespmem:v13+s26+$0x0], $0xffff  }
0x399: {  	v29 =	vadd.s32 v12, v15;
	v20 =	vld.idx.msk [tilespmem:v21+s26+$0x0], $0xffff  }
.Ltmp12:
0x39a: {  	v17 =	vld.idx.msk [tilespmem:v19+s26+$0x0], $0xffff;
	v13 =	vadd.s32 v12, v22;
	(pc) =	sbr.rel @p4 .LBB2_26-.Ltmp12, $4  }
0x39b: {  	v14 =	vadd.s32 v12, v23;
	v18 =	vld.idx.msk [tilespmem:v24+s26+$0x0], $0xffff  }
0x39c: {  	v16 =	vld.idx.msk [tilespmem:v25+s26+$0x0], $0xffff  }
0x39d: {  	v15 =	vld.idx.msk [tilespmem:v27+s26+$0x0], $0xffff;
	[tilespmem:s5+$0xFFFFFFC0] =	vst v26  }
0x39e: {  	s8 =	sadd.s32 $0x80, s8;
	v19 =	vld.idx.msk [tilespmem:v29+s26+$0x0], $0xffff;
	[tilespmem:s5+$0x20] =	vst v28;
	s5 =	sadd.s32 $0x80, s5  }
0x39f: {  	_ =	sdelay $0x2  }
0x3a0: {  	[tilespmem:s5+$0x30] =	vst v20  }
0x3a1: {  	[tilespmem:s5+$0xFFFFFFD0] =	vst v17;
	v14 =	vld.idx.msk [tilespmem:v14+s26+$0x0], $0xffff  }
0x3a2: {  	v13 =	vld.idx.msk [tilespmem:v13+s26+$0x0], $0xffff;
	[tilespmem:s5+$0xFFFFFFE0] =	vst v18  }
0x3a3: {  	[tilespmem:s5+$0xFFFFFFF0] =	vst v16  }
0x3a4: {  	[tilespmem:s5+$0x0] =	vst v15  }
0x3a5: {  	[tilespmem:s5+$0x10] =	vst v19  }
0x3a6: {  	[tilespmem:s5+$0xFFFFFFC0] =	vst v14  }
0x3a7: {  	s2 =	sadd.s32 $0x1, s2;
	[tilespmem:s5+$0x20] =	vst v13  }
0x3a8: {  	[hbm4b:s10+s11] =	stream.strided.scatter [tilespmem:s29], [sflag:$0x3], $0x4000, s12, s11, $0x38;
	[tilespmem:$0x1F900] =	vst v63  }
0x3a9: {  	p4 =	sne.s32 s2, s3;
	_ =	swait.ge [sflag:s0], $0x4000  }
.Ltmp13:
0x3aa: {  	[sflag:s0] =	ssyncset.done $0x0;
	(pc) =	sbr.rel @p4 .LBB2_1-.Ltmp13, $4  }
0x3ab: {  	[sflag:s0] =	ssyncadd.s32 $0xFFFFC000  }
0x3ac: {  	_ =	swait.ge [sflag:s1], $0x4000  }
0x3ad: {  	[sflag:s1] =	ssyncset.done $0x0  }
0x3ae: {  	[sflag:s1] =	ssyncadd.s32 $0xFFFFC000  }
0x3af: {  	_ =	sfence.sel $0x180000  }
0x3b0: {  	[bflag:$0x0] =	sbarrier.arrive $0xFFFF  }
0x3b1: {  	_ =	strace $0x90000047  }
0x3b2: {  	s0 =	stileid.u32;
	[bflag:$0x2] =	sbarrier.arrive $0xFFFF  }
0x3b3: {  	p0 =	sne.s32 s0, $0x0;
	s0 =	rddreg [dreg:$0x3]  }
0x3b4: {  	s0 =	sadd.s32 @!p0 $0x100000, s0  }
0x3b5: {  	[sflag:s0] =	ssyncadd.tile.s32 @!p0 $0x1;
	_ =	shalt  }
.Lfunc_end2:
_tile_overlayer_lowered:
.L_overlay_start_2:
0x3b6: {  	(tag) =	ssettag $0x2  }
0x3b7: {  	s0 =	rddreg [dreg:$0x0];
	s2 =	stileid.u32  }
0x3b8: {  	s1 =	rddreg [dreg:$0x1];
	p0 =	sne.s32 s2, $0x0  }
0x3b9: {  	s3 =	rddreg [dreg:$0x2];
	[bflag:$0x3] =	sbarrier.arrive $0xFFFF;
	s2 =	simm.s32 @!p0 $0x1C06  }
0x3ba: {  	[timem:s3], [sflag:s2] =	dma.local @!p0 [hbm:s0], s1  }
0x3bb: {  	s0 =	simm.s32 @!p0 $0x6  }
0x3bc: {  	_ =	swait.ge @!p0 [sflag:s0], s1  }
0x3bd: {  	s1 =	ssub.s32 @!p0 $0x0, s1;
	[sflag:s0] =	ssyncset.done @!p0 $0x0  }
0x3be: {  	[sflag:s0] =	ssyncadd.s32 @!p0 s1  }
0x3bf: {  	[bflag:$0x3] =	sbarrier.arrive $0xFFFF  }
0x3c0: {  	_ =	shalt  }

</sc_bundles>
